<compile_context>
chip_gen: v7x
topology: tpu7x:2x2x1
jax: 0.10.2.dev20260603
libtpu: 0.0.44.dev20260713+nightly
codegen_flags: <defaults>
</compile_context>

<pallas_src>
import functools

import jax
import jax.numpy as jnp
from jax import lax
from jax.experimental import pallas as pl
from jax.experimental.pallas import tpu as pltpu
from jax.experimental.pallas import tpu_sc as plsc

_INFO = plsc.get_sparse_core_info()
_NC = _INFO.num_cores
_NS = _INFO.num_subcores
_NW = _NC * _NS
_L = _INFO.num_lanes

_PHASE_COLS = ((0, 1, 2), (0, 2, 1), (1, 2, 0))


def _make_sc_encoder(n, h, w, ncomp, m):
    pts = n // _NW
    nchunk = pts // m
    nvec = m // _L
    npair = ncomp // 2
    plane_sz = npair * h * w
    nfeat = 3 * ncomp
    scale_xy = float(w - 1)
    scale_z = float(h - 1)

    mesh = plsc.VectorSubcoreMesh(core_axis_name="c", subcore_axis_name="s")

    @functools.partial(
        pl.kernel,
        out_type=jax.ShapeDtypeStruct((n * nfeat,), jnp.float32),
        mesh=mesh,
        compiler_params=pltpu.CompilerParams(needs_layout_passes=False),
        scratch_types=[
            pltpu.VMEM((3 * plane_sz,), jnp.int32),
            pltpu.VMEM((3 * ncomp * h,), jnp.float32),
            pltpu.VMEM((m,), jnp.float32),
            pltpu.VMEM((m,), jnp.float32),
            pltpu.VMEM((m,), jnp.float32),
            pltpu.VMEM((nfeat * m,), jnp.float32),
        ],
    )
    def encoder(xt_hbm, ptab_hbm, ltab_hbm, out_hbm, tab_v, lt_v,
                x0_v, x1_v, x2_v, o_v):
        wid = lax.axis_index("s") * _NC + lax.axis_index("c")
        base0 = wid * pts

        pltpu.sync_copy(ptab_hbm, tab_v)
        pltpu.sync_copy(ltab_hbm, lt_v)
        cols = (x0_v, x1_v, x2_v)

        def chunk_body(ch, _):
            gbase = base0 + ch * m
            for c in range(3):
                pltpu.sync_copy(xt_hbm.at[pl.ds(c * n + gbase, m)], cols[c])

            @plsc.parallel_loop(0, nvec, unroll=2)
            def compute(i):
                g0 = x0_v[pl.ds(i * _L, _L)]
                g1 = x1_v[pl.ds(i * _L, _L)]
                g2 = x2_v[pl.ds(i * _L, _L)]
                i0 = g0 * (0.5 * scale_xy) + (0.5 * scale_xy)
                i1 = g1 * (0.5 * scale_xy) + (0.5 * scale_xy)
                i2 = g2 * (0.5 * scale_z) + (0.5 * scale_z)
                c0 = jnp.minimum(i0.astype(jnp.int32), w - 2)
                c1 = jnp.minimum(i1.astype(jnp.int32), h - 2)
                c2 = jnp.minimum(i2.astype(jnp.int32), h - 2)
                f0 = i0 - c0.astype(jnp.float32)
                f1 = i1 - c1.astype(jnp.float32)
                f2 = i2 - c2.astype(jnp.float32)
                ints = (c0, c1, c2)
                fracs = (f0, f1, f2)

                for p in range(3):
                    ca, cb, cz = _PHASE_COLS[p]
                    xi, yi, zi = ints[ca], ints[cb], ints[cz]
                    fx, fy, fz = fracs[ca], fracs[cb], fracs[cz]
                    f00 = yi * w + xi
                    for pr in range(npair):
                        i00 = f00 + ((p * npair + pr) * h * w)
                        w00 = plsc.load_gather(tab_v, [i00])
                        w01 = plsc.load_gather(tab_v, [i00 + 1])
                        w10 = plsc.load_gather(tab_v, [i00 + w])
                        w11 = plsc.load_gather(tab_v, [i00 + (w + 1)])
                        for half in range(2):
                            c = 2 * pr + half
                            if half == 0:
                                g00 = plsc.bitcast(w00 << 16, jnp.float32)
                                g01 = plsc.bitcast(w01 << 16, jnp.float32)
                                g10 = plsc.bitcast(w10 << 16, jnp.float32)
                                g11 = plsc.bitcast(w11 << 16, jnp.float32)
                            else:
                                msk = jnp.int32(-65536)
                                g00 = plsc.bitcast(w00 & msk, jnp.float32)
                                g01 = plsc.bitcast(w01 & msk, jnp.float32)
                                g10 = plsc.bitcast(w10 & msk, jnp.float32)
                                g11 = plsc.bitcast(w11 & msk, jnp.float32)
                            px0 = g00 + fx * (g01 - g00)
                            px1 = g10 + fx * (g11 - g10)
                            pv = px0 + fy * (px1 - px0)
                            li = zi + ((p * ncomp + c) * h)
                            l0 = plsc.load_gather(lt_v, [li])
                            l1 = plsc.load_gather(lt_v, [li + 1])
                            lv = l0 + fz * (l1 - l0)
                            o_v[pl.ds((p * ncomp + c) * m + i * _L, _L)] = pv * lv

            for j in range(nfeat):
                pltpu.sync_copy(
                    o_v.at[pl.ds(j * m, m)], out_hbm.at[pl.ds(j * n + gbase, m)]
                )
            return 0

        lax.fori_loop(0, nchunk, chunk_body, 0, unroll=False)

    return encoder


@jax.jit
def kernel(x, plane_coef, line_coef):
    n = x.shape[0]
    nplane, _, h, w = plane_coef.shape
    ncomp = 4
    m = 1024
    nfeat = 3 * ncomp
    xt = x.T.reshape(-1)
    pc = plane_coef[:, :ncomp]
    bits = lax.bitcast_convert_type(pc, jnp.uint32)
    rnd = bits + jnp.uint32(0x7FFF) + ((bits >> 16) & jnp.uint32(1))
    pair = rnd.reshape(3, ncomp // 2, 2, h, w)
    word = (pair[:, :, 0] >> 16) | (pair[:, :, 1] & jnp.uint32(0xFFFF0000))
    ptab = lax.bitcast_convert_type(word, jnp.int32).reshape(-1)
    ltab = line_coef[:, :ncomp, :, 0].reshape(-1)
    flat = _make_sc_encoder(n, h, w, ncomp, m)(xt, ptab, ltab)
    return flat.reshape(nfeat, n).T

# --- scband reference (transcript-rebuilt; emitter-appended) ---
"""Pipeline reference for scband-tenso-rfencoder-28630251995601 (READ-ONLY COPY).

The authoritative reference and input builder live on the scoring server;
editing this copy changes nothing except your own understanding.
"""

import jax, jax.numpy as jnp
import numpy as np


def bilinear_grid_sample(im, grid):
    # Faithful F.grid_sample(mode='bilinear', padding_mode='zeros', align_corners=True)
    # im: [B, C, H, W], grid: [B, Hg, Wg, 2] with grid[...,0]=x (width), grid[...,1]=y (height)
    B, C, H, W = im.shape
    gx = grid[..., 0]
    gy = grid[..., 1]
    ix = (gx + 1.0) * 0.5 * (W - 1)
    iy = (gy + 1.0) * 0.5 * (H - 1)
    x0 = jnp.floor(ix)
    y0 = jnp.floor(iy)
    x1 = x0 + 1.0
    y1 = y0 + 1.0
    wa = (x1 - ix) * (y1 - iy)
    wb = (x1 - ix) * (iy - y0)
    wc = (ix - x0) * (y1 - iy)
    wd = (ix - x0) * (iy - y0)
    x0i = x0.astype(jnp.int32)
    x1i = x1.astype(jnp.int32)
    y0i = y0.astype(jnp.int32)
    y1i = y1.astype(jnp.int32)
    im_t = jnp.transpose(im, (0, 2, 3, 1))  # [B, H, W, C]
    bidx = jnp.arange(B)[:, None, None]

    def gather(yi, xi):
        valid = ((xi >= 0) & (xi <= W - 1) & (yi >= 0) & (yi <= H - 1)).astype(im.dtype)
        xc = jnp.clip(xi, 0, W - 1)
        yc = jnp.clip(yi, 0, H - 1)
        v = im_t[bidx, yc, xc]  # [B, Hg, Wg, C]
        return v * valid[..., None]

    out = (gather(y0i, x0i) * wa[..., None]
           + gather(y1i, x0i) * wb[..., None]
           + gather(y0i, x1i) * wc[..., None]
           + gather(y1i, x1i) * wd[..., None])
    return jnp.transpose(out, (0, 3, 1, 2))  # [B, C, Hg, Wg]


def setup_inputs(seed: int = 0):
    key = jax.random.key(seed)
    k1, k2, k3 = jax.random.split(key, 3)
    N = 524288
    x = jax.random.uniform(k1, (N, 3), dtype=jnp.float32)
    # TensorVM params: n_comp_total = density_n_comp(1) + app_n_comp(4) = 5, gridSize=128
    plane_coef = 0.1 * jax.random.normal(k2, (3, 5, 128, 128), dtype=jnp.float32)
    line_coef = 0.1 * jax.random.normal(k3, (3, 5, 128, 1), dtype=jnp.float32)
    return {"x": x, "plane_coef": plane_coef, "line_coef": line_coef}


def reference(x, plane_coef, line_coef):
    app_n_comp = 4
    matMode = [jnp.array([0, 1]), jnp.array([0, 2]), jnp.array([1, 2])]
    vecMode = [2, 1, 0]
    coordinate_plane = jnp.stack([
        jnp.take(x, matMode[0], axis=-1),
        jnp.take(x, matMode[1], axis=-1),
        jnp.take(x, matMode[2], axis=-1),
    ]).reshape(3, -1, 1, 2)
    coordinate_plane = jax.lax.stop_gradient(coordinate_plane)  # .detach() in torch
    line = jnp.stack([x[..., vecMode[0]], x[..., vecMode[1]], x[..., vecMode[2]]])
    coordinate_line = jnp.stack([jnp.zeros_like(line), line], axis=-1).reshape(3, -1, 1, 2)
    coordinate_line = jax.lax.stop_gradient(coordinate_line)  # .detach() in torch
    plane_feats = bilinear_grid_sample(plane_coef[:, :app_n_comp], coordinate_plane).reshape(3 * app_n_comp, -1)
    line_feats = bilinear_grid_sample(line_coef[:, :app_n_comp], coordinate_line).reshape(3 * app_n_comp, -1)
    return (plane_feats * line_feats).T

if __name__ == "__main__":
    import jax
    _d = setup_inputs()
    print(jax.jit(kernel)(*tuple(_d.values())))

</pallas_src>

<mosaic_0001>
#map = affine_map<(d0, d1) -> (0)>
module attributes {stable_mosaic.version = 14 : i64} {
  func.func @encoder(%arg0: i32, %arg1: i32, %arg2: memref<1572864xf32, #tpu.memory_space<hbm>>, %arg3: memref<98304xi32, #tpu.memory_space<hbm>>, %arg4: memref<1536xf32, #tpu.memory_space<hbm>>, %arg5: memref<6291456xf32, #tpu.memory_space<hbm>>, %arg6: memref<98304xi32, #tpu.memory_space<vmem>>, %arg7: memref<1536xf32, #tpu.memory_space<vmem>>, %arg8: memref<1024xf32, #tpu.memory_space<vmem>>, %arg9: memref<1024xf32, #tpu.memory_space<vmem>>, %arg10: memref<1024xf32, #tpu.memory_space<vmem>>, %arg11: memref<12288xf32, #tpu.memory_space<vmem>>) attributes {dimension_semantics = [#tpu.dimension_semantics<core_parallel>, #tpu.dimension_semantics<subcore_parallel>], iteration_bounds = array<i64: 2, 16>, scalar_prefetch = 0 : i64, scratch_operands = 6 : i64, tpu.core_type = #tpu.core_type<sc_vector_subcore>, window_params = [{transform_indices = #map}, {transform_indices = #map}, {transform_indices = #map}, {transform_indices = #map}]} {
    %mul3A = arith.constant 2 : i32
    %mul3A_0 = arith.muli %arg1, %mul3A : i32
    %add3A = arith.addi %mul3A_0, %arg0 : i32
    %mul3A_1 = arith.constant 16384 : i32
    %mul3A_2 = arith.muli %add3A, %mul3A_1 : i32
    "tpu.region"() ({
      %run_scoped3A = tpu.sem_alloc : memref<!tpu.dma_semaphore, #tpu.memory_space<semaphore_mem>>
      tpu.enqueue_dma source(%arg3 : memref<98304xi32, #tpu.memory_space<hbm>>) target(%arg6 : memref<98304xi32, #tpu.memory_space<vmem>>) target_semaphore(%run_scoped3A : memref<!tpu.dma_semaphore, #tpu.memory_space<semaphore_mem>>)
      tpu.wait_dma2 semaphore(%run_scoped3A : memref<!tpu.dma_semaphore, #tpu.memory_space<semaphore_mem>>) src(%arg3 : memref<98304xi32, #tpu.memory_space<hbm>>) dst(%arg6 : memref<98304xi32, #tpu.memory_space<vmem>>)
      tpu.yield
    }) : () -> ()
    "tpu.region"() ({
      %run_scoped3A = tpu.sem_alloc : memref<!tpu.dma_semaphore, #tpu.memory_space<semaphore_mem>>
      tpu.enqueue_dma source(%arg4 : memref<1536xf32, #tpu.memory_space<hbm>>) target(%arg7 : memref<1536xf32, #tpu.memory_space<vmem>>) target_semaphore(%run_scoped3A : memref<!tpu.dma_semaphore, #tpu.memory_space<semaphore_mem>>)
      tpu.wait_dma2 semaphore(%run_scoped3A : memref<!tpu.dma_semaphore, #tpu.memory_space<semaphore_mem>>) src(%arg4 : memref<1536xf32, #tpu.memory_space<hbm>>) dst(%arg7 : memref<1536xf32, #tpu.memory_space<vmem>>)
      tpu.yield
    }) : () -> ()
    %scan3A = arith.constant 0 : i32
    %scan3A_3 = arith.constant 0 : i32
    %scan3A_4 = arith.constant 16 : i32
    %scan3A_5 = arith.addi %scan3A_3, %scan3A_4 : i32
    %scan3A_6 = arith.constant 1 : i32
    %scan3A_7 = scf.for %scan3A_9 = %scan3A_3 to %scan3A_5 step %scan3A_6 iter_args(%scan3A_10 = %scan3A) -> (i32)  : i32 {
      %mul3A_11 = arith.constant 1024 : i32
      %mul3A_12 = arith.muli %scan3A_9, %mul3A_11 : i32
      %add3A_13 = arith.addi %mul3A_2, %mul3A_12 : i32
      %add3A_14 = arith.constant 0 : i32
      %add3A_15 = arith.addi %add3A_14, %add3A_13 : i32
      "tpu.region"() ({
        %run_scoped3A = tpu.sem_alloc : memref<!tpu.dma_semaphore, #tpu.memory_space<semaphore_mem>>
        %dma_start3A = tpu.memref_slice %arg2[%add3A_15] : memref<1572864xf32, #tpu.memory_space<hbm>> -> memref<1024xf32, #tpu.memory_space<hbm>>
        %dma_start3A_47 = tpu.memref_slice %arg2[%add3A_15] : memref<1572864xf32, #tpu.memory_space<hbm>> -> memref<1024xf32, #tpu.memory_space<hbm>>
        tpu.enqueue_dma source(%dma_start3A_47 : memref<1024xf32, #tpu.memory_space<hbm>>) target(%arg8 : memref<1024xf32, #tpu.memory_space<vmem>>) target_semaphore(%run_scoped3A : memref<!tpu.dma_semaphore, #tpu.memory_space<semaphore_mem>>)
        %dma_wait3A = tpu.memref_slice %arg2[%add3A_15] : memref<1572864xf32, #tpu.memory_space<hbm>> -> memref<1024xf32, #tpu.memory_space<hbm>>
        %dma_wait3A_48 = tpu.memref_slice %arg2[%add3A_15] : memref<1572864xf32, #tpu.memory_space<hbm>> -> memref<1024xf32, #tpu.memory_space<hbm>>
        tpu.wait_dma2 semaphore(%run_scoped3A : memref<!tpu.dma_semaphore, #tpu.memory_space<semaphore_mem>>) src(%dma_wait3A_48 : memref<1024xf32, #tpu.memory_space<hbm>>) dst(%arg8 : memref<1024xf32, #tpu.memory_space<vmem>>)
        tpu.yield
      }) : () -> ()
      %add3A_16 = arith.constant 524288 : i32
      %add3A_17 = arith.addi %add3A_16, %add3A_13 : i32
      "tpu.region"() ({
        %run_scoped3A = tpu.sem_alloc : memref<!tpu.dma_semaphore, #tpu.memory_space<semaphore_mem>>
        %dma_start3A = tpu.memref_slice %arg2[%add3A_17] : memref<1572864xf32, #tpu.memory_space<hbm>> -> memref<1024xf32, #tpu.memory_space<hbm>>
        %dma_start3A_47 = tpu.memref_slice %arg2[%add3A_17] : memref<1572864xf32, #tpu.memory_space<hbm>> -> memref<1024xf32, #tpu.memory_space<hbm>>
        tpu.enqueue_dma source(%dma_start3A_47 : memref<1024xf32, #tpu.memory_space<hbm>>) target(%arg9 : memref<1024xf32, #tpu.memory_space<vmem>>) target_semaphore(%run_scoped3A : memref<!tpu.dma_semaphore, #tpu.memory_space<semaphore_mem>>)
        %dma_wait3A = tpu.memref_slice %arg2[%add3A_17] : memref<1572864xf32, #tpu.memory_space<hbm>> -> memref<1024xf32, #tpu.memory_space<hbm>>
        %dma_wait3A_48 = tpu.memref_slice %arg2[%add3A_17] : memref<1572864xf32, #tpu.memory_space<hbm>> -> memref<1024xf32, #tpu.memory_space<hbm>>
        tpu.wait_dma2 semaphore(%run_scoped3A : memref<!tpu.dma_semaphore, #tpu.memory_space<semaphore_mem>>) src(%dma_wait3A_48 : memref<1024xf32, #tpu.memory_space<hbm>>) dst(%arg9 : memref<1024xf32, #tpu.memory_space<vmem>>)
        tpu.yield
      }) : () -> ()
      %add3A_18 = arith.constant 1048576 : i32
      %add3A_19 = arith.addi %add3A_18, %add3A_13 : i32
      "tpu.region"() ({
        %run_scoped3A = tpu.sem_alloc : memref<!tpu.dma_semaphore, #tpu.memory_space<semaphore_mem>>
        %dma_start3A = tpu.memref_slice %arg2[%add3A_19] : memref<1572864xf32, #tpu.memory_space<hbm>> -> memref<1024xf32, #tpu.memory_space<hbm>>
        %dma_start3A_47 = tpu.memref_slice %arg2[%add3A_19] : memref<1572864xf32, #tpu.memory_space<hbm>> -> memref<1024xf32, #tpu.memory_space<hbm>>
        tpu.enqueue_dma source(%dma_start3A_47 : memref<1024xf32, #tpu.memory_space<hbm>>) target(%arg10 : memref<1024xf32, #tpu.memory_space<vmem>>) target_semaphore(%run_scoped3A : memref<!tpu.dma_semaphore, #tpu.memory_space<semaphore_mem>>)
        %dma_wait3A = tpu.memref_slice %arg2[%add3A_19] : memref<1572864xf32, #tpu.memory_space<hbm>> -> memref<1024xf32, #tpu.memory_space<hbm>>
        %dma_wait3A_48 = tpu.memref_slice %arg2[%add3A_19] : memref<1572864xf32, #tpu.memory_space<hbm>> -> memref<1024xf32, #tpu.memory_space<hbm>>
        tpu.wait_dma2 semaphore(%run_scoped3A : memref<!tpu.dma_semaphore, #tpu.memory_space<semaphore_mem>>) src(%dma_wait3A_48 : memref<1024xf32, #tpu.memory_space<hbm>>) dst(%arg10 : memref<1024xf32, #tpu.memory_space<vmem>>)
        tpu.yield
      }) : () -> ()
      %parallel_loop3A = arith.constant 0 : i32
      %parallel_loop3A_20 = arith.constant 64 : i32
      %parallel_loop3A_21 = arith.constant 1 : i32
      scf.for %parallel_loop3A_47 = %parallel_loop3A to %parallel_loop3A_20 step %parallel_loop3A_21  : i32 {
        %parallel_loop3A_48 = arith.constant 16 : i32
        %parallel_loop3A_49 = arith.muli %parallel_loop3A_47, %parallel_loop3A_48 : i32
        %parallel_loop3A_50 = arith.index_cast %parallel_loop3A_49 : i32 to index
        %parallel_loop3A_51 = tpu.vector_load %arg8[%parallel_loop3A_50] {strides = array<i32>} : memref<1024xf32, #tpu.memory_space<vmem>>, vector<16xf32>,
        %parallel_loop3A_52 = arith.constant 16 : i32
        %parallel_loop3A_53 = arith.muli %parallel_loop3A_47, %parallel_loop3A_52 : i32
        %parallel_loop3A_54 = arith.index_cast %parallel_loop3A_53 : i32 to index
        %parallel_loop3A_55 = tpu.vector_load %arg9[%parallel_loop3A_54] {strides = array<i32>} : memref<1024xf32, #tpu.memory_space<vmem>>, vector<16xf32>,
        %parallel_loop3A_56 = arith.constant 16 : i32
        %parallel_loop3A_57 = arith.muli %parallel_loop3A_47, %parallel_loop3A_56 : i32
        %parallel_loop3A_58 = arith.index_cast %parallel_loop3A_57 : i32 to index
        %parallel_loop3A_59 = tpu.vector_load %arg10[%parallel_loop3A_58] {strides = array<i32>} : memref<1024xf32, #tpu.memory_space<vmem>>, vector<16xf32>,
        %parallel_loop3A_60 = arith.constant 6.350000e+01 : f32
        %parallel_loop3A_61 = vector.broadcast %parallel_loop3A_60 : f32 to vector<16xf32>
        %parallel_loop3A_62 = arith.mulf %parallel_loop3A_51, %parallel_loop3A_61 : vector<16xf32>
        %parallel_loop3A_63 = arith.constant 6.350000e+01 : f32
        %parallel_loop3A_64 = vector.broadcast %parallel_loop3A_63 : f32 to vector<16xf32>
        %parallel_loop3A_65 = arith.addf %parallel_loop3A_62, %parallel_loop3A_64 : vector<16xf32>
        %parallel_loop3A_66 = arith.constant 6.350000e+01 : f32
        %parallel_loop3A_67 = vector.broadcast %parallel_loop3A_66 : f32 to vector<16xf32>
        %parallel_loop3A_68 = arith.mulf %parallel_loop3A_55, %parallel_loop3A_67 : vector<16xf32>
        %parallel_loop3A_69 = arith.constant 6.350000e+01 : f32
        %parallel_loop3A_70 = vector.broadcast %parallel_loop3A_69 : f32 to vector<16xf32>
        %parallel_loop3A_71 = arith.addf %parallel_loop3A_68, %parallel_loop3A_70 : vector<16xf32>
        %parallel_loop3A_72 = arith.constant 6.350000e+01 : f32
        %parallel_loop3A_73 = vector.broadcast %parallel_loop3A_72 : f32 to vector<16xf32>
        %parallel_loop3A_74 = arith.mulf %parallel_loop3A_59, %parallel_loop3A_73 : vector<16xf32>
        %parallel_loop3A_75 = arith.constant 6.350000e+01 : f32
        %parallel_loop3A_76 = vector.broadcast %parallel_loop3A_75 : f32 to vector<16xf32>
        %parallel_loop3A_77 = arith.addf %parallel_loop3A_74, %parallel_loop3A_76 : vector<16xf32>
        %parallel_loop3A_78 = arith.fptosi %parallel_loop3A_65 : vector<16xf32> to vector<16xi32>
        %parallel_loop3A_79 = arith.constant 126 : i32
        %parallel_loop3A_80 = vector.broadcast %parallel_loop3A_79 : i32 to vector<16xi32>
        %parallel_loop3A_81 = arith.minsi %parallel_loop3A_78, %parallel_loop3A_80 : vector<16xi32>
        %parallel_loop3A_82 = arith.fptosi %parallel_loop3A_71 : vector<16xf32> to vector<16xi32>
        %parallel_loop3A_83 = arith.constant 126 : i32
        %parallel_loop3A_84 = vector.broadcast %parallel_loop3A_83 : i32 to vector<16xi32>
        %parallel_loop3A_85 = arith.minsi %parallel_loop3A_82, %parallel_loop3A_84 : vector<16xi32>
        %parallel_loop3A_86 = arith.fptosi %parallel_loop3A_77 : vector<16xf32> to vector<16xi32>
        %parallel_loop3A_87 = arith.constant 126 : i32
        %parallel_loop3A_88 = vector.broadcast %parallel_loop3A_87 : i32 to vector<16xi32>
        %parallel_loop3A_89 = arith.minsi %parallel_loop3A_86, %parallel_loop3A_88 : vector<16xi32>
        %parallel_loop3A_90 = arith.sitofp %parallel_loop3A_81 : vector<16xi32> to vector<16xf32>
        %parallel_loop3A_91 = arith.subf %parallel_loop3A_65, %parallel_loop3A_90 : vector<16xf32>
        %parallel_loop3A_92 = arith.sitofp %parallel_loop3A_85 : vector<16xi32> to vector<16xf32>
        %parallel_loop3A_93 = arith.subf %parallel_loop3A_71, %parallel_loop3A_92 : vector<16xf32>
        %parallel_loop3A_94 = arith.sitofp %parallel_loop3A_89 : vector<16xi32> to vector<16xf32>
        %parallel_loop3A_95 = arith.subf %parallel_loop3A_77, %parallel_loop3A_94 : vector<16xf32>
        %parallel_loop3A_96 = arith.constant 128 : i32
        %parallel_loop3A_97 = vector.broadcast %parallel_loop3A_96 : i32 to vector<16xi32>
        %parallel_loop3A_98 = arith.muli %parallel_loop3A_85, %parallel_loop3A_97 : vector<16xi32>
        %parallel_loop3A_99 = arith.addi %parallel_loop3A_98, %parallel_loop3A_81 : vector<16xi32>
        %parallel_loop3A_100 = arith.constant 0 : i32
        %parallel_loop3A_101 = vector.broadcast %parallel_loop3A_100 : i32 to vector<16xi32>
        %parallel_loop3A_102 = arith.addi %parallel_loop3A_99, %parallel_loop3A_101 : vector<16xi32>
        %parallel_loop3A_103 = tpu.vector_load_idx %arg6[%parallel_loop3A_102] : memref<98304xi32, #tpu.memory_space<vmem>>[vector<16xi32>], vector<16xi32>,
        %parallel_loop3A_104 = arith.constant 1 : i32
        %parallel_loop3A_105 = vector.broadcast %parallel_loop3A_104 : i32 to vector<16xi32>
        %parallel_loop3A_106 = arith.addi %parallel_loop3A_102, %parallel_loop3A_105 : vector<16xi32>
        %parallel_loop3A_107 = tpu.vector_load_idx %arg6[%parallel_loop3A_106] : memref<98304xi32, #tpu.memory_space<vmem>>[vector<16xi32>], vector<16xi32>,
        %parallel_loop3A_108 = arith.constant 128 : i32
        %parallel_loop3A_109 = vector.broadcast %parallel_loop3A_108 : i32 to vector<16xi32>
        %parallel_loop3A_110 = arith.addi %parallel_loop3A_102, %parallel_loop3A_109 : vector<16xi32>
        %parallel_loop3A_111 = tpu.vector_load_idx %arg6[%parallel_loop3A_110] : memref<98304xi32, #tpu.memory_space<vmem>>[vector<16xi32>], vector<16xi32>,
        %parallel_loop3A_112 = arith.constant 129 : i32
        %parallel_loop3A_113 = vector.broadcast %parallel_loop3A_112 : i32 to vector<16xi32>
        %parallel_loop3A_114 = arith.addi %parallel_loop3A_102, %parallel_loop3A_113 : vector<16xi32>
        %parallel_loop3A_115 = tpu.vector_load_idx %arg6[%parallel_loop3A_114] : memref<98304xi32, #tpu.memory_space<vmem>>[vector<16xi32>], vector<16xi32>,
        %parallel_loop3A_116 = arith.constant 16 : i32
        %parallel_loop3A_117 = vector.broadcast %parallel_loop3A_116 : i32 to vector<16xi32>
        %parallel_loop3A_118 = arith.shli %parallel_loop3A_103, %parallel_loop3A_117 : vector<16xi32>
        %parallel_loop3A_119 = vector.bitcast %parallel_loop3A_118 : vector<16xi32> to vector<16xf32>
        %parallel_loop3A_120 = arith.constant 16 : i32
        %parallel_loop3A_121 = vector.broadcast %parallel_loop3A_120 : i32 to vector<16xi32>
        %parallel_loop3A_122 = arith.shli %parallel_loop3A_107, %parallel_loop3A_121 : vector<16xi32>
        %parallel_loop3A_123 = vector.bitcast %parallel_loop3A_122 : vector<16xi32> to vector<16xf32>
        %parallel_loop3A_124 = arith.constant 16 : i32
        %parallel_loop3A_125 = vector.broadcast %parallel_loop3A_124 : i32 to vector<16xi32>
        %parallel_loop3A_126 = arith.shli %parallel_loop3A_111, %parallel_loop3A_125 : vector<16xi32>
        %parallel_loop3A_127 = vector.bitcast %parallel_loop3A_126 : vector<16xi32> to vector<16xf32>
        %parallel_loop3A_128 = arith.constant 16 : i32
        %parallel_loop3A_129 = vector.broadcast %parallel_loop3A_128 : i32 to vector<16xi32>
        %parallel_loop3A_130 = arith.shli %parallel_loop3A_115, %parallel_loop3A_129 : vector<16xi32>
        %parallel_loop3A_131 = vector.bitcast %parallel_loop3A_130 : vector<16xi32> to vector<16xf32>
        %parallel_loop3A_132 = arith.subf %parallel_loop3A_123, %parallel_loop3A_119 : vector<16xf32>
        %parallel_loop3A_133 = arith.mulf %parallel_loop3A_91, %parallel_loop3A_132 : vector<16xf32>
        %parallel_loop3A_134 = arith.addf %parallel_loop3A_119, %parallel_loop3A_133 : vector<16xf32>
        %parallel_loop3A_135 = arith.subf %parallel_loop3A_131, %parallel_loop3A_127 : vector<16xf32>
        %parallel_loop3A_136 = arith.mulf %parallel_loop3A_91, %parallel_loop3A_135 : vector<16xf32>
        %parallel_loop3A_137 = arith.addf %parallel_loop3A_127, %parallel_loop3A_136 : vector<16xf32>
        %parallel_loop3A_138 = arith.subf %parallel_loop3A_137, %parallel_loop3A_134 : vector<16xf32>
        %parallel_loop3A_139 = arith.mulf %parallel_loop3A_93, %parallel_loop3A_138 : vector<16xf32>
        %parallel_loop3A_140 = arith.addf %parallel_loop3A_134, %parallel_loop3A_139 : vector<16xf32>
        %parallel_loop3A_141 = arith.constant 0 : i32
        %parallel_loop3A_142 = vector.broadcast %parallel_loop3A_141 : i32 to vector<16xi32>
        %parallel_loop3A_143 = arith.addi %parallel_loop3A_89, %parallel_loop3A_142 : vector<16xi32>
        %parallel_loop3A_144 = tpu.vector_load_idx %arg7[%parallel_loop3A_143] : memref<1536xf32, #tpu.memory_space<vmem>>[vector<16xi32>], vector<16xf32>,
        %parallel_loop3A_145 = arith.constant 1 : i32
        %parallel_loop3A_146 = vector.broadcast %parallel_loop3A_145 : i32 to vector<16xi32>
        %parallel_loop3A_147 = arith.addi %parallel_loop3A_143, %parallel_loop3A_146 : vector<16xi32>
        %parallel_loop3A_148 = tpu.vector_load_idx %arg7[%parallel_loop3A_147] : memref<1536xf32, #tpu.memory_space<vmem>>[vector<16xi32>], vector<16xf32>,
        %parallel_loop3A_149 = arith.subf %parallel_loop3A_148, %parallel_loop3A_144 : vector<16xf32>
        %parallel_loop3A_150 = arith.mulf %parallel_loop3A_95, %parallel_loop3A_149 : vector<16xf32>
        %parallel_loop3A_151 = arith.addf %parallel_loop3A_144, %parallel_loop3A_150 : vector<16xf32>
        %parallel_loop3A_152 = arith.mulf %parallel_loop3A_140, %parallel_loop3A_151 : vector<16xf32>
        %parallel_loop3A_153 = arith.constant 16 : i32
        %parallel_loop3A_154 = arith.muli %parallel_loop3A_47, %parallel_loop3A_153 : i32
        %parallel_loop3A_155 = arith.constant 0 : i32
        %parallel_loop3A_156 = arith.addi %parallel_loop3A_155, %parallel_loop3A_154 : i32
        %parallel_loop3A_157 = arith.index_cast %parallel_loop3A_156 : i32 to index
        %parallel_loop3A_158 = tpu.vector_load %arg11[%parallel_loop3A_157] {strides = array<i32>} : memref<12288xf32, #tpu.memory_space<vmem>>, vector<16xf32>,
        tpu.vector_store %arg11[%parallel_loop3A_157], %parallel_loop3A_152 {strides = array<i32>} : memref<12288xf32, #tpu.memory_space<vmem>>, vector<16xf32>,
        %parallel_loop3A_159 = arith.constant -65536 : i32
        %parallel_loop3A_160 = vector.broadcast %parallel_loop3A_159 : i32 to vector<16xi32>
        %parallel_loop3A_161 = arith.andi %parallel_loop3A_103, %parallel_loop3A_160 : vector<16xi32>
        %parallel_loop3A_162 = vector.bitcast %parallel_loop3A_161 : vector<16xi32> to vector<16xf32>
        %parallel_loop3A_163 = arith.constant -65536 : i32
        %parallel_loop3A_164 = vector.broadcast %parallel_loop3A_163 : i32 to vector<16xi32>
        %parallel_loop3A_165 = arith.andi %parallel_loop3A_107, %parallel_loop3A_164 : vector<16xi32>
        %parallel_loop3A_166 = vector.bitcast %parallel_loop3A_165 : vector<16xi32> to vector<16xf32>
        %parallel_loop3A_167 = arith.constant -65536 : i32
        %parallel_loop3A_168 = vector.broadcast %parallel_loop3A_167 : i32 to vector<16xi32>
        %parallel_loop3A_169 = arith.andi %parallel_loop3A_111, %parallel_loop3A_168 : vector<16xi32>
        %parallel_loop3A_170 = vector.bitcast %parallel_loop3A_169 : vector<16xi32> to vector<16xf32>
        %parallel_loop3A_171 = arith.constant -65536 : i32
        %parallel_loop3A_172 = vector.broadcast %parallel_loop3A_171 : i32 to vector<16xi32>
        %parallel_loop3A_173 = arith.andi %parallel_loop3A_115, %parallel_loop3A_172 : vector<16xi32>
        %parallel_loop3A_174 = vector.bitcast %parallel_loop3A_173 : vector<16xi32> to vector<16xf32>
        %parallel_loop3A_175 = arith.subf %parallel_loop3A_166, %parallel_loop3A_162 : vector<16xf32>
        %parallel_loop3A_176 = arith.mulf %parallel_loop3A_91, %parallel_loop3A_175 : vector<16xf32>
        %parallel_loop3A_177 = arith.addf %parallel_loop3A_162, %parallel_loop3A_176 : vector<16xf32>
        %parallel_loop3A_178 = arith.subf %parallel_loop3A_174, %parallel_loop3A_170 : vector<16xf32>
        %parallel_loop3A_179 = arith.mulf %parallel_loop3A_91, %parallel_loop3A_178 : vector<16xf32>
        %parallel_loop3A_180 = arith.addf %parallel_loop3A_170, %parallel_loop3A_179 : vector<16xf32>
        %parallel_loop3A_181 = arith.subf %parallel_loop3A_180, %parallel_loop3A_177 : vector<16xf32>
        %parallel_loop3A_182 = arith.mulf %parallel_loop3A_93, %parallel_loop3A_181 : vector<16xf32>
        %parallel_loop3A_183 = arith.addf %parallel_loop3A_177, %parallel_loop3A_182 : vector<16xf32>
        %parallel_loop3A_184 = arith.constant 128 : i32
        %parallel_loop3A_185 = vector.broadcast %parallel_loop3A_184 : i32 to vector<16xi32>
        %parallel_loop3A_186 = arith.addi %parallel_loop3A_89, %parallel_loop3A_185 : vector<16xi32>
        %parallel_loop3A_187 = tpu.vector_load_idx %arg7[%parallel_loop3A_186] : memref<1536xf32, #tpu.memory_space<vmem>>[vector<16xi32>], vector<16xf32>,
        %parallel_loop3A_188 = arith.constant 1 : i32
        %parallel_loop3A_189 = vector.broadcast %parallel_loop3A_188 : i32 to vector<16xi32>
        %parallel_loop3A_190 = arith.addi %parallel_loop3A_186, %parallel_loop3A_189 : vector<16xi32>
        %parallel_loop3A_191 = tpu.vector_load_idx %arg7[%parallel_loop3A_190] : memref<1536xf32, #tpu.memory_space<vmem>>[vector<16xi32>], vector<16xf32>,
        %parallel_loop3A_192 = arith.subf %parallel_loop3A_191, %parallel_loop3A_187 : vector<16xf32>
        %parallel_loop3A_193 = arith.mulf %parallel_loop3A_95, %parallel_loop3A_192 : vector<16xf32>
        %parallel_loop3A_194 = arith.addf %parallel_loop3A_187, %parallel_loop3A_193 : vector<16xf32>
        %parallel_loop3A_195 = arith.mulf %parallel_loop3A_183, %parallel_loop3A_194 : vector<16xf32>
        %parallel_loop3A_196 = arith.constant 16 : i32
        %parallel_loop3A_197 = arith.muli %parallel_loop3A_47, %parallel_loop3A_196 : i32
        %parallel_loop3A_198 = arith.constant 1024 : i32
        %parallel_loop3A_199 = arith.addi %parallel_loop3A_198, %parallel_loop3A_197 : i32
        %parallel_loop3A_200 = arith.index_cast %parallel_loop3A_199 : i32 to index
        %parallel_loop3A_201 = tpu.vector_load %arg11[%parallel_loop3A_200] {strides = array<i32>} : memref<12288xf32, #tpu.memory_space<vmem>>, vector<16xf32>,
        tpu.vector_store %arg11[%parallel_loop3A_200], %parallel_loop3A_195 {strides = array<i32>} : memref<12288xf32, #tpu.memory_space<vmem>>, vector<16xf32>,
        %parallel_loop3A_202 = arith.constant 16384 : i32
        %parallel_loop3A_203 = vector.broadcast %parallel_loop3A_202 : i32 to vector<16xi32>
        %parallel_loop3A_204 = arith.addi %parallel_loop3A_99, %parallel_loop3A_203 : vector<16xi32>
        %parallel_loop3A_205 = tpu.vector_load_idx %arg6[%parallel_loop3A_204] : memref<98304xi32, #tpu.memory_space<vmem>>[vector<16xi32>], vector<16xi32>,
        %parallel_loop3A_206 = arith.constant 1 : i32
        %parallel_loop3A_207 = vector.broadcast %parallel_loop3A_206 : i32 to vector<16xi32>
        %parallel_loop3A_208 = arith.addi %parallel_loop3A_204, %parallel_loop3A_207 : vector<16xi32>
        %parallel_loop3A_209 = tpu.vector_load_idx %arg6[%parallel_loop3A_208] : memref<98304xi32, #tpu.memory_space<vmem>>[vector<16xi32>], vector<16xi32>,
        %parallel_loop3A_210 = arith.constant 128 : i32
        %parallel_loop3A_211 = vector.broadcast %parallel_loop3A_210 : i32 to vector<16xi32>
        %parallel_loop3A_212 = arith.addi %parallel_loop3A_204, %parallel_loop3A_211 : vector<16xi32>
        %parallel_loop3A_213 = tpu.vector_load_idx %arg6[%parallel_loop3A_212] : memref<98304xi32, #tpu.memory_space<vmem>>[vector<16xi32>], vector<16xi32>,
        %parallel_loop3A_214 = arith.constant 129 : i32
        %parallel_loop3A_215 = vector.broadcast %parallel_loop3A_214 : i32 to vector<16xi32>
        %parallel_loop3A_216 = arith.addi %parallel_loop3A_204, %parallel_loop3A_215 : vector<16xi32>
        %parallel_loop3A_217 = tpu.vector_load_idx %arg6[%parallel_loop3A_216] : memref<98304xi32, #tpu.memory_space<vmem>>[vector<16xi32>], vector<16xi32>,
        %parallel_loop3A_218 = arith.constant 16 : i32
        %parallel_loop3A_219 = vector.broadcast %parallel_loop3A_218 : i32 to vector<16xi32>
        %parallel_loop3A_220 = arith.shli %parallel_loop3A_205, %parallel_loop3A_219 : vector<16xi32>
        %parallel_loop3A_221 = vector.bitcast %parallel_loop3A_220 : vector<16xi32> to vector<16xf32>
        %parallel_loop3A_222 = arith.constant 16 : i32
        %parallel_loop3A_223 = vector.broadcast %parallel_loop3A_222 : i32 to vector<16xi32>
        %parallel_loop3A_224 = arith.shli %parallel_loop3A_209, %parallel_loop3A_223 : vector<16xi32>
        %parallel_loop3A_225 = vector.bitcast %parallel_loop3A_224 : vector<16xi32> to vector<16xf32>
        %parallel_loop3A_226 = arith.constant 16 : i32
        %parallel_loop3A_227 = vector.broadcast %parallel_loop3A_226 : i32 to vector<16xi32>
        %parallel_loop3A_228 = arith.shli %parallel_loop3A_213, %parallel_loop3A_227 : vector<16xi32>
        %parallel_loop3A_229 = vector.bitcast %parallel_loop3A_228 : vector<16xi32> to vector<16xf32>
        %parallel_loop3A_230 = arith.constant 16 : i32
        %parallel_loop3A_231 = vector.broadcast %parallel_loop3A_230 : i32 to vector<16xi32>
        %parallel_loop3A_232 = arith.shli %parallel_loop3A_217, %parallel_loop3A_231 : vector<16xi32>
        %parallel_loop3A_233 = vector.bitcast %parallel_loop3A_232 : vector<16xi32> to vector<16xf32>
        %parallel_loop3A_234 = arith.subf %parallel_loop3A_225, %parallel_loop3A_221 : vector<16xf32>
        %parallel_loop3A_235 = arith.mulf %parallel_loop3A_91, %parallel_loop3A_234 : vector<16xf32>
        %parallel_loop3A_236 = arith.addf %parallel_loop3A_221, %parallel_loop3A_235 : vector<16xf32>
        %parallel_loop3A_237 = arith.subf %parallel_loop3A_233, %parallel_loop3A_229 : vector<16xf32>
        %parallel_loop3A_238 = arith.mulf %parallel_loop3A_91, %parallel_loop3A_237 : vector<16xf32>
        %parallel_loop3A_239 = arith.addf %parallel_loop3A_229, %parallel_loop3A_238 : vector<16xf32>
        %parallel_loop3A_240 = arith.subf %parallel_loop3A_239, %parallel_loop3A_236 : vector<16xf32>
        %parallel_loop3A_241 = arith.mulf %parallel_loop3A_93, %parallel_loop3A_240 : vector<16xf32>
        %parallel_loop3A_242 = arith.addf %parallel_loop3A_236, %parallel_loop3A_241 : vector<16xf32>
        %parallel_loop3A_243 = arith.constant 256 : i32
        %parallel_loop3A_244 = vector.broadcast %parallel_loop3A_243 : i32 to vector<16xi32>
        %parallel_loop3A_245 = arith.addi %parallel_loop3A_89, %parallel_loop3A_244 : vector<16xi32>
        %parallel_loop3A_246 = tpu.vector_load_idx %arg7[%parallel_loop3A_245] : memref<1536xf32, #tpu.memory_space<vmem>>[vector<16xi32>], vector<16xf32>,
        %parallel_loop3A_247 = arith.constant 1 : i32
        %parallel_loop3A_248 = vector.broadcast %parallel_loop3A_247 : i32 to vector<16xi32>
        %parallel_loop3A_249 = arith.addi %parallel_loop3A_245, %parallel_loop3A_248 : vector<16xi32>
        %parallel_loop3A_250 = tpu.vector_load_idx %arg7[%parallel_loop3A_249] : memref<1536xf32, #tpu.memory_space<vmem>>[vector<16xi32>], vector<16xf32>,
        %parallel_loop3A_251 = arith.subf %parallel_loop3A_250, %parallel_loop3A_246 : vector<16xf32>
        %parallel_loop3A_252 = arith.mulf %parallel_loop3A_95, %parallel_loop3A_251 : vector<16xf32>
        %parallel_loop3A_253 = arith.addf %parallel_loop3A_246, %parallel_loop3A_252 : vector<16xf32>
        %parallel_loop3A_254 = arith.mulf %parallel_loop3A_242, %parallel_loop3A_253 : vector<16xf32>
        %parallel_loop3A_255 = arith.constant 16 : i32
        %parallel_loop3A_256 = arith.muli %parallel_loop3A_47, %parallel_loop3A_255 : i32
        %parallel_loop3A_257 = arith.constant 2048 : i32
        %parallel_loop3A_258 = arith.addi %parallel_loop3A_257, %parallel_loop3A_256 : i32
        %parallel_loop3A_259 = arith.index_cast %parallel_loop3A_258 : i32 to index
        %parallel_loop3A_260 = tpu.vector_load %arg11[%parallel_loop3A_259] {strides = array<i32>} : memref<12288xf32, #tpu.memory_space<vmem>>, vector<16xf32>,
        tpu.vector_store %arg11[%parallel_loop3A_259], %parallel_loop3A_254 {strides = array<i32>} : memref<12288xf32, #tpu.memory_space<vmem>>, vector<16xf32>,
        %parallel_loop3A_261 = arith.constant -65536 : i32
        %parallel_loop3A_262 = vector.broadcast %parallel_loop3A_261 : i32 to vector<16xi32>
        %parallel_loop3A_263 = arith.andi %parallel_loop3A_205, %parallel_loop3A_262 : vector<16xi32>
        %parallel_loop3A_264 = vector.bitcast %parallel_loop3A_263 : vector<16xi32> to vector<16xf32>
        %parallel_loop3A_265 = arith.constant -65536 : i32
        %parallel_loop3A_266 = vector.broadcast %parallel_loop3A_265 : i32 to vector<16xi32>
        %parallel_loop3A_267 = arith.andi %parallel_loop3A_209, %parallel_loop3A_266 : vector<16xi32>
        %parallel_loop3A_268 = vector.bitcast %parallel_loop3A_267 : vector<16xi32> to vector<16xf32>
        %parallel_loop3A_269 = arith.constant -65536 : i32
        %parallel_loop3A_270 = vector.broadcast %parallel_loop3A_269 : i32 to vector<16xi32>
        %parallel_loop3A_271 = arith.andi %parallel_loop3A_213, %parallel_loop3A_270 : vector<16xi32>
        %parallel_loop3A_272 = vector.bitcast %parallel_loop3A_271 : vector<16xi32> to vector<16xf32>
        %parallel_loop3A_273 = arith.constant -65536 : i32
        %parallel_loop3A_274 = vector.broadcast %parallel_loop3A_273 : i32 to vector<16xi32>
        %parallel_loop3A_275 = arith.andi %parallel_loop3A_217, %parallel_loop3A_274 : vector<16xi32>
        %parallel_loop3A_276 = vector.bitcast %parallel_loop3A_275 : vector<16xi32> to vector<16xf32>
        %parallel_loop3A_277 = arith.subf %parallel_loop3A_268, %parallel_loop3A_264 : vector<16xf32>
        %parallel_loop3A_278 = arith.mulf %parallel_loop3A_91, %parallel_loop3A_277 : vector<16xf32>
        %parallel_loop3A_279 = arith.addf %parallel_loop3A_264, %parallel_loop3A_278 : vector<16xf32>
        %parallel_loop3A_280 = arith.subf %parallel_loop3A_276, %parallel_loop3A_272 : vector<16xf32>
        %parallel_loop3A_281 = arith.mulf %parallel_loop3A_91, %parallel_loop3A_280 : vector<16xf32>
        %parallel_loop3A_282 = arith.addf %parallel_loop3A_272, %parallel_loop3A_281 : vector<16xf32>
        %parallel_loop3A_283 = arith.subf %parallel_loop3A_282, %parallel_loop3A_279 : vector<16xf32>
        %parallel_loop3A_284 = arith.mulf %parallel_loop3A_93, %parallel_loop3A_283 : vector<16xf32>
        %parallel_loop3A_285 = arith.addf %parallel_loop3A_279, %parallel_loop3A_284 : vector<16xf32>
        %parallel_loop3A_286 = arith.constant 384 : i32
        %parallel_loop3A_287 = vector.broadcast %parallel_loop3A_286 : i32 to vector<16xi32>
        %parallel_loop3A_288 = arith.addi %parallel_loop3A_89, %parallel_loop3A_287 : vector<16xi32>
        %parallel_loop3A_289 = tpu.vector_load_idx %arg7[%parallel_loop3A_288] : memref<1536xf32, #tpu.memory_space<vmem>>[vector<16xi32>], vector<16xf32>,
        %parallel_loop3A_290 = arith.constant 1 : i32
        %parallel_loop3A_291 = vector.broadcast %parallel_loop3A_290 : i32 to vector<16xi32>
        %parallel_loop3A_292 = arith.addi %parallel_loop3A_288, %parallel_loop3A_291 : vector<16xi32>
        %parallel_loop3A_293 = tpu.vector_load_idx %arg7[%parallel_loop3A_292] : memref<1536xf32, #tpu.memory_space<vmem>>[vector<16xi32>], vector<16xf32>,
        %parallel_loop3A_294 = arith.subf %parallel_loop3A_293, %parallel_loop3A_289 : vector<16xf32>
        %parallel_loop3A_295 = arith.mulf %parallel_loop3A_95, %parallel_loop3A_294 : vector<16xf32>
        %parallel_loop3A_296 = arith.addf %parallel_loop3A_289, %parallel_loop3A_295 : vector<16xf32>
        %parallel_loop3A_297 = arith.mulf %parallel_loop3A_285, %parallel_loop3A_296 : vector<16xf32>
        %parallel_loop3A_298 = arith.constant 16 : i32
        %parallel_loop3A_299 = arith.muli %parallel_loop3A_47, %parallel_loop3A_298 : i32
        %parallel_loop3A_300 = arith.constant 3072 : i32
        %parallel_loop3A_301 = arith.addi %parallel_loop3A_300, %parallel_loop3A_299 : i32
        %parallel_loop3A_302 = arith.index_cast %parallel_loop3A_301 : i32 to index
        %parallel_loop3A_303 = tpu.vector_load %arg11[%parallel_loop3A_302] {strides = array<i32>} : memref<12288xf32, #tpu.memory_space<vmem>>, vector<16xf32>,
        tpu.vector_store %arg11[%parallel_loop3A_302], %parallel_loop3A_297 {strides = array<i32>} : memref<12288xf32, #tpu.memory_space<vmem>>, vector<16xf32>,
        %parallel_loop3A_304 = arith.constant 128 : i32
        %parallel_loop3A_305 = vector.broadcast %parallel_loop3A_304 : i32 to vector<16xi32>
        %parallel_loop3A_306 = arith.muli %parallel_loop3A_89, %parallel_loop3A_305 : vector<16xi32>
        %parallel_loop3A_307 = arith.addi %parallel_loop3A_306, %parallel_loop3A_81 : vector<16xi32>
        %parallel_loop3A_308 = arith.constant 32768 : i32
        %parallel_loop3A_309 = vector.broadcast %parallel_loop3A_308 : i32 to vector<16xi32>
        %parallel_loop3A_310 = arith.addi %parallel_loop3A_307, %parallel_loop3A_309 : vector<16xi32>
        %parallel_loop3A_311 = tpu.vector_load_idx %arg6[%parallel_loop3A_310] : memref<98304xi32, #tpu.memory_space<vmem>>[vector<16xi32>], vector<16xi32>,
        %parallel_loop3A_312 = arith.constant 1 : i32
        %parallel_loop3A_313 = vector.broadcast %parallel_loop3A_312 : i32 to vector<16xi32>
        %parallel_loop3A_314 = arith.addi %parallel_loop3A_310, %parallel_loop3A_313 : vector<16xi32>
        %parallel_loop3A_315 = tpu.vector_load_idx %arg6[%parallel_loop3A_314] : memref<98304xi32, #tpu.memory_space<vmem>>[vector<16xi32>], vector<16xi32>,
        %parallel_loop3A_316 = arith.constant 128 : i32
        %parallel_loop3A_317 = vector.broadcast %parallel_loop3A_316 : i32 to vector<16xi32>
        %parallel_loop3A_318 = arith.addi %parallel_loop3A_310, %parallel_loop3A_317 : vector<16xi32>
        %parallel_loop3A_319 = tpu.vector_load_idx %arg6[%parallel_loop3A_318] : memref<98304xi32, #tpu.memory_space<vmem>>[vector<16xi32>], vector<16xi32>,
        %parallel_loop3A_320 = arith.constant 129 : i32
        %parallel_loop3A_321 = vector.broadcast %parallel_loop3A_320 : i32 to vector<16xi32>
        %parallel_loop3A_322 = arith.addi %parallel_loop3A_310, %parallel_loop3A_321 : vector<16xi32>
        %parallel_loop3A_323 = tpu.vector_load_idx %arg6[%parallel_loop3A_322] : memref<98304xi32, #tpu.memory_space<vmem>>[vector<16xi32>], vector<16xi32>,
        %parallel_loop3A_324 = arith.constant 16 : i32
        %parallel_loop3A_325 = vector.broadcast %parallel_loop3A_324 : i32 to vector<16xi32>
        %parallel_loop3A_326 = arith.shli %parallel_loop3A_311, %parallel_loop3A_325 : vector<16xi32>
        %parallel_loop3A_327 = vector.bitcast %parallel_loop3A_326 : vector<16xi32> to vector<16xf32>
        %parallel_loop3A_328 = arith.constant 16 : i32
        %parallel_loop3A_329 = vector.broadcast %parallel_loop3A_328 : i32 to vector<16xi32>
        %parallel_loop3A_330 = arith.shli %parallel_loop3A_315, %parallel_loop3A_329 : vector<16xi32>
        %parallel_loop3A_331 = vector.bitcast %parallel_loop3A_330 : vector<16xi32> to vector<16xf32>
        %parallel_loop3A_332 = arith.constant 16 : i32
        %parallel_loop3A_333 = vector.broadcast %parallel_loop3A_332 : i32 to vector<16xi32>
        %parallel_loop3A_334 = arith.shli %parallel_loop3A_319, %parallel_loop3A_333 : vector<16xi32>
        %parallel_loop3A_335 = vector.bitcast %parallel_loop3A_334 : vector<16xi32> to vector<16xf32>
        %parallel_loop3A_336 = arith.constant 16 : i32
        %parallel_loop3A_337 = vector.broadcast %parallel_loop3A_336 : i32 to vector<16xi32>
        %parallel_loop3A_338 = arith.shli %parallel_loop3A_323, %parallel_loop3A_337 : vector<16xi32>
        %parallel_loop3A_339 = vector.bitcast %parallel_loop3A_338 : vector<16xi32> to vector<16xf32>
        %parallel_loop3A_340 = arith.subf %parallel_loop3A_331, %parallel_loop3A_327 : vector<16xf32>
        %parallel_loop3A_341 = arith.mulf %parallel_loop3A_91, %parallel_loop3A_340 : vector<16xf32>
        %parallel_loop3A_342 = arith.addf %parallel_loop3A_327, %parallel_loop3A_341 : vector<16xf32>
        %parallel_loop3A_343 = arith.subf %parallel_loop3A_339, %parallel_loop3A_335 : vector<16xf32>
        %parallel_loop3A_344 = arith.mulf %parallel_loop3A_91, %parallel_loop3A_343 : vector<16xf32>
        %parallel_loop3A_345 = arith.addf %parallel_loop3A_335, %parallel_loop3A_344 : vector<16xf32>
        %parallel_loop3A_346 = arith.subf %parallel_loop3A_345, %parallel_loop3A_342 : vector<16xf32>
        %parallel_loop3A_347 = arith.mulf %parallel_loop3A_95, %parallel_loop3A_346 : vector<16xf32>
        %parallel_loop3A_348 = arith.addf %parallel_loop3A_342, %parallel_loop3A_347 : vector<16xf32>
        %parallel_loop3A_349 = arith.constant 512 : i32
        %parallel_loop3A_350 = vector.broadcast %parallel_loop3A_349 : i32 to vector<16xi32>
        %parallel_loop3A_351 = arith.addi %parallel_loop3A_85, %parallel_loop3A_350 : vector<16xi32>
        %parallel_loop3A_352 = tpu.vector_load_idx %arg7[%parallel_loop3A_351] : memref<1536xf32, #tpu.memory_space<vmem>>[vector<16xi32>], vector<16xf32>,
        %parallel_loop3A_353 = arith.constant 1 : i32
        %parallel_loop3A_354 = vector.broadcast %parallel_loop3A_353 : i32 to vector<16xi32>
        %parallel_loop3A_355 = arith.addi %parallel_loop3A_351, %parallel_loop3A_354 : vector<16xi32>
        %parallel_loop3A_356 = tpu.vector_load_idx %arg7[%parallel_loop3A_355] : memref<1536xf32, #tpu.memory_space<vmem>>[vector<16xi32>], vector<16xf32>,
        %parallel_loop3A_357 = arith.subf %parallel_loop3A_356, %parallel_loop3A_352 : vector<16xf32>
        %parallel_loop3A_358 = arith.mulf %parallel_loop3A_93, %parallel_loop3A_357 : vector<16xf32>
        %parallel_loop3A_359 = arith.addf %parallel_loop3A_352, %parallel_loop3A_358 : vector<16xf32>
        %parallel_loop3A_360 = arith.mulf %parallel_loop3A_348, %parallel_loop3A_359 : vector<16xf32>
        %parallel_loop3A_361 = arith.constant 16 : i32
        %parallel_loop3A_362 = arith.muli %parallel_loop3A_47, %parallel_loop3A_361 : i32
        %parallel_loop3A_363 = arith.constant 4096 : i32
        %parallel_loop3A_364 = arith.addi %parallel_loop3A_363, %parallel_loop3A_362 : i32
        %parallel_loop3A_365 = arith.index_cast %parallel_loop3A_364 : i32 to index
        %parallel_loop3A_366 = tpu.vector_load %arg11[%parallel_loop3A_365] {strides = array<i32>} : memref<12288xf32, #tpu.memory_space<vmem>>, vector<16xf32>,
        tpu.vector_store %arg11[%parallel_loop3A_365], %parallel_loop3A_360 {strides = array<i32>} : memref<12288xf32, #tpu.memory_space<vmem>>, vector<16xf32>,
        %parallel_loop3A_367 = arith.constant -65536 : i32
        %parallel_loop3A_368 = vector.broadcast %parallel_loop3A_367 : i32 to vector<16xi32>
        %parallel_loop3A_369 = arith.andi %parallel_loop3A_311, %parallel_loop3A_368 : vector<16xi32>
        %parallel_loop3A_370 = vector.bitcast %parallel_loop3A_369 : vector<16xi32> to vector<16xf32>
        %parallel_loop3A_371 = arith.constant -65536 : i32
        %parallel_loop3A_372 = vector.broadcast %parallel_loop3A_371 : i32 to vector<16xi32>
        %parallel_loop3A_373 = arith.andi %parallel_loop3A_315, %parallel_loop3A_372 : vector<16xi32>
        %parallel_loop3A_374 = vector.bitcast %parallel_loop3A_373 : vector<16xi32> to vector<16xf32>
        %parallel_loop3A_375 = arith.constant -65536 : i32
        %parallel_loop3A_376 = vector.broadcast %parallel_loop3A_375 : i32 to vector<16xi32>
        %parallel_loop3A_377 = arith.andi %parallel_loop3A_319, %parallel_loop3A_376 : vector<16xi32>
        %parallel_loop3A_378 = vector.bitcast %parallel_loop3A_377 : vector<16xi32> to vector<16xf32>
        %parallel_loop3A_379 = arith.constant -65536 : i32
        %parallel_loop3A_380 = vector.broadcast %parallel_loop3A_379 : i32 to vector<16xi32>
        %parallel_loop3A_381 = arith.andi %parallel_loop3A_323, %parallel_loop3A_380 : vector<16xi32>
        %parallel_loop3A_382 = vector.bitcast %parallel_loop3A_381 : vector<16xi32> to vector<16xf32>
        %parallel_loop3A_383 = arith.subf %parallel_loop3A_374, %parallel_loop3A_370 : vector<16xf32>
        %parallel_loop3A_384 = arith.mulf %parallel_loop3A_91, %parallel_loop3A_383 : vector<16xf32>
        %parallel_loop3A_385 = arith.addf %parallel_loop3A_370, %parallel_loop3A_384 : vector<16xf32>
        %parallel_loop3A_386 = arith.subf %parallel_loop3A_382, %parallel_loop3A_378 : vector<16xf32>
        %parallel_loop3A_387 = arith.mulf %parallel_loop3A_91, %parallel_loop3A_386 : vector<16xf32>
        %parallel_loop3A_388 = arith.addf %parallel_loop3A_378, %parallel_loop3A_387 : vector<16xf32>
        %parallel_loop3A_389 = arith.subf %parallel_loop3A_388, %parallel_loop3A_385 : vector<16xf32>
        %parallel_loop3A_390 = arith.mulf %parallel_loop3A_95, %parallel_loop3A_389 : vector<16xf32>
        %parallel_loop3A_391 = arith.addf %parallel_loop3A_385, %parallel_loop3A_390 : vector<16xf32>
        %parallel_loop3A_392 = arith.constant 640 : i32
        %parallel_loop3A_393 = vector.broadcast %parallel_loop3A_392 : i32 to vector<16xi32>
        %parallel_loop3A_394 = arith.addi %parallel_loop3A_85, %parallel_loop3A_393 : vector<16xi32>
        %parallel_loop3A_395 = tpu.vector_load_idx %arg7[%parallel_loop3A_394] : memref<1536xf32, #tpu.memory_space<vmem>>[vector<16xi32>], vector<16xf32>,
        %parallel_loop3A_396 = arith.constant 1 : i32
        %parallel_loop3A_397 = vector.broadcast %parallel_loop3A_396 : i32 to vector<16xi32>
        %parallel_loop3A_398 = arith.addi %parallel_loop3A_394, %parallel_loop3A_397 : vector<16xi32>
        %parallel_loop3A_399 = tpu.vector_load_idx %arg7[%parallel_loop3A_398] : memref<1536xf32, #tpu.memory_space<vmem>>[vector<16xi32>], vector<16xf32>,
        %parallel_loop3A_400 = arith.subf %parallel_loop3A_399, %parallel_loop3A_395 : vector<16xf32>
        %parallel_loop3A_401 = arith.mulf %parallel_loop3A_93, %parallel_loop3A_400 : vector<16xf32>
        %parallel_loop3A_402 = arith.addf %parallel_loop3A_395, %parallel_loop3A_401 : vector<16xf32>
        %parallel_loop3A_403 = arith.mulf %parallel_loop3A_391, %parallel_loop3A_402 : vector<16xf32>
        %parallel_loop3A_404 = arith.constant 16 : i32
        %parallel_loop3A_405 = arith.muli %parallel_loop3A_47, %parallel_loop3A_404 : i32
        %parallel_loop3A_406 = arith.constant 5120 : i32
        %parallel_loop3A_407 = arith.addi %parallel_loop3A_406, %parallel_loop3A_405 : i32
        %parallel_loop3A_408 = arith.index_cast %parallel_loop3A_407 : i32 to index
        %parallel_loop3A_409 = tpu.vector_load %arg11[%parallel_loop3A_408] {strides = array<i32>} : memref<12288xf32, #tpu.memory_space<vmem>>, vector<16xf32>,
        tpu.vector_store %arg11[%parallel_loop3A_408], %parallel_loop3A_403 {strides = array<i32>} : memref<12288xf32, #tpu.memory_space<vmem>>, vector<16xf32>,
        %parallel_loop3A_410 = arith.constant 49152 : i32
        %parallel_loop3A_411 = vector.broadcast %parallel_loop3A_410 : i32 to vector<16xi32>
        %parallel_loop3A_412 = arith.addi %parallel_loop3A_307, %parallel_loop3A_411 : vector<16xi32>
        %parallel_loop3A_413 = tpu.vector_load_idx %arg6[%parallel_loop3A_412] : memref<98304xi32, #tpu.memory_space<vmem>>[vector<16xi32>], vector<16xi32>,
        %parallel_loop3A_414 = arith.constant 1 : i32
        %parallel_loop3A_415 = vector.broadcast %parallel_loop3A_414 : i32 to vector<16xi32>
        %parallel_loop3A_416 = arith.addi %parallel_loop3A_412, %parallel_loop3A_415 : vector<16xi32>
        %parallel_loop3A_417 = tpu.vector_load_idx %arg6[%parallel_loop3A_416] : memref<98304xi32, #tpu.memory_space<vmem>>[vector<16xi32>], vector<16xi32>,
        %parallel_loop3A_418 = arith.constant 128 : i32
        %parallel_loop3A_419 = vector.broadcast %parallel_loop3A_418 : i32 to vector<16xi32>
        %parallel_loop3A_420 = arith.addi %parallel_loop3A_412, %parallel_loop3A_419 : vector<16xi32>
        %parallel_loop3A_421 = tpu.vector_load_idx %arg6[%parallel_loop3A_420] : memref<98304xi32, #tpu.memory_space<vmem>>[vector<16xi32>], vector<16xi32>,
        %parallel_loop3A_422 = arith.constant 129 : i32
        %parallel_loop3A_423 = vector.broadcast %parallel_loop3A_422 : i32 to vector<16xi32>
        %parallel_loop3A_424 = arith.addi %parallel_loop3A_412, %parallel_loop3A_423 : vector<16xi32>
        %parallel_loop3A_425 = tpu.vector_load_idx %arg6[%parallel_loop3A_424] : memref<98304xi32, #tpu.memory_space<vmem>>[vector<16xi32>], vector<16xi32>,
        %parallel_loop3A_426 = arith.constant 16 : i32
        %parallel_loop3A_427 = vector.broadcast %parallel_loop3A_426 : i32 to vector<16xi32>
        %parallel_loop3A_428 = arith.shli %parallel_loop3A_413, %parallel_loop3A_427 : vector<16xi32>
        %parallel_loop3A_429 = vector.bitcast %parallel_loop3A_428 : vector<16xi32> to vector<16xf32>
        %parallel_loop3A_430 = arith.constant 16 : i32
        %parallel_loop3A_431 = vector.broadcast %parallel_loop3A_430 : i32 to vector<16xi32>
        %parallel_loop3A_432 = arith.shli %parallel_loop3A_417, %parallel_loop3A_431 : vector<16xi32>
        %parallel_loop3A_433 = vector.bitcast %parallel_loop3A_432 : vector<16xi32> to vector<16xf32>
        %parallel_loop3A_434 = arith.constant 16 : i32
        %parallel_loop3A_435 = vector.broadcast %parallel_loop3A_434 : i32 to vector<16xi32>
        %parallel_loop3A_436 = arith.shli %parallel_loop3A_421, %parallel_loop3A_435 : vector<16xi32>
        %parallel_loop3A_437 = vector.bitcast %parallel_loop3A_436 : vector<16xi32> to vector<16xf32>
        %parallel_loop3A_438 = arith.constant 16 : i32
        %parallel_loop3A_439 = vector.broadcast %parallel_loop3A_438 : i32 to vector<16xi32>
        %parallel_loop3A_440 = arith.shli %parallel_loop3A_425, %parallel_loop3A_439 : vector<16xi32>
        %parallel_loop3A_441 = vector.bitcast %parallel_loop3A_440 : vector<16xi32> to vector<16xf32>
        %parallel_loop3A_442 = arith.subf %parallel_loop3A_433, %parallel_loop3A_429 : vector<16xf32>
        %parallel_loop3A_443 = arith.mulf %parallel_loop3A_91, %parallel_loop3A_442 : vector<16xf32>
        %parallel_loop3A_444 = arith.addf %parallel_loop3A_429, %parallel_loop3A_443 : vector<16xf32>
        %parallel_loop3A_445 = arith.subf %parallel_loop3A_441, %parallel_loop3A_437 : vector<16xf32>
        %parallel_loop3A_446 = arith.mulf %parallel_loop3A_91, %parallel_loop3A_445 : vector<16xf32>
        %parallel_loop3A_447 = arith.addf %parallel_loop3A_437, %parallel_loop3A_446 : vector<16xf32>
        %parallel_loop3A_448 = arith.subf %parallel_loop3A_447, %parallel_loop3A_444 : vector<16xf32>
        %parallel_loop3A_449 = arith.mulf %parallel_loop3A_95, %parallel_loop3A_448 : vector<16xf32>
        %parallel_loop3A_450 = arith.addf %parallel_loop3A_444, %parallel_loop3A_449 : vector<16xf32>
        %parallel_loop3A_451 = arith.constant 768 : i32
        %parallel_loop3A_452 = vector.broadcast %parallel_loop3A_451 : i32 to vector<16xi32>
        %parallel_loop3A_453 = arith.addi %parallel_loop3A_85, %parallel_loop3A_452 : vector<16xi32>
        %parallel_loop3A_454 = tpu.vector_load_idx %arg7[%parallel_loop3A_453] : memref<1536xf32, #tpu.memory_space<vmem>>[vector<16xi32>], vector<16xf32>,
        %parallel_loop3A_455 = arith.constant 1 : i32
        %parallel_loop3A_456 = vector.broadcast %parallel_loop3A_455 : i32 to vector<16xi32>
        %parallel_loop3A_457 = arith.addi %parallel_loop3A_453, %parallel_loop3A_456 : vector<16xi32>
        %parallel_loop3A_458 = tpu.vector_load_idx %arg7[%parallel_loop3A_457] : memref<1536xf32, #tpu.memory_space<vmem>>[vector<16xi32>], vector<16xf32>,
        %parallel_loop3A_459 = arith.subf %parallel_loop3A_458, %parallel_loop3A_454 : vector<16xf32>
        %parallel_loop3A_460 = arith.mulf %parallel_loop3A_93, %parallel_loop3A_459 : vector<16xf32>
        %parallel_loop3A_461 = arith.addf %parallel_loop3A_454, %parallel_loop3A_460 : vector<16xf32>
        %parallel_loop3A_462 = arith.mulf %parallel_loop3A_450, %parallel_loop3A_461 : vector<16xf32>
        %parallel_loop3A_463 = arith.constant 16 : i32
        %parallel_loop3A_464 = arith.muli %parallel_loop3A_47, %parallel_loop3A_463 : i32
        %parallel_loop3A_465 = arith.constant 6144 : i32
        %parallel_loop3A_466 = arith.addi %parallel_loop3A_465, %parallel_loop3A_464 : i32
        %parallel_loop3A_467 = arith.index_cast %parallel_loop3A_466 : i32 to index
        %parallel_loop3A_468 = tpu.vector_load %arg11[%parallel_loop3A_467] {strides = array<i32>} : memref<12288xf32, #tpu.memory_space<vmem>>, vector<16xf32>,
        tpu.vector_store %arg11[%parallel_loop3A_467], %parallel_loop3A_462 {strides = array<i32>} : memref<12288xf32, #tpu.memory_space<vmem>>, vector<16xf32>,
        %parallel_loop3A_469 = arith.constant -65536 : i32
        %parallel_loop3A_470 = vector.broadcast %parallel_loop3A_469 : i32 to vector<16xi32>
        %parallel_loop3A_471 = arith.andi %parallel_loop3A_413, %parallel_loop3A_470 : vector<16xi32>
        %parallel_loop3A_472 = vector.bitcast %parallel_loop3A_471 : vector<16xi32> to vector<16xf32>
        %parallel_loop3A_473 = arith.constant -65536 : i32
        %parallel_loop3A_474 = vector.broadcast %parallel_loop3A_473 : i32 to vector<16xi32>
        %parallel_loop3A_475 = arith.andi %parallel_loop3A_417, %parallel_loop3A_474 : vector<16xi32>
        %parallel_loop3A_476 = vector.bitcast %parallel_loop3A_475 : vector<16xi32> to vector<16xf32>
        %parallel_loop3A_477 = arith.constant -65536 : i32
        %parallel_loop3A_478 = vector.broadcast %parallel_loop3A_477 : i32 to vector<16xi32>
        %parallel_loop3A_479 = arith.andi %parallel_loop3A_421, %parallel_loop3A_478 : vector<16xi32>
        %parallel_loop3A_480 = vector.bitcast %parallel_loop3A_479 : vector<16xi32> to vector<16xf32>
        %parallel_loop3A_481 = arith.constant -65536 : i32
        %parallel_loop3A_482 = vector.broadcast %parallel_loop3A_481 : i32 to vector<16xi32>
        %parallel_loop3A_483 = arith.andi %parallel_loop3A_425, %parallel_loop3A_482 : vector<16xi32>
        %parallel_loop3A_484 = vector.bitcast %parallel_loop3A_483 : vector<16xi32> to vector<16xf32>
        %parallel_loop3A_485 = arith.subf %parallel_loop3A_476, %parallel_loop3A_472 : vector<16xf32>
        %parallel_loop3A_486 = arith.mulf %parallel_loop3A_91, %parallel_loop3A_485 : vector<16xf32>
        %parallel_loop3A_487 = arith.addf %parallel_loop3A_472, %parallel_loop3A_486 : vector<16xf32>
        %parallel_loop3A_488 = arith.subf %parallel_loop3A_484, %parallel_loop3A_480 : vector<16xf32>
        %parallel_loop3A_489 = arith.mulf %parallel_loop3A_91, %parallel_loop3A_488 : vector<16xf32>
        %parallel_loop3A_490 = arith.addf %parallel_loop3A_480, %parallel_loop3A_489 : vector<16xf32>
        %parallel_loop3A_491 = arith.subf %parallel_loop3A_490, %parallel_loop3A_487 : vector<16xf32>
        %parallel_loop3A_492 = arith.mulf %parallel_loop3A_95, %parallel_loop3A_491 : vector<16xf32>
        %parallel_loop3A_493 = arith.addf %parallel_loop3A_487, %parallel_loop3A_492 : vector<16xf32>
        %parallel_loop3A_494 = arith.constant 896 : i32
        %parallel_loop3A_495 = vector.broadcast %parallel_loop3A_494 : i32 to vector<16xi32>
        %parallel_loop3A_496 = arith.addi %parallel_loop3A_85, %parallel_loop3A_495 : vector<16xi32>
        %parallel_loop3A_497 = tpu.vector_load_idx %arg7[%parallel_loop3A_496] : memref<1536xf32, #tpu.memory_space<vmem>>[vector<16xi32>], vector<16xf32>,
        %parallel_loop3A_498 = arith.constant 1 : i32
        %parallel_loop3A_499 = vector.broadcast %parallel_loop3A_498 : i32 to vector<16xi32>
        %parallel_loop3A_500 = arith.addi %parallel_loop3A_496, %parallel_loop3A_499 : vector<16xi32>
        %parallel_loop3A_501 = tpu.vector_load_idx %arg7[%parallel_loop3A_500] : memref<1536xf32, #tpu.memory_space<vmem>>[vector<16xi32>], vector<16xf32>,
        %parallel_loop3A_502 = arith.subf %parallel_loop3A_501, %parallel_loop3A_497 : vector<16xf32>
        %parallel_loop3A_503 = arith.mulf %parallel_loop3A_93, %parallel_loop3A_502 : vector<16xf32>
        %parallel_loop3A_504 = arith.addf %parallel_loop3A_497, %parallel_loop3A_503 : vector<16xf32>
        %parallel_loop3A_505 = arith.mulf %parallel_loop3A_493, %parallel_loop3A_504 : vector<16xf32>
        %parallel_loop3A_506 = arith.constant 16 : i32
        %parallel_loop3A_507 = arith.muli %parallel_loop3A_47, %parallel_loop3A_506 : i32
        %parallel_loop3A_508 = arith.constant 7168 : i32
        %parallel_loop3A_509 = arith.addi %parallel_loop3A_508, %parallel_loop3A_507 : i32
        %parallel_loop3A_510 = arith.index_cast %parallel_loop3A_509 : i32 to index
        %parallel_loop3A_511 = tpu.vector_load %arg11[%parallel_loop3A_510] {strides = array<i32>} : memref<12288xf32, #tpu.memory_space<vmem>>, vector<16xf32>,
        tpu.vector_store %arg11[%parallel_loop3A_510], %parallel_loop3A_505 {strides = array<i32>} : memref<12288xf32, #tpu.memory_space<vmem>>, vector<16xf32>,
        %parallel_loop3A_512 = arith.constant 128 : i32
        %parallel_loop3A_513 = vector.broadcast %parallel_loop3A_512 : i32 to vector<16xi32>
        %parallel_loop3A_514 = arith.muli %parallel_loop3A_89, %parallel_loop3A_513 : vector<16xi32>
        %parallel_loop3A_515 = arith.addi %parallel_loop3A_514, %parallel_loop3A_85 : vector<16xi32>
        %parallel_loop3A_516 = arith.constant 65536 : i32
        %parallel_loop3A_517 = vector.broadcast %parallel_loop3A_516 : i32 to vector<16xi32>
        %parallel_loop3A_518 = arith.addi %parallel_loop3A_515, %parallel_loop3A_517 : vector<16xi32>
        %parallel_loop3A_519 = tpu.vector_load_idx %arg6[%parallel_loop3A_518] : memref<98304xi32, #tpu.memory_space<vmem>>[vector<16xi32>], vector<16xi32>,
        %parallel_loop3A_520 = arith.constant 1 : i32
        %parallel_loop3A_521 = vector.broadcast %parallel_loop3A_520 : i32 to vector<16xi32>
        %parallel_loop3A_522 = arith.addi %parallel_loop3A_518, %parallel_loop3A_521 : vector<16xi32>
        %parallel_loop3A_523 = tpu.vector_load_idx %arg6[%parallel_loop3A_522] : memref<98304xi32, #tpu.memory_space<vmem>>[vector<16xi32>], vector<16xi32>,
        %parallel_loop3A_524 = arith.constant 128 : i32
        %parallel_loop3A_525 = vector.broadcast %parallel_loop3A_524 : i32 to vector<16xi32>
        %parallel_loop3A_526 = arith.addi %parallel_loop3A_518, %parallel_loop3A_525 : vector<16xi32>
        %parallel_loop3A_527 = tpu.vector_load_idx %arg6[%parallel_loop3A_526] : memref<98304xi32, #tpu.memory_space<vmem>>[vector<16xi32>], vector<16xi32>,
        %parallel_loop3A_528 = arith.constant 129 : i32
        %parallel_loop3A_529 = vector.broadcast %parallel_loop3A_528 : i32 to vector<16xi32>
        %parallel_loop3A_530 = arith.addi %parallel_loop3A_518, %parallel_loop3A_529 : vector<16xi32>
        %parallel_loop3A_531 = tpu.vector_load_idx %arg6[%parallel_loop3A_530] : memref<98304xi32, #tpu.memory_space<vmem>>[vector<16xi32>], vector<16xi32>,
        %parallel_loop3A_532 = arith.constant 16 : i32
        %parallel_loop3A_533 = vector.broadcast %parallel_loop3A_532 : i32 to vector<16xi32>
        %parallel_loop3A_534 = arith.shli %parallel_loop3A_519, %parallel_loop3A_533 : vector<16xi32>
        %parallel_loop3A_535 = vector.bitcast %parallel_loop3A_534 : vector<16xi32> to vector<16xf32>
        %parallel_loop3A_536 = arith.constant 16 : i32
        %parallel_loop3A_537 = vector.broadcast %parallel_loop3A_536 : i32 to vector<16xi32>
        %parallel_loop3A_538 = arith.shli %parallel_loop3A_523, %parallel_loop3A_537 : vector<16xi32>
        %parallel_loop3A_539 = vector.bitcast %parallel_loop3A_538 : vector<16xi32> to vector<16xf32>
        %parallel_loop3A_540 = arith.constant 16 : i32
        %parallel_loop3A_541 = vector.broadcast %parallel_loop3A_540 : i32 to vector<16xi32>
        %parallel_loop3A_542 = arith.shli %parallel_loop3A_527, %parallel_loop3A_541 : vector<16xi32>
        %parallel_loop3A_543 = vector.bitcast %parallel_loop3A_542 : vector<16xi32> to vector<16xf32>
        %parallel_loop3A_544 = arith.constant 16 : i32
        %parallel_loop3A_545 = vector.broadcast %parallel_loop3A_544 : i32 to vector<16xi32>
        %parallel_loop3A_546 = arith.shli %parallel_loop3A_531, %parallel_loop3A_545 : vector<16xi32>
        %parallel_loop3A_547 = vector.bitcast %parallel_loop3A_546 : vector<16xi32> to vector<16xf32>
        %parallel_loop3A_548 = arith.subf %parallel_loop3A_539, %parallel_loop3A_535 : vector<16xf32>
        %parallel_loop3A_549 = arith.mulf %parallel_loop3A_93, %parallel_loop3A_548 : vector<16xf32>
        %parallel_loop3A_550 = arith.addf %parallel_loop3A_535, %parallel_loop3A_549 : vector<16xf32>
        %parallel_loop3A_551 = arith.subf %parallel_loop3A_547, %parallel_loop3A_543 : vector<16xf32>
        %parallel_loop3A_552 = arith.mulf %parallel_loop3A_93, %parallel_loop3A_551 : vector<16xf32>
        %parallel_loop3A_553 = arith.addf %parallel_loop3A_543, %parallel_loop3A_552 : vector<16xf32>
        %parallel_loop3A_554 = arith.subf %parallel_loop3A_553, %parallel_loop3A_550 : vector<16xf32>
        %parallel_loop3A_555 = arith.mulf %parallel_loop3A_95, %parallel_loop3A_554 : vector<16xf32>
        %parallel_loop3A_556 = arith.addf %parallel_loop3A_550, %parallel_loop3A_555 : vector<16xf32>
        %parallel_loop3A_557 = arith.constant 1024 : i32
        %parallel_loop3A_558 = vector.broadcast %parallel_loop3A_557 : i32 to vector<16xi32>
        %parallel_loop3A_559 = arith.addi %parallel_loop3A_81, %parallel_loop3A_558 : vector<16xi32>
        %parallel_loop3A_560 = tpu.vector_load_idx %arg7[%parallel_loop3A_559] : memref<1536xf32, #tpu.memory_space<vmem>>[vector<16xi32>], vector<16xf32>,
        %parallel_loop3A_561 = arith.constant 1 : i32
        %parallel_loop3A_562 = vector.broadcast %parallel_loop3A_561 : i32 to vector<16xi32>
        %parallel_loop3A_563 = arith.addi %parallel_loop3A_559, %parallel_loop3A_562 : vector<16xi32>
        %parallel_loop3A_564 = tpu.vector_load_idx %arg7[%parallel_loop3A_563] : memref<1536xf32, #tpu.memory_space<vmem>>[vector<16xi32>], vector<16xf32>,
        %parallel_loop3A_565 = arith.subf %parallel_loop3A_564, %parallel_loop3A_560 : vector<16xf32>
        %parallel_loop3A_566 = arith.mulf %parallel_loop3A_91, %parallel_loop3A_565 : vector<16xf32>
        %parallel_loop3A_567 = arith.addf %parallel_loop3A_560, %parallel_loop3A_566 : vector<16xf32>
        %parallel_loop3A_568 = arith.mulf %parallel_loop3A_556, %parallel_loop3A_567 : vector<16xf32>
        %parallel_loop3A_569 = arith.constant 16 : i32
        %parallel_loop3A_570 = arith.muli %parallel_loop3A_47, %parallel_loop3A_569 : i32
        %parallel_loop3A_571 = arith.constant 8192 : i32
        %parallel_loop3A_572 = arith.addi %parallel_loop3A_571, %parallel_loop3A_570 : i32
        %parallel_loop3A_573 = arith.index_cast %parallel_loop3A_572 : i32 to index
        %parallel_loop3A_574 = tpu.vector_load %arg11[%parallel_loop3A_573] {strides = array<i32>} : memref<12288xf32, #tpu.memory_space<vmem>>, vector<16xf32>,
        tpu.vector_store %arg11[%parallel_loop3A_573], %parallel_loop3A_568 {strides = array<i32>} : memref<12288xf32, #tpu.memory_space<vmem>>, vector<16xf32>,
        %parallel_loop3A_575 = arith.constant -65536 : i32
        %parallel_loop3A_576 = vector.broadcast %parallel_loop3A_575 : i32 to vector<16xi32>
        %parallel_loop3A_577 = arith.andi %parallel_loop3A_519, %parallel_loop3A_576 : vector<16xi32>
        %parallel_loop3A_578 = vector.bitcast %parallel_loop3A_577 : vector<16xi32> to vector<16xf32>
        %parallel_loop3A_579 = arith.constant -65536 : i32
        %parallel_loop3A_580 = vector.broadcast %parallel_loop3A_579 : i32 to vector<16xi32>
        %parallel_loop3A_581 = arith.andi %parallel_loop3A_523, %parallel_loop3A_580 : vector<16xi32>
        %parallel_loop3A_582 = vector.bitcast %parallel_loop3A_581 : vector<16xi32> to vector<16xf32>
        %parallel_loop3A_583 = arith.constant -65536 : i32
        %parallel_loop3A_584 = vector.broadcast %parallel_loop3A_583 : i32 to vector<16xi32>
        %parallel_loop3A_585 = arith.andi %parallel_loop3A_527, %parallel_loop3A_584 : vector<16xi32>
        %parallel_loop3A_586 = vector.bitcast %parallel_loop3A_585 : vector<16xi32> to vector<16xf32>
        %parallel_loop3A_587 = arith.constant -65536 : i32
        %parallel_loop3A_588 = vector.broadcast %parallel_loop3A_587 : i32 to vector<16xi32>
        %parallel_loop3A_589 = arith.andi %parallel_loop3A_531, %parallel_loop3A_588 : vector<16xi32>
        %parallel_loop3A_590 = vector.bitcast %parallel_loop3A_589 : vector<16xi32> to vector<16xf32>
        %parallel_loop3A_591 = arith.subf %parallel_loop3A_582, %parallel_loop3A_578 : vector<16xf32>
        %parallel_loop3A_592 = arith.mulf %parallel_loop3A_93, %parallel_loop3A_591 : vector<16xf32>
        %parallel_loop3A_593 = arith.addf %parallel_loop3A_578, %parallel_loop3A_592 : vector<16xf32>
        %parallel_loop3A_594 = arith.subf %parallel_loop3A_590, %parallel_loop3A_586 : vector<16xf32>
        %parallel_loop3A_595 = arith.mulf %parallel_loop3A_93, %parallel_loop3A_594 : vector<16xf32>
        %parallel_loop3A_596 = arith.addf %parallel_loop3A_586, %parallel_loop3A_595 : vector<16xf32>
        %parallel_loop3A_597 = arith.subf %parallel_loop3A_596, %parallel_loop3A_593 : vector<16xf32>
        %parallel_loop3A_598 = arith.mulf %parallel_loop3A_95, %parallel_loop3A_597 : vector<16xf32>
        %parallel_loop3A_599 = arith.addf %parallel_loop3A_593, %parallel_loop3A_598 : vector<16xf32>
        %parallel_loop3A_600 = arith.constant 1152 : i32
        %parallel_loop3A_601 = vector.broadcast %parallel_loop3A_600 : i32 to vector<16xi32>
        %parallel_loop3A_602 = arith.addi %parallel_loop3A_81, %parallel_loop3A_601 : vector<16xi32>
        %parallel_loop3A_603 = tpu.vector_load_idx %arg7[%parallel_loop3A_602] : memref<1536xf32, #tpu.memory_space<vmem>>[vector<16xi32>], vector<16xf32>,
        %parallel_loop3A_604 = arith.constant 1 : i32
        %parallel_loop3A_605 = vector.broadcast %parallel_loop3A_604 : i32 to vector<16xi32>
        %parallel_loop3A_606 = arith.addi %parallel_loop3A_602, %parallel_loop3A_605 : vector<16xi32>
        %parallel_loop3A_607 = tpu.vector_load_idx %arg7[%parallel_loop3A_606] : memref<1536xf32, #tpu.memory_space<vmem>>[vector<16xi32>], vector<16xf32>,
        %parallel_loop3A_608 = arith.subf %parallel_loop3A_607, %parallel_loop3A_603 : vector<16xf32>
        %parallel_loop3A_609 = arith.mulf %parallel_loop3A_91, %parallel_loop3A_608 : vector<16xf32>
        %parallel_loop3A_610 = arith.addf %parallel_loop3A_603, %parallel_loop3A_609 : vector<16xf32>
        %parallel_loop3A_611 = arith.mulf %parallel_loop3A_599, %parallel_loop3A_610 : vector<16xf32>
        %parallel_loop3A_612 = arith.constant 16 : i32
        %parallel_loop3A_613 = arith.muli %parallel_loop3A_47, %parallel_loop3A_612 : i32
        %parallel_loop3A_614 = arith.constant 9216 : i32
        %parallel_loop3A_615 = arith.addi %parallel_loop3A_614, %parallel_loop3A_613 : i32
        %parallel_loop3A_616 = arith.index_cast %parallel_loop3A_615 : i32 to index
        %parallel_loop3A_617 = tpu.vector_load %arg11[%parallel_loop3A_616] {strides = array<i32>} : memref<12288xf32, #tpu.memory_space<vmem>>, vector<16xf32>,
        tpu.vector_store %arg11[%parallel_loop3A_616], %parallel_loop3A_611 {strides = array<i32>} : memref<12288xf32, #tpu.memory_space<vmem>>, vector<16xf32>,
        %parallel_loop3A_618 = arith.constant 81920 : i32
        %parallel_loop3A_619 = vector.broadcast %parallel_loop3A_618 : i32 to vector<16xi32>
        %parallel_loop3A_620 = arith.addi %parallel_loop3A_515, %parallel_loop3A_619 : vector<16xi32>
        %parallel_loop3A_621 = tpu.vector_load_idx %arg6[%parallel_loop3A_620] : memref<98304xi32, #tpu.memory_space<vmem>>[vector<16xi32>], vector<16xi32>,
        %parallel_loop3A_622 = arith.constant 1 : i32
        %parallel_loop3A_623 = vector.broadcast %parallel_loop3A_622 : i32 to vector<16xi32>
        %parallel_loop3A_624 = arith.addi %parallel_loop3A_620, %parallel_loop3A_623 : vector<16xi32>
        %parallel_loop3A_625 = tpu.vector_load_idx %arg6[%parallel_loop3A_624] : memref<98304xi32, #tpu.memory_space<vmem>>[vector<16xi32>], vector<16xi32>,
        %parallel_loop3A_626 = arith.constant 128 : i32
        %parallel_loop3A_627 = vector.broadcast %parallel_loop3A_626 : i32 to vector<16xi32>
        %parallel_loop3A_628 = arith.addi %parallel_loop3A_620, %parallel_loop3A_627 : vector<16xi32>
        %parallel_loop3A_629 = tpu.vector_load_idx %arg6[%parallel_loop3A_628] : memref<98304xi32, #tpu.memory_space<vmem>>[vector<16xi32>], vector<16xi32>,
        %parallel_loop3A_630 = arith.constant 129 : i32
        %parallel_loop3A_631 = vector.broadcast %parallel_loop3A_630 : i32 to vector<16xi32>
        %parallel_loop3A_632 = arith.addi %parallel_loop3A_620, %parallel_loop3A_631 : vector<16xi32>
        %parallel_loop3A_633 = tpu.vector_load_idx %arg6[%parallel_loop3A_632] : memref<98304xi32, #tpu.memory_space<vmem>>[vector<16xi32>], vector<16xi32>,
        %parallel_loop3A_634 = arith.constant 16 : i32
        %parallel_loop3A_635 = vector.broadcast %parallel_loop3A_634 : i32 to vector<16xi32>
        %parallel_loop3A_636 = arith.shli %parallel_loop3A_621, %parallel_loop3A_635 : vector<16xi32>
        %parallel_loop3A_637 = vector.bitcast %parallel_loop3A_636 : vector<16xi32> to vector<16xf32>
        %parallel_loop3A_638 = arith.constant 16 : i32
        %parallel_loop3A_639 = vector.broadcast %parallel_loop3A_638 : i32 to vector<16xi32>
        %parallel_loop3A_640 = arith.shli %parallel_loop3A_625, %parallel_loop3A_639 : vector<16xi32>
        %parallel_loop3A_641 = vector.bitcast %parallel_loop3A_640 : vector<16xi32> to vector<16xf32>
        %parallel_loop3A_642 = arith.constant 16 : i32
        %parallel_loop3A_643 = vector.broadcast %parallel_loop3A_642 : i32 to vector<16xi32>
        %parallel_loop3A_644 = arith.shli %parallel_loop3A_629, %parallel_loop3A_643 : vector<16xi32>
        %parallel_loop3A_645 = vector.bitcast %parallel_loop3A_644 : vector<16xi32> to vector<16xf32>
        %parallel_loop3A_646 = arith.constant 16 : i32
        %parallel_loop3A_647 = vector.broadcast %parallel_loop3A_646 : i32 to vector<16xi32>
        %parallel_loop3A_648 = arith.shli %parallel_loop3A_633, %parallel_loop3A_647 : vector<16xi32>
        %parallel_loop3A_649 = vector.bitcast %parallel_loop3A_648 : vector<16xi32> to vector<16xf32>
        %parallel_loop3A_650 = arith.subf %parallel_loop3A_641, %parallel_loop3A_637 : vector<16xf32>
        %parallel_loop3A_651 = arith.mulf %parallel_loop3A_93, %parallel_loop3A_650 : vector<16xf32>
        %parallel_loop3A_652 = arith.addf %parallel_loop3A_637, %parallel_loop3A_651 : vector<16xf32>
        %parallel_loop3A_653 = arith.subf %parallel_loop3A_649, %parallel_loop3A_645 : vector<16xf32>
        %parallel_loop3A_654 = arith.mulf %parallel_loop3A_93, %parallel_loop3A_653 : vector<16xf32>
        %parallel_loop3A_655 = arith.addf %parallel_loop3A_645, %parallel_loop3A_654 : vector<16xf32>
        %parallel_loop3A_656 = arith.subf %parallel_loop3A_655, %parallel_loop3A_652 : vector<16xf32>
        %parallel_loop3A_657 = arith.mulf %parallel_loop3A_95, %parallel_loop3A_656 : vector<16xf32>
        %parallel_loop3A_658 = arith.addf %parallel_loop3A_652, %parallel_loop3A_657 : vector<16xf32>
        %parallel_loop3A_659 = arith.constant 1280 : i32
        %parallel_loop3A_660 = vector.broadcast %parallel_loop3A_659 : i32 to vector<16xi32>
        %parallel_loop3A_661 = arith.addi %parallel_loop3A_81, %parallel_loop3A_660 : vector<16xi32>
        %parallel_loop3A_662 = tpu.vector_load_idx %arg7[%parallel_loop3A_661] : memref<1536xf32, #tpu.memory_space<vmem>>[vector<16xi32>], vector<16xf32>,
        %parallel_loop3A_663 = arith.constant 1 : i32
        %parallel_loop3A_664 = vector.broadcast %parallel_loop3A_663 : i32 to vector<16xi32>
        %parallel_loop3A_665 = arith.addi %parallel_loop3A_661, %parallel_loop3A_664 : vector<16xi32>
        %parallel_loop3A_666 = tpu.vector_load_idx %arg7[%parallel_loop3A_665] : memref<1536xf32, #tpu.memory_space<vmem>>[vector<16xi32>], vector<16xf32>,
        %parallel_loop3A_667 = arith.subf %parallel_loop3A_666, %parallel_loop3A_662 : vector<16xf32>
        %parallel_loop3A_668 = arith.mulf %parallel_loop3A_91, %parallel_loop3A_667 : vector<16xf32>
        %parallel_loop3A_669 = arith.addf %parallel_loop3A_662, %parallel_loop3A_668 : vector<16xf32>
        %parallel_loop3A_670 = arith.mulf %parallel_loop3A_658, %parallel_loop3A_669 : vector<16xf32>
        %parallel_loop3A_671 = arith.constant 16 : i32
        %parallel_loop3A_672 = arith.muli %parallel_loop3A_47, %parallel_loop3A_671 : i32
        %parallel_loop3A_673 = arith.constant 10240 : i32
        %parallel_loop3A_674 = arith.addi %parallel_loop3A_673, %parallel_loop3A_672 : i32
        %parallel_loop3A_675 = arith.index_cast %parallel_loop3A_674 : i32 to index
        %parallel_loop3A_676 = tpu.vector_load %arg11[%parallel_loop3A_675] {strides = array<i32>} : memref<12288xf32, #tpu.memory_space<vmem>>, vector<16xf32>,
        tpu.vector_store %arg11[%parallel_loop3A_675], %parallel_loop3A_670 {strides = array<i32>} : memref<12288xf32, #tpu.memory_space<vmem>>, vector<16xf32>,
        %parallel_loop3A_677 = arith.constant -65536 : i32
        %parallel_loop3A_678 = vector.broadcast %parallel_loop3A_677 : i32 to vector<16xi32>
        %parallel_loop3A_679 = arith.andi %parallel_loop3A_621, %parallel_loop3A_678 : vector<16xi32>
        %parallel_loop3A_680 = vector.bitcast %parallel_loop3A_679 : vector<16xi32> to vector<16xf32>
        %parallel_loop3A_681 = arith.constant -65536 : i32
        %parallel_loop3A_682 = vector.broadcast %parallel_loop3A_681 : i32 to vector<16xi32>
        %parallel_loop3A_683 = arith.andi %parallel_loop3A_625, %parallel_loop3A_682 : vector<16xi32>
        %parallel_loop3A_684 = vector.bitcast %parallel_loop3A_683 : vector<16xi32> to vector<16xf32>
        %parallel_loop3A_685 = arith.constant -65536 : i32
        %parallel_loop3A_686 = vector.broadcast %parallel_loop3A_685 : i32 to vector<16xi32>
        %parallel_loop3A_687 = arith.andi %parallel_loop3A_629, %parallel_loop3A_686 : vector<16xi32>
        %parallel_loop3A_688 = vector.bitcast %parallel_loop3A_687 : vector<16xi32> to vector<16xf32>
        %parallel_loop3A_689 = arith.constant -65536 : i32
        %parallel_loop3A_690 = vector.broadcast %parallel_loop3A_689 : i32 to vector<16xi32>
        %parallel_loop3A_691 = arith.andi %parallel_loop3A_633, %parallel_loop3A_690 : vector<16xi32>
        %parallel_loop3A_692 = vector.bitcast %parallel_loop3A_691 : vector<16xi32> to vector<16xf32>
        %parallel_loop3A_693 = arith.subf %parallel_loop3A_684, %parallel_loop3A_680 : vector<16xf32>
        %parallel_loop3A_694 = arith.mulf %parallel_loop3A_93, %parallel_loop3A_693 : vector<16xf32>
        %parallel_loop3A_695 = arith.addf %parallel_loop3A_680, %parallel_loop3A_694 : vector<16xf32>
        %parallel_loop3A_696 = arith.subf %parallel_loop3A_692, %parallel_loop3A_688 : vector<16xf32>
        %parallel_loop3A_697 = arith.mulf %parallel_loop3A_93, %parallel_loop3A_696 : vector<16xf32>
        %parallel_loop3A_698 = arith.addf %parallel_loop3A_688, %parallel_loop3A_697 : vector<16xf32>
        %parallel_loop3A_699 = arith.subf %parallel_loop3A_698, %parallel_loop3A_695 : vector<16xf32>
        %parallel_loop3A_700 = arith.mulf %parallel_loop3A_95, %parallel_loop3A_699 : vector<16xf32>
        %parallel_loop3A_701 = arith.addf %parallel_loop3A_695, %parallel_loop3A_700 : vector<16xf32>
        %parallel_loop3A_702 = arith.constant 1408 : i32
        %parallel_loop3A_703 = vector.broadcast %parallel_loop3A_702 : i32 to vector<16xi32>
        %parallel_loop3A_704 = arith.addi %parallel_loop3A_81, %parallel_loop3A_703 : vector<16xi32>
        %parallel_loop3A_705 = tpu.vector_load_idx %arg7[%parallel_loop3A_704] : memref<1536xf32, #tpu.memory_space<vmem>>[vector<16xi32>], vector<16xf32>,
        %parallel_loop3A_706 = arith.constant 1 : i32
        %parallel_loop3A_707 = vector.broadcast %parallel_loop3A_706 : i32 to vector<16xi32>
        %parallel_loop3A_708 = arith.addi %parallel_loop3A_704, %parallel_loop3A_707 : vector<16xi32>
        %parallel_loop3A_709 = tpu.vector_load_idx %arg7[%parallel_loop3A_708] : memref<1536xf32, #tpu.memory_space<vmem>>[vector<16xi32>], vector<16xf32>,
        %parallel_loop3A_710 = arith.subf %parallel_loop3A_709, %parallel_loop3A_705 : vector<16xf32>
        %parallel_loop3A_711 = arith.mulf %parallel_loop3A_91, %parallel_loop3A_710 : vector<16xf32>
        %parallel_loop3A_712 = arith.addf %parallel_loop3A_705, %parallel_loop3A_711 : vector<16xf32>
        %parallel_loop3A_713 = arith.mulf %parallel_loop3A_701, %parallel_loop3A_712 : vector<16xf32>
        %parallel_loop3A_714 = arith.constant 16 : i32
        %parallel_loop3A_715 = arith.muli %parallel_loop3A_47, %parallel_loop3A_714 : i32
        %parallel_loop3A_716 = arith.constant 11264 : i32
        %parallel_loop3A_717 = arith.addi %parallel_loop3A_716, %parallel_loop3A_715 : i32
        %parallel_loop3A_718 = arith.index_cast %parallel_loop3A_717 : i32 to index
        %parallel_loop3A_719 = tpu.vector_load %arg11[%parallel_loop3A_718] {strides = array<i32>} : memref<12288xf32, #tpu.memory_space<vmem>>, vector<16xf32>,
        tpu.vector_store %arg11[%parallel_loop3A_718], %parallel_loop3A_713 {strides = array<i32>} : memref<12288xf32, #tpu.memory_space<vmem>>, vector<16xf32>,
      } {sc.loop_unroll_factor = 2 : i64, sc.parallel_access}
      %add3A_22 = arith.constant 0 : i32
      %add3A_23 = arith.addi %add3A_22, %add3A_13 : i32
      "tpu.region"() ({
        %run_scoped3A = tpu.sem_alloc : memref<!tpu.dma_semaphore, #tpu.memory_space<semaphore_mem>>
        %dma_start3A = arith.constant 0 : i32
        %dma_start3A_47 = tpu.memref_slice %arg11[%dma_start3A] : memref<12288xf32, #tpu.memory_space<vmem>> -> memref<1024xf32, #tpu.memory_space<vmem>>
        %dma_start3A_48 = tpu.memref_slice %arg5[%add3A_23] : memref<6291456xf32, #tpu.memory_space<hbm>> -> memref<1024xf32, #tpu.memory_space<hbm>>
        %dma_start3A_49 = tpu.memref_slice %arg5[%add3A_23] : memref<6291456xf32, #tpu.memory_space<hbm>> -> memref<1024xf32, #tpu.memory_space<hbm>>
        %dma_start3A_50 = arith.constant 0 : i32
        %dma_start3A_51 = tpu.memref_slice %arg11[%dma_start3A_50] : memref<12288xf32, #tpu.memory_space<vmem>> -> memref<1024xf32, #tpu.memory_space<vmem>>
        tpu.enqueue_dma source(%dma_start3A_51 : memref<1024xf32, #tpu.memory_space<vmem>>) target(%dma_start3A_49 : memref<1024xf32, #tpu.memory_space<hbm>>) target_semaphore(%run_scoped3A : memref<!tpu.dma_semaphore, #tpu.memory_space<semaphore_mem>>)
        %dma_wait3A = arith.constant 0 : i32
        %dma_wait3A_52 = tpu.memref_slice %arg11[%dma_wait3A] : memref<12288xf32, #tpu.memory_space<vmem>> -> memref<1024xf32, #tpu.memory_space<vmem>>
        %dma_wait3A_53 = tpu.memref_slice %arg5[%add3A_23] : memref<6291456xf32, #tpu.memory_space<hbm>> -> memref<1024xf32, #tpu.memory_space<hbm>>
        %dma_wait3A_54 = tpu.memref_slice %arg5[%add3A_23] : memref<6291456xf32, #tpu.memory_space<hbm>> -> memref<1024xf32, #tpu.memory_space<hbm>>
        %dma_wait3A_55 = arith.constant 0 : i32
        %dma_wait3A_56 = tpu.memref_slice %arg11[%dma_wait3A_55] : memref<12288xf32, #tpu.memory_space<vmem>> -> memref<1024xf32, #tpu.memory_space<vmem>>
        tpu.wait_dma2 semaphore(%run_scoped3A : memref<!tpu.dma_semaphore, #tpu.memory_space<semaphore_mem>>) src(%dma_wait3A_56 : memref<1024xf32, #tpu.memory_space<vmem>>) dst(%dma_wait3A_54 : memref<1024xf32, #tpu.memory_space<hbm>>)
        tpu.yield
      }) : () -> ()
      %add3A_24 = arith.constant 524288 : i32
      %add3A_25 = arith.addi %add3A_24, %add3A_13 : i32
      "tpu.region"() ({
        %run_scoped3A = tpu.sem_alloc : memref<!tpu.dma_semaphore, #tpu.memory_space<semaphore_mem>>
        %dma_start3A = arith.constant 1024 : i32
        %dma_start3A_47 = tpu.memref_slice %arg11[%dma_start3A] : memref<12288xf32, #tpu.memory_space<vmem>> -> memref<1024xf32, #tpu.memory_space<vmem>>
        %dma_start3A_48 = tpu.memref_slice %arg5[%add3A_25] : memref<6291456xf32, #tpu.memory_space<hbm>> -> memref<1024xf32, #tpu.memory_space<hbm>>
        %dma_start3A_49 = tpu.memref_slice %arg5[%add3A_25] : memref<6291456xf32, #tpu.memory_space<hbm>> -> memref<1024xf32, #tpu.memory_space<hbm>>
        %dma_start3A_50 = arith.constant 1024 : i32
        %dma_start3A_51 = tpu.memref_slice %arg11[%dma_start3A_50] : memref<12288xf32, #tpu.memory_space<vmem>> -> memref<1024xf32, #tpu.memory_space<vmem>>
        tpu.enqueue_dma source(%dma_start3A_51 : memref<1024xf32, #tpu.memory_space<vmem>>) target(%dma_start3A_49 : memref<1024xf32, #tpu.memory_space<hbm>>) target_semaphore(%run_scoped3A : memref<!tpu.dma_semaphore, #tpu.memory_space<semaphore_mem>>)
        %dma_wait3A = arith.constant 1024 : i32
        %dma_wait3A_52 = tpu.memref_slice %arg11[%dma_wait3A] : memref<12288xf32, #tpu.memory_space<vmem>> -> memref<1024xf32, #tpu.memory_space<vmem>>
        %dma_wait3A_53 = tpu.memref_slice %arg5[%add3A_25] : memref<6291456xf32, #tpu.memory_space<hbm>> -> memref<1024xf32, #tpu.memory_space<hbm>>
        %dma_wait3A_54 = tpu.memref_slice %arg5[%add3A_25] : memref<6291456xf32, #tpu.memory_space<hbm>> -> memref<1024xf32, #tpu.memory_space<hbm>>
        %dma_wait3A_55 = arith.constant 1024 : i32
        %dma_wait3A_56 = tpu.memref_slice %arg11[%dma_wait3A_55] : memref<12288xf32, #tpu.memory_space<vmem>> -> memref<1024xf32, #tpu.memory_space<vmem>>
        tpu.wait_dma2 semaphore(%run_scoped3A : memref<!tpu.dma_semaphore, #tpu.memory_space<semaphore_mem>>) src(%dma_wait3A_56 : memref<1024xf32, #tpu.memory_space<vmem>>) dst(%dma_wait3A_54 : memref<1024xf32, #tpu.memory_space<hbm>>)
        tpu.yield
      }) : () -> ()
      %add3A_26 = arith.constant 1048576 : i32
      %add3A_27 = arith.addi %add3A_26, %add3A_13 : i32
      "tpu.region"() ({
        %run_scoped3A = tpu.sem_alloc : memref<!tpu.dma_semaphore, #tpu.memory_space<semaphore_mem>>
        %dma_start3A = arith.constant 2048 : i32
        %dma_start3A_47 = tpu.memref_slice %arg11[%dma_start3A] : memref<12288xf32, #tpu.memory_space<vmem>> -> memref<1024xf32, #tpu.memory_space<vmem>>
        %dma_start3A_48 = tpu.memref_slice %arg5[%add3A_27] : memref<6291456xf32, #tpu.memory_space<hbm>> -> memref<1024xf32, #tpu.memory_space<hbm>>
        %dma_start3A_49 = tpu.memref_slice %arg5[%add3A_27] : memref<6291456xf32, #tpu.memory_space<hbm>> -> memref<1024xf32, #tpu.memory_space<hbm>>
        %dma_start3A_50 = arith.constant 2048 : i32
        %dma_start3A_51 = tpu.memref_slice %arg11[%dma_start3A_50] : memref<12288xf32, #tpu.memory_space<vmem>> -> memref<1024xf32, #tpu.memory_space<vmem>>
        tpu.enqueue_dma source(%dma_start3A_51 : memref<1024xf32, #tpu.memory_space<vmem>>) target(%dma_start3A_49 : memref<1024xf32, #tpu.memory_space<hbm>>) target_semaphore(%run_scoped3A : memref<!tpu.dma_semaphore, #tpu.memory_space<semaphore_mem>>)
        %dma_wait3A = arith.constant 2048 : i32
        %dma_wait3A_52 = tpu.memref_slice %arg11[%dma_wait3A] : memref<12288xf32, #tpu.memory_space<vmem>> -> memref<1024xf32, #tpu.memory_space<vmem>>
        %dma_wait3A_53 = tpu.memref_slice %arg5[%add3A_27] : memref<6291456xf32, #tpu.memory_space<hbm>> -> memref<1024xf32, #tpu.memory_space<hbm>>
        %dma_wait3A_54 = tpu.memref_slice %arg5[%add3A_27] : memref<6291456xf32, #tpu.memory_space<hbm>> -> memref<1024xf32, #tpu.memory_space<hbm>>
        %dma_wait3A_55 = arith.constant 2048 : i32
        %dma_wait3A_56 = tpu.memref_slice %arg11[%dma_wait3A_55] : memref<12288xf32, #tpu.memory_space<vmem>> -> memref<1024xf32, #tpu.memory_space<vmem>>
        tpu.wait_dma2 semaphore(%run_scoped3A : memref<!tpu.dma_semaphore, #tpu.memory_space<semaphore_mem>>) src(%dma_wait3A_56 : memref<1024xf32, #tpu.memory_space<vmem>>) dst(%dma_wait3A_54 : memref<1024xf32, #tpu.memory_space<hbm>>)
        tpu.yield
      }) : () -> ()
      %add3A_28 = arith.constant 1572864 : i32
      %add3A_29 = arith.addi %add3A_28, %add3A_13 : i32
      "tpu.region"() ({
        %run_scoped3A = tpu.sem_alloc : memref<!tpu.dma_semaphore, #tpu.memory_space<semaphore_mem>>
        %dma_start3A = arith.constant 3072 : i32
        %dma_start3A_47 = tpu.memref_slice %arg11[%dma_start3A] : memref<12288xf32, #tpu.memory_space<vmem>> -> memref<1024xf32, #tpu.memory_space<vmem>>
        %dma_start3A_48 = tpu.memref_slice %arg5[%add3A_29] : memref<6291456xf32, #tpu.memory_space<hbm>> -> memref<1024xf32, #tpu.memory_space<hbm>>
        %dma_start3A_49 = tpu.memref_slice %arg5[%add3A_29] : memref<6291456xf32, #tpu.memory_space<hbm>> -> memref<1024xf32, #tpu.memory_space<hbm>>
        %dma_start3A_50 = arith.constant 3072 : i32
        %dma_start3A_51 = tpu.memref_slice %arg11[%dma_start3A_50] : memref<12288xf32, #tpu.memory_space<vmem>> -> memref<1024xf32, #tpu.memory_space<vmem>>
        tpu.enqueue_dma source(%dma_start3A_51 : memref<1024xf32, #tpu.memory_space<vmem>>) target(%dma_start3A_49 : memref<1024xf32, #tpu.memory_space<hbm>>) target_semaphore(%run_scoped3A : memref<!tpu.dma_semaphore, #tpu.memory_space<semaphore_mem>>)
        %dma_wait3A = arith.constant 3072 : i32
        %dma_wait3A_52 = tpu.memref_slice %arg11[%dma_wait3A] : memref<12288xf32, #tpu.memory_space<vmem>> -> memref<1024xf32, #tpu.memory_space<vmem>>
        %dma_wait3A_53 = tpu.memref_slice %arg5[%add3A_29] : memref<6291456xf32, #tpu.memory_space<hbm>> -> memref<1024xf32, #tpu.memory_space<hbm>>
        %dma_wait3A_54 = tpu.memref_slice %arg5[%add3A_29] : memref<6291456xf32, #tpu.memory_space<hbm>> -> memref<1024xf32, #tpu.memory_space<hbm>>
        %dma_wait3A_55 = arith.constant 3072 : i32
        %dma_wait3A_56 = tpu.memref_slice %arg11[%dma_wait3A_55] : memref<12288xf32, #tpu.memory_space<vmem>> -> memref<1024xf32, #tpu.memory_space<vmem>>
        tpu.wait_dma2 semaphore(%run_scoped3A : memref<!tpu.dma_semaphore, #tpu.memory_space<semaphore_mem>>) src(%dma_wait3A_56 : memref<1024xf32, #tpu.memory_space<vmem>>) dst(%dma_wait3A_54 : memref<1024xf32, #tpu.memory_space<hbm>>)
        tpu.yield
      }) : () -> ()
      %add3A_30 = arith.constant 2097152 : i32
      %add3A_31 = arith.addi %add3A_30, %add3A_13 : i32
      "tpu.region"() ({
        %run_scoped3A = tpu.sem_alloc : memref<!tpu.dma_semaphore, #tpu.memory_space<semaphore_mem>>
        %dma_start3A = arith.constant 4096 : i32
        %dma_start3A_47 = tpu.memref_slice %arg11[%dma_start3A] : memref<12288xf32, #tpu.memory_space<vmem>> -> memref<1024xf32, #tpu.memory_space<vmem>>
        %dma_start3A_48 = tpu.memref_slice %arg5[%add3A_31] : memref<6291456xf32, #tpu.memory_space<hbm>> -> memref<1024xf32, #tpu.memory_space<hbm>>
        %dma_start3A_49 = tpu.memref_slice %arg5[%add3A_31] : memref<6291456xf32, #tpu.memory_space<hbm>> -> memref<1024xf32, #tpu.memory_space<hbm>>
        %dma_start3A_50 = arith.constant 4096 : i32
        %dma_start3A_51 = tpu.memref_slice %arg11[%dma_start3A_50] : memref<12288xf32, #tpu.memory_space<vmem>> -> memref<1024xf32, #tpu.memory_space<vmem>>
        tpu.enqueue_dma source(%dma_start3A_51 : memref<1024xf32, #tpu.memory_space<vmem>>) target(%dma_start3A_49 : memref<1024xf32, #tpu.memory_space<hbm>>) target_semaphore(%run_scoped3A : memref<!tpu.dma_semaphore, #tpu.memory_space<semaphore_mem>>)
        %dma_wait3A = arith.constant 4096 : i32
        %dma_wait3A_52 = tpu.memref_slice %arg11[%dma_wait3A] : memref<12288xf32, #tpu.memory_space<vmem>> -> memref<1024xf32, #tpu.memory_space<vmem>>
        %dma_wait3A_53 = tpu.memref_slice %arg5[%add3A_31] : memref<6291456xf32, #tpu.memory_space<hbm>> -> memref<1024xf32, #tpu.memory_space<hbm>>
        %dma_wait3A_54 = tpu.memref_slice %arg5[%add3A_31] : memref<6291456xf32, #tpu.memory_space<hbm>> -> memref<1024xf32, #tpu.memory_space<hbm>>
        %dma_wait3A_55 = arith.constant 4096 : i32
        %dma_wait3A_56 = tpu.memref_slice %arg11[%dma_wait3A_55] : memref<12288xf32, #tpu.memory_space<vmem>> -> memref<1024xf32, #tpu.memory_space<vmem>>
        tpu.wait_dma2 semaphore(%run_scoped3A : memref<!tpu.dma_semaphore, #tpu.memory_space<semaphore_mem>>) src(%dma_wait3A_56 : memref<1024xf32, #tpu.memory_space<vmem>>) dst(%dma_wait3A_54 : memref<1024xf32, #tpu.memory_space<hbm>>)
        tpu.yield
      }) : () -> ()
      %add3A_32 = arith.constant 2621440 : i32
      %add3A_33 = arith.addi %add3A_32, %add3A_13 : i32
      "tpu.region"() ({
        %run_scoped3A = tpu.sem_alloc : memref<!tpu.dma_semaphore, #tpu.memory_space<semaphore_mem>>
        %dma_start3A = arith.constant 5120 : i32
        %dma_start3A_47 = tpu.memref_slice %arg11[%dma_start3A] : memref<12288xf32, #tpu.memory_space<vmem>> -> memref<1024xf32, #tpu.memory_space<vmem>>
        %dma_start3A_48 = tpu.memref_slice %arg5[%add3A_33] : memref<6291456xf32, #tpu.memory_space<hbm>> -> memref<1024xf32, #tpu.memory_space<hbm>>
        %dma_start3A_49 = tpu.memref_slice %arg5[%add3A_33] : memref<6291456xf32, #tpu.memory_space<hbm>> -> memref<1024xf32, #tpu.memory_space<hbm>>
        %dma_start3A_50 = arith.constant 5120 : i32
        %dma_start3A_51 = tpu.memref_slice %arg11[%dma_start3A_50] : memref<12288xf32, #tpu.memory_space<vmem>> -> memref<1024xf32, #tpu.memory_space<vmem>>
        tpu.enqueue_dma source(%dma_start3A_51 : memref<1024xf32, #tpu.memory_space<vmem>>) target(%dma_start3A_49 : memref<1024xf32, #tpu.memory_space<hbm>>) target_semaphore(%run_scoped3A : memref<!tpu.dma_semaphore, #tpu.memory_space<semaphore_mem>>)
        %dma_wait3A = arith.constant 5120 : i32
        %dma_wait3A_52 = tpu.memref_slice %arg11[%dma_wait3A] : memref<12288xf32, #tpu.memory_space<vmem>> -> memref<1024xf32, #tpu.memory_space<vmem>>
        %dma_wait3A_53 = tpu.memref_slice %arg5[%add3A_33] : memref<6291456xf32, #tpu.memory_space<hbm>> -> memref<1024xf32, #tpu.memory_space<hbm>>
        %dma_wait3A_54 = tpu.memref_slice %arg5[%add3A_33] : memref<6291456xf32, #tpu.memory_space<hbm>> -> memref<1024xf32, #tpu.memory_space<hbm>>
        %dma_wait3A_55 = arith.constant 5120 : i32
        %dma_wait3A_56 = tpu.memref_slice %arg11[%dma_wait3A_55] : memref<12288xf32, #tpu.memory_space<vmem>> -> memref<1024xf32, #tpu.memory_space<vmem>>
        tpu.wait_dma2 semaphore(%run_scoped3A : memref<!tpu.dma_semaphore, #tpu.memory_space<semaphore_mem>>) src(%dma_wait3A_56 : memref<1024xf32, #tpu.memory_space<vmem>>) dst(%dma_wait3A_54 : memref<1024xf32, #tpu.memory_space<hbm>>)
        tpu.yield
      }) : () -> ()
      %add3A_34 = arith.constant 3145728 : i32
      %add3A_35 = arith.addi %add3A_34, %add3A_13 : i32
      "tpu.region"() ({
        %run_scoped3A = tpu.sem_alloc : memref<!tpu.dma_semaphore, #tpu.memory_space<semaphore_mem>>
        %dma_start3A = arith.constant 6144 : i32
        %dma_start3A_47 = tpu.memref_slice %arg11[%dma_start3A] : memref<12288xf32, #tpu.memory_space<vmem>> -> memref<1024xf32, #tpu.memory_space<vmem>>
        %dma_start3A_48 = tpu.memref_slice %arg5[%add3A_35] : memref<6291456xf32, #tpu.memory_space<hbm>> -> memref<1024xf32, #tpu.memory_space<hbm>>
        %dma_start3A_49 = tpu.memref_slice %arg5[%add3A_35] : memref<6291456xf32, #tpu.memory_space<hbm>> -> memref<1024xf32, #tpu.memory_space<hbm>>
        %dma_start3A_50 = arith.constant 6144 : i32
        %dma_start3A_51 = tpu.memref_slice %arg11[%dma_start3A_50] : memref<12288xf32, #tpu.memory_space<vmem>> -> memref<1024xf32, #tpu.memory_space<vmem>>
        tpu.enqueue_dma source(%dma_start3A_51 : memref<1024xf32, #tpu.memory_space<vmem>>) target(%dma_start3A_49 : memref<1024xf32, #tpu.memory_space<hbm>>) target_semaphore(%run_scoped3A : memref<!tpu.dma_semaphore, #tpu.memory_space<semaphore_mem>>)
        %dma_wait3A = arith.constant 6144 : i32
        %dma_wait3A_52 = tpu.memref_slice %arg11[%dma_wait3A] : memref<12288xf32, #tpu.memory_space<vmem>> -> memref<1024xf32, #tpu.memory_space<vmem>>
        %dma_wait3A_53 = tpu.memref_slice %arg5[%add3A_35] : memref<6291456xf32, #tpu.memory_space<hbm>> -> memref<1024xf32, #tpu.memory_space<hbm>>
        %dma_wait3A_54 = tpu.memref_slice %arg5[%add3A_35] : memref<6291456xf32, #tpu.memory_space<hbm>> -> memref<1024xf32, #tpu.memory_space<hbm>>
        %dma_wait3A_55 = arith.constant 6144 : i32
        %dma_wait3A_56 = tpu.memref_slice %arg11[%dma_wait3A_55] : memref<12288xf32, #tpu.memory_space<vmem>> -> memref<1024xf32, #tpu.memory_space<vmem>>
        tpu.wait_dma2 semaphore(%run_scoped3A : memref<!tpu.dma_semaphore, #tpu.memory_space<semaphore_mem>>) src(%dma_wait3A_56 : memref<1024xf32, #tpu.memory_space<vmem>>) dst(%dma_wait3A_54 : memref<1024xf32, #tpu.memory_space<hbm>>)
        tpu.yield
      }) : () -> ()
      %add3A_36 = arith.constant 3670016 : i32
      %add3A_37 = arith.addi %add3A_36, %add3A_13 : i32
      "tpu.region"() ({
        %run_scoped3A = tpu.sem_alloc : memref<!tpu.dma_semaphore, #tpu.memory_space<semaphore_mem>>
        %dma_start3A = arith.constant 7168 : i32
        %dma_start3A_47 = tpu.memref_slice %arg11[%dma_start3A] : memref<12288xf32, #tpu.memory_space<vmem>> -> memref<1024xf32, #tpu.memory_space<vmem>>
        %dma_start3A_48 = tpu.memref_slice %arg5[%add3A_37] : memref<6291456xf32, #tpu.memory_space<hbm>> -> memref<1024xf32, #tpu.memory_space<hbm>>
        %dma_start3A_49 = tpu.memref_slice %arg5[%add3A_37] : memref<6291456xf32, #tpu.memory_space<hbm>> -> memref<1024xf32, #tpu.memory_space<hbm>>
        %dma_start3A_50 = arith.constant 7168 : i32
        %dma_start3A_51 = tpu.memref_slice %arg11[%dma_start3A_50] : memref<12288xf32, #tpu.memory_space<vmem>> -> memref<1024xf32, #tpu.memory_space<vmem>>
        tpu.enqueue_dma source(%dma_start3A_51 : memref<1024xf32, #tpu.memory_space<vmem>>) target(%dma_start3A_49 : memref<1024xf32, #tpu.memory_space<hbm>>) target_semaphore(%run_scoped3A : memref<!tpu.dma_semaphore, #tpu.memory_space<semaphore_mem>>)
        %dma_wait3A = arith.constant 7168 : i32
        %dma_wait3A_52 = tpu.memref_slice %arg11[%dma_wait3A] : memref<12288xf32, #tpu.memory_space<vmem>> -> memref<1024xf32, #tpu.memory_space<vmem>>
        %dma_wait3A_53 = tpu.memref_slice %arg5[%add3A_37] : memref<6291456xf32, #tpu.memory_space<hbm>> -> memref<1024xf32, #tpu.memory_space<hbm>>
        %dma_wait3A_54 = tpu.memref_slice %arg5[%add3A_37] : memref<6291456xf32, #tpu.memory_space<hbm>> -> memref<1024xf32, #tpu.memory_space<hbm>>
        %dma_wait3A_55 = arith.constant 7168 : i32
        %dma_wait3A_56 = tpu.memref_slice %arg11[%dma_wait3A_55] : memref<12288xf32, #tpu.memory_space<vmem>> -> memref<1024xf32, #tpu.memory_space<vmem>>
        tpu.wait_dma2 semaphore(%run_scoped3A : memref<!tpu.dma_semaphore, #tpu.memory_space<semaphore_mem>>) src(%dma_wait3A_56 : memref<1024xf32, #tpu.memory_space<vmem>>) dst(%dma_wait3A_54 : memref<1024xf32, #tpu.memory_space<hbm>>)
        tpu.yield
      }) : () -> ()
      %add3A_38 = arith.constant 4194304 : i32
      %add3A_39 = arith.addi %add3A_38, %add3A_13 : i32
      "tpu.region"() ({
        %run_scoped3A = tpu.sem_alloc : memref<!tpu.dma_semaphore, #tpu.memory_space<semaphore_mem>>
        %dma_start3A = arith.constant 8192 : i32
        %dma_start3A_47 = tpu.memref_slice %arg11[%dma_start3A] : memref<12288xf32, #tpu.memory_space<vmem>> -> memref<1024xf32, #tpu.memory_space<vmem>>
        %dma_start3A_48 = tpu.memref_slice %arg5[%add3A_39] : memref<6291456xf32, #tpu.memory_space<hbm>> -> memref<1024xf32, #tpu.memory_space<hbm>>
        %dma_start3A_49 = tpu.memref_slice %arg5[%add3A_39] : memref<6291456xf32, #tpu.memory_space<hbm>> -> memref<1024xf32, #tpu.memory_space<hbm>>
        %dma_start3A_50 = arith.constant 8192 : i32
        %dma_start3A_51 = tpu.memref_slice %arg11[%dma_start3A_50] : memref<12288xf32, #tpu.memory_space<vmem>> -> memref<1024xf32, #tpu.memory_space<vmem>>
        tpu.enqueue_dma source(%dma_start3A_51 : memref<1024xf32, #tpu.memory_space<vmem>>) target(%dma_start3A_49 : memref<1024xf32, #tpu.memory_space<hbm>>) target_semaphore(%run_scoped3A : memref<!tpu.dma_semaphore, #tpu.memory_space<semaphore_mem>>)
        %dma_wait3A = arith.constant 8192 : i32
        %dma_wait3A_52 = tpu.memref_slice %arg11[%dma_wait3A] : memref<12288xf32, #tpu.memory_space<vmem>> -> memref<1024xf32, #tpu.memory_space<vmem>>
        %dma_wait3A_53 = tpu.memref_slice %arg5[%add3A_39] : memref<6291456xf32, #tpu.memory_space<hbm>> -> memref<1024xf32, #tpu.memory_space<hbm>>
        %dma_wait3A_54 = tpu.memref_slice %arg5[%add3A_39] : memref<6291456xf32, #tpu.memory_space<hbm>> -> memref<1024xf32, #tpu.memory_space<hbm>>
        %dma_wait3A_55 = arith.constant 8192 : i32
        %dma_wait3A_56 = tpu.memref_slice %arg11[%dma_wait3A_55] : memref<12288xf32, #tpu.memory_space<vmem>> -> memref<1024xf32, #tpu.memory_space<vmem>>
        tpu.wait_dma2 semaphore(%run_scoped3A : memref<!tpu.dma_semaphore, #tpu.memory_space<semaphore_mem>>) src(%dma_wait3A_56 : memref<1024xf32, #tpu.memory_space<vmem>>) dst(%dma_wait3A_54 : memref<1024xf32, #tpu.memory_space<hbm>>)
        tpu.yield
      }) : () -> ()
      %add3A_40 = arith.constant 4718592 : i32
      %add3A_41 = arith.addi %add3A_40, %add3A_13 : i32
      "tpu.region"() ({
        %run_scoped3A = tpu.sem_alloc : memref<!tpu.dma_semaphore, #tpu.memory_space<semaphore_mem>>
        %dma_start3A = arith.constant 9216 : i32
        %dma_start3A_47 = tpu.memref_slice %arg11[%dma_start3A] : memref<12288xf32, #tpu.memory_space<vmem>> -> memref<1024xf32, #tpu.memory_space<vmem>>
        %dma_start3A_48 = tpu.memref_slice %arg5[%add3A_41] : memref<6291456xf32, #tpu.memory_space<hbm>> -> memref<1024xf32, #tpu.memory_space<hbm>>
        %dma_start3A_49 = tpu.memref_slice %arg5[%add3A_41] : memref<6291456xf32, #tpu.memory_space<hbm>> -> memref<1024xf32, #tpu.memory_space<hbm>>
        %dma_start3A_50 = arith.constant 9216 : i32
        %dma_start3A_51 = tpu.memref_slice %arg11[%dma_start3A_50] : memref<12288xf32, #tpu.memory_space<vmem>> -> memref<1024xf32, #tpu.memory_space<vmem>>
        tpu.enqueue_dma source(%dma_start3A_51 : memref<1024xf32, #tpu.memory_space<vmem>>) target(%dma_start3A_49 : memref<1024xf32, #tpu.memory_space<hbm>>) target_semaphore(%run_scoped3A : memref<!tpu.dma_semaphore, #tpu.memory_space<semaphore_mem>>)
        %dma_wait3A = arith.constant 9216 : i32
        %dma_wait3A_52 = tpu.memref_slice %arg11[%dma_wait3A] : memref<12288xf32, #tpu.memory_space<vmem>> -> memref<1024xf32, #tpu.memory_space<vmem>>
        %dma_wait3A_53 = tpu.memref_slice %arg5[%add3A_41] : memref<6291456xf32, #tpu.memory_space<hbm>> -> memref<1024xf32, #tpu.memory_space<hbm>>
        %dma_wait3A_54 = tpu.memref_slice %arg5[%add3A_41] : memref<6291456xf32, #tpu.memory_space<hbm>> -> memref<1024xf32, #tpu.memory_space<hbm>>
        %dma_wait3A_55 = arith.constant 9216 : i32
        %dma_wait3A_56 = tpu.memref_slice %arg11[%dma_wait3A_55] : memref<12288xf32, #tpu.memory_space<vmem>> -> memref<1024xf32, #tpu.memory_space<vmem>>
        tpu.wait_dma2 semaphore(%run_scoped3A : memref<!tpu.dma_semaphore, #tpu.memory_space<semaphore_mem>>) src(%dma_wait3A_56 : memref<1024xf32, #tpu.memory_space<vmem>>) dst(%dma_wait3A_54 : memref<1024xf32, #tpu.memory_space<hbm>>)
        tpu.yield
      }) : () -> ()
      %add3A_42 = arith.constant 5242880 : i32
      %add3A_43 = arith.addi %add3A_42, %add3A_13 : i32
      "tpu.region"() ({
        %run_scoped3A = tpu.sem_alloc : memref<!tpu.dma_semaphore, #tpu.memory_space<semaphore_mem>>
        %dma_start3A = arith.constant 10240 : i32
        %dma_start3A_47 = tpu.memref_slice %arg11[%dma_start3A] : memref<12288xf32, #tpu.memory_space<vmem>> -> memref<1024xf32, #tpu.memory_space<vmem>>
        %dma_start3A_48 = tpu.memref_slice %arg5[%add3A_43] : memref<6291456xf32, #tpu.memory_space<hbm>> -> memref<1024xf32, #tpu.memory_space<hbm>>
        %dma_start3A_49 = tpu.memref_slice %arg5[%add3A_43] : memref<6291456xf32, #tpu.memory_space<hbm>> -> memref<1024xf32, #tpu.memory_space<hbm>>
        %dma_start3A_50 = arith.constant 10240 : i32
        %dma_start3A_51 = tpu.memref_slice %arg11[%dma_start3A_50] : memref<12288xf32, #tpu.memory_space<vmem>> -> memref<1024xf32, #tpu.memory_space<vmem>>
        tpu.enqueue_dma source(%dma_start3A_51 : memref<1024xf32, #tpu.memory_space<vmem>>) target(%dma_start3A_49 : memref<1024xf32, #tpu.memory_space<hbm>>) target_semaphore(%run_scoped3A : memref<!tpu.dma_semaphore, #tpu.memory_space<semaphore_mem>>)
        %dma_wait3A = arith.constant 10240 : i32
        %dma_wait3A_52 = tpu.memref_slice %arg11[%dma_wait3A] : memref<12288xf32, #tpu.memory_space<vmem>> -> memref<1024xf32, #tpu.memory_space<vmem>>
        %dma_wait3A_53 = tpu.memref_slice %arg5[%add3A_43] : memref<6291456xf32, #tpu.memory_space<hbm>> -> memref<1024xf32, #tpu.memory_space<hbm>>
        %dma_wait3A_54 = tpu.memref_slice %arg5[%add3A_43] : memref<6291456xf32, #tpu.memory_space<hbm>> -> memref<1024xf32, #tpu.memory_space<hbm>>
        %dma_wait3A_55 = arith.constant 10240 : i32
        %dma_wait3A_56 = tpu.memref_slice %arg11[%dma_wait3A_55] : memref<12288xf32, #tpu.memory_space<vmem>> -> memref<1024xf32, #tpu.memory_space<vmem>>
        tpu.wait_dma2 semaphore(%run_scoped3A : memref<!tpu.dma_semaphore, #tpu.memory_space<semaphore_mem>>) src(%dma_wait3A_56 : memref<1024xf32, #tpu.memory_space<vmem>>) dst(%dma_wait3A_54 : memref<1024xf32, #tpu.memory_space<hbm>>)
        tpu.yield
      }) : () -> ()
      %add3A_44 = arith.constant 5767168 : i32
      %add3A_45 = arith.addi %add3A_44, %add3A_13 : i32
      "tpu.region"() ({
        %run_scoped3A = tpu.sem_alloc : memref<!tpu.dma_semaphore, #tpu.memory_space<semaphore_mem>>
        %dma_start3A = arith.constant 11264 : i32
        %dma_start3A_47 = tpu.memref_slice %arg11[%dma_start3A] : memref<12288xf32, #tpu.memory_space<vmem>> -> memref<1024xf32, #tpu.memory_space<vmem>>
        %dma_start3A_48 = tpu.memref_slice %arg5[%add3A_45] : memref<6291456xf32, #tpu.memory_space<hbm>> -> memref<1024xf32, #tpu.memory_space<hbm>>
        %dma_start3A_49 = tpu.memref_slice %arg5[%add3A_45] : memref<6291456xf32, #tpu.memory_space<hbm>> -> memref<1024xf32, #tpu.memory_space<hbm>>
        %dma_start3A_50 = arith.constant 11264 : i32
        %dma_start3A_51 = tpu.memref_slice %arg11[%dma_start3A_50] : memref<12288xf32, #tpu.memory_space<vmem>> -> memref<1024xf32, #tpu.memory_space<vmem>>
        tpu.enqueue_dma source(%dma_start3A_51 : memref<1024xf32, #tpu.memory_space<vmem>>) target(%dma_start3A_49 : memref<1024xf32, #tpu.memory_space<hbm>>) target_semaphore(%run_scoped3A : memref<!tpu.dma_semaphore, #tpu.memory_space<semaphore_mem>>)
        %dma_wait3A = arith.constant 11264 : i32
        %dma_wait3A_52 = tpu.memref_slice %arg11[%dma_wait3A] : memref<12288xf32, #tpu.memory_space<vmem>> -> memref<1024xf32, #tpu.memory_space<vmem>>
        %dma_wait3A_53 = tpu.memref_slice %arg5[%add3A_45] : memref<6291456xf32, #tpu.memory_space<hbm>> -> memref<1024xf32, #tpu.memory_space<hbm>>
        %dma_wait3A_54 = tpu.memref_slice %arg5[%add3A_45] : memref<6291456xf32, #tpu.memory_space<hbm>> -> memref<1024xf32, #tpu.memory_space<hbm>>
        %dma_wait3A_55 = arith.constant 11264 : i32
        %dma_wait3A_56 = tpu.memref_slice %arg11[%dma_wait3A_55] : memref<12288xf32, #tpu.memory_space<vmem>> -> memref<1024xf32, #tpu.memory_space<vmem>>
        tpu.wait_dma2 semaphore(%run_scoped3A : memref<!tpu.dma_semaphore, #tpu.memory_space<semaphore_mem>>) src(%dma_wait3A_56 : memref<1024xf32, #tpu.memory_space<vmem>>) dst(%dma_wait3A_54 : memref<1024xf32, #tpu.memory_space<hbm>>)
        tpu.yield
      }) : () -> ()
      %scan3A_46 = arith.constant 0 : i32
      scf.yield %scan3A_46 : i32
    }
    %scan3A_8 = arith.constant 16 : i32
    return
  }
}

</mosaic_0001>

<sc_bundles>
// kernel: kernel.3.cloned.1.call-start
scs
__scs_entry_jumppad:
0x0: {  	(pc) =	sbr.rel $0x88, $3  }
0x1: {  	(tag) =	ssettag $0x0;
	lr =	simm.s32 $0x1  }
0x2: {  	[smem:$0x3F9E] =	sst lr;
	_ =	strace $0xD0000000  }
0x3: {  	_ = 	snop  }
0x4: {  	_ = 	snop  }
0x5: {  	_ = 	snop  }
0x6: {  	_ = 	snop  }
0x7: {  	_ = 	snop  }
__scs_overlays_trampoline_lowered:
0x8: {  	[smem:$0x3FAD] =	sst s0  }
0x9: {  	[smem:$0x3FAE] =	sst s1  }
0xa: {  	[smem:$0x3FAF] =	sst s2  }
0xb: {  	[smem:$0x3FB0] =	sst s3  }
0xc: {  	[smem:$0x3FB1] =	sst s4  }
0xd: {  	[smem:$0x3FB2] =	sst s5  }
0xe: {  	[smem:$0x3FB3] =	sst s6  }
0xf: {  	[smem:$0x3FB4] =	sst s7  }
0x10: {  	[smem:$0x3FB5] =	sst s8  }
0x11: {  	[smem:$0x3FB6] =	sst s9;
	s0 =	simm.s32 @!p0 $0x0  }
0x12: {  	s1 =	sld [smem:$0x3F9C];
	s0 =	simm.s32 @p0 $0x1  }
0x13: {  	[smem:$0x3FB7] =	sst s0;
	s0 =	simm.s32 @!p1 $0x0  }
0x14: {  	s2 =	sld [smem:$0x3F9B];
	s0 =	simm.s32 @p1 $0x1  }
0x15: {  	[smem:$0x3FB8] =	sst s0;
	s0 =	simm.s32 @!p2 $0x0  }
0x16: {  	s3 =	sld [smem:$0x3FDB];
	s0 =	simm.s32 @p2 $0x1  }
0x17: {  	s4 =	simm.s32 $0x1BF5;
	[smem:$0x3FBA] =	sst s0  }
0x18: {  	s0 =	sld [smem:$0x3F9D];
	_ =	swait.ge [sflag:s4], $0x0  }
0x19: {  	s7 =	sld [smem:$0x3F9E]  }
0x1a: {  	s8 =	sadd.s32 $0xFFFFE003, lr  }
0x1b: {  	s9 =	sadd.s32 $0xFFFFFEF7, lr;
	s5 =	simm.s32 $0xFFFFFFFF;
	p2 =	slt.u32 s8, $0xFFFFF086  }
0x1c: {  	p1 =	slt.u32 s9, $0xF7A;
	s5 =	simm.s32 @!p2 $0x0  }
0x1d: {  	s5 =	simm.s32 @p1 $0x1;
	p0 =	seq.s32 s7, s2  }
0x1e: {  	s7 =	smul.u32 @!p0 $0xF7A, s2;
	p2 =	seq.s32 @!p0 s5, $0x0  }
0x1f: {  	s9 =	smul.u32 $0xF7A, s1;
	s8 =	simm.s32 @!p0 $0x1BF5;
	p2 =	por !p2, p0  }
0x20: {  	[sflag:s8] =	ssyncset.s32 @!p0 $0xFFFFF086;
	s6 =	sadd.s32 @!p0 s3, s7;
	s7 =	simm.s32 @!p0 $0x108  }
0x21: {  	s3 =	sadd.s32 s3, s9;
	s6 =	sadd.s32 @!p0 $0x88, s6;
	s7 =	simm.s32 @p2 $0x1082  }
0x22: {  	[simem:s7], [sflag:s8] =	dma.local @!p0 [hbm:s6], $0xF7A  }
0x23: {  	s9 =	sor.u32 $0xD0000000, s2;
	s6 =	simm.s32 $0x108;
	_ =	swait.ge @!p0 [sflag:s8], $0x0  }
0x24: {  	s3 =	sadd.s32 $0x88, s3;
	s6 =	simm.s32 @!p1 $0x1082;
	[sflag:s4] =	ssyncset.s32 $0xFFFFF086  }
0x25: {  	[simem:s6], [sflag:s4] =	dma.local [hbm:s3], $0xF7A  }
0x26: {  	[smem:$0x3F9E] =	sst s1;
	(tag) =	ssettag s2;
	_ =	strace s9  }
0x27: {  	s1 =	sld [smem:$0x3FAE]  }
0x28: {  	s2 =	sld [smem:$0x3FAF]  }
0x29: {  	s4 =	sld [smem:$0x3FB1]  }
0x2a: {  	p0 =	seq.s32 s5, $0x0;
	s5 =	sld [smem:$0x3FB2]  }
0x2b: {  	s6 =	sld [smem:$0x3FB3]  }
0x2c: {  	s7 =	sld [smem:$0x3FB4]  }
0x2d: {  	s3 =	simm.s32 $0x108;
	s8 =	sld [smem:$0x3FB5]  }
0x2e: {  	s3 =	simm.s32 @!p0 $0x1082;
	s9 =	sld [smem:$0x3FB6]  }
0x2f: {  	lr =	sadd.s32 s0, s3;
	s0 =	sld [smem:$0x3FAD]  }
0x30: {  	s3 =	sld [smem:$0x3FB0]  }
0x31: {  	[smem:$0x3FB9] =	sst s10  }
0x32: {  	s10 =	sld [smem:$0x3FB7];
	_ =	sdelay $0x3  }
0x33: {  	p0 =	seq.s32 s10, $0x1;
	s10 =	sld [smem:$0x3FB9];
	_ =	sdelay $0x3  }
0x34: {  	[smem:$0x3FB9] =	sst s10  }
0x35: {  	s10 =	sld [smem:$0x3FB8];
	_ =	sdelay $0x3  }
0x36: {  	p1 =	seq.s32 s10, $0x1;
	s10 =	sld [smem:$0x3FB9];
	_ =	sdelay $0x3  }
0x37: {  	[smem:$0x3FB9] =	sst s10  }
0x38: {  	s10 =	sld [smem:$0x3FBA]  }
0x39: {  	_ = 	snop;
	(pc) =	sbr.ind lr, $3  }
0x3a: {  	_ = 	snop  }
0x3b: {  	_ = 	snop  }
0x3c: {  	p2 =	seq.s32 s10, $0x1;
	s10 =	sld [smem:$0x3FB9]  }
0x3d: {  	_ =	shalt  }
0x3e: {  	_ =	shalt  }
0x3f: {  	_ =	shalt  }
0x40: {  	_ =	shalt  }
0x41: {  	_ =	shalt  }
0x42: {  	_ =	shalt  }
0x43: {  	_ =	shalt  }
0x44: {  	_ =	shalt  }
0x45: {  	_ =	shalt  }
0x46: {  	_ =	shalt  }
0x47: {  	_ =	shalt  }
0x48: {  	_ =	shalt  }
0x49: {  	_ =	shalt  }
0x4a: {  	_ =	shalt  }
0x4b: {  	_ =	shalt  }
0x4c: {  	_ =	shalt  }
0x4d: {  	_ =	shalt  }
0x4e: {  	_ =	shalt  }
0x4f: {  	_ =	shalt  }
0x50: {  	_ =	shalt  }
0x51: {  	_ =	shalt  }
0x52: {  	_ =	shalt  }
0x53: {  	_ =	shalt  }
0x54: {  	_ =	shalt  }
0x55: {  	_ =	shalt  }
0x56: {  	_ =	shalt  }
0x57: {  	_ =	shalt  }
0x58: {  	_ =	shalt  }
0x59: {  	_ =	shalt  }
0x5a: {  	_ =	shalt  }
0x5b: {  	_ =	shalt  }
0x5c: {  	_ =	shalt  }
0x5d: {  	_ =	shalt  }
0x5e: {  	_ =	shalt  }
0x5f: {  	_ =	shalt  }
0x60: {  	_ =	shalt  }
0x61: {  	_ =	shalt  }
0x62: {  	_ =	shalt  }
0x63: {  	_ =	shalt  }
0x64: {  	_ =	shalt  }
0x65: {  	_ =	shalt  }
0x66: {  	_ =	shalt  }
0x67: {  	_ =	shalt  }
0x68: {  	_ =	shalt  }
0x69: {  	_ =	shalt  }
0x6a: {  	_ =	shalt  }
0x6b: {  	_ =	shalt  }
0x6c: {  	_ =	shalt  }
0x6d: {  	_ =	shalt  }
0x6e: {  	_ =	shalt  }
0x6f: {  	_ =	shalt  }
0x70: {  	_ =	shalt  }
0x71: {  	_ =	shalt  }
0x72: {  	_ =	shalt  }
0x73: {  	_ =	shalt  }
0x74: {  	_ =	shalt  }
0x75: {  	_ =	shalt  }
0x76: {  	_ =	shalt  }
0x77: {  	_ =	shalt  }
0x78: {  	_ =	shalt  }
0x79: {  	_ =	shalt  }
0x7a: {  	_ =	shalt  }
0x7b: {  	_ =	shalt  }
0x7c: {  	_ =	shalt  }
0x7d: {  	_ =	shalt  }
0x7e: {  	_ =	shalt  }
0x7f: {  	_ =	shalt  }
0x80: {  	_ =	shalt  }
0x81: {  	_ =	shalt  }
0x82: {  	_ =	shalt  }
0x83: {  	_ =	shalt  }
0x84: {  	_ =	shalt  }
0x85: {  	_ =	shalt  }
0x86: {  	_ =	shalt  }
0x87: {  	_ =	shalt  }
.Lfunc_end0:
.L_simem_size_0:
called_computation_lowered:
.L_overlay_start_0:
0x88: {  	s2 =	sld [smem:$0x3FD9]  }
0x89: {  	s3 =	sld [smem:$0x3FFE];
	_ =	sdelay $0x1  }
0x8a: {  	s1 =	srdreg.scid  }
0x8b: {  	s0 =	sand.u32 $0x1, s1  }
0x8c: {  	s17 =	sshll.u32 s0, $0xA;
	s2 =	sadd.s32 s3, s2  }
0x8d: {  	s2 =	sadd.s32 s2, s17  }
0x8e: {  	[smem:$0x3FC5] =	sst s2  }
0x8f: {  	_ = 	snop  }
0x90: {  	s2 =	sld [smem:$0x3FD0];
	(tm) =	ssettm $0x1  }
0x91: {  	s18 =	sld [smem:$0x3FFB];
	_ =	sdelay $0x3  }
0x92: {  	_ =	strace s18  }
0x93: {  	s3 =	sld [smem:$0x3FFC];
	_ =	sdelay $0x3  }
0x94: {  	_ =	strace s3  }
0x95: {  	s3 =	sld [smem:$0x3FFD];
	_ =	sdelay $0x3  }
0x96: {  	_ =	strace s3  }
0x97: {  	_ =	strace $0x8FFFFFFF  }
0x98: {  	s19 =	sld [smem:$0x3FDB];
	_ =	sdelay $0x1  }
0x99: {  	s4 =	simm.s32 $_scs_section_size  }
0x9a: {  	s5 =	simm.s32 $_size__tile_overlayer_lowered;
	s6 =	simm.s32 $_tile_overlayer_lowered  }
0x9b: {  	s22 =	simm.s32 $0x1BFF;
	s21 =	sshll.u32 s6, $0x1;
	s3 =	sadd.s32 s4, s19  }
0x9c: {  	s7 =	simm.s32 $0x0;
	s20 =	sshll.u32 s5, $0x1;
	s5 =	sadd.s32 s21, s3  }
0x9d: {  	[timem:s7], [sflag:s22] =	dma.local [hbm:s5], s20  }
0x9e: {  	_ =	swait.ge [sflag:s22], s20  }
0x9f: {  	s4 =	ssub.s32 $0x0, s20;
	[sflag:s22] =	ssyncset.done $0x0  }
0xa0: {  	[sflag:s22] =	ssyncadd.s32 s4;
	_ =	sdelay $0x1  }
0xa1: {  	s23 =	simm.s32 $0x1B8B  }
0xa2: {  	_ =	swait.ge [sflag:s23], $0x1  }
0xa3: {  	[sflag:s23] =	ssyncset.done $0x0  }
0xa4: {  	s25 =	simm.s32 $0x1B8E;
	s24 =	sld [smem:$0x3FFE];
	[sflag:s23] =	ssyncadd.s32 $0xFFFFFFFF  }
0xa5: {  	s26 =	simm.s32 $execute0_lowered;
	[smem:$0x3FD2] =	sst s25  }
0xa6: {  	s5 =	sshll.u32 s26, $0x1;
	_ =	strace $0x80000046;
	[dreg:$0x1] =	wrdreg $0xFFFFFFFF  }
0xa7: {  	s28 =	simm.s32 $_size_execute0_lowered;
	s3 =	sadd.s32 s3, s5;
	[dreg:$0x0] =	wrdreg $0x0  }
0xa8: {  	s5 =	sshll.u32 s28, $0x1;
	[dreg:$0x2] =	wrdreg s3  }
0xa9: {  	[dreg:$0x3] =	wrdreg s5  }
0xaa: {  	[dreg:$0x4] =	wrdreg $0xC0  }
0xab: {  	_ =	task [dreg:s7], $0x5FFFF  }
0xac: {  	[dreg:$0x1] =	wrdreg $0xFFFFFFFF  }
0xad: {  	[dreg:$0x0] =	wrdreg $0x60  }
0xae: {  	[dreg:$0x2] =	wrdreg s2  }
0xaf: {  	[dreg:$0x3] =	wrdreg s24  }
0xb0: {  	[dreg:$0x4] =	wrdreg $0x9  }
0xb1: {  	_ =	task.clear_ibuf [dreg:s7], $0x5FFFF;
	_ =	strace $0x90000046  }
0xb2: {  	s29 =	simm.s32 $0x9;
	_ =	strace $0x80000048  }
0xb3: {  	_ =	swait.ge [sflag:s29], $0x1  }
0xb4: {  	[sflag:s29] =	ssyncadd.s32 $0xFFFFFFFF  }
0xb5: {  	_ =	strace $0x90000048  }
0xb6: {  	_ =	sfence  }
0xb7: {  	s30 =	sld [smem:$0x0];
	_ =	sdelay $0x2  }
0xb8: {  	s31 =	sshll.u32 s1, $0xD;
	s1 =	sshrl.u32 s1, $0x2  }
0xb9: {  	s3 =	sand.u32 $0x4000, s31;
	s1 =	sadd.s32 s1, s30  }
0xba: {  	s0 =	sor.u32 s3, s0;
	s1 =	sshll.u32 s1, $0x11  }
0xbb: {  	s0 =	sor.u32 s1, s0  }
0xbc: {  	s0 =	sadd.s32 $0x8F2B, s0  }
0xbd: {  	[sflag:s0] =	ssyncadd.remote.s32 $0x1  }
0xbe: {  	_ =	sfence.sel $0xFFFF  }
0xbf: {  	[dreg:$0x0] =	wrdreg $0xFFFFFFFF;
	(pc) =	sbr.abs _section_cstart, $3  }
0xc0: {  	[dreg:$0x1] =	wrdreg $0xFFFFFFFF  }
0xc1: {  	_ =	task.clear_ibuf [dreg:s7], $0x2FFFF;
	_ =	strace $0x9FFFFFFF  }
0xc2: {  	(tm) =	ssettm $0x7FFFFFFF  }
0xc3: {  	_ =	shalt  }
tec
execute0_lowered:
.L_overlay_start_1:
0x0: {  	(tag) =	ssettag $0x1  }
0x1: {  	s1 =	rddreg [dreg:$0x0]  }
0x2: {  	s7 =	rddreg [dreg:$0x1];
	s3 =	simm.s32 $0x0  }
0x3: {  	s0 =	srdreg.scid;
	s5 =	stileid.u32;
	s18 =	simm.s32 $0x1  }
0x4: {  	s19 =	simm.s32 $0x18000;
	s30 =	simm.s32 $0x1AA50;
	[smem:$0x7FF] =	sst s3  }
0x5: {  	s2 =	sadd.s32 $0x200, s7;
	s0 =	sand.u32 $0x1, s0;
	s6 =	sadd.s32 $0x3200, s7  }
0x6: {  	s5 =	sshll.u32 s5, $0xC;
	s8 =	sadd.s32 $0x33200, s7;
	s9 =	sadd.s32 $0x43200, s7  }
0x7: {  	s10 =	sadd.s32 $0x53200, s7;
	s11 =	sadd.s32 $0x63200, s7;
	s12 =	sadd.s32 $0x73200, s7  }
0x8: {  	s13 =	sadd.s32 $0x83200, s7;
	s14 =	sadd.s32 $0x93200, s7;
	s29 =	ssub.s32 $0x2, s0  }
0x9: {  	_ =	strace $0x80000047;
	s0 =	sshll.u32 s0, $0xB;
	s4 =	sshrl.u32 s29, $0x1  }
0xa: {  	[dreg:$0x3] =	wrdreg s2;
	s0 =	sor.u32 s0, s5;
	s2 =	ssub.s32 s29, s4  }
0xb: {  	s15 =	sadd.s32 $0xA3200, s7;
	[dreg:$0x4] =	wrdreg s0;
	s31 =	smax.u32 s2, $0x1  }
0xc: {  	s16 =	sadd.s32 $0xB3200, s7;
	s2 =	simm.s32 $0x0;
	[dreg:$0x5] =	wrdreg s31  }
.LBB2_1:
0xd: {  	[dreg:$0x6] =	wrdreg s2  }
0xe: {  	s0 =	rddreg [dreg:$0x3]  }
0xf: {  	[tilespmem:s3], [sflag:$0x1] =	stream.linear.gather [hbm4b:s0+s3], $0x18000, $0x38;
	[tilespmem:$0x1C200] =	vst v63  }
0x10: {  	_ =	swait.ge [sflag:s18], $0x18000  }
0x11: {  	[sflag:s18] =	ssyncset.done $0x0  }
0x12: {  	[sflag:s18] =	ssyncadd.s32 $0xFFFE8000  }
0x13: {  	s31 =	rddreg [dreg:$0x1]  }
0x14: {  	[tilespmem:s19], [sflag:$0x1] =	stream.linear.gather [hbm4b:s31+s3], $0x600, $0x38;
	[tilespmem:$0x1C200] =	vst v63  }
0x15: {  	_ =	swait.ge [sflag:s18], $0x600  }
0x16: {  	[sflag:s18] =	ssyncset.done $0x0  }
0x17: {  	s17 =	simm.s32 $0x0;
	[sflag:s18] =	ssyncadd.s32 $0xFFFFFA00  }
.LBB2_2:
0x18: {  	s0 =	sshll.u32 s17, $0x7;
	s2 =	rddreg [dreg:$0x4]  }
0x19: {  	s20 =	sadd.s32 s2, s0  }
0x1a: {  	s4 =	simm.s32 $0x18600;
	s0 =	simm.s32 $0x0;
	s2 =	sadd.s32 s1, s20  }
0x1b: {  	[tilespmem:s4], [sflag:$0x1] =	stream.linear.gather [hbm4b:s2+s0], $0x400, $0x38;
	[tilespmem:$0x1C200] =	vst v63  }
0x1c: {  	_ =	swait.ge [sflag:s18], $0x400  }
0x1d: {  	s21 =	sor.u32 $0x10000, s20;
	[sflag:s18] =	ssyncset.done $0x0  }
0x1e: {  	s5 =	simm.s32 $0x18A00;
	s4 =	sadd.s32 s1, s21;
	[sflag:s18] =	ssyncadd.s32 $0xFFFFFC00  }
0x1f: {  	[tilespmem:s5], [sflag:$0x1] =	stream.linear.gather [hbm4b:s4+s0], $0x400, $0x38;
	[tilespmem:$0x1C200] =	vst v63  }
0x20: {  	_ =	swait.ge [sflag:s18], $0x400  }
0x21: {  	s22 =	sor.u32 $0x20000, s20;
	[sflag:s18] =	ssyncset.done $0x0  }
0x22: {  	s23 =	simm.s32 $0x18E00;
	s7 =	sadd.s32 s1, s22;
	[sflag:s18] =	ssyncadd.s32 $0xFFFFFC00  }
0x23: {  	[tilespmem:s23], [sflag:$0x1] =	stream.linear.gather [hbm4b:s7+s0], $0x400, $0x38;
	[tilespmem:$0x1C200] =	vst v63  }
0x24: {  	_ =	swait.ge [sflag:s18], $0x400  }
0x25: {  	[sflag:s18] =	ssyncset.done $0x0  }
0x26: {  	s5 =	simm.s32 $0x18A10;
	[sflag:s18] =	ssyncadd.s32 $0xFFFFFC00  }
0x27: {  	s24 =	simm.s32 $0x18610;
	v0 =	vld [tilespmem:s5+$0x0]  }
0x28: {  	v1 =	vld [tilespmem:s24+$0x0];
	_ =	sdelay $0x3  }
0x29: {  	v0 =	vmul.f32 $6.350000000e+01, v0  }
0x2a: {  	v1 =	vmul.f32 $6.350000000e+01, v1  }
0x2b: {  	v2 =	vadd.f32 $6.350000000e+01, v0  }
0x2c: {  	v1 =	vadd.f32 $6.350000000e+01, v1  }
0x2d: {  	s26 =	simm.s32 $0x18E10;
	v0 =	vtrunc.f32 v2  }
0x2e: {  	v4 =	vld [tilespmem:s26+$0x0];
	v3 =	vtrunc.f32 v1;
	v0 =	vcvt.f32.s32 v0  }
0x2f: {  	v3 =	vcvt.f32.s32 v3  }
0x30: {  	vm0 =	vlt.s32 v0, $0x7E  }
0x31: {  	vm1 =	vlt.s32 v3, $0x7E;
	v0 =	vnsel vm0, $0x7E, v0  }
0x32: {  	v12 =	vnsel vm1, $0x7E, v3;
	v3 =	vshll.u32 v0, $0x7  }
0x33: {  	v4 =	vmul.f32 $6.350000000e+01, v4;
	v3 =	vadd.s32 v12, v3  }
0x34: {  	v10 =	vand.u32 $0x7F, v12;
	v5 =	vand.u32 $0xFFFFFF80, v3;
	v6 =	vadd.s32 $0x1, v3  }
0x35: {  	v7 =	vor.u32 v10, v5;
	v5 =	vadd.s32 $0x81, v3  }
0x36: {  	v4 =	vadd.f32 $6.350000000e+01, v4;
	v8 =	vadd.s32 $0x80, v7;
	_ =	sdelay $0x1  }
0x37: {  	v9 =	vtrunc.f32 v4;
	v11 =	vld.idx.msk [tilespmem:v3+s3+$0x0], $0xffff  }
0x38: {  	v9 =	vcvt.f32.s32 v9;
	v6 =	vld.idx.msk [tilespmem:v6+s3+$0x0], $0xffff  }
0x39: {  	v14 =	vld.idx.msk [tilespmem:v5+s3+$0x0], $0xffff  }
0x3a: {  	vm12 =	vlt.s32 v9, $0x7E;
	v15 =	vld.idx.msk [tilespmem:v8+s3+$0x0], $0xffff  }
0x3b: {  	v5 =	vnsel vm12, $0x7E, v9  }
0x3c: {  	v8 =	vcvt.s32.f32 v12;
	v9 =	vadd.s32 $0x1, v5;
	_ =	sdelay $0x1  }
0x3d: {  	v1 =	vsub.f32 v1, v8;
	v8 =	vshll.u32 v11, $0x10  }
0x3e: {  	v13 =	vshll.u32 v6, $0x10;
	v16 =	vshll.u32 v14, $0x10;
	v17 =	vshll.u32 v15, $0x10  }
0x3f: {  	v18 =	vld.idx.msk [tilespmem:v5+s19+$0x0], $0xffff;
	v13 =	vsub.f32 v13, v8;
	v16 =	vsub.f32 v16, v17  }
0x40: {  	v9 =	vld.idx.msk [tilespmem:v9+s19+$0x0], $0xffff  }
0x41: {  	v13 =	vmul.f32 v13, v1;
	v16 =	vmul.f32 v16, v1  }
0x42: {  	v19 =	vcvt.s32.f32 v0;
	v20 =	vcvt.s32.f32 v5  }
0x43: {  	v21 =	vadd.f32 v8, v13;
	v16 =	vadd.f32 v17, v16  }
0x44: {  	v13 =	vsub.f32 v2, v19;
	v8 =	vsub.f32 v4, v20  }
0x45: {  	v4 =	vsub.f32 v9, v18;
	v2 =	vsub.f32 v16, v21;
	_ =	sdelay $0x1  }
0x46: {  	v4 =	vmul.f32 v4, v8;
	v2 =	vmul.f32 v2, v13;
	_ =	sdelay $0x1  }
0x47: {  	v9 =	vadd.s32 $0x80, v5;
	v4 =	vadd.f32 v4, v18;
	v2 =	vadd.f32 v2, v21  }
0x48: {  	v16 =	vadd.s32 $0x81, v5  }
0x49: {  	v17 =	vld [tilespmem:s5+$0xFFFFFFF0];
	v2 =	vmul.f32 v2, v4  }
0x4a: {  	s25 =	simm.s32 $0x1AA10;
	v11 =	vand.u32 $0xFFFF0000, v11;
	v4 =	vld [tilespmem:s24+$0xFFFFFFF0]  }
0x4b: {  	v6 =	vand.u32 $0xFFFF0000, v6;
	v14 =	vand.u32 $0xFFFF0000, v14;
	[tilespmem:s25+$0xFFFFE800] =	vst v2;
	v2 =	vand.u32 $0xFFFF0000, v15  }
0x4c: {  	v6 =	vsub.f32 v6, v11;
	v14 =	vsub.f32 v14, v2;
	v9 =	vld.idx.msk [tilespmem:v9+s19+$0x0], $0xffff  }
0x4d: {  	v15 =	vld.idx.msk [tilespmem:v16+s19+$0x0], $0xffff  }
0x4e: {  	v6 =	vmul.f32 v6, v1;
	v14 =	vmul.f32 v14, v1  }
0x4f: {  	v16 =	vmul.f32 $6.350000000e+01, v17;
	v4 =	vmul.f32 $6.350000000e+01, v4  }
0x50: {  	v6 =	vadd.f32 v11, v6;
	v2 =	vadd.f32 v2, v14  }
0x51: {  	v11 =	vadd.f32 $6.350000000e+01, v16;
	v16 =	vadd.f32 $6.350000000e+01, v4  }
0x52: {  	v4 =	vsub.f32 v15, v9;
	v2 =	vsub.f32 v2, v6  }
0x53: {  	v14 =	vtrunc.f32 v11  }
0x54: {  	v4 =	vmul.f32 v4, v8;
	v2 =	vmul.f32 v2, v13  }
0x55: {  	v17 =	vadd.s32 $0x4000, v7;
	v14 =	vcvt.f32.s32 v14  }
0x56: {  	v15 =	vtrunc.f32 v16;
	v2 =	vadd.f32 v2, v6;
	v6 =	vadd.f32 v4, v9  }
0x57: {  	v18 =	vadd.s32 $0x4001, v3;
	v15 =	vcvt.f32.s32 v15  }
0x58: {  	v19 =	vld [tilespmem:s26+$0xFFFFFFF0];
	v3 =	vadd.s32 $0x4081, v3;
	vm13 =	vlt.s32 v14, $0x7E;
	v2 =	vmul.f32 v6, v2  }
0x59: {  	vm14 =	vlt.s32 v15, $0x7E;
	v4 =	vnsel vm13, $0x7E, v14;
	v6 =	vadd.s32 $0x4080, v7  }
0x5a: {  	v9 =	vnsel vm14, $0x7E, v15;
	v7 =	vshll.u32 v4, $0x7;
	[tilespmem:s25+$0xFFFFEC00] =	vst v2  }
0x5b: {  	v14 =	vadd.s32 v9, v7;
	v15 =	vld.idx.msk [tilespmem:v17+s3+$0x0], $0xffff  }
0x5c: {  	v7 =	vand.u32 $0xFFFFFF80, v14;
	v2 =	vand.u32 $0x7F, v9;
	v17 =	vadd.s32 $0x1, v14;
	v18 =	vld.idx.msk [tilespmem:v18+s3+$0x0], $0xffff  }
0x5d: {  	v20 =	vor.u32 v2, v7;
	v7 =	vmul.f32 $6.350000000e+01, v19;
	v22 =	vld.idx.msk [tilespmem:v3+s3+$0x0], $0xffff;
	v3 =	vadd.s32 $0x100, v5  }
0x5e: {  	v21 =	vld.idx.msk [tilespmem:v6+s3+$0x0], $0xffff;
	v6 =	vadd.s32 $0x81, v14  }
0x5f: {  	v19 =	vadd.s32 $0x80, v20;
	v23 =	vadd.f32 $6.350000000e+01, v7  }
0x60: {  	v7 =	vadd.s32 $0x101, v5;
	v24 =	vld.idx.msk [tilespmem:v14+s3+$0x0], $0xffff  }
0x61: {  	v25 =	vtrunc.f32 v23;
	v17 =	vld.idx.msk [tilespmem:v17+s3+$0x0], $0xffff  }
0x62: {  	v25 =	vcvt.f32.s32 v25;
	v26 =	vshll.u32 v15, $0x10;
	v3 =	vld.idx.msk [tilespmem:v3+s19+$0x0], $0xffff  }
0x63: {  	v29 =	vshll.u32 v22, $0x10;
	v27 =	vld.idx.msk [tilespmem:v6+s3+$0x0], $0xffff;
	v6 =	vshll.u32 v18, $0x10;
	v28 =	vshll.u32 v21, $0x10  }
0x64: {  	v19 =	vld.idx.msk [tilespmem:v19+s3+$0x0], $0xffff;
	v30 =	vsub.f32 v6, v26;
	v29 =	vsub.f32 v29, v28  }
0x65: {  	vm15 =	vlt.s32 v25, $0x7E;
	v31 =	vld.idx.msk [tilespmem:v7+s19+$0x0], $0xffff  }
0x66: {  	v6 =	vnsel vm15, $0x7E, v25;
	v7 =	vmul.f32 v30, v1;
	v25 =	vmul.f32 v29, v1  }
0x67: {  	v59 =	vcvt.s32.f32 v9  }
0x68: {  	v32 =	vadd.s32 $0x1, v6;
	v26 =	vadd.f32 v26, v7;
	v25 =	vadd.f32 v28, v25  }
0x69: {  	v34 =	vcvt.s32.f32 v4;
	v58 =	vshll.u32 v24, $0x10;
	v33 =	vshll.u32 v17, $0x10  }
0x6a: {  	v60 =	vshll.u32 v19, $0x10;
	v61 =	vsub.f32 v31, v3;
	v25 =	vsub.f32 v25, v26  }
0x6b: {  	[tilespmem:$0x1FDE0] =	vst v9;
	v33 =	vsub.f32 v33, v58;
	v7 =	vsub.f32 v16, v59;
	v16 =	vshll.u32 v27, $0x10  }
0x6c: {  	v62 =	vld.idx.msk [tilespmem:v6+s19+$0x0], $0xffff;
	v16 =	vsub.f32 v16, v60;
	v30 =	vmul.f32 v61, v8;
	v25 =	vmul.f32 v25, v13  }
0x6d: {  	v63 =	vadd.s32 $0x180, v5;
	v35 =	vcvt.s32.f32 v6;
	v33 =	vmul.f32 v33, v7;
	v32 =	vld.idx.msk [tilespmem:v32+s19+$0x0], $0xffff  }
0x6e: {  	v16 =	vmul.f32 v16, v7;
	v25 =	vadd.f32 v25, v26;
	v26 =	vadd.f32 v30, v3  }
0x6f: {  	v11 =	vsub.f32 v11, v34;
	v29 =	vadd.f32 v58, v33;
	v33 =	vadd.s32 $0x181, v5  }
0x70: {  	v57 =	vsub.f32 v23, v35;
	v16 =	vadd.f32 v60, v16;
	v23 =	vmul.f32 v25, v26  }
0x71: {  	v15 =	vand.u32 $0xFFFF0000, v15;
	v22 =	vand.u32 $0xFFFF0000, v22;
	v18 =	vand.u32 $0xFFFF0000, v18  }
0x72: {  	v21 =	vand.u32 $0xFFFF0000, v21;
	v16 =	vsub.f32 v16, v29;
	v25 =	vsub.f32 v32, v62;
	[tilespmem:s25+$0xFFFFF000] =	vst v23  }
0x73: {  	v18 =	vsub.f32 v18, v15;
	v22 =	vsub.f32 v22, v21;
	v23 =	vld.idx.msk [tilespmem:v63+s19+$0x0], $0xffff  }
0x74: {  	v24 =	vand.u32 $0xFFFF0000, v24;
	v16 =	vmul.f32 v16, v11;
	v25 =	vmul.f32 v25, v57;
	v26 =	vld.idx.msk [tilespmem:v33+s19+$0x0], $0xffff  }
0x75: {  	v36 =	vadd.s32 $0x80, v6;
	v18 =	vmul.f32 v18, v1;
	v22 =	vmul.f32 v22, v1  }
0x76: {  	v37 =	vadd.s32 $0x81, v6;
	v16 =	vadd.f32 v16, v29;
	v25 =	vadd.f32 v25, v62  }
0x77: {  	v17 =	vand.u32 $0xFFFF0000, v17;
	v15 =	vadd.f32 v15, v18;
	v18 =	vadd.f32 v21, v22  }
0x78: {  	v19 =	vand.u32 $0xFFFF0000, v19;
	v21 =	vand.u32 $0xFFFF0000, v27;
	v16 =	vmul.f32 v16, v25  }
0x79: {  	v18 =	vsub.f32 v18, v15;
	v5 =	vshll.u32 v5, $0x7;
	v22 =	vsub.f32 v26, v23  }
0x7a: {  	v17 =	vsub.f32 v17, v24;
	v21 =	vsub.f32 v21, v19;
	[tilespmem:s25+$0xFFFFE7F0] =	vst v16;
	v16 =	vadd.s32 v12, v5  }
0x7b: {  	v18 =	vmul.f32 v18, v13;
	v25 =	vld.idx.msk [tilespmem:v36+s19+$0x0], $0xffff;
	v26 =	vand.u32 $0xFFFFFF80, v16;
	v22 =	vmul.f32 v22, v8  }
0x7c: {  	v17 =	vmul.f32 v17, v7;
	v21 =	vmul.f32 v21, v7;
	v27 =	vld.idx.msk [tilespmem:v37+s19+$0x0], $0xffff;
	v10 =	vor.u32 v10, v26  }
0x7d: {  	v15 =	vadd.f32 v18, v15;
	v18 =	vadd.f32 v22, v23;
	v22 =	vadd.s32 $0x8000, v10  }
0x7e: {  	v19 =	vadd.f32 v19, v21;
	v21 =	vadd.s32 $0x8001, v16  }
0x7f: {  	v17 =	vadd.f32 v24, v17;
	v15 =	vmul.f32 v18, v15;
	v18 =	vadd.s32 $0x8080, v10  }
0x80: {  	v23 =	vadd.s32 $0x8081, v16  }
0x81: {  	v19 =	vsub.f32 v19, v17;
	v24 =	vsub.f32 v27, v25;
	[tilespmem:s25+$0xFFFFF400] =	vst v15  }
0x82: {  	v15 =	vld.idx.msk [tilespmem:v22+s3+$0x0], $0xffff  }
0x83: {  	v19 =	vmul.f32 v19, v11;
	v22 =	vmul.f32 v24, v57;
	v21 =	vld.idx.msk [tilespmem:v21+s3+$0x0], $0xffff  }
0x84: {  	v18 =	vld.idx.msk [tilespmem:v18+s3+$0x0], $0xffff  }
0x85: {  	v17 =	vadd.f32 v19, v17;
	v19 =	vadd.f32 v22, v25;
	v22 =	vld.idx.msk [tilespmem:v23+s3+$0x0], $0xffff  }
0x86: {  	v23 =	vadd.s32 $0x200, v0  }
0x87: {  	v17 =	vmul.f32 v19, v17;
	v19 =	vadd.s32 $0x201, v0  }
0x88: {  	v24 =	vadd.s32 $0x4000, v20;
	v20 =	vadd.s32 $0x4080, v20  }
0x89: {  	s23 =	sand.u32 $0x3E0, s0;
	v25 =	vadd.s32 $0x4001, v14;
	v14 =	vadd.s32 $0x4081, v14;
	v26 =	vshll.u32 v21, $0x10  }
0x8a: {  	[tilespmem:s23+$0x19600] =	vst v17;
	v17 =	vshll.u32 v15, $0x10;
	v27 =	vshll.u32 v18, $0x10;
	v38 =	vshll.u32 v22, $0x10  }
0x8b: {  	v23 =	vld.idx.msk [tilespmem:v23+s19+$0x0], $0xffff;
	v26 =	vsub.f32 v26, v17;
	v28 =	vsub.f32 v38, v27  }
0x8c: {  	v19 =	vld.idx.msk [tilespmem:v19+s19+$0x0], $0xffff  }
0x8d: {  	v26 =	vmul.f32 v26, v1;
	v28 =	vmul.f32 v28, v1  }
0x8e: {  	v20 =	vld.idx.msk [tilespmem:v20+s3+$0x0], $0xffff  }
0x8f: {  	v14 =	vld.idx.msk [tilespmem:v14+s3+$0x0], $0xffff;
	v17 =	vadd.f32 v17, v26;
	v26 =	vadd.f32 v27, v28  }
0x90: {  	v24 =	vld.idx.msk [tilespmem:v24+s3+$0x0], $0xffff  }
0x91: {  	v25 =	vld.idx.msk [tilespmem:v25+s3+$0x0], $0xffff;
	v26 =	vsub.f32 v26, v17;
	v19 =	vsub.f32 v19, v23  }
0x92: {  	v27 =	vadd.s32 $0x100, v6  }
0x93: {  	v39 =	vadd.s32 $0x101, v6;
	v26 =	vmul.f32 v26, v8;
	v19 =	vmul.f32 v19, v13  }
0x94: {  	v45 =	vadd.s32 $0x281, v0;
	v42 =	vshll.u32 v20, $0x10;
	v43 =	vshll.u32 v14, $0x10  }
0x95: {  	v17 =	vadd.f32 v26, v17;
	v19 =	vadd.f32 v19, v23;
	v23 =	vadd.s32 $0x280, v0  }
0x96: {  	v40 =	vshll.u32 v24, $0x10;
	v41 =	vshll.u32 v25, $0x10;
	v44 =	vsub.f32 v43, v42  }
0x97: {  	v27 =	vld.idx.msk [tilespmem:v27+s19+$0x0], $0xffff;
	v26 =	vsub.f32 v41, v40;
	v17 =	vmul.f32 v17, v19  }
0x98: {  	v15 =	vand.u32 $0xFFFF0000, v15;
	v18 =	vand.u32 $0xFFFF0000, v18;
	v46 =	vmul.f32 v44, v7;
	v19 =	vld.idx.msk [tilespmem:v39+s19+$0x0], $0xffff  }
0x99: {  	v26 =	vmul.f32 v26, v7;
	[tilespmem:s25+$0xFFFFF800] =	vst v17;
	v17 =	vand.u32 $0xFFFF0000, v21;
	v21 =	vand.u32 $0xFFFF0000, v22  }
0x9a: {  	v22 =	vld.idx.msk [tilespmem:v23+s19+$0x0], $0xffff;
	v17 =	vsub.f32 v17, v15;
	v21 =	vsub.f32 v21, v18  }
0x9b: {  	v23 =	vadd.f32 v40, v26;
	v26 =	vadd.f32 v42, v46;
	v47 =	vld.idx.msk [tilespmem:v45+s19+$0x0], $0xffff  }
0x9c: {  	v17 =	vmul.f32 v17, v1;
	v21 =	vmul.f32 v21, v1  }
0x9d: {  	v19 =	vsub.f32 v19, v27;
	v26 =	vsub.f32 v26, v23  }
0x9e: {  	v15 =	vadd.f32 v15, v17;
	v17 =	vadd.f32 v18, v21  }
0x9f: {  	v18 =	vmul.f32 v19, v57;
	v19 =	vmul.f32 v26, v11  }
0xa0: {  	v21 =	vsub.f32 v47, v22;
	v17 =	vsub.f32 v17, v15  }
0xa1: {  	v18 =	vadd.f32 v18, v27;
	v19 =	vadd.f32 v19, v23  }
0xa2: {  	v26 =	vadd.s32 $0x181, v6;
	v21 =	vmul.f32 v21, v13;
	v17 =	vmul.f32 v17, v8  }
0xa3: {  	v23 =	vadd.s32 $0x180, v6;
	v18 =	vmul.f32 v19, v18  }
0xa4: {  	v19 =	vadd.s32 $0xC000, v10;
	v15 =	vadd.f32 v17, v15;
	v17 =	vadd.f32 v21, v22  }
0xa5: {  	v21 =	vadd.s32 $0xC001, v16  }
0xa6: {  	v10 =	vadd.s32 $0xC080, v10;
	[tilespmem:s23+$0x19A00] =	vst v18;
	v15 =	vmul.f32 v17, v15  }
0xa7: {  	v16 =	vadd.s32 $0xC081, v16;
	v22 =	vld.idx.msk [tilespmem:v26+s19+$0x0], $0xffff  }
0xa8: {  	v17 =	vld.idx.msk [tilespmem:v23+s19+$0x0], $0xffff;
	[tilespmem:s25+$0xFFFFFC00] =	vst v15  }
0xa9: {  	v18 =	vand.u32 $0xFFFF0000, v24;
	v15 =	vand.u32 $0xFFFF0000, v25;
	v19 =	vld.idx.msk [tilespmem:v19+s3+$0x0], $0xffff  }
0xaa: {  	v20 =	vand.u32 $0xFFFF0000, v20;
	v14 =	vand.u32 $0xFFFF0000, v14;
	v15 =	vsub.f32 v15, v18;
	v21 =	vld.idx.msk [tilespmem:v21+s3+$0x0], $0xffff  }
0xab: {  	v14 =	vsub.f32 v14, v20;
	v23 =	vld.idx.msk [tilespmem:v10+s3+$0x0], $0xffff  }
0xac: {  	v10 =	vmul.f32 v15, v7;
	v15 =	vld.idx.msk [tilespmem:v16+s3+$0x0], $0xffff  }
0xad: {  	v14 =	vmul.f32 v14, v7;
	v16 =	vadd.s32 $0x300, v0  }
0xae: {  	v10 =	vadd.f32 v18, v10;
	v18 =	vadd.s32 $0x301, v0  }
0xaf: {  	v14 =	vadd.f32 v20, v14  }
0xb0: {  	v20 =	vsub.f32 v22, v17;
	v22 =	vshll.u32 v19, $0x10;
	v24 =	vshll.u32 v21, $0x10  }
0xb1: {  	v25 =	vshll.u32 v23, $0x10;
	v14 =	vsub.f32 v14, v10;
	v26 =	vshll.u32 v15, $0x10  }
0xb2: {  	v6 =	vshll.u32 v6, $0x7;
	v24 =	vsub.f32 v24, v22;
	v16 =	vld.idx.msk [tilespmem:v16+s19+$0x0], $0xffff;
	v26 =	vsub.f32 v26, v25  }
0xb3: {  	v48 =	vadd.s32 v9, v6;
	v20 =	vmul.f32 v20, v57;
	v14 =	vmul.f32 v14, v11;
	v18 =	vld.idx.msk [tilespmem:v18+s19+$0x0], $0xffff  }
0xb4: {  	v27 =	vand.u32 $0xFFFFFF80, v48;
	v24 =	vmul.f32 v24, v1;
	v26 =	vmul.f32 v26, v1  }
0xb5: {  	v2 =	vor.u32 v2, v27;
	v10 =	vadd.f32 v14, v10;
	v14 =	vadd.f32 v20, v17  }
0xb6: {  	v27 =	vadd.s32 $0x8000, v2;
	v20 =	vadd.f32 v22, v24;
	v22 =	vadd.f32 v25, v26  }
0xb7: {  	v17 =	vadd.s32 $0x8001, v48;
	v24 =	vadd.s32 $0x8080, v2  }
0xb8: {  	v10 =	vmul.f32 v14, v10;
	v14 =	vsub.f32 v22, v20;
	v18 =	vsub.f32 v18, v16  }
0xb9: {  	v34 =	vand.u32 $0x7F, v4;
	v3 =	vadd.s32 $0x381, v4;
	v25 =	vadd.s32 $0x8081, v48  }
0xba: {  	v22 =	vadd.s32 $0x200, v4;
	[tilespmem:s23+$0x19E00] =	vst v10;
	v14 =	vmul.f32 v14, v8;
	v18 =	vmul.f32 v18, v13  }
0xbb: {  	v23 =	vand.u32 $0xFFFF0000, v23;
	v15 =	vand.u32 $0xFFFF0000, v15;
	v26 =	vadd.s32 $0x201, v4;
	v49 =	vld.idx.msk [tilespmem:v27+s3+$0x0], $0xffff  }
0xbc: {  	v17 =	vld.idx.msk [tilespmem:v17+s3+$0x0], $0xffff;
	v20 =	vadd.f32 v14, v20;
	v16 =	vadd.f32 v18, v16;
	v18 =	vadd.s32 $0x380, v0  }
0xbd: {  	v46 =	vadd.s32 $0x401, v12;
	v15 =	vsub.f32 v15, v23;
	v50 =	vld.idx.msk [tilespmem:v24+s3+$0x0], $0xffff;
	v24 =	vadd.s32 $0x381, v0  }
0xbe: {  	v9 =	vadd.s32 v4, v6;
	v28 =	vadd.s32 $0xC001, v48;
	v25 =	vld.idx.msk [tilespmem:v25+s3+$0x0], $0xffff;
	v16 =	vmul.f32 v20, v16  }
0xbf: {  	v52 =	vmul.f32 v15, v1;
	v35 =	vld.idx.msk [tilespmem:v22+s19+$0x0], $0xffff;
	v22 =	vand.u32 $0xFFFF0000, v19;
	v19 =	vand.u32 $0xFFFF0000, v21  }
0xc0: {  	v10 =	vadd.s32 $0x280, v4;
	v51 =	vld.idx.msk [tilespmem:v26+s19+$0x0], $0xffff;
	v26 =	vadd.s32 $0xC081, v48;
	[tilespmem:s25+$0x0] =	vst v16;
	v16 =	vsub.f32 v19, v22  }
0xc1: {  	v14 =	vadd.s32 $0x281, v4;
	v21 =	vadd.s32 $0x300, v4;
	v20 =	vadd.s32 $0x301, v4;
	v18 =	vld.idx.msk [tilespmem:v18+s19+$0x0], $0xffff  }
0xc2: {  	v31 =	vand.u32 $0xFFFF0000, v49;
	v39 =	vshll.u32 v50, $0x10;
	v6 =	vld.idx.msk [tilespmem:v24+s19+$0x0], $0xffff;
	[tilespmem:$0x1FDA0] =	vst v3;
	v16 =	vmul.f32 v16, v1  }
0xc3: {  	v42 =	vand.u32 $0xFFFF0000, v50;
	v19 =	vadd.s32 $0x380, v4;
	v3 =	vadd.s32 $0x10001, v9;
	[tilespmem:$0x1FDC0] =	vst v9  }
0xc4: {  	s5 =	simm.s32 $0x18A30;
	v4 =	vadd.f32 v23, v52;
	v23 =	vshll.u32 v49, $0x10;
	[tilespmem:$0x1FDB0] =	vst v3;
	v36 =	vadd.f32 v22, v16  }
0xc5: {  	s7 =	simm.s32 $0x18630;
	v59 =	vshll.u32 v25, $0x10;
	v43 =	vand.u32 $0xFFFF0000, v25;
	v47 =	vsub.f32 v51, v35;
	v53 =	vld [tilespmem:s5+$0x0]  }
0xc6: {  	v24 =	vand.u32 $0xFFFFFF80, v9;
	v38 =	vld [tilespmem:s7+$0x0];
	v22 =	vshll.u32 v17, $0x10;
	v37 =	vsub.f32 v4, v36  }
0xc7: {  	v17 =	vand.u32 $0xFFFF0000, v17;
	v47 =	vmul.f32 v47, v11;
	v6 =	vsub.f32 v6, v18  }
0xc8: {  	v40 =	vsub.f32 v22, v23;
	v4 =	vadd.s32 v0, v5;
	v5 =	vmul.f32 v37, v8  }
0xc9: {  	v0 =	vand.u32 $0x7F, v0;
	v22 =	vand.u32 $0xFFFFFF80, v4;
	v6 =	vmul.f32 v6, v13  }
0xca: {  	v22 =	vor.u32 v0, v22;
	v0 =	vadd.f32 v5, v36;
	v5 =	vmul.f32 $6.350000000e+01, v53  }
0xcb: {  	s24 =	simm.s32 $0x18E30;
	v17 =	vsub.f32 v17, v31;
	v54 =	vmul.f32 $6.350000000e+01, v38;
	v6 =	vadd.f32 v6, v18  }
0xcc: {  	v58 =	vld [tilespmem:s24+$0x0];
	v55 =	vmul.f32 v40, v7;
	v18 =	vadd.s32 $0x10000, v22;
	v38 =	vadd.f32 $6.350000000e+01, v5  }
0xcd: {  	v40 =	vadd.f32 $6.350000000e+01, v54;
	v0 =	vmul.f32 v6, v0;
	v5 =	vadd.s32 $0x10080, v22  }
0xce: {  	v41 =	vmul.f32 v17, v7;
	v6 =	vadd.s32 $0x10081, v4;
	v17 =	vtrunc.f32 v38  }
0xcf: {  	v56 =	vadd.s32 $0x10001, v4;
	[tilespmem:s25+$0x400] =	vst v0;
	v0 =	vtrunc.f32 v40;
	v17 =	vcvt.f32.s32 v17  }
0xd0: {  	v63 =	vsub.f32 v43, v42;
	v35 =	vadd.f32 v47, v35;
	v0 =	vcvt.f32.s32 v0  }
0xd1: {  	v60 =	vmul.f32 $6.350000000e+01, v58;
	v23 =	vadd.f32 v23, v55;
	v36 =	vld.idx.msk [tilespmem:v18+s3+$0x0], $0xffff;
	vm4 =	vlt.s32 v17, $0x7E  }
0xd2: {  	v44 =	vld.idx.msk [tilespmem:v5+s3+$0x0], $0xffff;
	v5 =	vadd.s32 $0x400, v12;
	vm5 =	vlt.s32 v0, $0x7E;
	v17 =	vnsel vm4, $0x7E, v17  }
0xd3: {  	v33 =	vadd.f32 v31, v41;
	v45 =	vld.idx.msk [tilespmem:v6+s3+$0x0], $0xffff;
	v6 =	vnsel vm5, $0x7E, v0;
	v0 =	vshll.u32 v17, $0x7  }
0xd4: {  	v51 =	vadd.f32 $6.350000000e+01, v60;
	v18 =	vsub.f32 v59, v39;
	v37 =	vld.idx.msk [tilespmem:v56+s3+$0x0], $0xffff;
	v25 =	vadd.s32 v6, v0  }
0xd5: {  	v32 =	vand.u32 $0x7F, v6;
	v0 =	vand.u32 $0xFFFFFF80, v25;
	v48 =	vadd.s32 $0x1, v25  }
0xd6: {  	v18 =	vmul.f32 v18, v7;
	v30 =	vor.u32 v32, v0;
	v0 =	vadd.s32 $0x81, v25  }
0xd7: {  	v41 =	vmul.f32 v63, v7;
	v55 =	vtrunc.f32 v51;
	v50 =	vld.idx.msk [tilespmem:v5+s19+$0x0], $0xffff;
	v5 =	vadd.s32 $0x80, v30  }
0xd8: {  	v62 =	vcvt.f32.s32 v55;
	v46 =	vld.idx.msk [tilespmem:v46+s19+$0x0], $0xffff;
	v18 =	vadd.f32 v39, v18;
	v49 =	vshll.u32 v36, $0x10  }
0xd9: {  	v61 =	vshll.u32 v37, $0x10;
	v52 =	vshll.u32 v44, $0x10;
	v53 =	vshll.u32 v45, $0x10;
	v56 =	vld.idx.msk [tilespmem:v25+s3+$0x0], $0xffff  }
0xda: {  	v24 =	vor.u32 v34, v24;
	v54 =	vsub.f32 v61, v49;
	v53 =	vsub.f32 v53, v52;
	v39 =	vld.idx.msk [tilespmem:v48+s3+$0x0], $0xffff  }
0xdb: {  	v41 =	vadd.f32 v42, v41;
	vm6 =	vlt.s32 v62, $0x7E;
	v18 =	vsub.f32 v18, v23;
	v0 =	vld.idx.msk [tilespmem:v0+s3+$0x0], $0xffff  }
0xdc: {  	v31 =	vnsel vm6, $0x7E, v62;
	v58 =	vmul.f32 v54, v13;
	v59 =	vmul.f32 v53, v13;
	v53 =	vld.idx.msk [tilespmem:v5+s3+$0x0], $0xffff  }
0xdd: {  	v41 =	vsub.f32 v41, v33;
	v61 =	vadd.s32 $0x1, v31;
	v18 =	vmul.f32 v18, v57  }
0xde: {  	v60 =	vcvt.s32.f32 v6;
	v43 =	vadd.f32 v49, v58;
	v5 =	vadd.f32 v52, v59  }
0xdf: {  	v36 =	vand.u32 $0xFFFF0000, v36;
	v42 =	vadd.f32 v18, v23;
	v46 =	vsub.f32 v46, v50  }
0xe0: {  	v62 =	vsub.f32 v5, v43;
	v5 =	vsub.f32 v40, v60;
	v40 =	vshll.u32 v56, $0x10  }
0xe1: {  	v55 =	vld.idx.msk [tilespmem:v31+s19+$0x0], $0xffff;
	v63 =	vshll.u32 v39, $0x10;
	v58 =	vshll.u32 v0, $0x10;
	v59 =	vshll.u32 v53, $0x10  }
0xe2: {  	v18 =	vmul.f32 v46, v1;
	v46 =	vld.idx.msk [tilespmem:v61+s19+$0x0], $0xffff;
	v48 =	vsub.f32 v63, v40;
	v52 =	vsub.f32 v58, v59  }
0xe3: {  	v37 =	vand.u32 $0xFFFF0000, v37;
	v42 =	vmul.f32 v42, v35;
	v47 =	vmul.f32 v62, v8  }
0xe4: {  	v37 =	vsub.f32 v37, v36;
	v23 =	vmul.f32 v48, v5;
	v60 =	vmul.f32 v52, v5  }
0xe5: {  	v61 =	vadd.f32 v18, v50;
	v18 =	vcvt.s32.f32 v17;
	v43 =	vadd.f32 v47, v43  }
0xe6: {  	v34 =	vld [tilespmem:s7+$0xFFFFFFF0];
	v62 =	vcvt.s32.f32 v31;
	v40 =	vadd.f32 v40, v23;
	v47 =	vadd.f32 v59, v60  }
0xe7: {  	v63 =	vadd.s32 $0x480, v12;
	v46 =	vsub.f32 v46, v55;
	v23 =	vsub.f32 v38, v18  }
0xe8: {  	v18 =	vsub.f32 v51, v62;
	v60 =	vsub.f32 v47, v40  }
0xe9: {  	v44 =	vand.u32 $0xFFFF0000, v44;
	[tilespmem:s23+$0x1A200] =	vst v42;
	v58 =	vadd.s32 $0x481, v12;
	v59 =	vmul.f32 v43, v61  }
0xea: {  	v45 =	vand.u32 $0xFFFF0000, v45;
	v10 =	vld.idx.msk [tilespmem:v10+s19+$0x0], $0xffff;
	v46 =	vmul.f32 v46, v18;
	v43 =	vmul.f32 v60, v23  }
0xeb: {  	v34 =	vmul.f32 $6.350000000e+01, v34;
	v37 =	vmul.f32 v37, v13;
	v14 =	vld.idx.msk [tilespmem:v14+s19+$0x0], $0xffff;
	v61 =	vsub.f32 v45, v44;
	[tilespmem:s25+$0x800] =	vst v59  }
0xec: {  	v62 =	vadd.f32 v46, v55;
	v45 =	vld.idx.msk [tilespmem:v63+s19+$0x0], $0xffff;
	v63 =	vadd.s32 $0x80, v31;
	v40 =	vadd.f32 v43, v40  }
0xed: {  	v36 =	vadd.f32 v36, v37;
	v0 =	vand.u32 $0xFFFF0000, v0;
	v47 =	vld [tilespmem:s5+$0xFFFFFFF0];
	v55 =	vadd.s32 $0x81, v31  }
0xee: {  	v38 =	vmul.f32 v61, v13;
	v61 =	vand.u32 $0xFFFF0000, v53;
	v54 =	vld.idx.msk [tilespmem:v58+s19+$0x0], $0xffff;
	v58 =	vmul.f32 v40, v62  }
0xef: {  	s28 =	simm.s32 $0x1AA30;
	v39 =	vand.u32 $0xFFFF0000, v39;
	v0 =	vsub.f32 v0, v61;
	v60 =	vand.u32 $0xFFFF0000, v56  }
0xf0: {  	v59 =	vadd.f32 v44, v38;
	v39 =	vsub.f32 v39, v60;
	[tilespmem:s28+$0xFFFFE800] =	vst v58  }
0xf1: {  	v29 =	vadd.s32 $0xC000, v2;
	v42 =	vmul.f32 v41, v57;
	v48 =	vadd.f32 $6.350000000e+01, v34;
	v43 =	vld.idx.msk [tilespmem:v63+s19+$0x0], $0xffff  }
0xf2: {  	v53 =	vmul.f32 v0, v5;
	v37 =	vsub.f32 v59, v36;
	v39 =	vmul.f32 v39, v5;
	v52 =	vld.idx.msk [tilespmem:v55+s19+$0x0], $0xffff  }
0xf3: {  	v14 =	vsub.f32 v14, v10;
	v62 =	vmul.f32 $6.350000000e+01, v47;
	v63 =	vsub.f32 v54, v45  }
0xf4: {  	v56 =	vadd.f32 v61, v53;
	v38 =	vadd.f32 v60, v39;
	v54 =	vmul.f32 v37, v8  }
0xf5: {  	v51 =	vtrunc.f32 v48;
	v35 =	vadd.f32 $6.350000000e+01, v62;
	v55 =	vmul.f32 v63, v1  }
0xf6: {  	v59 =	vadd.s32 $0x14000, v22;
	v39 =	vsub.f32 v56, v38;
	v34 =	vadd.f32 v54, v36  }
0xf7: {  	v62 =	vadd.s32 $0x14001, v4;
	v58 =	vadd.f32 v55, v45;
	v60 =	vsub.f32 v52, v43  }
0xf8: {  	v61 =	vtrunc.f32 v35;
	v63 =	vadd.s32 $0x14080, v22;
	v22 =	vmul.f32 v39, v23  }
0xf9: {  	v33 =	vadd.f32 v42, v33;
	v34 =	vmul.f32 v58, v34;
	v49 =	vmul.f32 v60, v18  }
0xfa: {  	v14 =	vmul.f32 v14, v11;
	v50 =	vcvt.f32.s32 v61;
	v52 =	vadd.s32 $0x14081, v4  }
0xfb: {  	v53 =	vld [tilespmem:s24+$0xFFFFFFF0];
	v54 =	vadd.s32 $0x4000, v30;
	v4 =	vadd.f32 v22, v38;
	[tilespmem:s25+$0xC00] =	vst v34;
	v22 =	vadd.f32 v49, v43  }
0xfc: {  	v10 =	vadd.f32 v14, v10;
	v56 =	vadd.s32 $0x4001, v25;
	v55 =	vcvt.f32.s32 v51;
	v39 =	vld.idx.msk [tilespmem:v59+s3+$0x0], $0xffff  }
0xfd: {  	v15 =	vmovc v57;
	vm7 =	vlt.s32 v50, $0x7E;
	v58 =	vadd.s32 $0x4080, v30;
	v38 =	vld.idx.msk [tilespmem:v62+s3+$0x0], $0xffff;
	v57 =	vmul.f32 v22, v4  }
0xfe: {  	vm8 =	vlt.s32 v55, $0x7E;
	v40 =	vld.idx.msk [tilespmem:v63+s3+$0x0], $0xffff;
	v59 =	vadd.s32 $0x4081, v25;
	v22 =	vnsel vm7, $0x7E, v50  }
0xff: {  	v27 =	vadd.s32 $0xC080, v2;
	v2 =	vnsel vm8, $0x7E, v55;
	v41 =	vld.idx.msk [tilespmem:v52+s3+$0x0], $0xffff;
	v60 =	vshll.u32 v22, $0x7;
	[tilespmem:s28+$0xFFFFEC00] =	vst v57  }
0x100: {  	v46 =	vmul.f32 v10, v33;
	v61 =	vmul.f32 $6.350000000e+01, v53;
	v34 =	vadd.s32 v2, v60;
	v42 =	vld.idx.msk [tilespmem:v54+s3+$0x0], $0xffff  }
0x101: {  	v30 =	vand.u32 $0x7F, v2;
	v0 =	vcvt.s32.f32 v2;
	v14 =	vand.u32 $0xFFFFFF80, v34;
	v37 =	vld.idx.msk [tilespmem:v56+s3+$0x0], $0xffff  }
0x102: {  	v43 =	vadd.f32 $6.350000000e+01, v61;
	v62 =	vadd.s32 $0x1, v34;
	v45 =	vld.idx.msk [tilespmem:v58+s3+$0x0], $0xffff;
	v36 =	vor.u32 v30, v14  }
0x103: {  	v53 =	vadd.s32 $0x100, v31;
	v49 =	vadd.s32 $0x500, v12;
	v47 =	vld.idx.msk [tilespmem:v59+s3+$0x0], $0xffff;
	v14 =	vadd.s32 $0x80, v36  }
0x104: {  	v3 =	vsub.f32 v48, v0;
	v57 =	vtrunc.f32 v43;
	v10 =	vadd.s32 $0x81, v34  }
0x105: {  	v52 =	vshll.u32 v39, $0x10;
	v33 =	vshll.u32 v38, $0x10;
	v54 =	vshll.u32 v40, $0x10  }
0x106: {  	v56 =	vadd.s32 $0x101, v31;
	v57 =	vcvt.f32.s32 v57;
	v55 =	vshll.u32 v41, $0x10;
	v51 =	vld.idx.msk [tilespmem:v34+s3+$0x0], $0xffff  }
0x107: {  	v33 =	vsub.f32 v33, v52;
	v55 =	vsub.f32 v55, v54;
	v44 =	vld.idx.msk [tilespmem:v62+s3+$0x0], $0xffff;
	v58 =	vshll.u32 v42, $0x10  }
0x108: {  	v59 =	vshll.u32 v37, $0x10;
	v61 =	vshll.u32 v47, $0x10;
	v60 =	vld.idx.msk [tilespmem:v14+s3+$0x0], $0xffff;
	v14 =	vshll.u32 v45, $0x10  }
0x109: {  	v50 =	vadd.s32 $0x501, v12;
	v62 =	vld.idx.msk [tilespmem:v10+s3+$0x0], $0xffff;
	v59 =	vsub.f32 v59, v58;
	v10 =	vsub.f32 v61, v14  }
0x10a: {  	v53 =	vld.idx.msk [tilespmem:v53+s19+$0x0], $0xffff;
	vm9 =	vlt.s32 v57, $0x7E;
	v63 =	vmul.f32 v33, v13;
	v55 =	vmul.f32 v55, v13  }
0x10b: {  	v33 =	vnsel vm9, $0x7E, v57;
	v56 =	vld.idx.msk [tilespmem:v56+s19+$0x0], $0xffff;
	v59 =	vmul.f32 v59, v5;
	v10 =	vmul.f32 v10, v5  }
0x10c: {  	v0 =	vadd.f32 v52, v63;
	v54 =	vadd.f32 v54, v55;
	v61 =	vshll.u32 v51, $0x10  }
0x10d: {  	v57 =	vadd.f32 v58, v59;
	v10 =	vadd.f32 v14, v10;
	v14 =	vadd.s32 $0x1, v33  }
0x10e: {  	[tilespmem:$0x1FE50] =	vst v2;
	v58 =	vshll.u32 v44, $0x10;
	v63 =	vshll.u32 v62, $0x10;
	v48 =	vshll.u32 v60, $0x10  }
0x10f: {  	v49 =	vld.idx.msk [tilespmem:v49+s19+$0x0], $0xffff;
	v58 =	vsub.f32 v58, v61;
	v52 =	vsub.f32 v63, v48  }
0x110: {  	v42 =	vand.u32 $0xFFFF0000, v42;
	v50 =	vld.idx.msk [tilespmem:v50+s19+$0x0], $0xffff;
	v56 =	vsub.f32 v56, v53;
	v10 =	vsub.f32 v10, v57  }
0x111: {  	v55 =	vld.idx.msk [tilespmem:v33+s19+$0x0], $0xffff;
	v54 =	vsub.f32 v54, v0;
	v58 =	vmul.f32 v58, v3;
	v52 =	vmul.f32 v52, v3  }
0x112: {  	v51 =	vand.u32 $0xFFFF0000, v51;
	v10 =	vmul.f32 v10, v23;
	v59 =	vld.idx.msk [tilespmem:v14+s19+$0x0], $0xffff;
	v14 =	vmul.f32 v56, v18  }
0x113: {  	v58 =	vadd.f32 v61, v58;
	v61 =	vadd.s32 $0x180, v31;
	v48 =	vadd.f32 v48, v52  }
0x114: {  	v56 =	vcvt.s32.f32 v22;
	v57 =	vadd.f32 v10, v57;
	v53 =	vadd.f32 v14, v53  }
0x115: {  	v50 =	vsub.f32 v50, v49;
	v52 =	vadd.s32 $0x181, v31;
	v10 =	vcvt.s32.f32 v33  }
0x116: {  	v14 =	vsub.f32 v35, v56;
	v63 =	vsub.f32 v48, v58;
	v57 =	vmul.f32 v57, v53  }
0x117: {  	v31 =	vshll.u32 v31, $0x7;
	v10 =	vsub.f32 v43, v10;
	v56 =	vsub.f32 v59, v55  }
0x118: {  	v59 =	vand.u32 $0xFFFF0000, v47;
	[tilespmem:s28+$0xFFFFF000] =	vst v57;
	v57 =	vand.u32 $0xFFFF0000, v37;
	v37 =	vand.u32 $0xFFFF0000, v45  }
0x119: {  	v43 =	vmul.f32 v63, v14;
	v53 =	vld.idx.msk [tilespmem:v61+s19+$0x0], $0xffff;
	v35 =	vsub.f32 v57, v42;
	v45 =	vsub.f32 v59, v37  }
0x11a: {  	v63 =	vadd.s32 $0x80, v33;
	v47 =	vmul.f32 v54, v8;
	v48 =	vmul.f32 v56, v10;
	v52 =	vld.idx.msk [tilespmem:v52+s19+$0x0], $0xffff  }
0x11b: {  	v54 =	vand.u32 $0xFFFF0000, v60;
	v35 =	vmul.f32 v35, v5;
	v45 =	vmul.f32 v45, v5  }
0x11c: {  	v43 =	vadd.f32 v43, v58;
	v58 =	vand.u32 $0xFFFF0000, v44;
	v48 =	vadd.f32 v48, v55  }
0x11d: {  	v55 =	vadd.s32 $0x81, v33;
	v57 =	vadd.f32 v42, v35;
	v45 =	vadd.f32 v37, v45  }
0x11e: {  	v59 =	vand.u32 $0xFFFF0000, v62;
	v0 =	vadd.f32 v47, v0;
	v43 =	vmul.f32 v43, v48  }
0x11f: {  	v47 =	vand.u32 $0xFFFF0000, v39;
	v61 =	vsub.f32 v52, v53;
	v60 =	vsub.f32 v45, v57  }
0x120: {  	v37 =	vsub.f32 v58, v51;
	v42 =	vsub.f32 v59, v54;
	v35 =	vadd.s32 v6, v31;
	[tilespmem:s28+$0xFFFFE7F0] =	vst v43  }
0x121: {  	v62 =	vand.u32 $0xFFFFFF80, v35;
	v43 =	vld.idx.msk [tilespmem:v63+s19+$0x0], $0xffff;
	v45 =	vmul.f32 v61, v18;
	v44 =	vmul.f32 v60, v23  }
0x122: {  	v37 =	vmul.f32 v37, v3;
	v63 =	vmul.f32 v42, v3;
	v55 =	vld.idx.msk [tilespmem:v55+s19+$0x0], $0xffff;
	v42 =	vor.u32 v32, v62  }
0x123: {  	[tilespmem:s23+$0x1A600] =	vst v46;
	v56 =	vadd.f32 v44, v57;
	v57 =	vadd.f32 v45, v53;
	v45 =	vadd.s32 $0x8000, v42  }
0x124: {  	v39 =	vld.idx.msk [tilespmem:v26+s3+$0x0], $0xffff;
	v58 =	vmul.f32 v50, v1;
	v60 =	vadd.s32 $0x8001, v35;
	v46 =	vadd.f32 v51, v37  }
0x125: {  	v21 =	vld.idx.msk [tilespmem:v21+s19+$0x0], $0xffff;
	v61 =	vadd.s32 $0x8080, v42;
	v59 =	vadd.f32 v54, v63;
	v44 =	vmul.f32 v57, v56  }
0x126: {  	v40 =	vand.u32 $0xFFFF0000, v40;
	v20 =	vld.idx.msk [tilespmem:v20+s19+$0x0], $0xffff;
	v62 =	vadd.f32 v58, v49;
	v63 =	vadd.s32 $0x8081, v35  }
0x127: {  	v41 =	vand.u32 $0xFFFF0000, v41;
	v37 =	vld.idx.msk [tilespmem:v28+s3+$0x0], $0xffff;
	v54 =	vsub.f32 v59, v46;
	v56 =	vsub.f32 v55, v43;
	[tilespmem:s28+$0xFFFFF400] =	vst v44  }
0x128: {  	v58 =	vadd.s32 $0x581, v12;
	v0 =	vmul.f32 v0, v62;
	v62 =	vadd.s32 $0x200, v17;
	v45 =	vld.idx.msk [tilespmem:v45+s3+$0x0], $0xffff  }
0x129: {  	v57 =	vadd.s32 $0x580, v12;
	v12 =	vmul.f32 v54, v14;
	v59 =	vmul.f32 v56, v10;
	v49 =	vld.idx.msk [tilespmem:v60+s3+$0x0], $0xffff  }
0x12a: {  	v41 =	vsub.f32 v41, v40;
	v26 =	vadd.s32 $0x201, v17;
	v51 =	vld.idx.msk [tilespmem:v61+s3+$0x0], $0xffff  }
0x12b: {  	v46 =	vadd.f32 v12, v46;
	v28 =	vadd.f32 v59, v43;
	v43 =	vld.idx.msk [tilespmem:v63+s3+$0x0], $0xffff  }
0x12c: {  	v41 =	vmul.f32 v41, v13;
	v60 =	vand.u32 $0xFFFF0000, v38;
	v38 =	vld.idx.msk [tilespmem:v27+s3+$0x0], $0xffff  }
0x12d: {  	s26 =	simm.s32 $0x20;
	v4 =	vld [tilespmem:$0x1FDE0];
	[tilespmem:s25+$0x1000] =	vst v0;
	v27 =	vsub.f32 v60, v47;
	v0 =	vmul.f32 v28, v46  }
0x12e: {  	s24 =	sand.u32 $0x3E0, s26;
	v40 =	vadd.f32 v40, v41;
	v53 =	vadd.s32 $0x4081, v34;
	v61 =	vadd.s32 $0x4000, v36;
	v48 =	vld.idx.msk [tilespmem:v62+s19+$0x0], $0xffff  }
0x12f: {  	v36 =	vadd.s32 $0x4080, v36;
	v41 =	vld.idx.msk [tilespmem:v26+s19+$0x0], $0xffff;
	v63 =	vmul.f32 v27, v13;
	[tilespmem:s24+$0x19600] =	vst v0;
	v0 =	vshll.u32 v45, $0x10  }
0x130: {  	v50 =	vld.idx.msk [tilespmem:v58+s19+$0x0], $0xffff;
	v27 =	vshll.u32 v49, $0x10;
	v54 =	vshll.u32 v51, $0x10;
	v58 =	vshll.u32 v43, $0x10  }
0x131: {  	v28 =	vld.idx.msk [tilespmem:v57+s19+$0x0], $0xffff;
	v57 =	vadd.s32 $0x4001, v34;
	v59 =	vsub.f32 v27, v0;
	v34 =	vsub.f32 v58, v54  }
0x132: {  	v29 =	vld.idx.msk [tilespmem:v29+s3+$0x0], $0xffff;
	v20 =	vsub.f32 v20, v21  }
0x133: {  	v52 =	vld.idx.msk [tilespmem:v61+s3+$0x0], $0xffff;
	v60 =	vmul.f32 v59, v5;
	v61 =	vmul.f32 v34, v5  }
0x134: {  	v20 =	vmul.f32 v20, v11;
	v41 =	vsub.f32 v41, v48;
	v36 =	vld.idx.msk [tilespmem:v36+s3+$0x0], $0xffff  }
0x135: {  	v53 =	vld.idx.msk [tilespmem:v53+s3+$0x0], $0xffff;
	v0 =	vadd.f32 v0, v60;
	v58 =	vadd.f32 v54, v61  }
0x136: {  	v20 =	vadd.f32 v20, v21;
	v55 =	vadd.s32 $0x101, v33;
	v46 =	vld.idx.msk [tilespmem:v57+s3+$0x0], $0xffff  }
0x137: {  	v44 =	vadd.f32 v47, v63;
	v41 =	vmul.f32 v41, v23;
	v47 =	vsub.f32 v58, v0  }
0x138: {  	v56 =	vshll.u32 v29, $0x10;
	v63 =	vshll.u32 v37, $0x10;
	v34 =	vand.u32 $0xFFFF0000, v29  }
0x139: {  	v29 =	vadd.s32 $0x100, v33;
	v41 =	vadd.f32 v41, v48;
	v47 =	vmul.f32 v47, v18  }
0x13a: {  	v60 =	vshll.u32 v36, $0x10;
	v61 =	vshll.u32 v53, $0x10;
	v58 =	vshll.u32 v52, $0x10  }
0x13b: {  	v59 =	vshll.u32 v46, $0x10;
	v0 =	vadd.f32 v47, v0;
	v47 =	vadd.s32 $0x280, v17  }
0x13c: {  	v48 =	vsub.f32 v59, v58;
	v59 =	vsub.f32 v61, v60;
	v61 =	vadd.s32 $0x281, v17  }
0x13d: {  	v45 =	vand.u32 $0xFFFF0000, v45;
	v62 =	vsub.f32 v40, v44;
	v0 =	vmul.f32 v0, v41  }
0x13e: {  	v43 =	vand.u32 $0xFFFF0000, v43;
	v40 =	vsub.f32 v63, v56;
	v50 =	vsub.f32 v50, v28;
	v29 =	vld.idx.msk [tilespmem:v29+s19+$0x0], $0xffff  }
0x13f: {  	v57 =	vshll.u32 v39, $0x10;
	v41 =	vld.idx.msk [tilespmem:v55+s19+$0x0], $0xffff;
	[tilespmem:s28+$0xFFFFF800] =	vst v0;
	v0 =	vand.u32 $0xFFFF0000, v49;
	v49 =	vand.u32 $0xFFFF0000, v51  }
0x140: {  	v8 =	vmul.f32 v62, v8;
	v47 =	vld.idx.msk [tilespmem:v47+s19+$0x0], $0xffff;
	v0 =	vsub.f32 v0, v45;
	v43 =	vsub.f32 v43, v49  }
0x141: {  	v54 =	vshll.u32 v38, $0x10;
	v48 =	vmul.f32 v48, v3;
	v59 =	vmul.f32 v59, v3;
	v62 =	vld.idx.msk [tilespmem:v61+s19+$0x0], $0xffff  }
0x142: {  	v57 =	vsub.f32 v57, v54;
	v0 =	vmul.f32 v0, v5;
	v43 =	vmul.f32 v43, v5  }
0x143: {  	v48 =	vadd.f32 v58, v48;
	v60 =	vadd.f32 v60, v59  }
0x144: {  	v40 =	vmul.f32 v40, v7;
	v0 =	vadd.f32 v45, v0;
	v43 =	vadd.f32 v49, v43  }
0x145: {  	v1 =	vmul.f32 v50, v1;
	v50 =	vsub.f32 v60, v48;
	v41 =	vsub.f32 v41, v29  }
0x146: {  	v63 =	vmul.f32 v57, v7;
	v51 =	vsub.f32 v62, v47;
	v43 =	vsub.f32 v43, v0  }
0x147: {  	v40 =	vadd.f32 v56, v40;
	v58 =	vmul.f32 v50, v14;
	v41 =	vmul.f32 v41, v10  }
0x148: {  	v57 =	vadd.f32 v54, v63;
	v60 =	vmul.f32 v51, v23;
	v43 =	vmul.f32 v43, v18  }
0x149: {  	v59 =	vadd.f32 v58, v48;
	v29 =	vadd.f32 v41, v29  }
0x14a: {  	v56 =	vadd.s32 $0x180, v33;
	v62 =	vadd.f32 v60, v47;
	v0 =	vadd.f32 v43, v0  }
0x14b: {  	v36 =	vand.u32 $0xFFFF0000, v36;
	v50 =	vadd.s32 $0x181, v33;
	v29 =	vmul.f32 v59, v29  }
0x14c: {  	v63 =	vadd.s32 $0xC000, v42;
	v45 =	vsub.f32 v57, v40;
	v0 =	vmul.f32 v62, v0  }
0x14d: {  	v8 =	vadd.f32 v8, v44;
	v1 =	vadd.f32 v1, v28;
	v54 =	vadd.s32 $0xC001, v35;
	[tilespmem:s24+$0x19A00] =	vst v29  }
0x14e: {  	v55 =	vadd.s32 $0xC080, v42;
	v61 =	vand.u32 $0xFFFF0000, v53;
	[tilespmem:s28+$0xFFFFFC00] =	vst v0;
	v0 =	vmul.f32 v45, v15  }
0x14f: {  	v52 =	vand.u32 $0xFFFF0000, v52;
	v46 =	vand.u32 $0xFFFF0000, v46;
	v53 =	vsub.f32 v61, v36;
	v59 =	vld.idx.msk [tilespmem:v56+s19+$0x0], $0xffff  }
0x150: {  	v46 =	vsub.f32 v46, v52;
	v60 =	vld.idx.msk [tilespmem:v50+s19+$0x0], $0xffff;
	v0 =	vadd.f32 v0, v40  }
0x151: {  	v1 =	vmul.f32 v1, v8;
	v35 =	vadd.s32 $0xC081, v35;
	v58 =	vmul.f32 v53, v3;
	v42 =	vld.idx.msk [tilespmem:v63+s3+$0x0], $0xffff  }
0x152: {  	v57 =	vmul.f32 v46, v3;
	v21 =	vld.idx.msk [tilespmem:v54+s3+$0x0], $0xffff;
	v0 =	vmul.f32 v0, v20  }
0x153: {  	v33 =	vshll.u32 v33, $0x7;
	v40 =	vld.idx.msk [tilespmem:v55+s3+$0x0], $0xffff;
	[tilespmem:$0x1FF90] =	vst v1  }
0x154: {  	v28 =	vadd.s32 v2, v33;
	v36 =	vadd.f32 v36, v58;
	v41 =	vadd.f32 v52, v57;
	[tilespmem:s23+$0x1AA00] =	vst v0  }
0x155: {  	v61 =	vand.u32 $0xFFFFFF80, v28;
	v49 =	vadd.s32 $0x301, v17;
	v2 =	vld [tilespmem:$0x1FDA0]  }
0x156: {  	v36 =	vsub.f32 v36, v41;
	v29 =	vor.u32 v30, v61;
	v30 =	vld.idx.msk [tilespmem:v35+s3+$0x0], $0xffff  }
0x157: {  	v20 =	vadd.s32 $0x300, v17  }
0x158: {  	v39 =	vand.u32 $0xFFFF0000, v39;
	v62 =	vmul.f32 v36, v14;
	v1 =	vand.u32 $0xFFFF0000, v37  }
0x159: {  	v63 =	vand.u32 $0xFFFF0000, v38;
	v48 =	vsub.f32 v60, v59;
	v1 =	vsub.f32 v1, v34  }
0x15a: {  	v35 =	vadd.f32 v62, v41;
	v38 =	vld.idx.msk [tilespmem:v49+s19+$0x0], $0xffff;
	v0 =	vsub.f32 v39, v63;
	v50 =	vshll.u32 v42, $0x10  }
0x15b: {  	v51 =	vshll.u32 v21, $0x10;
	v19 =	vld.idx.msk [tilespmem:v19+s19+$0x0], $0xffff;
	v52 =	vshll.u32 v40, $0x10;
	v53 =	vshll.u32 v30, $0x10  }
0x15c: {  	v37 =	vmul.f32 v48, v10;
	v41 =	vsub.f32 v51, v50;
	v20 =	vld.idx.msk [tilespmem:v20+s19+$0x0], $0xffff;
	v44 =	vsub.f32 v53, v52  }
0x15d: {  	v32 =	vadd.s32 $0x10081, v9;
	v9 =	vmovc v15;
	v1 =	vmul.f32 v1, v7;
	v0 =	vmul.f32 v0, v7;
	v15 =	vld.idx.msk [tilespmem:v2+s19+$0x0], $0xffff  }
0x15e: {  	v37 =	vadd.f32 v37, v59;
	v41 =	vmul.f32 v41, v5;
	v44 =	vmul.f32 v44, v5  }
0x15f: {  	v1 =	vadd.f32 v34, v1;
	v0 =	vadd.f32 v63, v0  }
0x160: {  	v54 =	vadd.s32 $0x8000, v29;
	v58 =	vadd.f32 v50, v41;
	v59 =	vadd.f32 v52, v44  }
0x161: {  	v55 =	vadd.s32 $0x8001, v28;
	v0 =	vsub.f32 v0, v1;
	v38 =	vsub.f32 v38, v20  }
0x162: {  	v56 =	vmul.f32 v37, v35;
	v37 =	vsub.f32 v59, v58;
	v15 =	vsub.f32 v15, v19  }
0x163: {  	v57 =	vadd.s32 $0x200, v22;
	v0 =	vmul.f32 v0, v9;
	v38 =	vmul.f32 v38, v23  }
0x164: {  	v61 =	vadd.s32 $0x8080, v29;
	v37 =	vmul.f32 v37, v18;
	v15 =	vmul.f32 v15, v11  }
0x165: {  	v60 =	vadd.s32 $0x201, v22;
	[tilespmem:s24+$0x19E00] =	vst v56;
	v0 =	vadd.f32 v0, v1;
	v20 =	vadd.f32 v38, v20  }
0x166: {  	v63 =	vadd.s32 $0x8081, v28;
	v62 =	vld.idx.msk [tilespmem:v54+s3+$0x0], $0xffff;
	v1 =	vadd.f32 v15, v19;
	v19 =	vadd.f32 v37, v58  }
0x167: {  	v49 =	vadd.s32 $0x380, v17;
	v48 =	vld.idx.msk [tilespmem:v55+s3+$0x0], $0xffff  }
0x168: {  	v50 =	vadd.s32 $0x381, v17;
	v35 =	vld.idx.msk [tilespmem:v57+s19+$0x0], $0xffff;
	v19 =	vmul.f32 v19, v20  }
0x169: {  	v25 =	vadd.s32 $0x10080, v24;
	v30 =	vand.u32 $0xFFFF0000, v30;
	v0 =	vmul.f32 v1, v0;
	v1 =	vld.idx.msk [tilespmem:v61+s3+$0x0], $0xffff  }
0x16a: {  	v54 =	vand.u32 $0xFFFF0000, v42;
	v39 =	vld.idx.msk [tilespmem:v60+s19+$0x0], $0xffff;
	[tilespmem:s28+$0x0] =	vst v19;
	v19 =	vand.u32 $0xFFFF0000, v21;
	v21 =	vand.u32 $0xFFFF0000, v40  }
0x16b: {  	v12 =	vadd.s32 $0x400, v4;
	v52 =	vld.idx.msk [tilespmem:v63+s3+$0x0], $0xffff;
	v19 =	vsub.f32 v19, v54;
	v30 =	vsub.f32 v30, v21  }
0x16c: {  	v13 =	vadd.s32 $0x401, v4;
	v51 =	vshll.u32 v62, $0x10;
	v15 =	vadd.s32 v22, v33;
	v36 =	vld.idx.msk [tilespmem:v49+s19+$0x0], $0xffff  }
0x16d: {  	v53 =	vshll.u32 v48, $0x10;
	[tilespmem:s23+$0x1AE00] =	vst v0;
	v33 =	vld.idx.msk [tilespmem:v50+s19+$0x0], $0xffff;
	v19 =	vmul.f32 v19, v5;
	v30 =	vmul.f32 v30, v5  }
0x16e: {  	v16 =	vadd.s32 $0x10000, v24;
	v38 =	vsub.f32 v53, v51;
	v25 =	vld.idx.msk [tilespmem:v25+s3+$0x0], $0xffff;
	v56 =	vshll.u32 v1, $0x10  }
0x16f: {  	v32 =	vld.idx.msk [tilespmem:v32+s3+$0x0], $0xffff;
	v58 =	vand.u32 $0xFFFF0000, v1;
	v41 =	vadd.f32 v54, v19;
	v1 =	vadd.f32 v21, v30  }
0x170: {  	v55 =	vand.u32 $0xFFFF0000, v48;
	v38 =	vmul.f32 v38, v3;
	v20 =	vand.u32 $0xFFFF0000, v62;
	v12 =	vld.idx.msk [tilespmem:v12+s19+$0x0], $0xffff  }
0x171: {  	v46 =	vadd.s32 $0x281, v22;
	v40 =	vsub.f32 v55, v20;
	v30 =	vsub.f32 v1, v41;
	v1 =	vld [tilespmem:$0x1FDB0]  }
0x172: {  	v45 =	vadd.s32 $0x280, v22;
	v43 =	vshll.u32 v52, $0x10;
	v34 =	vadd.f32 v51, v38;
	v13 =	vld.idx.msk [tilespmem:v13+s19+$0x0], $0xffff  }
0x173: {  	v0 =	vand.u32 $0xFFFF0000, v52;
	v40 =	vmul.f32 v40, v3;
	v57 =	vsub.f32 v43, v56  }
0x174: {  	v52 =	vand.u32 $0xFFFFFF80, v15;
	v55 =	vand.u32 $0x7F, v22;
	v0 =	vsub.f32 v0, v58  }
0x175: {  	v21 =	vsub.f32 v39, v35;
	v19 =	vadd.f32 v20, v40;
	v20 =	vld.idx.msk [tilespmem:v16+s3+$0x0], $0xffff;
	v16 =	vmul.f32 v57, v3  }
0x176: {  	v33 =	vsub.f32 v33, v36;
	v0 =	vmul.f32 v0, v3;
	v49 =	vshll.u32 v25, $0x10  }
0x177: {  	v51 =	vshll.u32 v32, $0x10;
	v13 =	vsub.f32 v13, v12;
	v30 =	vmul.f32 v30, v18  }
0x178: {  	v37 =	vand.u32 $0xFFFF0000, v25;
	v60 =	vmul.f32 v33, v23;
	v16 =	vadd.f32 v56, v16  }
0x179: {  	v30 =	vadd.f32 v30, v41;
	v59 =	vld.idx.msk [tilespmem:v1+s3+$0x0], $0xffff;
	v1 =	vadd.s32 v17, v31;
	v17 =	vand.u32 $0x7F, v17  }
0x17a: {  	v31 =	vadd.f32 v60, v36;
	v61 =	vand.u32 $0xFFFFFF80, v1;
	v63 =	vadd.s32 $0x10001, v1  }
0x17b: {  	s0 =	simm.s32 $0x18650;
	v21 =	vmul.f32 v21, v14;
	v50 =	vadd.s32 $0x10081, v1;
	v17 =	vor.u32 v17, v61  }
0x17c: {  	v57 =	vld [tilespmem:s0+$0x0];
	v16 =	vsub.f32 v16, v34;
	v30 =	vmul.f32 v31, v30;
	v33 =	vadd.s32 $0x10000, v17  }
0x17d: {  	v53 =	vsub.f32 v51, v49;
	v0 =	vadd.f32 v58, v0;
	v47 =	vadd.s32 $0x10080, v17  }
0x17e: {  	v13 =	vmul.f32 v13, v7;
	v56 =	vadd.s32 $0x400, v6;
	v16 =	vmul.f32 v16, v10;
	[tilespmem:s28+$0x400] =	vst v30  }
0x17f: {  	v21 =	vadd.f32 v21, v35;
	v62 =	vshll.u32 v20, $0x10;
	v48 =	vshll.u32 v59, $0x10;
	v38 =	vld.idx.msk [tilespmem:v63+s3+$0x0], $0xffff  }
0x180: {  	v35 =	vmul.f32 v53, v11;
	v16 =	vadd.f32 v16, v34;
	v39 =	vsub.f32 v48, v62;
	v36 =	vld.idx.msk [tilespmem:v50+s3+$0x0], $0xffff  }
0x181: {  	v0 =	vsub.f32 v0, v19;
	v12 =	vadd.f32 v13, v12;
	v41 =	vmul.f32 $6.350000000e+01, v57;
	v33 =	vld.idx.msk [tilespmem:v33+s3+$0x0], $0xffff  }
0x182: {  	v35 =	vadd.f32 v49, v35;
	v21 =	vmul.f32 v16, v21;
	v54 =	vmul.f32 v39, v11;
	v31 =	vld.idx.msk [tilespmem:v47+s3+$0x0], $0xffff  }
0x183: {  	s5 =	simm.s32 $0x18A50;
	v49 =	vand.u32 $0xFFFF0000, v32;
	v30 =	vmul.f32 v0, v10;
	v0 =	vadd.s32 $0x401, v6  }
0x184: {  	v58 =	vld [tilespmem:s5+$0x0];
	v41 =	vadd.f32 $6.350000000e+01, v41;
	v16 =	vor.u32 v55, v52;
	[tilespmem:s24+$0x1A200] =	vst v21;
	v34 =	vadd.f32 v62, v54  }
0x185: {  	v52 =	vsub.f32 v49, v37;
	v55 =	vadd.s32 $0x481, v6;
	v21 =	vand.u32 $0xFFFF0000, v20;
	v42 =	vld.idx.msk [tilespmem:v45+s19+$0x0], $0xffff  }
0x186: {  	v20 =	vand.u32 $0xFFFF0000, v59;
	v59 =	vld.idx.msk [tilespmem:v46+s19+$0x0], $0xffff;
	[tilespmem:$0x1FDD0] =	vst v9;
	v60 =	vshll.u32 v38, $0x10;
	v13 =	vsub.f32 v35, v34  }
0x187: {  	v40 =	vld.idx.msk [tilespmem:v56+s19+$0x0], $0xffff;
	v62 =	vshll.u32 v36, $0x10;
	v25 =	vshll.u32 v33, $0x10;
	v61 =	vshll.u32 v31, $0x10  }
0x188: {  	v0 =	vld.idx.msk [tilespmem:v0+s19+$0x0], $0xffff;
	v13 =	vmul.f32 v13, v9;
	v43 =	vsub.f32 v60, v25;
	v45 =	vsub.f32 v62, v61  }
0x189: {  	v20 =	vsub.f32 v20, v21;
	v50 =	vtrunc.f32 v41;
	v39 =	vmul.f32 $6.350000000e+01, v58  }
0x18a: {  	v13 =	vadd.f32 v13, v34;
	v63 =	vmul.f32 v43, v23;
	v48 =	vmul.f32 v45, v23  }
0x18b: {  	v46 =	vmul.f32 v20, v11;
	v39 =	vadd.f32 $6.350000000e+01, v39;
	v54 =	vadd.s32 $0x480, v6  }
0x18c: {  	v32 =	vmul.f32 v13, v12;
	v12 =	vadd.f32 v25, v63;
	v13 =	vadd.f32 v61, v48  }
0x18d: {  	v58 =	vand.u32 $0xFFFF0000, v38;
	v51 =	vtrunc.f32 v39;
	v0 =	vsub.f32 v0, v40  }
0x18e: {  	s7 =	simm.s32 $0x18E50;
	v36 =	vand.u32 $0xFFFF0000, v36;
	v35 =	vcvt.f32.s32 v51;
	v13 =	vsub.f32 v13, v12  }
0x18f: {  	v53 =	vld [tilespmem:s7+$0x0];
	v57 =	vand.u32 $0xFFFF0000, v33;
	v34 =	vcvt.f32.s32 v50;
	v0 =	vmul.f32 v0, v5  }
0x190: {  	v31 =	vand.u32 $0xFFFF0000, v31;
	v25 =	vsub.f32 v59, v42;
	v13 =	vmul.f32 v13, v18  }
0x191: {  	vm10 =	vlt.s32 v35, $0x7E;
	vm11 =	vlt.s32 v34, $0x7E;
	v0 =	vadd.f32 v0, v40  }
0x192: {  	v44 =	vmul.f32 v25, v14;
	v25 =	vnsel vm10, $0x7E, v35;
	v12 =	vadd.f32 v13, v12  }
0x193: {  	v60 =	vld [tilespmem:s5+$0xFFFFFFF0];
	v33 =	vsub.f32 v58, v57;
	v20 =	vnsel vm11, $0x7E, v34;
	v13 =	vshll.u32 v25, $0x7  }
0x194: {  	v59 =	vmul.f32 $6.350000000e+01, v53;
	v13 =	vadd.s32 v20, v13;
	v12 =	vmul.f32 v12, v0  }
0x195: {  	v61 =	vand.u32 $0xFFFFFF80, v13;
	v0 =	vand.u32 $0x7F, v20;
	v62 =	vadd.s32 $0x1, v13  }
0x196: {  	v49 =	vld [tilespmem:s0+$0xFFFFFFF0];
	v36 =	vsub.f32 v36, v31;
	v63 =	vadd.s32 $0x81, v13;
	v35 =	vor.u32 v0, v61;
	[tilespmem:s28+$0x800] =	vst v12  }
0x197: {  	v43 =	vmul.f32 v52, v11;
	v12 =	vadd.f32 $6.350000000e+01, v59;
	v56 =	vadd.s32 $0x80, v35;
	v47 =	vld.idx.msk [tilespmem:v54+s19+$0x0], $0xffff  }
0x198: {  	v36 =	vmul.f32 v36, v23;
	v53 =	vadd.f32 v30, v19;
	v19 =	vmul.f32 $6.350000000e+01, v60;
	v34 =	vld.idx.msk [tilespmem:v55+s19+$0x0], $0xffff  }
0x199: {  	v46 =	vadd.f32 v21, v46;
	v61 =	vmul.f32 v33, v23;
	v59 =	vtrunc.f32 v12;
	v52 =	vld.idx.msk [tilespmem:v13+s3+$0x0], $0xffff  }
0x19a: {  	v42 =	vadd.f32 v44, v42;
	v33 =	vadd.f32 $6.350000000e+01, v19;
	v60 =	vcvt.f32.s32 v59;
	v38 =	vld.idx.msk [tilespmem:v62+s3+$0x0], $0xffff  }
0x19b: {  	v26 =	vadd.s32 $0x481, v4;
	v19 =	vadd.f32 v31, v36;
	v21 =	vadd.f32 v57, v61;
	v45 =	vld.idx.msk [tilespmem:v63+s3+$0x0], $0xffff  }
0x19c: {  	v36 =	vadd.f32 v37, v43;
	v57 =	vmul.f32 $6.350000000e+01, v49;
	vm12 =	vlt.s32 v60, $0x7E;
	v48 =	vld.idx.msk [tilespmem:v56+s3+$0x0], $0xffff  }
0x19d: {  	v62 =	vcvt.s32.f32 v20;
	v44 =	vsub.f32 v19, v21;
	v31 =	vnsel vm12, $0x7E, v60  }
0x19e: {  	v58 =	vtrunc.f32 v33;
	v36 =	vsub.f32 v36, v46;
	v63 =	vadd.s32 $0x1, v31  }
0x19f: {  	v40 =	vcvt.f32.s32 v58;
	v19 =	vsub.f32 v41, v62;
	v44 =	vmul.f32 v44, v18  }
0x1a0: {  	v34 =	vsub.f32 v34, v47;
	v30 =	vshll.u32 v52, $0x10;
	v59 =	vshll.u32 v38, $0x10  }
0x1a1: {  	v60 =	vshll.u32 v45, $0x10;
	v41 =	vsub.f32 v59, v30;
	v61 =	vshll.u32 v48, $0x10  }
0x1a2: {  	v54 =	vadd.f32 $6.350000000e+01, v57;
	v57 =	vcvt.s32.f32 v25;
	v51 =	vld.idx.msk [tilespmem:v31+s19+$0x0], $0xffff;
	v49 =	vsub.f32 v60, v61  }
0x1a3: {  	v62 =	vadd.f32 v44, v21;
	v34 =	vmul.f32 v34, v5;
	v21 =	vmul.f32 v41, v19;
	v37 =	vld.idx.msk [tilespmem:v63+s19+$0x0], $0xffff  }
0x1a4: {  	v27 =	vadd.s32 $0x480, v4;
	v36 =	vmul.f32 v36, v9;
	v63 =	vmul.f32 v49, v19  }
0x1a5: {  	v58 =	vcvt.s32.f32 v31;
	v34 =	vadd.f32 v34, v47;
	v60 =	vadd.f32 v30, v21  }
0x1a6: {  	v59 =	vtrunc.f32 v54;
	v30 =	vsub.f32 v39, v57;
	v41 =	vadd.f32 v61, v63  }
0x1a7: {  	v21 =	vsub.f32 v12, v58;
	v39 =	vadd.s32 $0x14000, v17;
	v61 =	vcvt.f32.s32 v59  }
0x1a8: {  	v59 =	vadd.s32 $0x14001, v1;
	v12 =	vsub.f32 v41, v60;
	v37 =	vsub.f32 v37, v51  }
0x1a9: {  	vm13 =	vlt.s32 v40, $0x7E;
	v34 =	vmul.f32 v34, v62;
	v62 =	vld [tilespmem:s7+$0xFFFFFFF0];
	v63 =	vadd.s32 $0x14080, v17  }
0x1aa: {  	v1 =	vadd.s32 $0x14081, v1;
	v12 =	vmul.f32 v12, v30;
	v37 =	vmul.f32 v37, v21  }
0x1ab: {  	v44 =	vadd.s32 $0x500, v6;
	v58 =	vadd.s32 $0x80, v31;
	[tilespmem:s28+$0xC00] =	vst v34;
	v17 =	vnsel vm13, $0x7E, v40  }
0x1ac: {  	vm14 =	vlt.s32 v61, $0x7E;
	v50 =	vld.idx.msk [tilespmem:v39+s3+$0x0], $0xffff;
	v56 =	vadd.f32 v12, v60;
	v57 =	vadd.f32 v37, v51  }
0x1ad: {  	v39 =	vmul.f32 v42, v53;
	v42 =	vld.idx.msk [tilespmem:v59+s3+$0x0], $0xffff;
	v12 =	vnsel vm14, $0x7E, v61;
	v61 =	vadd.s32 $0x81, v31  }
0x1ae: {  	v43 =	vmul.f32 $6.350000000e+01, v62;
	v41 =	vld.idx.msk [tilespmem:v63+s3+$0x0], $0xffff;
	v63 =	vand.u32 $0xFFFF0000, v52;
	v34 =	vmul.f32 v56, v57  }
0x1af: {  	v40 =	vld.idx.msk [tilespmem:v1+s3+$0x0], $0xffff;
	v1 =	vand.u32 $0xFFFF0000, v38;
	v59 =	vand.u32 $0xFFFF0000, v45;
	v60 =	vshll.u32 v17, $0x7  }
0x1b0: {  	v1 =	vsub.f32 v1, v63;
	v37 =	vadd.s32 v12, v60;
	v60 =	vand.u32 $0xFFFF0000, v48;
	[tilespmem:s30+$0xFFFFE800] =	vst v34  }
0x1b1: {  	v53 =	vadd.s32 $0x501, v6;
	v43 =	vadd.f32 $6.350000000e+01, v43;
	v48 =	vsub.f32 v59, v60;
	v49 =	vld.idx.msk [tilespmem:v58+s19+$0x0], $0xffff  }
0x1b2: {  	v62 =	vand.u32 $0xFFFFFF80, v37;
	v52 =	vadd.s32 $0x1, v37;
	v1 =	vmul.f32 v1, v19;
	v51 =	vld.idx.msk [tilespmem:v61+s19+$0x0], $0xffff  }
0x1b3: {  	v55 =	vshll.u32 v50, $0x10;
	v34 =	vand.u32 $0x7F, v12;
	v48 =	vmul.f32 v48, v19  }
0x1b4: {  	v57 =	vshll.u32 v41, $0x10;
	v1 =	vadd.f32 v63, v1;
	v38 =	vor.u32 v34, v62  }
0x1b5: {  	v61 =	vshll.u32 v42, $0x10;
	v62 =	vshll.u32 v40, $0x10;
	v45 =	vadd.f32 v60, v48  }
0x1b6: {  	v47 =	vadd.s32 $0x81, v37;
	v63 =	vsub.f32 v61, v55;
	v60 =	vsub.f32 v62, v57  }
0x1b7: {  	v41 =	vand.u32 $0xFFFF0000, v41;
	v45 =	vsub.f32 v45, v1;
	v51 =	vsub.f32 v51, v49  }
0x1b8: {  	v44 =	vld.idx.msk [tilespmem:v44+s19+$0x0], $0xffff;
	v42 =	vand.u32 $0xFFFF0000, v42;
	v48 =	vmul.f32 v63, v23;
	v56 =	vmul.f32 v60, v23  }
0x1b9: {  	v53 =	vld.idx.msk [tilespmem:v53+s19+$0x0], $0xffff;
	v58 =	vadd.s32 $0x80, v38;
	v45 =	vmul.f32 v45, v30;
	v51 =	vmul.f32 v51, v21  }
0x1ba: {  	v40 =	vand.u32 $0xFFFF0000, v40;
	v52 =	vld.idx.msk [tilespmem:v52+s3+$0x0], $0xffff;
	v48 =	vadd.f32 v55, v48;
	v55 =	vadd.f32 v57, v56  }
0x1bb: {  	v59 =	vld.idx.msk [tilespmem:v37+s3+$0x0], $0xffff;
	v61 =	vadd.s32 $0x4000, v35;
	v1 =	vadd.f32 v45, v1;
	v45 =	vadd.f32 v51, v49  }
0x1bc: {  	v35 =	vadd.s32 $0x4080, v35;
	v60 =	vtrunc.f32 v43;
	v63 =	vadd.s32 $0x4001, v13  }
0x1bd: {  	v47 =	vld.idx.msk [tilespmem:v47+s3+$0x0], $0xffff;
	v62 =	vcvt.f32.s32 v60;
	v55 =	vsub.f32 v55, v48;
	v45 =	vmul.f32 v45, v1  }
0x1be: {  	v40 =	vsub.f32 v40, v41;
	v13 =	vadd.s32 $0x4081, v13;
	v51 =	vld.idx.msk [tilespmem:v58+s3+$0x0], $0xffff;
	v58 =	vsub.f32 v53, v44  }
0x1bf: {  	vm15 =	vlt.s32 v62, $0x7E;
	v60 =	vshll.u32 v52, $0x10;
	v55 =	vmul.f32 v55, v18;
	[tilespmem:s30+$0xFFFFEC00] =	vst v45  }
0x1c0: {  	v53 =	vshll.u32 v59, $0x10;
	v1 =	vadd.f32 v36, v46;
	v46 =	vmul.f32 v58, v5;
	v49 =	vld.idx.msk [tilespmem:v61+s3+$0x0], $0xffff  }
0x1c1: {  	v56 =	vsub.f32 v60, v53;
	v60 =	vadd.s32 $0x100, v31;
	v48 =	vadd.f32 v55, v48;
	v55 =	vld.idx.msk [tilespmem:v63+s3+$0x0], $0xffff  }
0x1c2: {  	v36 =	vnsel vm15, $0x7E, v62;
	v45 =	vcvt.s32.f32 v12;
	v44 =	vadd.f32 v46, v44;
	v57 =	vld.idx.msk [tilespmem:v35+s3+$0x0], $0xffff  }
0x1c3: {  	v46 =	vshll.u32 v47, $0x10;
	v58 =	vshll.u32 v51, $0x10;
	v35 =	vand.u32 $0xFFFF0000, v50;
	v50 =	vld.idx.msk [tilespmem:v13+s3+$0x0], $0xffff  }
0x1c4: {  	v13 =	vcvt.s32.f32 v17;
	v4 =	vsub.f32 v54, v45;
	v46 =	vsub.f32 v46, v58  }
0x1c5: {  	v45 =	vadd.s32 $0x101, v31;
	v44 =	vmul.f32 v48, v44;
	v42 =	vsub.f32 v42, v35  }
0x1c6: {  	[tilespmem:s23+$0x1B200] =	vst v32;
	v48 =	vadd.s32 $0x1, v36;
	v13 =	vsub.f32 v33, v13;
	v46 =	vmul.f32 v46, v4  }
0x1c7: {  	v2 =	vld [tilespmem:$0x1FDC0];
	v33 =	vmul.f32 v56, v4;
	v54 =	vshll.u32 v49, $0x10;
	v56 =	vshll.u32 v55, $0x10  }
0x1c8: {  	v60 =	vld.idx.msk [tilespmem:v60+s19+$0x0], $0xffff;
	v61 =	vshll.u32 v57, $0x10;
	v62 =	vshll.u32 v50, $0x10;
	v46 =	vadd.f32 v58, v46  }
0x1c9: {  	v32 =	vadd.s32 $0x14080, v24;
	v58 =	vld.idx.msk [tilespmem:v36+s19+$0x0], $0xffff;
	v56 =	vsub.f32 v56, v54;
	v62 =	vsub.f32 v62, v61  }
0x1ca: {  	v40 =	vmul.f32 v40, v23;
	v42 =	vmul.f32 v42, v23;
	v53 =	vadd.f32 v53, v33;
	v45 =	vld.idx.msk [tilespmem:v45+s19+$0x0], $0xffff  }
0x1cb: {  	v33 =	vadd.s32 $0x14000, v24;
	v48 =	vld.idx.msk [tilespmem:v48+s19+$0x0], $0xffff;
	v56 =	vmul.f32 v56, v19;
	v24 =	vmul.f32 v62, v19  }
0x1cc: {  	v63 =	vcvt.s32.f32 v36;
	v42 =	vadd.f32 v35, v42;
	v35 =	vadd.s32 $0x14001, v2;
	v62 =	vld.idx.msk [tilespmem:v27+s19+$0x0], $0xffff  }
0x1cd: {  	v27 =	vadd.s32 $0x14081, v2;
	v2 =	vld.idx.msk [tilespmem:v26+s19+$0x0], $0xffff;
	v54 =	vadd.f32 v54, v56;
	v26 =	vadd.f32 v61, v24  }
0x1ce: {  	v8 =	vmovc v7;
	v47 =	vand.u32 $0xFFFF0000, v47;
	v7 =	vsub.f32 v43, v63;
	v46 =	vsub.f32 v46, v53  }
0x1cf: {  	v51 =	vand.u32 $0xFFFF0000, v51;
	v45 =	vsub.f32 v45, v60;
	v26 =	vsub.f32 v26, v54  }
0x1d0: {  	v23 =	vsub.f32 v47, v51;
	v61 =	vmul.f32 v46, v13;
	v48 =	vsub.f32 v48, v58  }
0x1d1: {  	v56 =	vadd.s32 $0xC081, v28;
	v45 =	vmul.f32 v45, v21;
	v26 =	vmul.f32 v26, v30  }
0x1d2: {  	v43 =	vadd.f32 v61, v53;
	v2 =	vsub.f32 v2, v62;
	v63 =	vmul.f32 v48, v7  }
0x1d3: {  	v48 =	vadd.s32 $0x180, v31;
	v45 =	vadd.f32 v45, v60;
	v26 =	vadd.f32 v26, v54  }
0x1d4: {  	v53 =	vadd.s32 $0xC001, v28;
	v28 =	vadd.f32 v63, v58;
	v58 =	vadd.s32 $0x181, v31  }
0x1d5: {  	v50 =	vand.u32 $0xFFFF0000, v50;
	v60 =	vmul.f32 v2, v8;
	v2 =	vmul.f32 v26, v45  }
0x1d6: {  	[tilespmem:$0x1FE10] =	vst v8;
	v28 =	vmul.f32 v43, v28;
	v26 =	vadd.s32 $0x580, v6;
	v45 =	vadd.s32 $0x581, v6  }
0x1d7: {  	v9 =	vld [tilespmem:$0x1FDE0];
	v6 =	vand.u32 $0xFFFF0000, v49;
	v49 =	vand.u32 $0xFFFF0000, v57;
	[tilespmem:s30+$0xFFFFF000] =	vst v2;
	v2 =	vand.u32 $0xFFFF0000, v55  }
0x1d8: {  	v43 =	vadd.s32 $0x81, v36;
	v50 =	vsub.f32 v50, v49;
	v48 =	vld.idx.msk [tilespmem:v48+s19+$0x0], $0xffff;
	v2 =	vsub.f32 v2, v6  }
0x1d9: {  	v23 =	vmul.f32 v23, v4;
	v55 =	vadd.s32 $0x80, v36;
	v61 =	vld.idx.msk [tilespmem:v58+s19+$0x0], $0xffff  }
0x1da: {  	v50 =	vmul.f32 v50, v19;
	v2 =	vmul.f32 v2, v19  }
0x1db: {  	v40 =	vadd.f32 v41, v40;
	v52 =	vand.u32 $0xFFFF0000, v52;
	v51 =	vadd.f32 v51, v23  }
0x1dc: {  	v59 =	vand.u32 $0xFFFF0000, v59;
	[tilespmem:s30+$0xFFFFE7F0] =	vst v28;
	v28 =	vadd.f32 v6, v2;
	v2 =	vadd.f32 v49, v50  }
0x1dd: {  	v40 =	vsub.f32 v40, v42;
	v43 =	vld.idx.msk [tilespmem:v43+s19+$0x0], $0xffff;
	v6 =	vsub.f32 v52, v59  }
0x1de: {  	[tilespmem:s28+$0x1000] =	vst v44;
	v47 =	vld.idx.msk [tilespmem:v55+s19+$0x0], $0xffff;
	v55 =	vsub.f32 v61, v48;
	v49 =	vsub.f32 v2, v28;
	v2 =	vshll.u32 v31, $0x7  }
0x1df: {  	v46 =	vadd.s32 $0xC000, v29;
	v26 =	vld.idx.msk [tilespmem:v26+s19+$0x0], $0xffff;
	v57 =	vmul.f32 v6, v4;
	v6 =	vadd.s32 v20, v2  }
0x1e0: {  	v45 =	vld.idx.msk [tilespmem:v45+s19+$0x0], $0xffff;
	v61 =	vmul.f32 v55, v21;
	v58 =	vmul.f32 v49, v30;
	v55 =	vand.u32 $0xFFFFFF80, v6  }
0x1e1: {  	v29 =	vadd.s32 $0xC080, v29;
	v31 =	vadd.f32 v59, v57;
	v23 =	vor.u32 v0, v55  }
0x1e2: {  	v57 =	vadd.f32 v61, v48;
	v0 =	vadd.f32 v58, v28;
	v58 =	vadd.s32 $0x8000, v23  }
0x1e3: {  	[tilespmem:s24+$0x1A600] =	vst v39;
	v43 =	vsub.f32 v43, v47  }
0x1e4: {  	v18 =	vmul.f32 v40, v18;
	v46 =	vld.idx.msk [tilespmem:v46+s3+$0x0], $0xffff;
	v59 =	vsub.f32 v51, v31;
	v0 =	vmul.f32 v57, v0  }
0x1e5: {  	v45 =	vsub.f32 v45, v26;
	v61 =	vadd.s32 $0x8001, v6;
	v43 =	vmul.f32 v43, v7  }
0x1e6: {  	v24 =	vadd.s32 $0x500, v9;
	v29 =	vld.idx.msk [tilespmem:v29+s3+$0x0], $0xffff;
	v52 =	vadd.s32 $0x8080, v23;
	v39 =	vmul.f32 v59, v13;
	[tilespmem:s30+$0xFFFFF400] =	vst v0  }
0x1e7: {  	v55 =	vadd.s32 $0x8081, v6;
	v57 =	vadd.f32 v43, v47;
	v47 =	vld.idx.msk [tilespmem:v58+s3+$0x0], $0xffff;
	v58 =	vmul.f32 v45, v5  }
0x1e8: {  	v18 =	vadd.f32 v18, v42;
	v54 =	vadd.s32 $0x300, v22;
	v28 =	vld.idx.msk [tilespmem:v53+s3+$0x0], $0xffff;
	v31 =	vadd.f32 v39, v31  }
0x1e9: {  	v41 =	vshll.u32 v46, $0x10;
	v0 =	vadd.s32 $0x4000, v38;
	v26 =	vadd.f32 v58, v26  }
0x1ea: {  	s26 =	simm.s32 $0x40;
	v46 =	vand.u32 $0xFFFF0000, v46;
	v59 =	vadd.s32 $0x4001, v37;
	v48 =	vld.idx.msk [tilespmem:v61+s3+$0x0], $0xffff;
	v31 =	vmul.f32 v57, v31  }
0x1eb: {  	s26 =	sand.u32 $0x3E0, s26;
	v63 =	vmovc v8;
	v50 =	vadd.s32 $0x301, v22;
	v38 =	vadd.s32 $0x4080, v38;
	v39 =	vld.idx.msk [tilespmem:v52+s3+$0x0], $0xffff;
	v8 =	vmul.f32 v26, v18  }
0x1ec: {  	v49 =	vadd.s32 $0x200, v25;
	v51 =	vshll.u32 v29, $0x10;
	v37 =	vadd.s32 $0x4081, v37;
	v40 =	vld.idx.msk [tilespmem:v55+s3+$0x0], $0xffff;
	[tilespmem:s26+$0x19600] =	vst v31  }
0x1ed: {  	v44 =	vld.idx.msk [tilespmem:v56+s3+$0x0], $0xffff;
	v53 =	vadd.s32 $0x101, v36;
	v5 =	vadd.f32 v60, v62;
	v42 =	vshll.u32 v28, $0x10;
	[tilespmem:$0x1FFC0] =	vst v8  }
0x1ee: {  	v43 =	vshll.u32 v36, $0x7;
	v28 =	vand.u32 $0xFFFF0000, v28;
	v42 =	vsub.f32 v42, v41;
	v52 =	vld.idx.msk [tilespmem:v0+s3+$0x0], $0xffff  }
0x1ef: {  	v28 =	vsub.f32 v28, v46;
	v1 =	vmul.f32 v5, v1;
	v0 =	vadd.s32 $0x201, v25;
	v45 =	vld.idx.msk [tilespmem:v59+s3+$0x0], $0xffff  }
0x1f0: {  	v31 =	vadd.s32 v12, v43;
	v42 =	vmul.f32 v42, v3;
	v60 =	vshll.u32 v48, $0x10;
	v55 =	vld.idx.msk [tilespmem:v38+s3+$0x0], $0xffff  }
0x1f1: {  	v61 =	vshll.u32 v40, $0x10;
	v38 =	vshll.u32 v47, $0x10;
	v57 =	vld.idx.msk [tilespmem:v37+s3+$0x0], $0xffff;
	v37 =	vshll.u32 v39, $0x10  }
0x1f2: {  	v49 =	vld.idx.msk [tilespmem:v49+s19+$0x0], $0xffff;
	v56 =	vsub.f32 v60, v38;
	v58 =	vsub.f32 v61, v37;
	v60 =	vshll.u32 v44, $0x10  }
0x1f3: {  	v26 =	vadd.s32 $0x100, v36;
	v62 =	vand.u32 $0xFFFFFF80, v31;
	v54 =	vld.idx.msk [tilespmem:v54+s19+$0x0], $0xffff;
	v59 =	vsub.f32 v60, v51  }
0x1f4: {  	v34 =	vor.u32 v34, v62;
	v56 =	vmul.f32 v56, v19;
	v58 =	vmul.f32 v58, v19;
	v0 =	vld.idx.msk [tilespmem:v0+s19+$0x0], $0xffff  }
0x1f5: {  	v42 =	vadd.f32 v41, v42;
	v50 =	vld.idx.msk [tilespmem:v50+s19+$0x0], $0xffff;
	v59 =	vmul.f32 v59, v3;
	v60 =	vshll.u32 v52, $0x10  }
0x1f6: {  	v38 =	vadd.f32 v38, v56;
	v61 =	vshll.u32 v45, $0x10;
	v37 =	vadd.f32 v37, v58  }
0x1f7: {  	v62 =	vand.u32 $0xFFFF0000, v48;
	v41 =	vshll.u32 v55, $0x10;
	v56 =	vsub.f32 v61, v60  }
0x1f8: {  	v58 =	vshll.u32 v57, $0x10;
	v51 =	vadd.f32 v51, v59;
	v37 =	vsub.f32 v37, v38  }
0x1f9: {  	v47 =	vand.u32 $0xFFFF0000, v47;
	v59 =	vld.idx.msk [tilespmem:v26+s19+$0x0], $0xffff;
	v26 =	vsub.f32 v58, v41;
	v61 =	vsub.f32 v0, v49  }
0x1fa: {  	v53 =	vld.idx.msk [tilespmem:v53+s19+$0x0], $0xffff;
	v50 =	vsub.f32 v50, v54;
	v52 =	vand.u32 $0xFFFF0000, v52;
	v37 =	vmul.f32 v37, v21  }
0x1fb: {  	v45 =	vand.u32 $0xFFFF0000, v45;
	v58 =	vmul.f32 v61, v30;
	v61 =	vmul.f32 v26, v4  }
0x1fc: {  	v48 =	vmul.f32 v50, v14;
	v50 =	vsub.f32 v62, v47;
	v38 =	vadd.f32 v37, v38  }
0x1fd: {  	v49 =	vadd.f32 v58, v49;
	v58 =	vadd.f32 v41, v61;
	v41 =	vadd.s32 $0x280, v25  }
0x1fe: {  	v45 =	vsub.f32 v45, v52;
	v56 =	vmul.f32 v56, v4;
	v61 =	vadd.s32 $0x281, v25  }
0x1ff: {  	v50 =	vmul.f32 v50, v19;
	v53 =	vsub.f32 v53, v59;
	v49 =	vmul.f32 v38, v49  }
0x200: {  	v62 =	vand.u32 $0xFFFF0000, v40;
	v48 =	vadd.f32 v48, v54;
	v56 =	vadd.f32 v60, v56  }
0x201: {  	v47 =	vadd.f32 v47, v50;
	[tilespmem:s30+$0xFFFFF800] =	vst v49;
	v49 =	vmul.f32 v53, v7;
	v53 =	vand.u32 $0xFFFF0000, v39  }
0x202: {  	v5 =	vadd.s32 $0x300, v25;
	v50 =	vsub.f32 v51, v42;
	v54 =	vld.idx.msk [tilespmem:v41+s19+$0x0], $0xffff;
	v39 =	vsub.f32 v62, v53  }
0x203: {  	v57 =	vand.u32 $0xFFFF0000, v57;
	v58 =	vsub.f32 v58, v56;
	v49 =	vadd.f32 v49, v59;
	v59 =	vld.idx.msk [tilespmem:v61+s19+$0x0], $0xffff  }
0x204: {  	v0 =	vadd.s32 $0x501, v9;
	v60 =	vadd.s32 $0x380, v22;
	v61 =	vmul.f32 v39, v19  }
0x205: {  	v22 =	vadd.s32 $0x381, v22;
	v50 =	vmul.f32 v50, v10;
	v51 =	vmul.f32 v58, v13  }
0x206: {  	v37 =	vadd.s32 $0x10000, v16;
	v26 =	vadd.s32 $0x10001, v15;
	v53 =	vadd.f32 v53, v61  }
0x207: {  	v50 =	vadd.f32 v50, v42;
	v42 =	vadd.s32 $0x201, v17;
	v51 =	vadd.f32 v51, v56  }
0x208: {  	v61 =	vadd.s32 $0x181, v36;
	v53 =	vsub.f32 v53, v47;
	v62 =	vsub.f32 v59, v54  }
0x209: {  	v48 =	vmul.f32 v50, v48;
	v58 =	vadd.s32 $0x180, v36;
	v49 =	vmul.f32 v51, v49  }
0x20a: {  	v38 =	vadd.s32 $0x10080, v16;
	v8 =	vld [tilespmem:$0x1FE50];
	v53 =	vmul.f32 v53, v21;
	v56 =	vmul.f32 v62, v30  }
0x20b: {  	v50 =	vadd.s32 $0x8000, v34;
	v41 =	vadd.s32 $0x10081, v15;
	v51 =	vadd.s32 $0x8001, v31  }
0x20c: {  	[tilespmem:s26+$0x19A00] =	vst v49;
	v47 =	vadd.f32 v53, v47;
	v62 =	vadd.f32 v56, v54;
	v53 =	vadd.s32 $0xC000, v23  }
0x20d: {  	[tilespmem:s24+$0x1AA00] =	vst v48;
	v36 =	vadd.s32 $0x200, v17;
	v48 =	vld.idx.msk [tilespmem:v61+s19+$0x0], $0xffff;
	v54 =	vand.u32 $0xFFFF0000, v55;
	v56 =	vadd.s32 $0xC001, v6  }
0x20e: {  	v55 =	vld.idx.msk [tilespmem:v58+s19+$0x0], $0xffff;
	v23 =	vadd.s32 $0xC080, v23;
	v49 =	vsub.f32 v57, v54;
	v47 =	vmul.f32 v62, v47  }
0x20f: {  	v40 =	vadd.s32 $0x400, v8;
	v59 =	vand.u32 $0xFFFF0000, v29;
	v6 =	vadd.s32 $0xC081, v6;
	v57 =	vld.idx.msk [tilespmem:v60+s19+$0x0], $0xffff  }
0x210: {  	v60 =	vld.idx.msk [tilespmem:v22+s19+$0x0], $0xffff;
	v22 =	vand.u32 $0xFFFF0000, v44;
	v44 =	vmul.f32 v45, v4;
	v61 =	vmul.f32 v49, v4;
	[tilespmem:s30+$0xFFFFFC00] =	vst v47  }
0x211: {  	v9 =	vmovc v4;
	v39 =	vadd.s32 $0x401, v8;
	v29 =	vadd.s32 $0x280, v17;
	v62 =	vsub.f32 v22, v59;
	v47 =	vld.idx.msk [tilespmem:v53+s3+$0x0], $0xffff  }
0x212: {  	v44 =	vadd.f32 v52, v44;
	v4 =	vadd.s32 v17, v43;
	v56 =	vld.idx.msk [tilespmem:v56+s3+$0x0], $0xffff;
	v45 =	vadd.f32 v54, v61  }
0x213: {  	v58 =	vadd.s32 $0x8080, v34;
	v52 =	vld.idx.msk [tilespmem:v23+s3+$0x0], $0xffff;
	[tilespmem:$0x1FE60] =	vst v4;
	v23 =	vmul.f32 v28, v3;
	v54 =	vmul.f32 v62, v3  }
0x214: {  	v49 =	vadd.s32 $0x8081, v31;
	v48 =	vsub.f32 v48, v55;
	v43 =	vld.idx.msk [tilespmem:v6+s3+$0x0], $0xffff;
	v6 =	vsub.f32 v45, v44  }
0x215: {  	v62 =	vand.u32 $0x7F, v17;
	v23 =	vadd.f32 v46, v23;
	v28 =	vadd.f32 v59, v54  }
0x216: {  	v22 =	vmovc v3;
	[tilespmem:s23+$0x1B600] =	vst v1;
	v45 =	vadd.s32 $0x301, v25;
	v46 =	vand.u32 $0xFFFFFF80, v4;
	v48 =	vmul.f32 v48, v7  }
0x217: {  	v35 =	vld.idx.msk [tilespmem:v35+s3+$0x0], $0xffff;
	v3 =	vor.u32 v62, v46;
	v6 =	vmul.f32 v6, v13;
	v1 =	vsub.f32 v28, v23  }
0x218: {  	v28 =	vsub.f32 v60, v57;
	v53 =	vshll.u32 v47, $0x10;
	v54 =	vshll.u32 v56, $0x10  }
0x219: {  	v5 =	vld.idx.msk [tilespmem:v5+s19+$0x0], $0xffff;
	v59 =	vshll.u32 v52, $0x10;
	v47 =	vand.u32 $0xFFFF0000, v47;
	v52 =	vand.u32 $0xFFFF0000, v52  }
0x21a: {  	v33 =	vld.idx.msk [tilespmem:v33+s3+$0x0], $0xffff;
	v60 =	vshll.u32 v43, $0x10;
	v54 =	vsub.f32 v54, v53;
	v6 =	vadd.f32 v6, v44  }
0x21b: {  	v32 =	vld.idx.msk [tilespmem:v32+s3+$0x0], $0xffff;
	v1 =	vmul.f32 v1, v10;
	v28 =	vmul.f32 v28, v14;
	v60 =	vsub.f32 v60, v59  }
0x21c: {  	v43 =	vand.u32 $0xFFFF0000, v43;
	v44 =	vld.idx.msk [tilespmem:v45+s19+$0x0], $0xffff;
	v45 =	vadd.f32 v48, v55;
	v62 =	vand.u32 $0xFFFF0000, v35  }
0x21d: {  	v43 =	vsub.f32 v43, v52;
	v48 =	vmul.f32 v54, v19;
	v61 =	vmul.f32 v60, v19  }
0x21e: {  	v1 =	vadd.f32 v1, v23;
	v28 =	vadd.f32 v28, v57;
	v6 =	vmul.f32 v45, v6  }
0x21f: {  	[tilespmem:$0x1FDF0] =	vst v3;
	v43 =	vmul.f32 v43, v19;
	v46 =	vadd.f32 v53, v48;
	v60 =	vadd.f32 v59, v61  }
0x220: {  	v27 =	vld.idx.msk [tilespmem:v27+s3+$0x0], $0xffff;
	v45 =	vmul.f32 v28, v1;
	v53 =	vshll.u32 v33, $0x10;
	v1 =	vshll.u32 v35, $0x10;
	[tilespmem:s26+$0x19E00] =	vst v6  }
0x221: {  	v35 =	vshll.u32 v32, $0x10;
	v44 =	vsub.f32 v44, v5;
	v48 =	vld.idx.msk [tilespmem:v50+s3+$0x0], $0xffff;
	v61 =	vsub.f32 v60, v46  }
0x222: {  	v6 =	vand.u32 $0xFFFF0000, v33;
	v59 =	vadd.s32 $0x380, v25;
	v43 =	vadd.f32 v52, v43;
	v51 =	vld.idx.msk [tilespmem:v51+s3+$0x0], $0xffff  }
0x223: {  	v52 =	vld.idx.msk [tilespmem:v36+s19+$0x0], $0xffff;
	v36 =	vadd.s32 v25, v2;
	v44 =	vmul.f32 v44, v30;
	v28 =	vmul.f32 v61, v21  }
0x224: {  	v2 =	vand.u32 $0x7F, v25;
	v60 =	vsub.f32 v1, v53;
	v1 =	vand.u32 $0xFFFF0000, v32  }
0x225: {  	v57 =	vand.u32 $0xFFFF0000, v27;
	v5 =	vadd.f32 v44, v5;
	v46 =	vadd.f32 v28, v46  }
0x226: {  	v49 =	vld.idx.msk [tilespmem:v49+s3+$0x0], $0xffff;
	v61 =	vshll.u32 v27, $0x10;
	v27 =	vsub.f32 v62, v6;
	v62 =	vadd.s32 $0x381, v25  }
0x227: {  	v33 =	vmul.f32 v60, v11;
	v25 =	vand.u32 $0xFFFFFF80, v36;
	v5 =	vmul.f32 v46, v5  }
0x228: {  	v55 =	vld.idx.msk [tilespmem:v58+s3+$0x0], $0xffff;
	v32 =	vsub.f32 v61, v35;
	v60 =	vshll.u32 v48, $0x10;
	v61 =	vshll.u32 v51, $0x10  }
0x229: {  	v42 =	vld.idx.msk [tilespmem:v42+s19+$0x0], $0xffff;
	v28 =	vsub.f32 v57, v1;
	v54 =	vsub.f32 v61, v60;
	[tilespmem:s30+$0x0] =	vst v5;
	v5 =	vand.u32 $0xFFFF0000, v56  }
0x22a: {  	v48 =	vand.u32 $0xFFFF0000, v48;
	v32 =	vmul.f32 v32, v11;
	v44 =	vld.idx.msk [tilespmem:v59+s19+$0x0], $0xffff;
	v5 =	vsub.f32 v5, v47  }
0x22b: {  	[tilespmem:s24+$0x1AE00] =	vst v45;
	v51 =	vand.u32 $0xFFFF0000, v51;
	v58 =	vand.u32 $0xFFFF0000, v49;
	v54 =	vmul.f32 v54, v9;
	v50 =	vld.idx.msk [tilespmem:v62+s19+$0x0], $0xffff  }
0x22c: {  	v40 =	vld.idx.msk [tilespmem:v40+s19+$0x0], $0xffff;
	v51 =	vsub.f32 v51, v48;
	v32 =	vadd.f32 v35, v32;
	v62 =	vmul.f32 v5, v19  }
0x22d: {  	v39 =	vld.idx.msk [tilespmem:v39+s19+$0x0], $0xffff;
	v56 =	vshll.u32 v55, $0x10;
	v35 =	vadd.f32 v60, v54;
	v5 =	vadd.f32 v53, v33  }
0x22e: {  	v33 =	vand.u32 $0xFFFF0000, v55;
	v53 =	vshll.u32 v49, $0x10;
	v47 =	vadd.f32 v47, v62  }
0x22f: {  	v25 =	vor.u32 v2, v25;
	v55 =	vsub.f32 v53, v56;
	v53 =	vsub.f32 v58, v33  }
0x230: {  	v61 =	vadd.s32 $0x10000, v25;
	v54 =	vsub.f32 v50, v44;
	v43 =	vsub.f32 v43, v47  }
0x231: {  	s0 =	simm.s32 $0x18670;
	v51 =	vmul.f32 v51, v9;
	v62 =	vsub.f32 v42, v52;
	v42 =	vmul.f32 v53, v9  }
0x232: {  	v39 =	vsub.f32 v39, v40;
	v53 =	vld [tilespmem:s0+$0x0];
	v57 =	vmul.f32 v54, v30;
	v43 =	vmul.f32 v43, v21  }
0x233: {  	v2 =	vld.idx.msk [tilespmem:v26+s3+$0x0], $0xffff;
	v48 =	vadd.f32 v48, v51;
	v49 =	vadd.s32 $0x10081, v36;
	v59 =	vmul.f32 v55, v9  }
0x234: {  	v45 =	vld.idx.msk [tilespmem:v38+s3+$0x0], $0xffff;
	v38 =	vmul.f32 v62, v13;
	v60 =	vadd.f32 v57, v44;
	v26 =	vadd.f32 v43, v47  }
0x235: {  	v37 =	vld.idx.msk [tilespmem:v37+s3+$0x0], $0xffff;
	v54 =	vadd.s32 $0x10001, v36;
	v55 =	vadd.f32 v56, v59;
	v33 =	vadd.f32 v33, v42  }
0x236: {  	v41 =	vld.idx.msk [tilespmem:v41+s3+$0x0], $0xffff;
	v56 =	vadd.s32 $0x10080, v25;
	v38 =	vadd.f32 v38, v52;
	v26 =	vmul.f32 v60, v26  }
0x237: {  	v33 =	vsub.f32 v33, v48;
	v47 =	vsub.f32 v55, v35;
	v53 =	vmul.f32 $6.350000000e+01, v53  }
0x238: {  	v52 =	vadd.s32 $0x400, v20;
	v57 =	vshll.u32 v2, $0x10;
	v55 =	vand.u32 $0xFFFF0000, v2;
	[tilespmem:s30+$0x400] =	vst v26  }
0x239: {  	v33 =	vmul.f32 v33, v7;
	v58 =	vmul.f32 v47, v7;
	v53 =	vadd.f32 $6.350000000e+01, v53;
	v42 =	vld.idx.msk [tilespmem:v61+s3+$0x0], $0xffff  }
0x23a: {  	v60 =	vshll.u32 v45, $0x10;
	v45 =	vand.u32 $0xFFFF0000, v45;
	v26 =	vshll.u32 v37, $0x10;
	v46 =	vld.idx.msk [tilespmem:v54+s3+$0x0], $0xffff  }
0x23b: {  	v35 =	vadd.f32 v58, v35;
	v2 =	vtrunc.f32 v53;
	v61 =	vshll.u32 v41, $0x10;
	v43 =	vld.idx.msk [tilespmem:v56+s3+$0x0], $0xffff  }
0x23c: {  	v59 =	vsub.f32 v57, v26;
	v49 =	vld.idx.msk [tilespmem:v49+s3+$0x0], $0xffff;
	v57 =	vadd.s32 $0x401, v20;
	v56 =	vsub.f32 v61, v60  }
0x23d: {  	s5 =	simm.s32 $0x18A70;
	v2 =	vcvt.f32.s32 v2;
	v35 =	vmul.f32 v35, v38;
	v38 =	vadd.f32 v33, v48  }
0x23e: {  	v58 =	vld [tilespmem:s5+$0x0];
	v48 =	vand.u32 $0xFFFF0000, v41;
	v62 =	vmul.f32 v59, v14;
	v47 =	vmul.f32 v56, v14  }
0x23f: {  	v50 =	vadd.s32 $0x281, v17;
	vm4 =	vlt.s32 v2, $0x7E;
	v48 =	vsub.f32 v48, v45  }
0x240: {  	v44 =	vadd.f32 v26, v62;
	v59 =	vadd.f32 v60, v47;
	v60 =	vshll.u32 v42, $0x10  }
0x241: {  	v61 =	vshll.u32 v46, $0x10;
	v62 =	vshll.u32 v43, $0x10;
	v56 =	vshll.u32 v49, $0x10  }
0x242: {  	v52 =	vld.idx.msk [tilespmem:v52+s19+$0x0], $0xffff;
	v26 =	vmul.f32 v39, v22;
	v39 =	vsub.f32 v61, v60;
	v51 =	vsub.f32 v56, v62  }
0x243: {  	[tilespmem:s26+$0x1A200] =	vst v35;
	v58 =	vmul.f32 $6.350000000e+01, v58;
	v48 =	vmul.f32 v48, v14;
	v47 =	vand.u32 $0xFFFF0000, v37;
	v57 =	vld.idx.msk [tilespmem:v57+s19+$0x0], $0xffff  }
0x244: {  	v29 =	vld.idx.msk [tilespmem:v29+s19+$0x0], $0xffff;
	v40 =	vadd.f32 v26, v40;
	v39 =	vmul.f32 v39, v30;
	v51 =	vmul.f32 v51, v30  }
0x245: {  	s7 =	simm.s32 $0x18E70;
	v50 =	vld.idx.msk [tilespmem:v50+s19+$0x0], $0xffff;
	v42 =	vand.u32 $0xFFFF0000, v42;
	v54 =	vadd.f32 $6.350000000e+01, v58;
	v26 =	vsub.f32 v59, v44  }
0x246: {  	v43 =	vand.u32 $0xFFFF0000, v43;
	v61 =	vld [tilespmem:s7+$0x0];
	v37 =	vadd.f32 v60, v39;
	v59 =	vadd.f32 v62, v51  }
0x247: {  	v58 =	vadd.s32 $0x480, v20;
	v55 =	vsub.f32 v55, v47;
	v56 =	vmul.f32 v26, v10  }
0x248: {  	v60 =	vtrunc.f32 v54;
	v33 =	vsub.f32 v57, v52;
	v39 =	vsub.f32 v59, v37  }
0x249: {  	v26 =	vnsel vm4, $0x7E, v2;
	v57 =	vmul.f32 v27, v11;
	v41 =	vcvt.f32.s32 v60  }
0x24a: {  	v50 =	vsub.f32 v50, v29;
	v62 =	vmul.f32 v33, v19;
	v27 =	vmul.f32 v39, v21  }
0x24b: {  	v51 =	vadd.s32 $0x481, v20;
	v4 =	vand.u32 $0x7F, v26;
	v60 =	vmul.f32 $6.350000000e+01, v61  }
0x24c: {  	vm5 =	vlt.s32 v41, $0x7E;
	v59 =	vadd.f32 v62, v52;
	v27 =	vadd.f32 v27, v37  }
0x24d: {  	v44 =	vadd.f32 v56, v44;
	v33 =	vnsel vm5, $0x7E, v41;
	v52 =	vadd.f32 $6.350000000e+01, v60  }
0x24e: {  	v62 =	vand.u32 $0xFFFF0000, v49;
	v2 =	vshll.u32 v33, $0x7;
	v27 =	vmul.f32 v27, v59  }
0x24f: {  	v39 =	vsub.f32 v62, v43;
	v62 =	vmul.f32 v50, v13;
	v37 =	vadd.s32 v26, v2  }
0x250: {  	v61 =	vand.u32 $0xFFFFFF80, v37;
	v35 =	vadd.s32 $0x1, v37;
	v60 =	vadd.s32 $0x81, v37;
	[tilespmem:s30+$0x800] =	vst v27  }
0x251: {  	v41 =	vor.u32 v4, v61;
	v61 =	vmul.f32 v39, v30;
	v27 =	vand.u32 $0xFFFF0000, v46;
	v46 =	vld.idx.msk [tilespmem:v58+s19+$0x0], $0xffff  }
0x252: {  	v39 =	vmul.f32 v44, v40;
	v58 =	vtrunc.f32 v52;
	v27 =	vsub.f32 v27, v42;
	v51 =	vld.idx.msk [tilespmem:v51+s19+$0x0], $0xffff  }
0x253: {  	v40 =	vadd.f32 v62, v29;
	v59 =	vadd.s32 $0x80, v41;
	v49 =	vcvt.f32.s32 v58  }
0x254: {  	v45 =	vadd.f32 v45, v48;
	v56 =	vld.idx.msk [tilespmem:v37+s3+$0x0], $0xffff;
	v27 =	vmul.f32 v27, v30  }
0x255: {  	v2 =	vmul.f32 v40, v38;
	v50 =	vld.idx.msk [tilespmem:v60+s3+$0x0], $0xffff;
	v60 =	vmul.f32 v55, v14;
	vm6 =	vlt.s32 v49, $0x7E  }
0x256: {  	v44 =	vld.idx.msk [tilespmem:v35+s3+$0x0], $0xffff;
	v42 =	vadd.f32 v42, v27;
	v27 =	vadd.f32 v43, v61;
	v35 =	vnsel vm6, $0x7E, v49  }
0x257: {  	v61 =	vcvt.s32.f32 v26;
	v43 =	vadd.f32 v47, v60;
	v51 =	vsub.f32 v51, v46  }
0x258: {  	v55 =	vld.idx.msk [tilespmem:v59+s3+$0x0], $0xffff;
	v29 =	vadd.s32 $0x1, v35;
	v3 =	vcvt.s32.f32 v35;
	v58 =	vsub.f32 v27, v42  }
0x259: {  	v38 =	vadd.s32 $0x80, v35;
	v27 =	vsub.f32 v53, v61;
	v53 =	vshll.u32 v56, $0x10  }
0x25a: {  	v59 =	vshll.u32 v50, $0x10;
	v49 =	vmul.f32 v51, v19;
	v47 =	vmul.f32 v58, v21  }
0x25b: {  	v60 =	vld.idx.msk [tilespmem:v24+s19+$0x0], $0xffff;
	v61 =	vsub.f32 v32, v5;
	v56 =	vand.u32 $0xFFFF0000, v56;
	v45 =	vsub.f32 v45, v43  }
0x25c: {  	v58 =	vshll.u32 v44, $0x10;
	v46 =	vadd.f32 v49, v46;
	v48 =	vld.idx.msk [tilespmem:v35+s19+$0x0], $0xffff;
	v42 =	vadd.f32 v47, v42  }
0x25d: {  	v24 =	vshll.u32 v55, $0x10;
	v49 =	vadd.s32 $0x14000, v25;
	v58 =	vsub.f32 v58, v53;
	v47 =	vld [tilespmem:s0+$0xFFFFFFF0]  }
0x25e: {  	v59 =	vsub.f32 v59, v24;
	v32 =	vld.idx.msk [tilespmem:v29+s19+$0x0], $0xffff;
	v42 =	vmul.f32 v46, v42;
	v46 =	vadd.s32 $0x14001, v36  }
0x25f: {  	v51 =	vld [tilespmem:s5+$0xFFFFFFF0];
	v44 =	vand.u32 $0xFFFF0000, v44;
	v45 =	vmul.f32 v45, v10;
	v62 =	vmul.f32 v58, v27  }
0x260: {  	v25 =	vadd.s32 $0x14080, v25;
	v44 =	vsub.f32 v44, v56;
	v58 =	vmul.f32 v59, v27  }
0x261: {  	v43 =	vadd.f32 v45, v43;
	v59 =	vld.idx.msk [tilespmem:v0+s19+$0x0], $0xffff;
	v36 =	vadd.s32 $0x14081, v36;
	v62 =	vadd.f32 v53, v62;
	[tilespmem:s30+$0xC00] =	vst v42  }
0x262: {  	v24 =	vadd.f32 v24, v58;
	v53 =	vmul.f32 v28, v11;
	v42 =	vcvt.s32.f32 v33;
	v49 =	vld.idx.msk [tilespmem:v49+s3+$0x0], $0xffff  }
0x263: {  	v28 =	vsub.f32 v52, v3;
	v47 =	vmul.f32 $6.350000000e+01, v47;
	v3 =	vsub.f32 v32, v48;
	v46 =	vld.idx.msk [tilespmem:v46+s3+$0x0], $0xffff  }
0x264: {  	v0 =	vmul.f32 $6.350000000e+01, v51;
	v24 =	vsub.f32 v24, v62;
	v29 =	vsub.f32 v54, v42  }
0x265: {  	v51 =	vadd.s32 $0x501, v20;
	v52 =	vld.idx.msk [tilespmem:v25+s3+$0x0], $0xffff;
	v47 =	vadd.f32 $6.350000000e+01, v47;
	v3 =	vmul.f32 v3, v28  }
0x266: {  	v58 =	vadd.f32 $6.350000000e+01, v0;
	v32 =	vadd.f32 v6, v57;
	v54 =	vld.idx.msk [tilespmem:v36+s3+$0x0], $0xffff;
	v24 =	vmul.f32 v24, v29  }
0x267: {  	v42 =	vsub.f32 v59, v60;
	v25 =	vtrunc.f32 v47;
	v3 =	vadd.f32 v3, v48  }
0x268: {  	v24 =	vadd.f32 v24, v62;
	v36 =	vshll.u32 v49, $0x10;
	v59 =	vshll.u32 v46, $0x10  }
0x269: {  	v6 =	vtrunc.f32 v58;
	v40 =	vcvt.f32.s32 v25;
	v25 =	vsub.f32 v59, v36  }
0x26a: {  	v6 =	vcvt.f32.s32 v6;
	v48 =	vadd.s32 $0x500, v20;
	v3 =	vmul.f32 v24, v3  }
0x26b: {  	s5 =	simm.s32 $0x1AA70;
	v24 =	vshll.u32 v52, $0x10;
	v62 =	vshll.u32 v54, $0x10;
	v25 =	vmul.f32 v25, v30  }
0x26c: {  	v1 =	vadd.f32 v1, v53;
	v63 =	vmul.f32 v42, v63;
	v57 =	vsub.f32 v62, v24;
	[tilespmem:s5+$0xFFFFE800] =	vst v3  }
0x26d: {  	vm7 =	vlt.s32 v6, $0x7E;
	v11 =	vld [tilespmem:$0x1FDD0];
	v59 =	vadd.f32 v36, v25;
	v36 =	vadd.s32 $0x81, v35  }
0x26e: {  	v25 =	vand.u32 $0xFFFF0000, v50;
	v50 =	vand.u32 $0xFFFF0000, v55;
	v55 =	vmul.f32 v57, v30  }
0x26f: {  	vm8 =	vlt.s32 v40, $0x7E;
	v46 =	vand.u32 $0xFFFF0000, v46;
	v62 =	vld [tilespmem:s7+$0xFFFFFFF0];
	v57 =	vsub.f32 v25, v50  }
0x270: {  	v3 =	vld.idx.msk [tilespmem:v48+s19+$0x0], $0xffff;
	v25 =	vnsel vm7, $0x7E, v6;
	v6 =	vmul.f32 v44, v27;
	v44 =	vadd.f32 v24, v55  }
0x271: {  	v48 =	vshll.u32 v25, $0x7;
	v24 =	vnsel vm8, $0x7E, v40;
	v55 =	vld.idx.msk [tilespmem:v38+s19+$0x0], $0xffff;
	v38 =	vmul.f32 v57, v27  }
0x272: {  	v61 =	vmul.f32 v61, v11;
	v40 =	vadd.s32 v24, v48;
	v6 =	vadd.f32 v56, v6  }
0x273: {  	v56 =	vadd.f32 v63, v60;
	v60 =	vadd.s32 $0x81, v40;
	v36 =	vld.idx.msk [tilespmem:v36+s19+$0x0], $0xffff;
	v50 =	vadd.f32 v50, v38  }
0x274: {  	v51 =	vld.idx.msk [tilespmem:v51+s19+$0x0], $0xffff;
	v48 =	vand.u32 $0xFFFFFF80, v40;
	v44 =	vsub.f32 v44, v59;
	v38 =	vand.u32 $0x7F, v24  }
0x275: {  	v42 =	vor.u32 v38, v48;
	v48 =	vadd.s32 $0x1, v40;
	v50 =	vsub.f32 v50, v6  }
0x276: {  	v5 =	vadd.f32 v61, v5;
	v61 =	vmul.f32 $6.350000000e+01, v62;
	v57 =	vadd.s32 $0x80, v42  }
0x277: {  	v52 =	vand.u32 $0xFFFF0000, v52;
	v44 =	vmul.f32 v44, v21;
	v50 =	vmul.f32 v50, v29  }
0x278: {  	v60 =	vld.idx.msk [tilespmem:v60+s3+$0x0], $0xffff;
	v62 =	vsub.f32 v36, v55;
	v36 =	vmul.f32 v5, v56;
	v56 =	vadd.f32 $6.350000000e+01, v61  }
0x279: {  	v44 =	vadd.f32 v44, v59;
	v5 =	vsub.f32 v51, v3;
	v51 =	vld.idx.msk [tilespmem:v40+s3+$0x0], $0xffff;
	v61 =	vadd.s32 $0x4000, v41  }
0x27a: {  	v48 =	vld.idx.msk [tilespmem:v48+s3+$0x0], $0xffff;
	v6 =	vadd.f32 v50, v6;
	v59 =	vmul.f32 v62, v28;
	v50 =	vtrunc.f32 v56  }
0x27b: {  	v41 =	vadd.s32 $0x4080, v41;
	v57 =	vld.idx.msk [tilespmem:v57+s3+$0x0], $0xffff;
	v5 =	vmul.f32 v5, v19;
	v50 =	vcvt.f32.s32 v50  }
0x27c: {  	v62 =	vadd.s32 $0x4001, v37;
	v55 =	vadd.f32 v59, v55;
	v59 =	vcvt.s32.f32 v24  }
0x27d: {  	v5 =	vadd.f32 v5, v3;
	v63 =	vshll.u32 v60, $0x10;
	vm9 =	vlt.s32 v50, $0x7E  }
0x27e: {  	v55 =	vmul.f32 v55, v6;
	v3 =	vsub.f32 v47, v59;
	v47 =	vshll.u32 v51, $0x10  }
0x27f: {  	v6 =	vnsel vm9, $0x7E, v50;
	v50 =	vadd.s32 $0x4081, v37;
	v59 =	vshll.u32 v48, $0x10  }
0x280: {  	v60 =	vand.u32 $0xFFFF0000, v60;
	v37 =	vsub.f32 v59, v47;
	[tilespmem:s5+$0xFFFFEC00] =	vst v55;
	v55 =	vshll.u32 v57, $0x10  }
0x281: {  	v51 =	vand.u32 $0xFFFF0000, v51;
	v59 =	vsub.f32 v63, v55;
	v61 =	vld.idx.msk [tilespmem:v61+s3+$0x0], $0xffff;
	v63 =	vadd.s32 $0x1, v6  }
0x282: {  	v48 =	vand.u32 $0xFFFF0000, v48;
	v53 =	vmul.f32 v37, v3;
	v62 =	vld.idx.msk [tilespmem:v62+s3+$0x0], $0xffff;
	v37 =	vcvt.s32.f32 v25  }
0x283: {  	v44 =	vmul.f32 v44, v5;
	v48 =	vsub.f32 v48, v51;
	v41 =	vld.idx.msk [tilespmem:v41+s3+$0x0], $0xffff;
	v5 =	vmul.f32 v59, v3  }
0x284: {  	v8 =	vsub.f32 v58, v37;
	v37 =	vand.u32 $0xFFFF0000, v49;
	v45 =	vadd.f32 v47, v53;
	v47 =	vld.idx.msk [tilespmem:v50+s3+$0x0], $0xffff  }
0x285: {  	v48 =	vmul.f32 v48, v3;
	v49 =	vld.idx.msk [tilespmem:v6+s19+$0x0], $0xffff;
	v53 =	vand.u32 $0xFFFF0000, v54;
	v46 =	vsub.f32 v46, v37  }
0x286: {  	v53 =	vsub.f32 v53, v52;
	v59 =	vadd.f32 v55, v5;
	v5 =	vcvt.s32.f32 v6;
	v54 =	vld.idx.msk [tilespmem:v63+s19+$0x0], $0xffff  }
0x287: {  	v55 =	vadd.s32 $0x100, v35;
	v58 =	vshll.u32 v61, $0x10;
	v63 =	vshll.u32 v62, $0x10  }
0x288: {  	v23 =	vmovc v7;
	v7 =	vld [tilespmem:$0x1FE50];
	v18 =	vsub.f32 v56, v5;
	v50 =	vsub.f32 v59, v45;
	v56 =	vadd.s32 $0x101, v35  }
0x289: {  	v59 =	vsub.f32 v63, v58;
	v63 =	vshll.u32 v41, $0x10;
	v0 =	vshll.u32 v47, $0x10  }
0x28a: {  	v46 =	vmul.f32 v46, v30;
	v0 =	vsub.f32 v0, v63;
	v50 =	vmul.f32 v50, v8  }
0x28b: {  	v53 =	vmul.f32 v53, v30;
	v59 =	vmul.f32 v59, v27;
	v54 =	vsub.f32 v54, v49  }
0x28c: {  	v30 =	vld.idx.msk [tilespmem:v55+s19+$0x0], $0xffff;
	v55 =	vand.u32 $0xFFFF0000, v57;
	v0 =	vmul.f32 v0, v27;
	v45 =	vadd.f32 v50, v45  }
0x28d: {  	v50 =	vld.idx.msk [tilespmem:v56+s19+$0x0], $0xffff;
	v56 =	vsub.f32 v60, v55;
	v60 =	vadd.s32 $0x481, v7;
	v54 =	vmul.f32 v54, v18  }
0x28e: {  	v37 =	vadd.f32 v37, v46;
	v0 =	vadd.f32 v63, v0;
	v63 =	vadd.s32 $0x480, v7  }
0x28f: {  	v46 =	vadd.f32 v58, v59;
	v58 =	vadd.s32 $0x80, v6;
	v49 =	vadd.f32 v54, v49  }
0x290: {  	v1 =	vsub.f32 v1, v32;
	[tilespmem:s24+$0x1B200] =	vst v39;
	v48 =	vadd.f32 v51, v48;
	v59 =	vadd.s32 $0x81, v6  }
0x291: {  	[tilespmem:s26+$0x1A600] =	vst v2;
	v2 =	vand.u32 $0xFFFF0000, v61;
	v0 =	vsub.f32 v0, v46;
	v45 =	vmul.f32 v45, v49  }
0x292: {  	v61 =	vand.u32 $0xFFFF0000, v62;
	v56 =	vmul.f32 v56, v3;
	v50 =	vsub.f32 v50, v30;
	v60 =	vld.idx.msk [tilespmem:v60+s19+$0x0], $0xffff  }
0x293: {  	v51 =	vadd.s32 $0x300, v17;
	v62 =	vsub.f32 v61, v2;
	v0 =	vmul.f32 v0, v29;
	v49 =	vld.idx.msk [tilespmem:v63+s19+$0x0], $0xffff;
	[tilespmem:s5+$0xFFFFE7F0] =	vst v45  }
0x294: {  	v39 =	vadd.f32 v55, v56;
	v63 =	vadd.s32 $0xC001, v31;
	v50 =	vmul.f32 v50, v28;
	v56 =	vld.idx.msk [tilespmem:v58+s19+$0x0], $0xffff  }
0x295: {  	v52 =	vadd.f32 v52, v53;
	v0 =	vadd.f32 v0, v46;
	v46 =	vadd.s32 $0xC000, v34;
	v57 =	vld.idx.msk [tilespmem:v59+s19+$0x0], $0xffff  }
0x296: {  	v39 =	vsub.f32 v39, v48;
	v30 =	vadd.f32 v50, v30;
	v50 =	vadd.s32 $0x180, v35  }
0x297: {  	v55 =	vadd.s32 $0xC081, v31;
	v34 =	vadd.s32 $0xC080, v34;
	v58 =	vadd.s32 $0x181, v35  }
0x298: {  	v39 =	vmul.f32 v39, v8;
	v0 =	vmul.f32 v0, v30;
	v54 =	vsub.f32 v60, v49  }
0x299: {  	v30 =	vld.idx.msk [tilespmem:v63+s3+$0x0], $0xffff;
	v63 =	vand.u32 $0xFFFF0000, v47;
	v60 =	vadd.s32 $0x580, v20;
	v20 =	vadd.s32 $0x581, v20  }
0x29a: {  	v31 =	vld.idx.msk [tilespmem:v46+s3+$0x0], $0xffff;
	v46 =	vmul.f32 v62, v27;
	[tilespmem:s5+$0xFFFFF000] =	vst v0;
	v0 =	vand.u32 $0xFFFF0000, v41;
	v57 =	vsub.f32 v57, v56  }
0x29b: {  	v59 =	vadd.s32 $0x301, v17;
	v54 =	vmul.f32 v54, v22;
	v47 =	vld.idx.msk [tilespmem:v50+s19+$0x0], $0xffff;
	v41 =	vsub.f32 v63, v0  }
0x29c: {  	v39 =	vadd.f32 v39, v48;
	v50 =	vld.idx.msk [tilespmem:v58+s19+$0x0], $0xffff;
	v2 =	vadd.f32 v2, v46;
	v46 =	vmul.f32 v57, v18  }
0x29d: {  	[tilespmem:s30+$0x1000] =	vst v44;
	v57 =	vadd.s32 $0x4000, v42;
	v49 =	vadd.f32 v54, v49;
	v41 =	vmul.f32 v41, v27  }
0x29e: {  	v44 =	vshll.u32 v30, $0x10;
	v45 =	vld.idx.msk [tilespmem:v60+s19+$0x0], $0xffff;
	v60 =	vadd.s32 $0x4080, v42;
	v30 =	vand.u32 $0xFFFF0000, v30  }
0x29f: {  	v58 =	vshll.u32 v31, $0x10;
	v61 =	vadd.f32 v46, v56;
	v46 =	vld.idx.msk [tilespmem:v20+s19+$0x0], $0xffff;
	v31 =	vand.u32 $0xFFFF0000, v31  }
0x2a0: {  	v0 =	vadd.f32 v0, v41;
	v41 =	vld.idx.msk [tilespmem:v34+s3+$0x0], $0xffff;
	v34 =	vadd.s32 $0x4001, v40;
	v44 =	vsub.f32 v44, v58  }
0x2a1: {  	v40 =	vadd.s32 $0x4081, v40;
	v30 =	vsub.f32 v30, v31;
	v50 =	vsub.f32 v50, v47  }
0x2a2: {  	v63 =	vmul.f32 v61, v39;
	v62 =	vsub.f32 v0, v2;
	v0 =	vshll.u32 v35, $0x7  }
0x2a3: {  	s4 =	simm.s32 $0x60;
	v51 =	vld.idx.msk [tilespmem:v51+s19+$0x0], $0xffff;
	v44 =	vmul.f32 v44, v9;
	v20 =	vadd.s32 v26, v0;
	v50 =	vmul.f32 v50, v28  }
0x2a4: {  	s29 =	sand.u32 $0x3E0, s4;
	v42 =	vld.idx.msk [tilespmem:v55+s3+$0x0], $0xffff;
	v48 =	vmul.f32 v62, v29;
	v56 =	vand.u32 $0xFFFFFF80, v20;
	v62 =	vsub.f32 v52, v37  }
0x2a5: {  	[tilespmem:s29+$0x19600] =	vst v63;
	v46 =	vsub.f32 v46, v45;
	v63 =	vadd.s32 $0x8001, v20;
	v39 =	vor.u32 v4, v56;
	v4 =	vld.idx.msk [tilespmem:v59+s19+$0x0], $0xffff  }
0x2a6: {  	v59 =	vadd.f32 v50, v47;
	v50 =	vld.idx.msk [tilespmem:v57+s3+$0x0], $0xffff;
	v2 =	vadd.f32 v48, v2;
	v61 =	vadd.s32 $0x8000, v39  }
0x2a7: {  	v35 =	vadd.s32 $0x8081, v20;
	v53 =	vshll.u32 v41, $0x10;
	v55 =	vld.idx.msk [tilespmem:v34+s3+$0x0], $0xffff;
	v21 =	vmul.f32 v62, v21  }
0x2a8: {  	v40 =	vld.idx.msk [tilespmem:v40+s3+$0x0], $0xffff;
	v34 =	vadd.s32 $0x8080, v39;
	v19 =	vmul.f32 v46, v19;
	v2 =	vmul.f32 v59, v2  }
0x2a9: {  	v56 =	vadd.s32 $0x100, v6;
	v41 =	vand.u32 $0xFFFF0000, v41;
	v48 =	vld.idx.msk [tilespmem:v60+s3+$0x0], $0xffff;
	v59 =	vshll.u32 v42, $0x10  }
0x2aa: {  	v21 =	vadd.f32 v21, v37;
	v37 =	vadd.f32 v19, v45;
	v19 =	vmul.f32 v1, v11;
	[tilespmem:s5+$0xFFFFF400] =	vst v2  }
0x2ab: {  	v42 =	vand.u32 $0xFFFF0000, v42;
	v46 =	vsub.f32 v59, v53;
	v2 =	vadd.s32 $0x101, v6;
	v47 =	vld.idx.msk [tilespmem:v61+s3+$0x0], $0xffff  }
0x2ac: {  	v42 =	vsub.f32 v42, v41;
	v60 =	vshll.u32 v50, $0x10;
	v5 =	vmul.f32 v37, v21;
	v45 =	vld.idx.msk [tilespmem:v63+s3+$0x0], $0xffff  }
0x2ad: {  	v1 =	vsub.f32 v4, v51;
	v37 =	vadd.f32 v58, v44;
	v61 =	vshll.u32 v55, $0x10;
	v57 =	vld.idx.msk [tilespmem:v34+s3+$0x0], $0xffff  }
0x2ae: {  	v52 =	vmul.f32 v46, v9;
	v59 =	vld.idx.msk [tilespmem:v35+s3+$0x0], $0xffff;
	v4 =	vsub.f32 v61, v60;
	[tilespmem:$0x1FFE0] =	vst v5  }
0x2af: {  	v21 =	vadd.s32 $0x200, v33;
	v62 =	vshll.u32 v40, $0x10;
	v46 =	vadd.s32 $0x201, v33;
	v11 =	vld.idx.msk [tilespmem:v56+s19+$0x0], $0xffff  }
0x2b0: {  	v44 =	vadd.f32 v53, v52;
	v52 =	vshll.u32 v48, $0x10;
	v4 =	vmul.f32 v4, v3;
	v2 =	vld.idx.msk [tilespmem:v2+s19+$0x0], $0xffff  }
0x2b1: {  	v40 =	vand.u32 $0xFFFF0000, v40;
	v1 =	vmul.f32 v1, v13;
	v34 =	vsub.f32 v62, v52  }
0x2b2: {  	v4 =	vadd.f32 v60, v4;
	v53 =	vshll.u32 v47, $0x10;
	v61 =	vshll.u32 v45, $0x10  }
0x2b3: {  	v56 =	vshll.u32 v57, $0x10;
	v62 =	vshll.u32 v59, $0x10;
	v54 =	vsub.f32 v61, v53  }
0x2b4: {  	v60 =	vshll.u32 v6, $0x7;
	v58 =	vsub.f32 v62, v56;
	v61 =	vmul.f32 v34, v3;
	v62 =	vld.idx.msk [tilespmem:v21+s19+$0x0], $0xffff  }
0x2b5: {  	v34 =	vadd.s32 v24, v60;
	v21 =	vld.idx.msk [tilespmem:v46+s19+$0x0], $0xffff;
	v54 =	vmul.f32 v54, v27;
	v2 =	vsub.f32 v2, v11  }
0x2b6: {  	v46 =	vand.u32 $0xFFFFFF80, v34;
	v58 =	vmul.f32 v58, v27;
	v61 =	vadd.f32 v52, v61  }
0x2b7: {  	v63 =	vmovc v9;
	v35 =	vor.u32 v38, v46;
	v52 =	vadd.f32 v53, v54;
	v46 =	vmul.f32 v2, v18  }
0x2b8: {  	v30 =	vmul.f32 v30, v63;
	v58 =	vadd.f32 v56, v58;
	v9 =	vsub.f32 v61, v4  }
0x2b9: {  	v44 =	vsub.f32 v44, v37;
	v47 =	vand.u32 $0xFFFF0000, v47;
	v53 =	vadd.f32 v46, v11  }
0x2ba: {  	v9 =	vmul.f32 v9, v8;
	v11 =	vsub.f32 v58, v52;
	v46 =	vsub.f32 v21, v62  }
0x2bb: {  	v45 =	vand.u32 $0xFFFF0000, v45;
	v38 =	vand.u32 $0xFFFF0000, v50;
	v61 =	vand.u32 $0xFFFF0000, v55  }
0x2bc: {  	v4 =	vadd.f32 v9, v4;
	v9 =	vmul.f32 v11, v28;
	v54 =	vmul.f32 v46, v29  }
0x2bd: {  	v55 =	vadd.s32 $0x14000, v16;
	v56 =	vadd.s32 $0x14001, v15;
	v50 =	vsub.f32 v61, v38  }
0x2be: {  	v58 =	vadd.f32 v9, v52;
	v61 =	vadd.f32 v54, v62;
	v62 =	vadd.s32 $0x280, v33  }
0x2bf: {  	v21 =	vadd.s32 $0x14080, v16;
	v4 =	vmul.f32 v4, v53;
	v53 =	vadd.s32 $0x281, v33  }
0x2c0: {  	v16 =	vadd.s32 $0x14081, v15;
	v15 =	vmul.f32 v50, v3;
	v50 =	vmul.f32 v58, v61  }
0x2c1: {  	v48 =	vand.u32 $0xFFFF0000, v48;
	v51 =	vadd.f32 v1, v51;
	v45 =	vsub.f32 v45, v47  }
0x2c2: {  	v1 =	vld [tilespmem:$0x1FDE0];
	v44 =	vmul.f32 v44, v23;
	v61 =	vand.u32 $0xFFFF0000, v59;
	[tilespmem:s5+$0xFFFFF800] =	vst v50;
	v50 =	vand.u32 $0xFFFF0000, v57  }
0x2c3: {  	v45 =	vmul.f32 v45, v27;
	v54 =	vadd.s32 $0x180, v6;
	v58 =	vld.idx.msk [tilespmem:v62+s19+$0x0], $0xffff;
	v62 =	vsub.f32 v61, v50  }
0x2c4: {  	v37 =	vadd.f32 v44, v37;
	v52 =	vadd.s32 $0x380, v17;
	v17 =	vadd.s32 $0x381, v17;
	v53 =	vld.idx.msk [tilespmem:v53+s19+$0x0], $0xffff  }
0x2c5: {  	v15 =	vadd.f32 v38, v15;
	v61 =	vadd.s32 $0x181, v6;
	v38 =	vmul.f32 v62, v27  }
0x2c6: {  	v42 =	vmul.f32 v42, v63;
	v40 =	vsub.f32 v40, v48;
	v37 =	vmul.f32 v37, v51;
	v5 =	vld [tilespmem:$0x1FE60]  }
0x2c7: {  	v45 =	vadd.f32 v47, v45;
	v51 =	vadd.s32 $0x301, v33;
	v46 =	vmovc v23;
	v23 =	vld [tilespmem:$0x1FDF0];
	[tilespmem:s29+$0x19A00] =	vst v4;
	v4 =	vadd.f32 v50, v38  }
0x2c8: {  	v2 =	vadd.s32 $0x580, v1;
	v1 =	vadd.s32 $0x581, v1;
	[tilespmem:s26+$0x1AA00] =	vst v37;
	v44 =	vld.idx.msk [tilespmem:v54+s19+$0x0], $0xffff;
	v62 =	vmul.f32 v40, v3  }
0x2c9: {  	v11 =	vadd.s32 $0x500, v7;
	v17 =	vld.idx.msk [tilespmem:v17+s19+$0x0], $0xffff;
	v53 =	vsub.f32 v53, v58;
	v4 =	vsub.f32 v4, v45  }
0x2ca: {  	v9 =	vadd.s32 $0x501, v7;
	v47 =	vadd.f32 v48, v62;
	v62 =	vmul.f32 v49, v43;
	v59 =	vld.idx.msk [tilespmem:v61+s19+$0x0], $0xffff  }
0x2cb: {  	v57 =	vadd.s32 $0xC001, v20;
	v43 =	vld.idx.msk [tilespmem:v52+s19+$0x0], $0xffff;
	v61 =	vmul.f32 v53, v29;
	v4 =	vmul.f32 v4, v28  }
0x2cc: {  	v20 =	vadd.s32 $0xC081, v20;
	v37 =	vadd.s32 $0xC080, v39;
	v48 =	vadd.s32 $0x8001, v34  }
0x2cd: {  	v49 =	vadd.s32 $0xC000, v39;
	v54 =	vadd.f32 v61, v58;
	v4 =	vadd.f32 v4, v45  }
0x2ce: {  	v6 =	vadd.s32 $0x10001, v5;
	v40 =	vadd.s32 $0x10000, v23;
	v47 =	vsub.f32 v47, v15  }
0x2cf: {  	[tilespmem:s24+$0x1B600] =	vst v62;
	v62 =	vadd.f32 v31, v30;
	v50 =	vsub.f32 v59, v44;
	v4 =	vmul.f32 v54, v4  }
0x2d0: {  	v30 =	vadd.s32 v25, v60;
	v58 =	vmul.f32 v47, v8;
	v47 =	vld.idx.msk [tilespmem:v55+s3+$0x0], $0xffff;
	v17 =	vsub.f32 v17, v43  }
0x2d1: {  	v38 =	vadd.s32 $0x10080, v23;
	v55 =	vadd.f32 v41, v42;
	v41 =	vld.idx.msk [tilespmem:v56+s3+$0x0], $0xffff;
	v59 =	vmul.f32 v50, v18;
	[tilespmem:s5+$0xFFFFFC00] =	vst v4  }
0x2d2: {  	v53 =	vadd.s32 $0x200, v25;
	v15 =	vadd.f32 v58, v15;
	v17 =	vmul.f32 v17, v13;
	v42 =	vld.idx.msk [tilespmem:v49+s3+$0x0], $0xffff  }
0x2d3: {  	v61 =	vadd.s32 $0x8000, v35;
	v31 =	vsub.f32 v55, v62;
	v56 =	vadd.f32 v59, v44;
	v44 =	vld.idx.msk [tilespmem:v57+s3+$0x0], $0xffff  }
0x2d4: {  	v58 =	vand.u32 $0xFFFFFF80, v30;
	v17 =	vadd.f32 v17, v43;
	v43 =	vadd.s32 $0x300, v33;
	v39 =	vld.idx.msk [tilespmem:v37+s3+$0x0], $0xffff  }
0x2d5: {  	v54 =	vadd.s32 $0x201, v25;
	v60 =	vmul.f32 v31, v46;
	v20 =	vld.idx.msk [tilespmem:v20+s3+$0x0], $0xffff;
	v15 =	vmul.f32 v56, v15  }
0x2d6: {  	v4 =	vadd.s32 $0x8080, v35;
	v59 =	vand.u32 $0x7F, v25;
	v57 =	vadd.s32 $0x8081, v34  }
0x2d7: {  	v31 =	vor.u32 v59, v58;
	v49 =	vshll.u32 v47, $0x10;
	v51 =	vld.idx.msk [tilespmem:v51+s19+$0x0], $0xffff;
	v47 =	vand.u32 $0xFFFF0000, v47;
	[tilespmem:s29+$0x19E00] =	vst v15  }
0x2d8: {  	v15 =	vadd.f32 v60, v62;
	v37 =	vld.idx.msk [tilespmem:v61+s3+$0x0], $0xffff;
	v61 =	vshll.u32 v41, $0x10;
	v41 =	vand.u32 $0xFFFF0000, v41  }
0x2d9: {  	v43 =	vld.idx.msk [tilespmem:v43+s19+$0x0], $0xffff;
	v50 =	vsub.f32 v61, v49;
	v52 =	vshll.u32 v42, $0x10;
	v62 =	vshll.u32 v44, $0x10  }
0x2da: {  	v48 =	vld.idx.msk [tilespmem:v48+s3+$0x0], $0xffff;
	v56 =	vshll.u32 v39, $0x10;
	v60 =	vshll.u32 v20, $0x10;
	v58 =	vmul.f32 v17, v15  }
0x2db: {  	v53 =	vld.idx.msk [tilespmem:v53+s19+$0x0], $0xffff;
	v41 =	vsub.f32 v41, v47;
	v42 =	vand.u32 $0xFFFF0000, v42;
	v44 =	vand.u32 $0xFFFF0000, v44  }
0x2dc: {  	v54 =	vld.idx.msk [tilespmem:v54+s19+$0x0], $0xffff;
	v39 =	vand.u32 $0xFFFF0000, v39;
	v20 =	vand.u32 $0xFFFF0000, v20;
	v55 =	vsub.f32 v62, v52  }
0x2dd: {  	v4 =	vld.idx.msk [tilespmem:v4+s3+$0x0], $0xffff;
	v17 =	vsub.f32 v60, v56;
	v44 =	vsub.f32 v44, v42;
	v15 =	vmul.f32 v50, v14  }
0x2de: {  	v45 =	vld.idx.msk [tilespmem:v57+s3+$0x0], $0xffff;
	v20 =	vsub.f32 v20, v39;
	v41 =	vmul.f32 v41, v14;
	v55 =	vmul.f32 v55, v27  }
0x2df: {  	v17 =	vmul.f32 v17, v27;
	v51 =	vsub.f32 v51, v43;
	v44 =	vmul.f32 v44, v27  }
0x2e0: {  	v61 =	vshll.u32 v37, $0x10;
	v37 =	vand.u32 $0xFFFF0000, v37;
	v62 =	vshll.u32 v48, $0x10  }
0x2e1: {  	v48 =	vand.u32 $0xFFFF0000, v48;
	v54 =	vsub.f32 v54, v53;
	v52 =	vadd.f32 v52, v55  }
0x2e2: {  	v55 =	vshll.u32 v4, $0x10;
	v57 =	vsub.f32 v62, v61;
	v48 =	vsub.f32 v48, v37  }
0x2e3: {  	v56 =	vadd.f32 v56, v17;
	v60 =	vshll.u32 v45, $0x10;
	v17 =	vadd.f32 v49, v15  }
0x2e4: {  	v49 =	vadd.s32 $0x10081, v5;
	v62 =	vadd.s32 $0x401, v12;
	v51 =	vmul.f32 v51, v29  }
0x2e5: {  	v4 =	vand.u32 $0xFFFF0000, v4;
	v45 =	vand.u32 $0xFFFF0000, v45;
	v15 =	vsub.f32 v60, v55  }
0x2e6: {  	v42 =	vadd.f32 v42, v44;
	v5 =	vadd.f32 v47, v41;
	v54 =	vmul.f32 v54, v8  }
0x2e7: {  	v21 =	vld.idx.msk [tilespmem:v21+s3+$0x0], $0xffff;
	v57 =	vmul.f32 v57, v3;
	v56 =	vsub.f32 v56, v52;
	v15 =	vmul.f32 v15, v3  }
0x2e8: {  	[tilespmem:s26+$0x1AE00] =	vst v58;
	v45 =	vsub.f32 v45, v4;
	v48 =	vmul.f32 v48, v3;
	v43 =	vadd.f32 v51, v43  }
0x2e9: {  	v58 =	vld.idx.msk [tilespmem:v6+s3+$0x0], $0xffff;
	v50 =	vadd.f32 v61, v57;
	v56 =	vmul.f32 v56, v28;
	v55 =	vadd.f32 v55, v15  }
0x2ea: {  	v38 =	vld.idx.msk [tilespmem:v38+s3+$0x0], $0xffff;
	v6 =	vadd.f32 v54, v53;
	v45 =	vmul.f32 v45, v3;
	v61 =	vadd.s32 $0x400, v12  }
0x2eb: {  	v16 =	vld.idx.msk [tilespmem:v16+s3+$0x0], $0xffff;
	v53 =	vadd.s32 $0x380, v33;
	v52 =	vadd.f32 v56, v52;
	v55 =	vsub.f32 v55, v50  }
0x2ec: {  	v40 =	vld.idx.msk [tilespmem:v40+s3+$0x0], $0xffff;
	v60 =	vadd.s32 $0x381, v33;
	v48 =	vadd.f32 v37, v48;
	v4 =	vadd.f32 v4, v45  }
0x2ed: {  	v51 =	vadd.s32 $0x280, v25;
	v49 =	vld.idx.msk [tilespmem:v49+s3+$0x0], $0xffff;
	v43 =	vmul.f32 v52, v43;
	v55 =	vmul.f32 v55, v18  }
0x2ee: {  	v54 =	vshll.u32 v21, $0x10;
	v21 =	vand.u32 $0xFFFF0000, v21;
	v62 =	vld.idx.msk [tilespmem:v62+s19+$0x0], $0xffff;
	v4 =	vsub.f32 v4, v48  }
0x2ef: {  	v44 =	vshll.u32 v38, $0x10;
	v38 =	vand.u32 $0xFFFF0000, v38;
	[tilespmem:s5+$0x0] =	vst v43;
	v50 =	vadd.f32 v55, v50;
	v55 =	vld.idx.msk [tilespmem:v61+s19+$0x0], $0xffff  }
0x2f0: {  	v37 =	vadd.s32 $0x480, v12;
	v56 =	vadd.s32 $0x281, v25;
	v4 =	vmul.f32 v4, v18;
	v53 =	vld.idx.msk [tilespmem:v53+s19+$0x0], $0xffff  }
0x2f1: {  	v52 =	vshll.u32 v40, $0x10;
	v61 =	vshll.u32 v16, $0x10;
	v16 =	vand.u32 $0xFFFF0000, v16;
	v60 =	vld.idx.msk [tilespmem:v60+s19+$0x0], $0xffff  }
0x2f2: {  	v4 =	vadd.f32 v4, v48;
	v50 =	vmul.f32 v50, v6;
	v6 =	vmul.f32 v20, v27  }
0x2f3: {  	v57 =	vsub.f32 v61, v54;
	v16 =	vsub.f32 v16, v21;
	v20 =	vshll.u32 v58, $0x10  }
0x2f4: {  	v61 =	vshll.u32 v49, $0x10;
	v20 =	vsub.f32 v20, v52;
	v6 =	vadd.f32 v39, v6  }
0x2f5: {  	v57 =	vmul.f32 v57, v14;
	v39 =	vsub.f32 v61, v44;
	v43 =	vsub.f32 v62, v55  }
0x2f6: {  	v14 =	vmul.f32 v16, v14;
	v45 =	vsub.f32 v60, v53;
	v62 =	vsub.f32 v6, v42  }
0x2f7: {  	[tilespmem:s29+$0x1A200] =	vst v50;
	v20 =	vmul.f32 v20, v13;
	v6 =	vadd.s32 v33, v0;
	v0 =	vand.u32 $0x7F, v33  }
0x2f8: {  	v51 =	vld.idx.msk [tilespmem:v51+s19+$0x0], $0xffff;
	v45 =	vmul.f32 v45, v29;
	v60 =	vand.u32 $0xFFFFFF80, v6;
	v59 =	vmul.f32 v62, v28  }
0x2f9: {  	v39 =	vmul.f32 v39, v13;
	v52 =	vadd.f32 v52, v20;
	v20 =	vor.u32 v0, v60;
	v0 =	vld.idx.msk [tilespmem:v56+s19+$0x0], $0xffff  }
0x2fa: {  	[tilespmem:$0x1FF20] =	vst v63;
	v61 =	vadd.f32 v45, v53;
	v62 =	vadd.s32 $0x10000, v20;
	v33 =	vadd.f32 v59, v42  }
0x2fb: {  	s7 =	simm.s32 $0x18690;
	v43 =	vmul.f32 v43, v63;
	v39 =	vadd.f32 v44, v39;
	v56 =	vadd.s32 $0x10001, v6;
	v53 =	vld.idx.msk [tilespmem:v11+s19+$0x0], $0xffff  }
0x2fc: {  	v45 =	vadd.f32 v54, v57;
	v11 =	vand.u32 $0xFFFF0000, v40;
	v54 =	vld [tilespmem:s7+$0x0];
	v33 =	vmul.f32 v61, v33  }
0x2fd: {  	v57 =	vand.u32 $0xFFFF0000, v58;
	v39 =	vsub.f32 v39, v52;
	v59 =	vadd.s32 $0x10080, v20  }
0x2fe: {  	v9 =	vld.idx.msk [tilespmem:v9+s19+$0x0], $0xffff;
	v58 =	vand.u32 $0xFFFF0000, v49;
	v61 =	vadd.s32 $0x10081, v6;
	v0 =	vsub.f32 v0, v51;
	[tilespmem:s5+$0x400] =	vst v33  }
0x2ff: {  	s31 =	simm.s32 $0x18A90;
	v43 =	vadd.f32 v43, v55;
	v60 =	vsub.f32 v57, v11;
	v39 =	vmul.f32 v39, v46;
	v44 =	vld.idx.msk [tilespmem:v62+s3+$0x0], $0xffff  }
0x300: {  	v42 =	vsub.f32 v58, v38;
	v55 =	vsub.f32 v45, v17;
	v0 =	vmul.f32 v0, v8;
	v62 =	vld [tilespmem:s31+$0x0]  }
0x301: {  	v39 =	vadd.f32 v39, v52;
	v33 =	vmul.f32 v60, v13;
	v57 =	vmul.f32 $6.350000000e+01, v54;
	v50 =	vld.idx.msk [tilespmem:v56+s3+$0x0], $0xffff  }
0x302: {  	v42 =	vmul.f32 v42, v13;
	v47 =	vmul.f32 v55, v10;
	v49 =	vld.idx.msk [tilespmem:v59+s3+$0x0], $0xffff;
	v0 =	vadd.f32 v0, v51  }
0x303: {  	v43 =	vmul.f32 v39, v43;
	v52 =	vadd.f32 $6.350000000e+01, v57;
	v51 =	vadd.f32 v11, v33;
	v45 =	vld.idx.msk [tilespmem:v61+s3+$0x0], $0xffff  }
0x304: {  	[tilespmem:s23+$0x1BA00] =	vst v36;
	v11 =	vadd.f32 v38, v42;
	v16 =	vmul.f32 v0, v4;
	v4 =	vadd.s32 $0x400, v26  }
0x305: {  	v40 =	vld.idx.msk [tilespmem:v2+s19+$0x0], $0xffff;
	v0 =	vsub.f32 v9, v53;
	v9 =	vadd.s32 $0x401, v26;
	v58 =	vmul.f32 $6.350000000e+01, v62  }
0x306: {  	v1 =	vld.idx.msk [tilespmem:v1+s19+$0x0], $0xffff;
	v59 =	vshll.u32 v44, $0x10;
	v56 =	vshll.u32 v50, $0x10;
	v62 =	vsub.f32 v11, v51  }
0x307: {  	v11 =	vtrunc.f32 v52;
	v2 =	vsub.f32 v56, v59;
	v48 =	vadd.f32 $6.350000000e+01, v58  }
0x308: {  	v11 =	vcvt.f32.s32 v11;
	v58 =	vshll.u32 v49, $0x10;
	v60 =	vshll.u32 v45, $0x10  }
0x309: {  	v0 =	vmul.f32 v0, v22;
	v38 =	vsub.f32 v60, v58;
	v4 =	vld.idx.msk [tilespmem:v4+s19+$0x0], $0xffff;
	v61 =	vtrunc.f32 v48  }
0x30a: {  	v21 =	vadd.f32 v21, v14;
	v2 =	vmul.f32 v2, v29;
	v9 =	vld.idx.msk [tilespmem:v9+s19+$0x0], $0xffff;
	v39 =	vcvt.f32.s32 v61  }
0x30b: {  	s4 =	simm.s32 $0x18E90;
	v1 =	vsub.f32 v1, v40;
	v62 =	vmul.f32 v62, v46;
	[tilespmem:$0x1FE00] =	vst v22;
	v14 =	vmul.f32 v38, v29  }
0x30c: {  	vm11 =	vlt.s32 v11, $0x7E;
	v36 =	vadd.f32 v59, v2;
	v59 =	vld [tilespmem:s4+$0x0];
	vm10 =	vlt.s32 v39, $0x7E  }
0x30d: {  	v41 =	vadd.f32 v0, v53;
	v2 =	vadd.f32 v58, v14;
	v33 =	vnsel vm10, $0x7E, v39  }
0x30e: {  	v11 =	vnsel vm11, $0x7E, v11;
	[tilespmem:s26+$0x1B200] =	vst v43;
	v38 =	vadd.f32 v47, v17;
	v14 =	vshll.u32 v33, $0x7  }
0x30f: {  	v7 =	vld [tilespmem:$0x1FE10];
	v54 =	vsub.f32 v2, v36;
	v9 =	vsub.f32 v9, v4;
	v39 =	vadd.s32 v11, v14  }
0x310: {  	v2 =	vand.u32 $0x7F, v11;
	v14 =	vand.u32 $0xFFFFFF80, v39;
	v60 =	vadd.s32 $0x1, v39  }
0x311: {  	v61 =	vmul.f32 $6.350000000e+01, v59;
	v42 =	vor.u32 v2, v14;
	v14 =	vadd.s32 $0x81, v39  }
0x312: {  	v59 =	vmul.f32 v54, v28;
	v9 =	vmul.f32 v9, v27;
	v17 =	vadd.s32 $0x80, v42  }
0x313: {  	v15 =	vadd.s32 $0x481, v12;
	v0 =	vadd.f32 v62, v51;
	v43 =	vld.idx.msk [tilespmem:v37+s19+$0x0], $0xffff;
	v47 =	vadd.f32 $6.350000000e+01, v61  }
0x314: {  	v51 =	vmul.f32 v1, v7;
	v1 =	vadd.f32 v59, v36;
	v4 =	vadd.f32 v9, v4;
	v53 =	vld.idx.msk [tilespmem:v39+s3+$0x0], $0xffff  }
0x315: {  	v19 =	vadd.f32 v19, v32;
	v32 =	vadd.s32 $0x501, v26;
	v7 =	vtrunc.f32 v47;
	v9 =	vld.idx.msk [tilespmem:v60+s3+$0x0], $0xffff  }
0x316: {  	v37 =	vadd.s32 $0x481, v26;
	v7 =	vcvt.f32.s32 v7;
	v4 =	vmul.f32 v1, v4;
	v54 =	vld.idx.msk [tilespmem:v14+s3+$0x0], $0xffff  }
0x317: {  	v1 =	vand.u32 $0xFFFF0000, v50;
	v60 =	vadd.s32 $0x480, v26;
	v14 =	vand.u32 $0xFFFF0000, v44;
	v50 =	vld.idx.msk [tilespmem:v17+s3+$0x0], $0xffff  }
0x318: {  	v49 =	vand.u32 $0xFFFF0000, v49;
	vm12 =	vlt.s32 v7, $0x7E;
	v17 =	vld [tilespmem:s31+$0xFFFFFFF0];
	v44 =	vsub.f32 v1, v14  }
0x319: {  	v45 =	vand.u32 $0xFFFF0000, v45;
	v15 =	vld.idx.msk [tilespmem:v15+s19+$0x0], $0xffff;
	v1 =	vnsel vm12, $0x7E, v7;
	v7 =	vcvt.s32.f32 v11  }
0x31a: {  	v45 =	vsub.f32 v45, v49;
	v56 =	vld [tilespmem:s7+$0xFFFFFFF0];
	[tilespmem:s5+$0x800] =	vst v4;
	v55 =	vadd.s32 $0x1, v1;
	v44 =	vmul.f32 v44, v29  }
0x31b: {  	v37 =	vld.idx.msk [tilespmem:v37+s19+$0x0], $0xffff;
	v7 =	vsub.f32 v52, v7;
	v4 =	vshll.u32 v53, $0x10;
	v61 =	vshll.u32 v9, $0x10  }
0x31c: {  	v36 =	vld.idx.msk [tilespmem:v60+s19+$0x0], $0xffff;
	v62 =	vshll.u32 v54, $0x10;
	v52 =	vsub.f32 v61, v4;
	v60 =	vshll.u32 v50, $0x10  }
0x31d: {  	v45 =	vmul.f32 v45, v29;
	v17 =	vmul.f32 $6.350000000e+01, v17;
	v57 =	vsub.f32 v62, v60  }
0x31e: {  	v59 =	vadd.f32 v14, v44;
	v14 =	vsub.f32 v15, v43;
	v15 =	vmul.f32 v52, v7  }
0x31f: {  	v21 =	vsub.f32 v21, v5;
	v55 =	vld.idx.msk [tilespmem:v55+s19+$0x0], $0xffff;
	v44 =	vadd.f32 $6.350000000e+01, v17;
	v61 =	vmul.f32 v57, v7  }
0x320: {  	v17 =	vadd.f32 v49, v45;
	v45 =	vld.idx.msk [tilespmem:v1+s19+$0x0], $0xffff;
	v4 =	vadd.f32 v4, v15;
	v15 =	vcvt.s32.f32 v33  }
0x321: {  	v62 =	vmul.f32 $6.350000000e+01, v56;
	v37 =	vsub.f32 v37, v36;
	v49 =	vadd.f32 v60, v61  }
0x322: {  	v61 =	vsub.f32 v17, v59;
	v17 =	vsub.f32 v48, v15;
	v15 =	vcvt.s32.f32 v1  }
0x323: {  	v41 =	vmul.f32 v38, v41;
	v52 =	vadd.f32 $6.350000000e+01, v62;
	v60 =	vtrunc.f32 v44  }
0x324: {  	v48 =	vmul.f32 v14, v63;
	v37 =	vmul.f32 v37, v27;
	v14 =	vsub.f32 v47, v15  }
0x325: {  	v57 =	vmul.f32 v61, v28;
	v47 =	vsub.f32 v49, v4;
	v62 =	vsub.f32 v55, v45  }
0x326: {  	v56 =	vcvt.f32.s32 v60;
	v60 =	vadd.s32 $0x14000, v20;
	v36 =	vadd.f32 v37, v36  }
0x327: {  	v63 =	vadd.f32 v57, v59;
	v47 =	vmul.f32 v47, v17;
	v49 =	vmul.f32 v62, v14  }
0x328: {  	v22 =	vadd.f32 v51, v40;
	v20 =	vadd.s32 $0x14080, v20;
	v61 =	vadd.s32 $0x14001, v6  }
0x329: {  	v36 =	vmul.f32 v36, v63;
	v4 =	vadd.f32 v47, v4;
	v45 =	vadd.f32 v49, v45  }
0x32a: {  	v53 =	vand.u32 $0xFFFF0000, v53;
	v15 =	vtrunc.f32 v52;
	v62 =	vadd.s32 $0x80, v1;
	v49 =	vld [tilespmem:s4+$0xFFFFFFF0]  }
0x32b: {  	v15 =	vcvt.f32.s32 v15;
	v63 =	vadd.s32 $0x81, v1;
	[tilespmem:s5+$0xC00] =	vst v36;
	v4 =	vmul.f32 v4, v45  }
0x32c: {  	s0 =	simm.s32 $0x1AA90;
	v9 =	vand.u32 $0xFFFF0000, v9;
	v50 =	vand.u32 $0xFFFF0000, v50;
	v6 =	vadd.s32 $0x14081, v6;
	v57 =	vld.idx.msk [tilespmem:v60+s3+$0x0], $0xffff  }
0x32d: {  	vm13 =	vlt.s32 v56, $0x7E;
	vm14 =	vlt.s32 v15, $0x7E;
	v58 =	vld.idx.msk [tilespmem:v61+s3+$0x0], $0xffff;
	v60 =	vand.u32 $0xFFFF0000, v54;
	[tilespmem:s0+$0xFFFFE800] =	vst v4  }
0x32e: {  	v36 =	vnsel vm13, $0x7E, v56;
	v54 =	vld.idx.msk [tilespmem:v20+s3+$0x0], $0xffff;
	v4 =	vsub.f32 v9, v53;
	v9 =	vsub.f32 v60, v50;
	[tilespmem:$0x1FE20] =	vst v19  }
0x32f: {  	v45 =	vnsel vm14, $0x7E, v15;
	v19 =	vshll.u32 v36, $0x7;
	v49 =	vmul.f32 $6.350000000e+01, v49;
	v20 =	vld.idx.msk [tilespmem:v62+s19+$0x0], $0xffff  }
0x330: {  	v37 =	vadd.s32 v45, v19;
	v15 =	vld.idx.msk [tilespmem:v63+s19+$0x0], $0xffff;
	v4 =	vmul.f32 v4, v7;
	v19 =	vmul.f32 v9, v7  }
0x331: {  	v9 =	vand.u32 $0x7F, v45;
	v55 =	vld.idx.msk [tilespmem:v6+s3+$0x0], $0xffff;
	v6 =	vadd.s32 $0x500, v26;
	v61 =	vand.u32 $0xFFFFFF80, v37  }
0x332: {  	v62 =	vadd.s32 $0x1, v37;
	v4 =	vadd.f32 v53, v4;
	v19 =	vadd.f32 v50, v19  }
0x333: {  	v40 =	vor.u32 v9, v61;
	v53 =	vadd.s32 $0x81, v37;
	v56 =	vshll.u32 v57, $0x10  }
0x334: {  	[tilespmem:$0x1FE30] =	vst v22;
	v59 =	vshll.u32 v54, $0x10;
	v54 =	vand.u32 $0xFFFF0000, v54;
	v50 =	vadd.s32 $0x80, v40  }
0x335: {  	v32 =	vld.idx.msk [tilespmem:v32+s19+$0x0], $0xffff;
	v19 =	vsub.f32 v19, v4;
	v51 =	vsub.f32 v15, v20;
	v15 =	vshll.u32 v58, $0x10  }
0x336: {  	v60 =	vshll.u32 v55, $0x10;
	v61 =	vld.idx.msk [tilespmem:v6+s19+$0x0], $0xffff;
	v55 =	vand.u32 $0xFFFF0000, v55;
	v6 =	vsub.f32 v15, v56  }
0x337: {  	v47 =	vld.idx.msk [tilespmem:v62+s3+$0x0], $0xffff;
	v60 =	vsub.f32 v60, v59;
	v19 =	vmul.f32 v19, v17;
	v15 =	vadd.f32 v48, v43  }
0x338: {  	v43 =	vadd.f32 $6.350000000e+01, v49;
	v48 =	vld.idx.msk [tilespmem:v37+s3+$0x0], $0xffff;
	v63 =	vmul.f32 v51, v14;
	v51 =	vadd.s32 $0x4000, v42  }
0x339: {  	v4 =	vadd.f32 v19, v4;
	v6 =	vmul.f32 v6, v29;
	v19 =	vmul.f32 v60, v29;
	v49 =	vld.idx.msk [tilespmem:v50+s3+$0x0], $0xffff  }
0x33a: {  	v62 =	vtrunc.f32 v43;
	v50 =	vld.idx.msk [tilespmem:v53+s3+$0x0], $0xffff;
	v53 =	vadd.s32 $0x4001, v39;
	v39 =	vadd.s32 $0x4081, v39  }
0x33b: {  	v20 =	vadd.f32 v63, v20;
	v63 =	vcvt.s32.f32 v45;
	v56 =	vadd.f32 v56, v6  }
0x33c: {  	v6 =	vadd.f32 v59, v19;
	v19 =	vcvt.f32.s32 v62;
	v32 =	vsub.f32 v32, v61  }
0x33d: {  	v4 =	vmul.f32 v20, v4;
	v20 =	vsub.f32 v52, v63;
	v52 =	vshll.u32 v48, $0x10  }
0x33e: {  	v63 =	vcvt.s32.f32 v36;
	vm15 =	vlt.s32 v19, $0x7E;
	v60 =	vsub.f32 v6, v56  }
0x33f: {  	v48 =	vand.u32 $0xFFFF0000, v48;
	v6 =	vnsel vm15, $0x7E, v19;
	v19 =	vadd.s32 $0x4080, v42  }
0x340: {  	[tilespmem:s0+$0xFFFFEC00] =	vst v4;
	v4 =	vshll.u32 v47, $0x10;
	v62 =	vshll.u32 v50, $0x10;
	v42 =	vmul.f32 v60, v28  }
0x341: {  	v50 =	vand.u32 $0xFFFF0000, v50;
	v59 =	vadd.s32 $0x1, v6;
	v4 =	vsub.f32 v4, v52;
	v51 =	vld.idx.msk [tilespmem:v51+s3+$0x0], $0xffff  }
0x342: {  	v60 =	vshll.u32 v49, $0x10;
	v53 =	vld.idx.msk [tilespmem:v53+s3+$0x0], $0xffff;
	[tilespmem:$0x1FE40] =	vst v5;
	v42 =	vadd.f32 v42, v56;
	v56 =	vmul.f32 v32, v27  }
0x343: {  	v62 =	vsub.f32 v62, v60;
	[tilespmem:s29+$0x1A600] =	vst v16;
	v16 =	vand.u32 $0xFFFF0000, v47;
	v4 =	vmul.f32 v4, v20  }
0x344: {  	v49 =	vand.u32 $0xFFFF0000, v49;
	v16 =	vsub.f32 v16, v48;
	v32 =	vld.idx.msk [tilespmem:v19+s3+$0x0], $0xffff;
	v38 =	vadd.f32 v56, v61  }
0x345: {  	v62 =	vmul.f32 v62, v20;
	v19 =	vsub.f32 v44, v63;
	v4 =	vadd.f32 v52, v4;
	v52 =	vld.idx.msk [tilespmem:v6+s19+$0x0], $0xffff  }
0x346: {  	v63 =	vmul.f32 v21, v10;
	v56 =	vand.u32 $0xFFFF0000, v57;
	v21 =	vand.u32 $0xFFFF0000, v58;
	v44 =	vld.idx.msk [tilespmem:v59+s19+$0x0], $0xffff  }
0x347: {  	v39 =	vld.idx.msk [tilespmem:v39+s3+$0x0], $0xffff;
	v16 =	vmul.f32 v16, v20;
	v10 =	vadd.f32 v60, v62;
	v62 =	vcvt.s32.f32 v6  }
0x348: {  	v58 =	vsub.f32 v21, v56;
	v59 =	vshll.u32 v51, $0x10;
	v60 =	vshll.u32 v53, $0x10  }
0x349: {  	v51 =	vand.u32 $0xFFFF0000, v51;
	v53 =	vand.u32 $0xFFFF0000, v53;
	v21 =	vsub.f32 v43, v62  }
0x34a: {  	v43 =	vsub.f32 v55, v54;
	v55 =	vadd.s32 $0x100, v1;
	v57 =	vmul.f32 v58, v29  }
0x34b: {  	v10 =	vsub.f32 v10, v4;
	v58 =	vadd.s32 $0x101, v1;
	v44 =	vsub.f32 v44, v52  }
0x34c: {  	v60 =	vsub.f32 v60, v59;
	v16 =	vadd.f32 v48, v16;
	v62 =	vshll.u32 v39, $0x10  }
0x34d: {  	v61 =	vshll.u32 v32, $0x10;
	v10 =	vmul.f32 v10, v19;
	v44 =	vmul.f32 v44, v21  }
0x34e: {  	v29 =	vmul.f32 v43, v29;
	v43 =	vadd.f32 v56, v57;
	v62 =	vsub.f32 v62, v61  }
0x34f: {  	v38 =	vmul.f32 v42, v38;
	v4 =	vadd.f32 v10, v4;
	v55 =	vld.idx.msk [tilespmem:v55+s19+$0x0], $0xffff;
	v10 =	vadd.f32 v44, v52  }
0x350: {  	v56 =	vmul.f32 v60, v7;
	v57 =	vadd.s32 $0x81, v6;
	v44 =	vld.idx.msk [tilespmem:v58+s19+$0x0], $0xffff;
	v58 =	vmul.f32 v62, v7  }
0x351: {  	v42 =	vadd.f32 v54, v29;
	v4 =	vmul.f32 v4, v10;
	v10 =	vadd.s32 $0xC000, v35  }
0x352: {  	v29 =	vadd.f32 v59, v56;
	v56 =	vadd.s32 $0xC001, v34;
	v52 =	vadd.f32 v61, v58  }
0x353: {  	v53 =	vsub.f32 v53, v51;
	v61 =	vsub.f32 v50, v49;
	v58 =	vadd.s32 $0x580, v26  }
0x354: {  	v39 =	vand.u32 $0xFFFF0000, v39;
	v62 =	vsub.f32 v52, v29;
	v52 =	vadd.s32 $0x80, v6;
	[tilespmem:s0+$0xFFFFE7F0] =	vst v4  }
0x355: {  	v26 =	vadd.s32 $0x581, v26;
	v59 =	vmul.f32 v61, v20;
	v44 =	vsub.f32 v44, v55;
	v61 =	vld.idx.msk [tilespmem:v57+s19+$0x0], $0xffff  }
0x356: {  	[tilespmem:s5+$0x1000] =	vst v38;
	v53 =	vmul.f32 v53, v7;
	v32 =	vand.u32 $0xFFFF0000, v32;
	v54 =	vadd.s32 $0xC080, v35;
	v35 =	vld.idx.msk [tilespmem:v10+s3+$0x0], $0xffff  }
0x357: {  	v39 =	vsub.f32 v39, v32;
	v62 =	vmul.f32 v62, v17;
	v44 =	vmul.f32 v44, v14;
	v10 =	vld.idx.msk [tilespmem:v56+s3+$0x0], $0xffff  }
0x358: {  	v51 =	vadd.f32 v51, v53;
	v53 =	vadd.s32 $0x4080, v40;
	v42 =	vsub.f32 v42, v43;
	v48 =	vld.idx.msk [tilespmem:v58+s19+$0x0], $0xffff  }
0x359: {  	v4 =	vadd.f32 v62, v29;
	v62 =	vadd.s32 $0x180, v1;
	v44 =	vadd.f32 v44, v55;
	v47 =	vld.idx.msk [tilespmem:v52+s19+$0x0], $0xffff  }
0x35a: {  	v34 =	vadd.s32 $0xC081, v34;
	v42 =	vmul.f32 v42, v28;
	v57 =	vadd.s32 $0x181, v1;
	v26 =	vld.idx.msk [tilespmem:v26+s19+$0x0], $0xffff  }
0x35b: {  	v49 =	vadd.f32 v49, v59;
	v59 =	vmul.f32 v39, v7;
	v4 =	vmul.f32 v4, v44  }
0x35c: {  	v50 =	vadd.s32 $0x300, v25;
	v56 =	vadd.s32 $0x4000, v40;
	v58 =	vadd.s32 $0x4001, v37  }
0x35d: {  	v37 =	vadd.s32 $0x4081, v37;
	v29 =	vld.idx.msk [tilespmem:v54+s3+$0x0], $0xffff;
	v49 =	vsub.f32 v49, v16;
	v28 =	vadd.f32 v32, v59;
	[tilespmem:s0+$0xFFFFF000] =	vst v4  }
0x35e: {  	v1 =	vshll.u32 v1, $0x7;
	v44 =	vadd.s32 $0x301, v25;
	v54 =	vld.idx.msk [tilespmem:v62+s19+$0x0], $0xffff;
	v52 =	vsub.f32 v61, v47  }
0x35f: {  	v55 =	vshll.u32 v10, $0x10;
	v26 =	vsub.f32 v26, v48;
	v38 =	vld.idx.msk [tilespmem:v57+s19+$0x0], $0xffff;
	v61 =	vmul.f32 v49, v19  }
0x360: {  	v10 =	vand.u32 $0xFFFF0000, v10;
	v4 =	vshll.u32 v35, $0x10;
	v62 =	vmul.f32 v52, v21  }
0x361: {  	v35 =	vand.u32 $0xFFFF0000, v35;
	v27 =	vmul.f32 v26, v27;
	v16 =	vadd.f32 v61, v16  }
0x362: {  	v26 =	vadd.s32 v11, v1;
	v61 =	vsub.f32 v28, v51;
	v57 =	vadd.f32 v62, v47  }
0x363: {  	v10 =	vsub.f32 v10, v35;
	v52 =	vshll.u32 v29, $0x10;
	v28 =	vld.idx.msk [tilespmem:v34+s3+$0x0], $0xffff;
	v29 =	vand.u32 $0xFFFF0000, v29  }
0x364: {  	s2 =	simm.s32 $0x80;
	v40 =	vld.idx.msk [tilespmem:v44+s19+$0x0], $0xffff;
	v59 =	vmul.f32 v61, v17;
	v62 =	vsub.f32 v38, v54;
	v16 =	vmul.f32 v57, v16  }
0x365: {  	s7 =	sand.u32 $0x3E0, s2;
	v61 =	vand.u32 $0xFFFFFF80, v26;
	v38 =	vld.idx.msk [tilespmem:v50+s19+$0x0], $0xffff;
	v50 =	vadd.s32 $0x100, v6;
	v57 =	vsub.f32 v55, v4  }
0x366: {  	v34 =	vmul.f32 v62, v14;
	[tilespmem:s7+$0x19600] =	vst v16;
	v16 =	vadd.f32 v42, v43;
	v42 =	vadd.f32 v27, v48  }
0x367: {  	v27 =	vor.u32 v2, v61;
	v2 =	vadd.f32 v59, v51;
	v59 =	vadd.s32 $0x8081, v26  }
0x368: {  	v48 =	vmul.f32 v57, v3;
	v32 =	vld.idx.msk [tilespmem:v56+s3+$0x0], $0xffff;
	v34 =	vadd.f32 v34, v54;
	v62 =	vadd.s32 $0x8000, v27  }
0x369: {  	v61 =	vadd.s32 $0x101, v6;
	v44 =	vld.idx.msk [tilespmem:v58+s3+$0x0], $0xffff;
	v56 =	vshll.u32 v28, $0x10;
	v58 =	vadd.s32 $0x8001, v26  }
0x36a: {  	v39 =	vld.idx.msk [tilespmem:v53+s3+$0x0], $0xffff;
	v28 =	vand.u32 $0xFFFF0000, v28;
	v47 =	vsub.f32 v56, v52;
	v2 =	vmul.f32 v34, v2  }
0x36b: {  	v37 =	vld.idx.msk [tilespmem:v37+s3+$0x0], $0xffff;
	v40 =	vsub.f32 v40, v38;
	v28 =	vsub.f32 v28, v29;
	v34 =	vadd.s32 $0x8080, v27  }
0x36c: {  	v60 =	vmovc v3;
	v54 =	vadd.s32 $0x200, v33;
	v4 =	vadd.f32 v4, v48;
	v47 =	vmul.f32 v47, v3;
	[tilespmem:s0+$0xFFFFF400] =	vst v2  }
0x36d: {  	v48 =	vadd.s32 $0x201, v33;
	v40 =	vmul.f32 v40, v8;
	v28 =	vmul.f32 v28, v60;
	v43 =	vld.idx.msk [tilespmem:v62+s3+$0x0], $0xffff  }
0x36e: {  	v2 =	vmul.f32 v42, v16;
	v62 =	vshll.u32 v32, $0x10;
	v57 =	vshll.u32 v44, $0x10;
	v42 =	vld.idx.msk [tilespmem:v58+s3+$0x0], $0xffff  }
0x36f: {  	v16 =	vadd.f32 v52, v47;
	v32 =	vand.u32 $0xFFFF0000, v32;
	v44 =	vand.u32 $0xFFFF0000, v44;
	v51 =	vld.idx.msk [tilespmem:v59+s3+$0x0], $0xffff  }
0x370: {  	v49 =	vshll.u32 v39, $0x10;
	v59 =	vshll.u32 v37, $0x10;
	v58 =	vsub.f32 v57, v62;
	v34 =	vld.idx.msk [tilespmem:v34+s3+$0x0], $0xffff  }
0x371: {  	v50 =	vld.idx.msk [tilespmem:v50+s19+$0x0], $0xffff;
	v39 =	vand.u32 $0xFFFF0000, v39;
	v37 =	vand.u32 $0xFFFF0000, v37;
	v38 =	vadd.f32 v40, v38  }
0x372: {  	v53 =	vld.idx.msk [tilespmem:v61+s19+$0x0], $0xffff;
	v28 =	vadd.f32 v29, v28;
	v52 =	vsub.f32 v59, v49;
	v47 =	vmul.f32 v58, v20  }
0x373: {  	v0 =	vmul.f32 v15, v0;
	v44 =	vsub.f32 v44, v32;
	v37 =	vsub.f32 v37, v39  }
0x374: {  	v52 =	vmul.f32 v52, v20;
	v47 =	vadd.f32 v62, v47;
	v40 =	vshll.u32 v43, $0x10  }
0x375: {  	v61 =	vshll.u32 v42, $0x10;
	v62 =	vshll.u32 v51, $0x10;
	v56 =	vshll.u32 v34, $0x10  }
0x376: {  	v59 =	vld.idx.msk [tilespmem:v48+s19+$0x0], $0xffff;
	v44 =	vmul.f32 v44, v20;
	v55 =	vsub.f32 v61, v40;
	v57 =	vsub.f32 v62, v56  }
0x377: {  	v37 =	vmul.f32 v37, v20;
	v53 =	vsub.f32 v53, v50;
	v49 =	vadd.f32 v49, v52;
	v52 =	vld.idx.msk [tilespmem:v54+s19+$0x0], $0xffff  }
0x378: {  	v32 =	vadd.f32 v32, v44;
	v58 =	vmul.f32 v55, v7;
	v61 =	vmul.f32 v57, v7  }
0x379: {  	v10 =	vmul.f32 v10, v60;
	v37 =	vadd.f32 v39, v37;
	v49 =	vsub.f32 v49, v47  }
0x37a: {  	v3 =	vld [tilespmem:$0x1FE60];
	v54 =	vadd.s32 $0x14000, v23;
	v40 =	vadd.f32 v40, v58;
	v44 =	vadd.f32 v56, v61  }
0x37b: {  	v53 =	vmul.f32 v53, v21;
	v62 =	vsub.f32 v16, v4;
	v49 =	vmul.f32 v49, v19  }
0x37c: {  	v55 =	vadd.s32 $0x14080, v23;
	v39 =	vsub.f32 v59, v52;
	v44 =	vsub.f32 v44, v40  }
0x37d: {  	v23 =	vadd.f32 v53, v50;
	v58 =	vadd.s32 $0x181, v6;
	v47 =	vadd.f32 v49, v47  }
0x37e: {  	v57 =	vadd.s32 $0x180, v6;
	v39 =	vmul.f32 v39, v17;
	v44 =	vmul.f32 v44, v14  }
0x37f: {  	v22 =	vadd.s32 $0x14081, v3;
	v48 =	vmul.f32 v62, v18;
	v23 =	vmul.f32 v47, v23  }
0x380: {  	v61 =	vadd.s32 $0x280, v33;
	v59 =	vadd.f32 v39, v52;
	v40 =	vadd.f32 v44, v40  }
0x381: {  	v5 =	vld [tilespmem:$0x1FE50];
	v43 =	vand.u32 $0xFFFF0000, v43;
	v37 =	vsub.f32 v37, v32;
	[tilespmem:s7+$0x19A00] =	vst v23;
	v23 =	vadd.s32 $0x281, v33  }
0x382: {  	v34 =	vand.u32 $0xFFFF0000, v34;
	v4 =	vadd.f32 v48, v4;
	v48 =	vld.idx.msk [tilespmem:v58+s19+$0x0], $0xffff;
	v40 =	vmul.f32 v40, v59  }
0x383: {  	v50 =	vadd.s32 $0x14001, v3;
	v53 =	vshll.u32 v6, $0x7;
	v47 =	vadd.s32 $0x380, v25;
	v44 =	vld.idx.msk [tilespmem:v57+s19+$0x0], $0xffff  }
0x384: {  	v56 =	vand.u32 $0xFFFF0000, v42;
	v25 =	vadd.s32 $0x381, v25;
	v57 =	vand.u32 $0xFFFF0000, v51;
	[tilespmem:s0+$0xFFFFF800] =	vst v40  }
0x385: {  	v4 =	vmul.f32 v4, v38;
	v42 =	vsub.f32 v57, v34;
	v40 =	vsub.f32 v56, v43;
	v58 =	vld.idx.msk [tilespmem:v61+s19+$0x0], $0xffff  }
0x386: {  	v37 =	vmul.f32 v37, v19;
	v6 =	vadd.s32 v45, v53;
	v52 =	vadd.f32 v35, v10;
	v23 =	vld.idx.msk [tilespmem:v23+s19+$0x0], $0xffff  }
0x387: {  	v62 =	vand.u32 $0xFFFFFF80, v6;
	[tilespmem:s29+$0x1AA00] =	vst v4;
	v42 =	vmul.f32 v42, v7;
	v40 =	vmul.f32 v40, v7  }
0x388: {  	v9 =	vor.u32 v9, v62;
	v28 =	vsub.f32 v28, v52;
	v62 =	vld.idx.msk [tilespmem:v47+s19+$0x0], $0xffff;
	v61 =	vsub.f32 v48, v44  }
0x389: {  	v3 =	vadd.s32 $0x580, v12;
	v25 =	vld.idx.msk [tilespmem:v25+s19+$0x0], $0xffff;
	v34 =	vadd.f32 v34, v42;
	v40 =	vadd.f32 v43, v40  }
0x38a: {  	[tilespmem:s26+$0x1B600] =	vst v0;
	v32 =	vadd.f32 v37, v32;
	v49 =	vadd.s32 $0x300, v33;
	v4 =	vmul.f32 v61, v21  }
0x38b: {  	v35 =	vld.idx.msk [tilespmem:v22+s3+$0x0], $0xffff;
	v22 =	vmul.f32 v28, v18;
	v15 =	vsub.f32 v34, v40;
	v23 =	vsub.f32 v23, v58  }
0x38c: {  	v51 =	vadd.s32 $0x301, v33;
	v48 =	vadd.s32 $0x8000, v9;
	v4 =	vadd.f32 v4, v44  }
0x38d: {  	v10 =	vld.idx.msk [tilespmem:v54+s3+$0x0], $0xffff;
	v59 =	vadd.s32 $0x8001, v6;
	v0 =	vmul.f32 v15, v14;
	v15 =	vmul.f32 v23, v17  }
0x38e: {  	v25 =	vsub.f32 v25, v62;
	v4 =	vmul.f32 v4, v32;
	v32 =	vadd.s32 $0x200, v36  }
0x38f: {  	v56 =	vadd.s32 $0xC000, v27;
	v23 =	vld.idx.msk [tilespmem:v50+s3+$0x0], $0xffff;
	v0 =	vadd.f32 v0, v40;
	v15 =	vadd.f32 v15, v58  }
0x390: {  	v57 =	vadd.s32 $0xC001, v26;
	v26 =	vadd.s32 $0xC081, v26;
	v25 =	vmul.f32 v25, v8;
	v34 =	vld.idx.msk [tilespmem:v55+s3+$0x0], $0xffff;
	[tilespmem:s7+$0x19E00] =	vst v4  }
0x391: {  	v42 =	vadd.f32 v22, v52;
	v4 =	vadd.s32 $0xC080, v27;
	v28 =	vld.idx.msk [tilespmem:v48+s3+$0x0], $0xffff;
	v0 =	vmul.f32 v15, v0  }
0x392: {  	v61 =	vshll.u32 v10, $0x10;
	v25 =	vadd.f32 v25, v62;
	v55 =	vshll.u32 v35, $0x10;
	v43 =	vld.idx.msk [tilespmem:v59+s3+$0x0], $0xffff  }
0x393: {  	v50 =	vadd.s32 $0x201, v36;
	v27 =	vadd.s32 $0x8080, v9;
	v58 =	vadd.s32 $0x8081, v6;
	v32 =	vld.idx.msk [tilespmem:v32+s19+$0x0], $0xffff;
	[tilespmem:s0+$0xFFFFFC00] =	vst v0  }
0x394: {  	v59 =	vand.u32 $0x7F, v36;
	v15 =	vadd.s32 v36, v53;
	v22 =	vshll.u32 v23, $0x10;
	v29 =	vld.idx.msk [tilespmem:v56+s3+$0x0], $0xffff  }
0x395: {  	v62 =	vshll.u32 v34, $0x10;
	v0 =	vand.u32 $0xFFFFFF80, v15;
	v54 =	vsub.f32 v22, v61;
	v40 =	vld.idx.msk [tilespmem:v57+s3+$0x0], $0xffff  }
0x396: {  	v4 =	vld.idx.msk [tilespmem:v4+s3+$0x0], $0xffff;
	v22 =	vor.u32 v59, v0;
	v0 =	vsub.f32 v55, v62;
	v44 =	vshll.u32 v28, $0x10  }
0x397: {  	v26 =	vld.idx.msk [tilespmem:v26+s3+$0x0], $0xffff;
	v57 =	vshll.u32 v43, $0x10;
	v28 =	vand.u32 $0xFFFF0000, v28;
	v43 =	vand.u32 $0xFFFF0000, v43  }
0x398: {  	v50 =	vld.idx.msk [tilespmem:v50+s19+$0x0], $0xffff;
	v56 =	vmul.f32 v54, v13;
	v48 =	vsub.f32 v57, v44;
	v43 =	vsub.f32 v43, v28  }
0x399: {  	v39 =	vadd.s32 $0x10001, v30;
	v25 =	vmul.f32 v25, v42;
	v27 =	vld.idx.msk [tilespmem:v27+s3+$0x0], $0xffff;
	v0 =	vmul.f32 v0, v13  }
0x39a: {  	v37 =	vadd.f32 v61, v56;
	v48 =	vmul.f32 v48, v20;
	v43 =	vmul.f32 v43, v20  }
0x39b: {  	v42 =	vld.idx.msk [tilespmem:v58+s3+$0x0], $0xffff;
	v38 =	vadd.f32 v62, v0;
	v58 =	vshll.u32 v29, $0x10;
	v0 =	vshll.u32 v40, $0x10  }
0x39c: {  	v49 =	vld.idx.msk [tilespmem:v49+s19+$0x0], $0xffff;
	v59 =	vshll.u32 v4, $0x10;
	v61 =	vshll.u32 v26, $0x10;
	v0 =	vsub.f32 v0, v58  }
0x39d: {  	v51 =	vld.idx.msk [tilespmem:v51+s19+$0x0], $0xffff;
	v50 =	vsub.f32 v50, v32;
	v62 =	vadd.s32 $0x10000, v31;
	v53 =	vsub.f32 v61, v59  }
0x39e: {  	v56 =	vadd.s32 $0x500, v12;
	v57 =	vshll.u32 v27, $0x10;
	v0 =	vmul.f32 v0, v7  }
0x39f: {  	v27 =	vand.u32 $0xFFFF0000, v27;
	v44 =	vadd.f32 v44, v48;
	v53 =	vmul.f32 v53, v7  }
0x3a0: {  	[tilespmem:s29+$0x1AE00] =	vst v25;
	v61 =	vadd.s32 $0x10081, v30;
	v0 =	vadd.f32 v58, v0;
	v58 =	vshll.u32 v42, $0x10  }
0x3a1: {  	v39 =	vld.idx.msk [tilespmem:v39+s3+$0x0], $0xffff;
	v47 =	vadd.f32 v59, v53;
	v59 =	vadd.s32 $0x10080, v31;
	v52 =	vsub.f32 v58, v57  }
0x3a2: {  	v28 =	vadd.f32 v28, v43;
	v50 =	vmul.f32 v50, v19;
	v51 =	vsub.f32 v51, v49;
	v54 =	vld.idx.msk [tilespmem:v62+s3+$0x0], $0xffff  }
0x3a3: {  	v29 =	vand.u32 $0xFFFF0000, v29;
	v42 =	vand.u32 $0xFFFF0000, v42;
	v52 =	vmul.f32 v52, v20  }
0x3a4: {  	v32 =	vadd.f32 v50, v32;
	v51 =	vmul.f32 v51, v17;
	v42 =	vsub.f32 v42, v27  }
0x3a5: {  	v62 =	vadd.s32 $0x400, v24;
	v55 =	vld.idx.msk [tilespmem:v61+s3+$0x0], $0xffff;
	v47 =	vsub.f32 v47, v0;
	v48 =	vadd.f32 v57, v52  }
0x3a6: {  	v49 =	vadd.f32 v51, v49;
	v61 =	vshll.u32 v39, $0x10;
	v42 =	vmul.f32 v42, v20;
	v53 =	vld.idx.msk [tilespmem:v59+s3+$0x0], $0xffff  }
0x3a7: {  	v47 =	vmul.f32 v47, v14;
	v50 =	vshll.u32 v54, $0x10;
	v48 =	vsub.f32 v48, v44  }
0x3a8: {  	v52 =	vadd.s32 $0x401, v24;
	v27 =	vadd.f32 v27, v42;
	v42 =	vadd.s32 $0x501, v12  }
0x3a9: {  	[tilespmem:$0x1FE70] =	vst v3;
	v3 =	vadd.s32 $0x581, v12;
	v0 =	vadd.f32 v47, v0;
	v48 =	vmul.f32 v48, v21  }
0x3aa: {  	v47 =	vsub.f32 v61, v50;
	v43 =	vld.idx.msk [tilespmem:v62+s19+$0x0], $0xffff;
	v62 =	vshll.u32 v55, $0x10;
	v61 =	vadd.s32 $0x380, v33  }
0x3ab: {  	v27 =	vsub.f32 v27, v28;
	v44 =	vadd.f32 v48, v44;
	v48 =	vshll.u32 v53, $0x10  }
0x3ac: {  	v0 =	vmul.f32 v0, v49;
	v12 =	vsub.f32 v62, v48;
	v62 =	vadd.s32 $0x381, v33  }
0x3ad: {  	v40 =	vand.u32 $0xFFFF0000, v40;
	v47 =	vmul.f32 v47, v8;
	v27 =	vmul.f32 v27, v21  }
0x3ae: {  	v4 =	vand.u32 $0xFFFF0000, v4;
	v26 =	vand.u32 $0xFFFF0000, v26;
	v40 =	vsub.f32 v40, v29;
	v52 =	vld.idx.msk [tilespmem:v52+s19+$0x0], $0xffff;
	[tilespmem:$0x1FE80] =	vst v3  }
0x3af: {  	v47 =	vadd.f32 v50, v47;
	[tilespmem:s0+$0x0] =	vst v0;
	v57 =	vadd.f32 v27, v28;
	v0 =	vmul.f32 v12, v8  }
0x3b0: {  	v28 =	vadd.s32 $0x280, v36;
	v49 =	vld.idx.msk [tilespmem:v61+s19+$0x0], $0xffff;
	v32 =	vmul.f32 v44, v32;
	v12 =	vsub.f32 v26, v4  }
0x3b1: {  	v27 =	vmul.f32 v40, v7;
	v40 =	vadd.s32 $0x281, v36;
	v0 =	vadd.f32 v48, v0;
	v44 =	vld.idx.msk [tilespmem:v62+s19+$0x0], $0xffff  }
0x3b2: {  	v58 =	vadd.s32 $0x480, v24;
	v3 =	vadd.s32 $0x14080, v31;
	[tilespmem:s7+$0x1A200] =	vst v32;
	v12 =	vmul.f32 v12, v7  }
0x3b3: {  	v26 =	vsub.f32 v52, v43;
	[tilespmem:$0x1FE90] =	vst v3;
	v3 =	vadd.s32 $0x14001, v30;
	v0 =	vsub.f32 v0, v47  }
0x3b4: {  	v59 =	vadd.s32 v33, v1;
	v48 =	vadd.f32 v29, v27;
	v4 =	vadd.f32 v4, v12;
	[tilespmem:$0x1FEA0] =	vst v3  }
0x3b5: {  	v1 =	vand.u32 $0x7F, v33;
	v51 =	vmul.f32 v26, v60;
	v32 =	vld.idx.msk [tilespmem:v28+s19+$0x0], $0xffff;
	v0 =	vmul.f32 v0, v18  }
0x3b6: {  	v61 =	vadd.s32 $0x501, v24;
	v40 =	vld.idx.msk [tilespmem:v40+s19+$0x0], $0xffff;
	v4 =	vsub.f32 v4, v48;
	v44 =	vsub.f32 v44, v49  }
0x3b7: {  	v3 =	vadd.s32 $0x14081, v30;
	v52 =	vadd.f32 v51, v43;
	v50 =	vadd.f32 v0, v47  }
0x3b8: {  	v4 =	vmul.f32 v4, v14;
	v0 =	vand.u32 $0xFFFFFF80, v59;
	v51 =	vmul.f32 v44, v17  }
0x3b9: {  	v12 =	vadd.s32 $0x481, v24;
	[tilespmem:$0x1FEB0] =	vst v3;
	v0 =	vor.u32 v1, v0;
	v1 =	vadd.s32 $0x500, v24  }
0x3ba: {  	v3 =	vadd.s32 $0x580, v24;
	[tilespmem:$0x1FEC0] =	vst v1;
	v1 =	vadd.f32 v4, v48;
	v4 =	vadd.f32 v51, v49  }
0x3bb: {  	[tilespmem:$0x1FED0] =	vst v3;
	v3 =	vadd.s32 $0x581, v24;
	v24 =	vmul.f32 v50, v52;
	v52 =	vsub.f32 v40, v32  }
0x3bc: {  	v33 =	vmul.f32 v4, v1;
	v1 =	vand.u32 $0xFFFF0000, v54;
	v4 =	vand.u32 $0xFFFF0000, v39  }
0x3bd: {  	v4 =	vsub.f32 v4, v1  }
0x3be: {  	v48 =	vadd.s32 $0xC080, v9;
	v49 =	vadd.s32 $0xC000, v9;
	v9 =	vmul.f32 v52, v19  }
0x3bf: {  	v16 =	vadd.s32 $0x580, v5;
	v4 =	vmul.f32 v4, v8  }
0x3c0: {  	v35 =	vand.u32 $0xFFFF0000, v35;
	v34 =	vand.u32 $0xFFFF0000, v34;
	[tilespmem:$0x1FEE0] =	vst v3;
	v9 =	vadd.f32 v9, v32  }
0x3c1: {  	v3 =	vadd.s32 $0x380, v36;
	v32 =	vld.idx.msk [tilespmem:v56+s19+$0x0], $0xffff;
	v4 =	vadd.f32 v1, v4;
	v1 =	vsub.f32 v35, v34  }
0x3c2: {  	v10 =	vand.u32 $0xFFFF0000, v10;
	v23 =	vand.u32 $0xFFFF0000, v23;
	v39 =	vld.idx.msk [tilespmem:v42+s19+$0x0], $0xffff;
	[tilespmem:$0x1FEF0] =	vst v3;
	v3 =	vadd.s32 $0x381, v36  }
0x3c3: {  	v23 =	vsub.f32 v23, v10;
	[tilespmem:$0x1FF00] =	vst v3;
	v56 =	vmul.f32 v1, v13;
	v1 =	vadd.s32 $0x10001, v15  }
0x3c4: {  	v25 =	vadd.s32 $0x581, v5;
	[tilespmem:$0x1FF10] =	vst v1;
	v1 =	vadd.s32 $0x10000, v22  }
0x3c5: {  	v23 =	vmul.f32 v23, v13;
	v13 =	vsub.f32 v38, v37;
	[tilespmem:$0x1FF30] =	vst v1  }
0x3c6: {  	v3 =	vadd.s32 $0x10080, v22;
	v38 =	vld [tilespmem:$0x1FF20];
	[tilespmem:s24+$0x1BA00] =	vst v41  }
0x3c7: {  	v55 =	vand.u32 $0xFFFF0000, v55;
	v1 =	vadd.f32 v10, v23;
	v10 =	vmul.f32 v13, v46;
	v13 =	vld.idx.msk [tilespmem:v16+s19+$0x0], $0xffff;
	[tilespmem:$0x1FF40] =	vst v3  }
0x3c8: {  	v62 =	vadd.s32 $0x14000, v31;
	v31 =	vand.u32 $0xFFFF0000, v53;
	v3 =	vadd.s32 $0x10081, v15;
	[tilespmem:s29+$0x1B200] =	vst v24  }
0x3c9: {  	v50 =	vadd.s32 $0xC001, v6;
	v51 =	vadd.s32 $0xC081, v6;
	v6 =	vsub.f32 v55, v31;
	v25 =	vld.idx.msk [tilespmem:v25+s19+$0x0], $0xffff;
	[tilespmem:$0x1FF50] =	vst v3  }
0x3ca: {  	v3 =	vadd.s32 $0x14000, v22;
	[tilespmem:s0+$0x400] =	vst v33  }
0x3cb: {  	v6 =	vmul.f32 v6, v8;
	v16 =	vld.idx.msk [tilespmem:v58+s19+$0x0], $0xffff;
	[tilespmem:$0x1FF60] =	vst v3;
	v3 =	vadd.s32 $0x14080, v22  }
0x3cc: {  	[tilespmem:$0x1FF70] =	vst v3  }
0x3cd: {  	v6 =	vadd.f32 v31, v6;
	v3 =	vadd.s32 $0x14001, v15;
	v31 =	vld.idx.msk [tilespmem:v12+s19+$0x0], $0xffff  }
0x3ce: {  	[tilespmem:$0x1FF80] =	vst v3;
	v3 =	vld [tilespmem:$0x1FF90];
	_ =	sdelay $0x1  }
0x3cf: {  	v53 =	vadd.s32 $0x301, v36;
	v52 =	vadd.s32 $0x300, v36;
	v36 =	vadd.s32 $0x10000, v0;
	_ =	sdelay $0x2  }
0x3d0: {  	[tilespmem:s25+$0x1400] =	vst v3;
	v3 =	vadd.s32 $0x14081, v15  }
0x3d1: {  	[tilespmem:$0x1FFA0] =	vst v3  }
0x3d2: {  	v3 =	vadd.s32 $0x400, v45;
	v15 =	vld.idx.msk [tilespmem:v36+s3+$0x0], $0xffff  }
0x3d3: {  	v28 =	vadd.s32 $0x10001, v59;
	[tilespmem:$0x1FFB0] =	vst v3;
	v3 =	vld [tilespmem:$0x1FFC0];
	_ =	sdelay $0x2  }
0x3d4: {  	v47 =	vmul.f32 v9, v57;
	v9 =	vsub.f32 v39, v32;
	_ =	sdelay $0x1  }
0x3d5: {  	v23 =	vmul.f32 v9, v38;
	v9 =	vadd.f32 v10, v37;
	v37 =	vld.idx.msk [tilespmem:v28+s3+$0x0], $0xffff;
	[tilespmem:s28+$0x1400] =	vst v3;
	v3 =	vadd.s32 $0x401, v45  }
0x3d6: {  	[tilespmem:$0x1FFD0] =	vst v3;
	v3 =	vld [tilespmem:$0x1FFE0]  }
0x3d7: {  	v30 =	vadd.s32 $0x10080, v0  }
0x3d8: {  	v10 =	vadd.f32 v23, v32;
	v23 =	vadd.s32 $0x10081, v59;
	_ =	sdelay $0x1  }
0x3d9: {  	v42 =	vadd.s32 $0x501, v45  }
0x3da: {  	v43 =	vmovc v18;
	v44 =	vmovc v8;
	v54 =	vadd.s32 $0x580, v45;
	v22 =	vsub.f32 v6, v4;
	[tilespmem:s30+$0x1400] =	vst v3;
	v3 =	vadd.s32 $0x500, v45  }
0x3db: {  	v39 =	vmovc v46;
	v35 =	vadd.s32 $0x480, v45;
	v29 =	vadd.f32 v34, v56;
	v34 =	vadd.s32 $0x481, v45;
	v12 =	vld.idx.msk [tilespmem:v30+s3+$0x0], $0xffff;
	[tilespmem:$0x1FFF0] =	vst v3  }
0x3dc: {  	v56 =	vadd.s32 $0x581, v45;
	v6 =	vsub.f32 v25, v13;
	v22 =	vmul.f32 v22, v18;
	[tilespmem:s7+$0x1A600] =	vst v47;
	v47 =	vld.idx.msk [tilespmem:v23+s3+$0x0], $0xffff  }
0x3dd: {  	v25 =	vadd.s32 $0x400, v11;
	s25 =	simm.s32 $0x8;
	s28 =	simm.s32 $0x186B0;
	[tilespmem:s5+$0x1400] =	vst v2;
	v2 =	vsub.f32 v29, v1;
	v23 =	vsub.f32 v31, v16;
	s5 =	simm.s32 $0x1AA90;
	v45 =	vld.idx.msk [tilespmem:v49+s3+$0x0], $0xffff  }
.LBB2_3:
0x3de: {  	v3 =	vadd.f32 v22, v4;
	_ =	sdelay $0x1  }
0x3df: {  	[tilespmem:$0x1FD10] =	vst v3;
	v3 =	vld [tilespmem:$0x1FE00];
	_ =	sdelay $0x4  }
0x3e0: {  	v4 =	vmul.f32 v6, v3;
	v3 =	vmov v60  }
0x3e1: {  	[tilespmem:$0x1FF20] =	vst v3;
	v22 =	vmul.f32 v23, v3;
	v3 =	vld [tilespmem:$0x1FE40];
	_ =	sdelay $0x3  }
0x3e2: {  	v46 =	vmul.f32 v2, v39;
	v2 =	vld [tilespmem:$0x1FE20]  }
0x3e3: {  	v9 =	vmul.f32 v9, v10;
	v4 =	vadd.f32 v4, v13;
	v10 =	vadd.f32 v63, v3;
	v3 =	vld [tilespmem:$0x1FE30]  }
0x3e4: {  	v49 =	vld [tilespmem:s28+$0x0];
	v55 =	vadd.s32 $0x401, v11  }
0x3e5: {  	s31 =	sadd.s32 $0x20, s31;
	[tilespmem:$0x1FE30] =	vst v4;
	v4 =	vld [tilespmem:s28+$0xFFFFFFF0]  }
0x3e6: {  	[tilespmem:$0x1FD50] =	vst v42;
	v5 =	vmov v38;
	v28 =	vand.u32 $0xFFFF0000, v47;
	v6 =	vld [tilespmem:s31+$0x0]  }
0x3e7: {  	v42 =	vmovc v20;
	v20 =	vld [tilespmem:s31+$0xFFFFFFF0];
	[tilespmem:$0x1FE00] =	vst v5;
	v60 =	vshll.u32 v45, $0x10;
	v13 =	vshll.u32 v15, $0x10;
	v15 =	vand.u32 $0xFFFF0000, v15  }
0x3e8: {  	v8 =	vadd.f32 v22, v16;
	v22 =	vld.idx.msk [tilespmem:v25+s19+$0x0], $0xffff;
	v2 =	vmul.f32 v3, v2;
	v3 =	vmovc v1;
	v1 =	vshll.u32 v37, $0x10  }
0x3e9: {  	v16 =	vld.idx.msk [tilespmem:v55+s19+$0x0], $0xffff;
	[tilespmem:s26+$0x1BA00] =	vst v9;
	v9 =	vshll.u32 v12, $0x10;
	v5 =	vmovc v10;
	v10 =	vshll.u32 v47, $0x10;
	v1 =	vsub.f32 v1, v13  }
0x3ea: {  	v10 =	vsub.f32 v10, v9;
	v4 =	vmul.f32 $6.350000000e+01, v4;
	[tilespmem:s23+$0x1BE00] =	vst v2;
	v2 =	vmul.f32 $6.350000000e+01, v49  }
0x3eb: {  	v55 =	vand.u32 $0xFFFF0000, v45;
	v6 =	vmul.f32 $6.350000000e+01, v6;
	v1 =	vmul.f32 v1, v17  }
0x3ec: {  	v4 =	vadd.f32 $6.350000000e+01, v4;
	v23 =	vadd.f32 $6.350000000e+01, v2;
	v2 =	vmul.f32 v10, v17  }
0x3ed: {  	v18 =	vmovc v43;
	v43 =	vmovc v21;
	v21 =	vadd.f32 $6.350000000e+01, v6;
	v10 =	vmul.f32 $6.350000000e+01, v20;
	v20 =	vadd.f32 v13, v1  }
0x3ee: {  	s4 =	sadd.s32 $0x20, s4;
	[tilespmem:$0x1FE40] =	vst v3;
	v3 =	vld [tilespmem:$0x1FE70];
	v32 =	vtrunc.f32 v4;
	v13 =	vsub.f32 v16, v22;
	v9 =	vadd.f32 v9, v2  }
0x3ef: {  	[tilespmem:$0x1FD70] =	vst v35;
	v25 =	vld [tilespmem:s4+$0x0];
	v6 =	vtrunc.f32 v23;
	v1 =	vadd.f32 $6.350000000e+01, v10;
	v10 =	vtrunc.f32 v21  }
0x3f0: {  	[tilespmem:$0x1FE20] =	vst v5;
	v5 =	vld [tilespmem:$0x1FED0];
	v6 =	vcvt.f32.s32 v6;
	v10 =	vcvt.f32.s32 v10;
	v9 =	vsub.f32 v9, v20  }
0x3f1: {  	[tilespmem:$0x1FD40] =	vst v61;
	v12 =	vand.u32 $0xFFFF0000, v12;
	v61 =	vld.idx.msk [tilespmem:v50+s3+$0x0], $0xffff;
	v38 =	vmul.f32 v13, v7;
	v35 =	vtrunc.f32 v1  }
0x3f2: {  	[tilespmem:$0x1FD30] =	vst v62;
	v62 =	vld.idx.msk [tilespmem:v48+s3+$0x0], $0xffff;
	vm0 =	vlt.s32 v6, $0x7E;
	vm1 =	vlt.s32 v10, $0x7E;
	v9 =	vmul.f32 v9, v14  }
0x3f3: {  	v57 =	vld.idx.msk [tilespmem:v52+s19+$0x0], $0xffff;
	v49 =	vcvt.f32.s32 v35;
	v16 =	vnsel vm0, $0x7E, v6;
	v45 =	vnsel vm1, $0x7E, v10  }
0x3f4: {  	[tilespmem:$0x1FD80] =	vst v34;
	v34 =	vld [tilespmem:s4+$0xFFFFFFF0];
	v6 =	vadd.s32 $0x480, v11;
	v9 =	vadd.f32 v9, v20;
	v20 =	vadd.f32 v38, v22  }
0x3f5: {  	v2 =	vld.idx.msk [tilespmem:v53+s19+$0x0], $0xffff;
	v10 =	vshll.u32 v45, $0x7;
	v22 =	vmul.f32 $6.350000000e+01, v25;
	v25 =	vadd.s32 $0x481, v11  }
0x3f6: {  	v13 =	vld.idx.msk [tilespmem:v3+s19+$0x0], $0xffff;
	v3 =	vmovc v5;
	v52 =	vand.u32 $0x7F, v16;
	v10 =	vadd.s32 v16, v10;
	v9 =	vmul.f32 v9, v20  }
0x3f7: {  	v5 =	vld [tilespmem:$0x1FEE0];
	[tilespmem:$0x1FE70] =	vst v3;
	v39 =	vand.u32 $0xFFFFFF80, v10;
	v40 =	vadd.s32 $0x1, v10;
	v41 =	vadd.s32 $0x81, v10  }
0x3f8: {  	v3 =	vld [tilespmem:$0x1FE80];
	v22 =	vadd.f32 $6.350000000e+01, v22;
	v20 =	vor.u32 v52, v39;
	[tilespmem:s0+$0x800] =	vst v9;
	v9 =	vand.u32 $0xFFFF0000, v37  }
0x3f9: {  	v50 =	vadd.s32 $0x80, v20;
	v37 =	vsub.f32 v28, v12;
	v6 =	vld.idx.msk [tilespmem:v6+s19+$0x0], $0xffff;
	v30 =	vsub.f32 v9, v15  }
0x3fa: {  	[tilespmem:$0x1FD60] =	vst v18;
	v18 =	vadd.s32 $0x500, v11;
	v48 =	vmul.f32 $6.350000000e+01, v34;
	v29 =	vtrunc.f32 v22;
	v25 =	vld.idx.msk [tilespmem:v25+s19+$0x0], $0xffff  }
0x3fb: {  	[tilespmem:$0x1FD20] =	vst v8;
	vm12 =	vlt.s32 v49, $0x7E;
	v58 =	vld.idx.msk [tilespmem:v10+s3+$0x0], $0xffff;
	v37 =	vmul.f32 v37, v17;
	v31 =	vmul.f32 v30, v17  }
0x3fc: {  	v8 =	vmovc v54;
	v33 =	vcvt.s32.f32 v16;
	v2 =	vsub.f32 v2, v57;
	v5 =	vmovc v5;
	v47 =	vcvt.f32.s32 v29;
	v26 =	vld.idx.msk [tilespmem:v40+s3+$0x0], $0xffff  }
0x3fd: {  	v54 =	vnsel vm12, $0x7E, v49;
	[tilespmem:$0x1FE80] =	vst v5;
	v5 =	vld.idx.msk [tilespmem:v41+s3+$0x0], $0xffff;
	v12 =	vadd.f32 v12, v37;
	v15 =	vadd.f32 v15, v31  }
0x3fe: {  	[tilespmem:$0x1FED0] =	vst v8;
	v8 =	vshll.u32 v54, $0x7;
	v2 =	vmul.f32 v2, v19;
	vm13 =	vlt.s32 v47, $0x7E;
	v50 =	vld.idx.msk [tilespmem:v50+s3+$0x0], $0xffff  }
0x3ff: {  	v63 =	vld.idx.msk [tilespmem:v51+s3+$0x0], $0xffff;
	v51 =	vnsel vm13, $0x7E, v47;
	v25 =	vsub.f32 v25, v6;
	v27 =	vsub.f32 v12, v15  }
0x400: {  	v41 =	vadd.s32 $0x14001, v59;
	v37 =	vcvt.f32.s32 v32;
	v34 =	vadd.s32 $0x1, v51  }
0x401: {  	v12 =	vsub.f32 v23, v33;
	v25 =	vmul.f32 v25, v7;
	v23 =	vmul.f32 v27, v14  }
0x402: {  	v3 =	vld.idx.msk [tilespmem:v3+s19+$0x0], $0xffff;
	v35 =	vshll.u32 v58, $0x10;
	v39 =	vshll.u32 v26, $0x10;
	v28 =	vshll.u32 v5, $0x10  }
0x403: {  	v29 =	vshll.u32 v50, $0x10;
	v6 =	vadd.f32 v25, v6;
	v15 =	vadd.f32 v23, v15  }
0x404: {  	v32 =	vadd.s32 $0x14081, v59;
	v30 =	vld.idx.msk [tilespmem:v51+s19+$0x0], $0xffff;
	v25 =	vsub.f32 v28, v29;
	v23 =	vsub.f32 v39, v35  }
0x405: {  	vm14 =	vlt.s32 v37, $0x7E;
	v27 =	vadd.s32 $0x14000, v0;
	v40 =	vld.idx.msk [tilespmem:v34+s19+$0x0], $0xffff;
	v6 =	vmul.f32 v6, v15  }
0x406: {  	v15 =	vadd.s32 $0x14080, v0;
	v0 =	vmul.f32 v23, v12;
	v23 =	vmul.f32 v25, v12  }
0x407: {  	[tilespmem:$0x1FD90] =	vst v3;
	v3 =	vmovc v56;
	v56 =	vnsel vm14, $0x7E, v37;
	v33 =	vcvt.s32.f32 v51;
	v25 =	vcvt.s32.f32 v45  }
0x408: {  	[tilespmem:s0+$0xC00] =	vst v6;
	v6 =	vadd.s32 v56, v8;
	v8 =	vadd.f32 v35, v0;
	v23 =	vadd.f32 v29, v23  }
0x409: {  	v58 =	vand.u32 $0xFFFF0000, v58;
	v22 =	vsub.f32 v22, v33;
	v25 =	vsub.f32 v21, v25  }
0x40a: {  	v26 =	vand.u32 $0xFFFF0000, v26;
	v27 =	vld.idx.msk [tilespmem:v27+s3+$0x0], $0xffff;
	v21 =	vsub.f32 v23, v8;
	v23 =	vsub.f32 v40, v30  }
0x40b: {  	v2 =	vadd.f32 v2, v57;
	v31 =	vadd.s32 $0x501, v11;
	v26 =	vsub.f32 v26, v58;
	v47 =	vld.idx.msk [tilespmem:v41+s3+$0x0], $0xffff  }
0x40c: {  	v35 =	vadd.s32 $0x1, v6;
	v49 =	vld.idx.msk [tilespmem:v32+s3+$0x0], $0xffff;
	v39 =	vmul.f32 v21, v25;
	v23 =	vmul.f32 v23, v22  }
0x40d: {  	v5 =	vand.u32 $0xFFFF0000, v5;
	v26 =	vmul.f32 v26, v12;
	v29 =	vadd.s32 $0x81, v6;
	v28 =	vld.idx.msk [tilespmem:v15+s3+$0x0], $0xffff  }
0x40e: {  	v0 =	vand.u32 $0x7F, v56;
	v8 =	vadd.f32 v39, v8;
	v23 =	vadd.f32 v23, v30  }
0x40f: {  	v34 =	vand.u32 $0xFFFFFF80, v6;
	v21 =	vadd.f32 $6.350000000e+01, v48;
	v48 =	vld.idx.msk [tilespmem:v6+s3+$0x0], $0xffff;
	v30 =	vadd.s32 $0x80, v51  }
0x410: {  	v18 =	vld.idx.msk [tilespmem:v18+s19+$0x0], $0xffff;
	v40 =	vadd.s32 $0x81, v51;
	v15 =	vor.u32 v0, v34;
	v8 =	vmul.f32 v8, v23  }
0x411: {  	v26 =	vadd.f32 v58, v26;
	s0 =	sadd.s32 $0x20, s0;
	v24 =	vadd.s32 $0x80, v15;
	v32 =	vld.idx.msk [tilespmem:v35+s3+$0x0], $0xffff;
	v41 =	vshll.u32 v27, $0x10  }
0x412: {  	v36 =	vshll.u32 v49, $0x10;
	v29 =	vld.idx.msk [tilespmem:v29+s3+$0x0], $0xffff;
	v23 =	vshll.u32 v47, $0x10;
	v33 =	vshll.u32 v28, $0x10;
	[tilespmem:s0+$0xFFFFE800] =	vst v8  }
0x413: {  	v23 =	vsub.f32 v23, v41;
	v34 =	vsub.f32 v36, v33;
	v8 =	vand.u32 $0xFFFF0000, v50;
	v31 =	vld.idx.msk [tilespmem:v31+s19+$0x0], $0xffff  }
0x414: {  	[tilespmem:$0x1FEE0] =	vst v3;
	v38 =	vtrunc.f32 v21;
	v3 =	vshll.u32 v48, $0x10;
	v5 =	vsub.f32 v5, v8;
	v30 =	vld.idx.msk [tilespmem:v30+s19+$0x0], $0xffff  }
0x415: {  	v59 =	vld.idx.msk [tilespmem:v40+s19+$0x0], $0xffff;
	v39 =	vmul.f32 v23, v17;
	v34 =	vmul.f32 v34, v17;
	v23 =	vand.u32 $0xFFFF0000, v48  }
0x416: {  	v40 =	vcvt.f32.s32 v38;
	v38 =	vadd.s32 $0x580, v11;
	v5 =	vmul.f32 v5, v12  }
0x417: {  	v35 =	vadd.f32 v41, v39;
	v33 =	vadd.f32 v33, v34;
	v34 =	vcvt.s32.f32 v56  }
0x418: {  	v24 =	vld.idx.msk [tilespmem:v24+s3+$0x0], $0xffff;
	vm15 =	vlt.s32 v40, $0x7E;
	v41 =	vshll.u32 v32, $0x10;
	v5 =	vadd.f32 v8, v5  }
0x419: {  	v39 =	vshll.u32 v29, $0x10;
	v8 =	vsub.f32 v33, v35;
	v31 =	vsub.f32 v31, v18  }
0x41a: {  	v29 =	vand.u32 $0xFFFF0000, v29;
	v36 =	vsub.f32 v59, v30;
	v5 =	vsub.f32 v5, v26  }
0x41b: {  	v37 =	vnsel vm15, $0x7E, v40;
	v8 =	vmul.f32 v8, v14;
	v31 =	vmul.f32 v31, v7  }
0x41c: {  	v33 =	vsub.f32 v41, v3;
	v48 =	vmul.f32 v36, v22;
	v5 =	vmul.f32 v5, v25  }
0x41d: {  	v50 =	vshll.u32 v24, $0x10;
	v8 =	vadd.f32 v8, v35;
	v18 =	vadd.f32 v31, v18  }
0x41e: {  	v40 =	vadd.s32 $0x581, v11;
	v5 =	vadd.f32 v5, v26;
	v26 =	vadd.f32 v48, v30  }
0x41f: {  	v41 =	vadd.s32 $0x4000, v20;
	v59 =	vadd.s32 $0x4001, v10;
	v8 =	vmul.f32 v8, v18  }
0x420: {  	v10 =	vadd.s32 $0x4081, v10;
	v36 =	vand.u32 $0xFFFF0000, v49;
	v5 =	vmul.f32 v26, v5  }
0x421: {  	v26 =	vadd.s32 $0x4080, v20;
	v20 =	vand.u32 $0xFFFF0000, v47;
	[tilespmem:s5+$0x1000] =	vst v8;
	v8 =	vand.u32 $0xFFFF0000, v27  }
0x422: {  	v18 =	vsub.f32 v39, v50;
	v27 =	vand.u32 $0xFFFF0000, v28;
	v38 =	vld.idx.msk [tilespmem:v38+s19+$0x0], $0xffff;
	v39 =	vsub.f32 v20, v8  }
0x423: {  	v28 =	vsub.f32 v36, v27;
	v35 =	vld.idx.msk [tilespmem:v40+s19+$0x0], $0xffff;
	v20 =	vsub.f32 v4, v34;
	v4 =	vcvt.s32.f32 v54;
	[tilespmem:s0+$0xFFFFEC00] =	vst v5  }
0x424: {  	v40 =	vadd.s32 $0x1, v37;
	v5 =	vand.u32 $0xFFFF0000, v24;
	v24 =	vld.idx.msk [tilespmem:v41+s3+$0x0], $0xffff;
	v41 =	vmul.f32 v39, v17  }
0x425: {  	v10 =	vld.idx.msk [tilespmem:v10+s3+$0x0], $0xffff;
	v28 =	vmul.f32 v28, v17;
	v49 =	vsub.f32 v1, v4;
	v1 =	vmul.f32 v33, v20  }
0x426: {  	v17 =	vmovc v25;
	v4 =	vmul.f32 v18, v20;
	v18 =	vld.idx.msk [tilespmem:v59+s3+$0x0], $0xffff;
	v25 =	vcvt.s32.f32 v37;
	v8 =	vadd.f32 v8, v41  }
0x427: {  	v59 =	vadd.s32 $0x100, v51;
	v27 =	vadd.f32 v27, v28;
	v1 =	vadd.f32 v3, v1  }
0x428: {  	v26 =	vld.idx.msk [tilespmem:v26+s3+$0x0], $0xffff;
	v3 =	vadd.f32 v50, v4;
	v4 =	vand.u32 $0xFFFF0000, v32;
	v35 =	vsub.f32 v35, v38  }
0x429: {  	v11 =	vmovc v16;
	v16 =	vld.idx.msk [tilespmem:v37+s19+$0x0], $0xffff;
	v21 =	vsub.f32 v21, v25;
	v25 =	vadd.s32 $0x101, v51;
	v27 =	vsub.f32 v27, v8  }
0x42a: {  	v58 =	vld.idx.msk [tilespmem:v40+s19+$0x0], $0xffff;
	v3 =	vsub.f32 v3, v1;
	v39 =	vshll.u32 v10, $0x10;
	v31 =	vmul.f32 v35, v7  }
0x42b: {  	v36 =	vshll.u32 v18, $0x10;
	v27 =	vmul.f32 v27, v14;
	v14 =	vmovc v22;
	v22 =	vshll.u32 v24, $0x10  }
0x42c: {  	v7 =	vmovc v12;
	v12 =	vsub.f32 v29, v5;
	v3 =	vmul.f32 v3, v49;
	v29 =	vsub.f32 v36, v22  }
0x42d: {  	v30 =	vld.idx.msk [tilespmem:v59+s19+$0x0], $0xffff;
	v8 =	vadd.f32 v27, v8;
	v27 =	vadd.f32 v31, v38;
	v38 =	vshll.u32 v26, $0x10  }
0x42e: {  	v53 =	vshll.u32 v61, $0x10;
	v4 =	vsub.f32 v4, v23;
	v25 =	vld.idx.msk [tilespmem:v25+s19+$0x0], $0xffff;
	v32 =	vsub.f32 v39, v38  }
0x42f: {  	v1 =	vadd.f32 v3, v1;
	v3 =	vsub.f32 v58, v16;
	v29 =	vmul.f32 v29, v7  }
0x430: {  	v33 =	vadd.s32 $0x4000, v15;
	v8 =	vmul.f32 v27, v8;
	v32 =	vmul.f32 v32, v7  }
0x431: {  	v40 =	vadd.s32 $0x81, v37;
	v4 =	vmul.f32 v4, v20;
	v3 =	vmul.f32 v3, v21  }
0x432: {  	[tilespmem:s5+$0x1400] =	vst v8;
	v8 =	vmul.f32 v12, v20;
	v12 =	vadd.f32 v22, v29;
	v22 =	vadd.f32 v38, v32  }
0x433: {  	v27 =	vadd.s32 $0x80, v37;
	v3 =	vadd.f32 v3, v16;
	v16 =	vsub.f32 v25, v30  }
0x434: {  	v5 =	vadd.f32 v5, v8;
	v8 =	vadd.s32 $0x4080, v15;
	v15 =	vsub.f32 v22, v12  }
0x435: {  	v31 =	vadd.s32 $0x4081, v6;
	v1 =	vmul.f32 v1, v3;
	v3 =	vadd.f32 v23, v4  }
0x436: {  	v29 =	vadd.s32 $0x4001, v6;
	v6 =	vmul.f32 v16, v14;
	v4 =	vmul.f32 v15, v17  }
0x437: {  	v9 =	vshll.u32 v62, $0x10;
	v34 =	vand.u32 $0xFFFF0000, v62;
	[tilespmem:s0+$0xFFFFE7F0] =	vst v1;
	v1 =	vsub.f32 v5, v3  }
0x438: {  	v41 =	vadd.s32 $0x181, v51;
	v6 =	vadd.f32 v6, v30;
	v27 =	vld.idx.msk [tilespmem:v27+s19+$0x0], $0xffff;
	v4 =	vadd.f32 v4, v12  }
0x439: {  	v59 =	vadd.s32 $0x281, v54;
	v28 =	vld.idx.msk [tilespmem:v40+s19+$0x0], $0xffff;
	v1 =	vmul.f32 v1, v49;
	v12 =	vadd.s32 $0x180, v51  }
0x43a: {  	v24 =	vand.u32 $0xFFFF0000, v24;
	v25 =	vshll.u32 v37, $0x7;
	v4 =	vmul.f32 v4, v6  }
0x43b: {  	v32 =	vadd.s32 $0x100, v37;
	v47 =	vadd.s32 v56, v25;
	v3 =	vadd.f32 v1, v3  }
0x43c: {  	v1 =	vand.u32 $0xFFFFFF80, v47;
	v6 =	vand.u32 $0xFFFF0000, v10;
	[tilespmem:s0+$0xFFFFF000] =	vst v4;
	v4 =	vand.u32 $0xFFFF0000, v18  }
0x43d: {  	v0 =	vor.u32 v0, v1;
	v18 =	vand.u32 $0xFFFF0000, v26;
	v1 =	vsub.f32 v4, v24  }
0x43e: {  	v23 =	vadd.s32 $0x181, v37;
	v28 =	vsub.f32 v28, v27;
	v26 =	vld.idx.msk [tilespmem:v12+s19+$0x0], $0xffff;
	v12 =	vsub.f32 v6, v18  }
0x43f: {  	v50 =	vadd.s32 $0xC001, v47;
	v22 =	vadd.s32 $0x180, v37;
	v30 =	vld.idx.msk [tilespmem:v41+s19+$0x0], $0xffff;
	v38 =	vmul.f32 v1, v7  }
0x440: {  	v5 =	vadd.s32 $0x101, v37;
	v28 =	vmul.f32 v28, v21;
	v12 =	vmul.f32 v12, v7  }
0x441: {  	v37 =	vadd.s32 $0x8001, v47;
	v58 =	vadd.s32 $0xC000, v0;
	v24 =	vadd.f32 v24, v38  }
0x442: {  	v48 =	vadd.s32 $0xC080, v0;
	v12 =	vadd.f32 v18, v12;
	v18 =	vadd.f32 v28, v27  }
0x443: {  	v4 =	vadd.s32 $0x8000, v0;
	v6 =	vadd.s32 $0x8080, v0;
	v0 =	vshll.u32 v51, $0x7  }
0x444: {  	s2 =	sadd.s32 $0x20, s2;
	s23 =	smov.u32 s24;
	s24 =	smov.u32 s26;
	v39 =	vsub.f32 v30, v26;
	v27 =	vsub.f32 v12, v24;
	v3 =	vmul.f32 v18, v3  }
0x445: {  	s26 =	smov.u32 s29;
	s29 =	smov.u32 s7;
	s7 =	sand.u32 $0x3E0, s2;
	v10 =	vadd.s32 $0x8081, v47;
	v51 =	vadd.s32 $0xC081, v47;
	v12 =	vadd.s32 v11, v0  }
0x446: {  	v18 =	vmul.f32 v27, v17;
	v27 =	vmul.f32 v39, v14;
	[tilespmem:s7+$0x19600] =	vst v3;
	v3 =	vshll.u32 v63, $0x10  }
0x447: {  	v41 =	vsub.f32 v53, v60;
	v40 =	vand.u32 $0xFFFFFF80, v12;
	v36 =	vld.idx.msk [tilespmem:v33+s3+$0x0], $0xffff;
	v3 =	vsub.f32 v3, v9  }
0x448: {  	v47 =	vor.u32 v52, v40;
	v18 =	vadd.f32 v18, v24;
	v24 =	vadd.f32 v27, v26;
	v27 =	vld.idx.msk [tilespmem:v29+s3+$0x0], $0xffff  }
0x449: {  	v16 =	vadd.s32 $0x201, v54;
	v15 =	vadd.s32 $0x200, v54;
	v8 =	vld.idx.msk [tilespmem:v8+s3+$0x0], $0xffff;
	v26 =	vadd.s32 $0x8000, v47  }
0x44a: {  	v28 =	vmul.f32 v41, v42;
	v38 =	vadd.s32 $0x8001, v12;
	v31 =	vld.idx.msk [tilespmem:v31+s3+$0x0], $0xffff;
	v3 =	vmul.f32 v3, v42  }
0x44b: {  	v53 =	vadd.s32 $0x301, v54;
	v39 =	vadd.s32 $0x8081, v12;
	v32 =	vld.idx.msk [tilespmem:v32+s19+$0x0], $0xffff;
	v18 =	vmul.f32 v24, v18  }
0x44c: {  	v28 =	vadd.f32 v60, v28;
	v5 =	vld.idx.msk [tilespmem:v5+s19+$0x0], $0xffff;
	v24 =	vadd.s32 $0x8080, v47;
	v3 =	vadd.f32 v9, v3  }
0x44d: {  	v9 =	vand.u32 $0xFFFF0000, v63;
	[tilespmem:s0+$0xFFFFF400] =	vst v18;
	v35 =	vshll.u32 v36, $0x10;
	v40 =	vshll.u32 v27, $0x10  }
0x44e: {  	v63 =	vadd.s32 $0x200, v45;
	v18 =	vand.u32 $0xFFFF0000, v61;
	v26 =	vld.idx.msk [tilespmem:v26+s3+$0x0], $0xffff;
	v60 =	vsub.f32 v40, v35  }
0x44f: {  	v30 =	vand.u32 $0xFFFF0000, v36;
	v61 =	vshll.u32 v8, $0x10;
	v41 =	vshll.u32 v31, $0x10;
	v29 =	vld.idx.msk [tilespmem:v38+s3+$0x0], $0xffff  }
0x450: {  	v8 =	vand.u32 $0xFFFF0000, v8;
	v33 =	vld.idx.msk [tilespmem:v39+s3+$0x0], $0xffff;
	v62 =	vsub.f32 v41, v61;
	v60 =	vmul.f32 v60, v20  }
0x451: {  	v31 =	vand.u32 $0xFFFF0000, v31;
	v5 =	vsub.f32 v5, v32;
	v27 =	vand.u32 $0xFFFF0000, v27;
	v24 =	vld.idx.msk [tilespmem:v24+s3+$0x0], $0xffff  }
0x452: {  	v27 =	vsub.f32 v27, v30;
	v35 =	vadd.f32 v35, v60;
	v60 =	vmul.f32 v62, v20  }
0x453: {  	v36 =	vadd.s32 $0x201, v45;
	v3 =	vsub.f32 v3, v28;
	v31 =	vsub.f32 v31, v8  }
0x454: {  	v5 =	vmul.f32 v5, v21;
	v27 =	vmul.f32 v27, v20;
	v60 =	vadd.f32 v61, v60  }
0x455: {  	v57 =	vshll.u32 v26, $0x10;
	v62 =	vshll.u32 v29, $0x10;
	v39 =	vshll.u32 v33, $0x10  }
0x456: {  	v62 =	vsub.f32 v62, v57;
	v38 =	vshll.u32 v24, $0x10;
	v60 =	vsub.f32 v60, v35  }
0x457: {  	v3 =	vmul.f32 v3, v43;
	v31 =	vmul.f32 v31, v20;
	v63 =	vld.idx.msk [tilespmem:v63+s19+$0x0], $0xffff;
	v39 =	vsub.f32 v39, v38  }
0x458: {  	v36 =	vld.idx.msk [tilespmem:v36+s19+$0x0], $0xffff;
	v27 =	vadd.f32 v30, v27;
	v30 =	vmul.f32 v62, v7;
	v62 =	vmul.f32 v60, v49  }
0x459: {  	v5 =	vadd.f32 v5, v32;
	v8 =	vadd.f32 v8, v31;
	v39 =	vmul.f32 v39, v7  }
0x45a: {  	v1 =	vadd.s32 $0x280, v54;
	v3 =	vadd.f32 v3, v28;
	v35 =	vadd.f32 v62, v35  }
0x45b: {  	v31 =	vadd.s32 v54, v25;
	v25 =	vadd.f32 v57, v30;
	v61 =	vadd.f32 v38, v39  }
0x45c: {  	v52 =	vadd.s32 $0x300, v54;
	v8 =	vsub.f32 v8, v27;
	v5 =	vmul.f32 v35, v5  }
0x45d: {  	v2 =	vmul.f32 v3, v2;
	v36 =	vsub.f32 v36, v63;
	v30 =	vsub.f32 v61, v25  }
0x45e: {  	v9 =	vsub.f32 v9, v34;
	v18 =	vsub.f32 v18, v55;
	v8 =	vmul.f32 v8, v49;
	[tilespmem:s7+$0x19A00] =	vst v5  }
0x45f: {  	v41 =	vadd.s32 $0x381, v54;
	v62 =	vmul.f32 v36, v17;
	v61 =	vmul.f32 v30, v14;
	v22 =	vld.idx.msk [tilespmem:v22+s19+$0x0], $0xffff;
	[tilespmem:s29+$0x1AA00] =	vst v2  }
0x460: {  	v9 =	vmul.f32 v9, v42;
	v18 =	vmul.f32 v18, v42;
	v8 =	vadd.f32 v8, v27;
	v2 =	vld.idx.msk [tilespmem:v23+s19+$0x0], $0xffff  }
0x461: {  	v27 =	vadd.f32 v62, v63;
	v35 =	vadd.s32 $0x280, v45;
	v3 =	vadd.f32 v61, v25;
	v23 =	vld [tilespmem:$0x1FEF0]  }
0x462: {  	v18 =	vadd.f32 v55, v18;
	v39 =	vadd.f32 v34, v9;
	v9 =	vld [tilespmem:$0x1FF00];
	v5 =	vadd.s32 $0x281, v45  }
0x463: {  	v40 =	vadd.s32 $0x380, v54;
	v36 =	vand.u32 $0x7F, v54;
	v54 =	vld [tilespmem:$0x1FD20];
	v3 =	vmul.f32 v3, v27  }
0x464: {  	v32 =	vsub.f32 v39, v18;
	v39 =	vld [tilespmem:$0x1FD30]  }
0x465: {  	v63 =	vmov v46;
	v46 =	vld [tilespmem:$0x1FD10];
	[tilespmem:s0+$0xFFFFF800] =	vst v3  }
0x466: {  	v29 =	vand.u32 $0xFFFF0000, v29;
	v3 =	vand.u32 $0xFFFF0000, v26;
	v28 =	vld.idx.msk [tilespmem:v35+s19+$0x0], $0xffff  }
0x467: {  	v29 =	vsub.f32 v29, v3;
	v5 =	vld.idx.msk [tilespmem:v5+s19+$0x0], $0xffff  }
0x468: {  	v35 =	vld [tilespmem:$0x1FEB0]  }
0x469: {  	v29 =	vmul.f32 v29, v7;
	v26 =	vld.idx.msk [tilespmem:v23+s19+$0x0], $0xffff  }
0x46a: {  	v24 =	vand.u32 $0xFFFF0000, v24;
	v57 =	vand.u32 $0xFFFFFF80, v31;
	v23 =	vmovc v40;
	v40 =	vld.idx.msk [tilespmem:v9+s19+$0x0], $0xffff;
	v9 =	vmovc v41;
	v41 =	vsub.f32 v2, v22  }
0x46b: {  	v38 =	vand.u32 $0xFFFF0000, v33;
	v3 =	vadd.f32 v3, v29;
	v29 =	vmul.f32 v54, v46;
	v46 =	vld [tilespmem:$0x1FE90]  }
0x46c: {  	v30 =	vsub.f32 v38, v24;
	v27 =	vor.u32 v36, v57;
	v62 =	vmul.f32 v41, v21;
	v41 =	vld [tilespmem:$0x1FEA0]  }
0x46d: {  	v36 =	vadd.s32 $0x14000, v27  }
0x46e: {  	v30 =	vmul.f32 v30, v7;
	v54 =	vmov v36;
	v36 =	vld [tilespmem:$0x1FF70];
	v5 =	vsub.f32 v5, v28;
	[tilespmem:s26+$0x1B600] =	vst v29  }
0x46f: {  	v32 =	vmul.f32 v32, v43;
	v33 =	vld.idx.msk [tilespmem:v39+s3+$0x0], $0xffff  }
0x470: {  	v25 =	vadd.s32 $0x10001, v31;
	v24 =	vadd.f32 v24, v30;
	v5 =	vmul.f32 v5, v17;
	v39 =	vld [tilespmem:$0x1FEC0]  }
0x471: {  	[tilespmem:$0x1FEF0] =	vst v23;
	v23 =	vadd.s32 $0x10081, v31;
	v22 =	vadd.f32 v62, v22;
	v38 =	vsub.f32 v40, v26;
	v40 =	vld [tilespmem:$0x1FF60]  }
0x472: {  	v24 =	vsub.f32 v24, v3;
	v29 =	vadd.s32 $0x14001, v31;
	v5 =	vadd.f32 v5, v28;
	v28 =	vld.idx.msk [tilespmem:v35+s3+$0x0], $0xffff  }
0x473: {  	v8 =	vmul.f32 v22, v8;
	v22 =	vadd.s32 $0x14081, v31;
	v30 =	vmul.f32 v38, v19;
	v31 =	vld.idx.msk [tilespmem:v46+s3+$0x0], $0xffff  }
0x474: {  	v18 =	vadd.f32 v32, v18;
	v61 =	vadd.s32 $0x10000, v27;
	v24 =	vmul.f32 v24, v14;
	v32 =	vld.idx.msk [tilespmem:v41+s3+$0x0], $0xffff  }
0x475: {  	v60 =	vadd.s32 $0x10080, v27;
	v27 =	vadd.s32 $0x14080, v27;
	v26 =	vadd.f32 v30, v26;
	[tilespmem:s7+$0x19E00] =	vst v8;
	v41 =	vld [tilespmem:$0x1FF80]  }
0x476: {  	v3 =	vadd.f32 v24, v3;
	v24 =	vadd.s32 $0xC000, v47;
	v62 =	vmovc v40;
	v40 =	vmovc v27;
	v27 =	vld.idx.msk [tilespmem:v4+s3+$0x0], $0xffff;
	v4 =	vmov v29  }
0x477: {  	[tilespmem:$0x1FF80] =	vst v4;
	v4 =	vmul.f32 v26, v18;
	v26 =	vld [tilespmem:$0x1FFA0]  }
0x478: {  	v34 =	vadd.s32 $0xC001, v12;
	[tilespmem:$0x1FF60] =	vst v54;
	v3 =	vmul.f32 v5, v3;
	v29 =	vld.idx.msk [tilespmem:v37+s3+$0x0], $0xffff  }
0x479: {  	[tilespmem:$0x1FF70] =	vst v40;
	v40 =	vld [tilespmem:$0x1FFF0]  }
0x47a: {  	v5 =	vadd.s32 $0xC080, v47;
	v8 =	vadd.s32 $0x500, v56;
	[tilespmem:s0+$0xFFFFFC00] =	vst v3;
	v46 =	vld.idx.msk [tilespmem:v39+s19+$0x0], $0xffff;
	v35 =	vmov v41  }
0x47b: {  	v54 =	vmovc v22;
	v3 =	vshll.u32 v32, $0x10;
	v22 =	vand.u32 $0xFFFF0000, v32;
	[tilespmem:$0x1FEA0] =	vst v35;
	v35 =	vadd.s32 $0xC081, v12;
	v12 =	vmovc v8;
	v8 =	vld.idx.msk [tilespmem:v24+s3+$0x0], $0xffff  }
0x47c: {  	v41 =	vshll.u32 v28, $0x10;
	v28 =	vand.u32 $0xFFFF0000, v28;
	v47 =	vmovc v26;
	v26 =	vld.idx.msk [tilespmem:v6+s3+$0x0], $0xffff;
	v6 =	vand.u32 $0xFFFF0000, v33;
	[tilespmem:$0x1FFF0] =	vst v12  }
0x47d: {  	v24 =	vshll.u32 v31, $0x10;
	[tilespmem:s29+$0x1AE00] =	vst v4;
	v12 =	vand.u32 $0xFFFF0000, v31;
	v31 =	vld.idx.msk [tilespmem:v34+s3+$0x0], $0xffff;
	v4 =	vsub.f32 v22, v6  }
0x47e: {  	v32 =	vmovc v40;
	v22 =	vsub.f32 v28, v12;
	v28 =	vshll.u32 v27, $0x10;
	v34 =	vld.idx.msk [tilespmem:v10+s3+$0x0], $0xffff;
	v10 =	vshll.u32 v29, $0x10  }
0x47f: {  	[tilespmem:$0x1FEC0] =	vst v32;
	v32 =	vsub.f32 v41, v24;
	v10 =	vsub.f32 v10, v28;
	_ =	sdelay $0x1  }
0x480: {  	[tilespmem:$0x1FEB0] =	vst v47;
	v47 =	vmul.f32 v32, v44;
	v32 =	vmul.f32 v10, v20;
	v10 =	vld [tilespmem:$0x1FF30]  }
0x481: {  	v18 =	vshll.u32 v33, $0x10  }
0x482: {  	v3 =	vsub.f32 v3, v18;
	_ =	sdelay $0x1  }
0x483: {  	v3 =	vmul.f32 v3, v44;
	_ =	sdelay $0x1  }
0x484: {  	v27 =	vand.u32 $0xFFFF0000, v27;
	v29 =	vand.u32 $0xFFFF0000, v29  }
0x485: {  	v37 =	vld.idx.msk [tilespmem:v15+s19+$0x0], $0xffff;
	v15 =	vsub.f32 v29, v27  }
0x486: {  	v39 =	vld.idx.msk [tilespmem:v10+s3+$0x0], $0xffff;
	v10 =	vadd.f32 v18, v3;
	v3 =	vmov v61  }
0x487: {  	[tilespmem:$0x1FF30] =	vst v3;
	v3 =	vmul.f32 v15, v20;
	v15 =	vld [tilespmem:$0x1FF10];
	_ =	sdelay $0x1  }
0x488: {  	v5 =	vld.idx.msk [tilespmem:v5+s3+$0x0], $0xffff  }
0x489: {  	v33 =	vld.idx.msk [tilespmem:v35+s3+$0x0], $0xffff;
	_ =	sdelay $0x2  }
0x48a: {  	v61 =	vshll.u32 v34, $0x10  }
0x48b: {  	v38 =	vmov v36;
	v36 =	vshll.u32 v26, $0x10;
	v28 =	vadd.f32 v28, v32  }
0x48c: {  	v40 =	vld.idx.msk [tilespmem:v15+s3+$0x0], $0xffff;
	v15 =	vadd.f32 v24, v47;
	v24 =	vmovc v25;
	v25 =	vshll.u32 v5, $0x10;
	v47 =	vshll.u32 v33, $0x10  }
0x48d: {  	[tilespmem:$0x1FE90] =	vst v38;
	v32 =	vsub.f32 v61, v36;
	v61 =	vmov v60;
	v29 =	vsub.f32 v47, v25;
	v47 =	vld [tilespmem:$0x1FF40]  }
0x48e: {  	v38 =	vadd.s32 $0x301, v45;
	[tilespmem:$0x1FF40] =	vst v61;
	v61 =	vld [tilespmem:$0x1FF50]  }
0x48f: {  	v35 =	vadd.s32 $0x300, v45  }
0x490: {  	v16 =	vld.idx.msk [tilespmem:v16+s19+$0x0], $0xffff;
	_ =	sdelay $0x1  }
0x491: {  	v60 =	vmov v42;
	v42 =	vld [tilespmem:$0x1FFB0]  }
0x492: {  	v55 =	vadd.s32 $0x400, v56;
	v38 =	vld.idx.msk [tilespmem:v38+s19+$0x0], $0xffff;
	v18 =	vshll.u32 v8, $0x10;
	[tilespmem:$0x1FF10] =	vst v24;
	v24 =	vshll.u32 v31, $0x10  }
0x493: {  	v35 =	vld.idx.msk [tilespmem:v35+s19+$0x0], $0xffff;
	v24 =	vsub.f32 v24, v18  }
0x494: {  	v57 =	vadd.s32 $0x401, v56;
	v16 =	vsub.f32 v16, v37;
	v41 =	vld.idx.msk [tilespmem:v47+s3+$0x0], $0xffff  }
0x495: {  	v55 =	vmovc v55;
	v26 =	vand.u32 $0xFFFF0000, v26;
	v29 =	vmul.f32 v29, v7;
	v24 =	vmul.f32 v24, v7;
	v47 =	vld.idx.msk [tilespmem:v61+s3+$0x0], $0xffff  }
0x496: {  	v16 =	vmul.f32 v16, v49;
	v32 =	vmul.f32 v32, v20;
	v3 =	vadd.f32 v27, v3;
	v61 =	vld [tilespmem:$0x1FD40]  }
0x497: {  	v34 =	vand.u32 $0xFFFF0000, v34;
	v18 =	vadd.f32 v18, v24;
	v24 =	vadd.f32 v25, v29;
	v25 =	vld [tilespmem:$0x1FFD0]  }
0x498: {  	v27 =	vsub.f32 v34, v26;
	[tilespmem:$0x1FFB0] =	vst v55;
	v55 =	vmov v57;
	v57 =	vld [tilespmem:$0x1FD50];
	v29 =	vadd.f32 v36, v32  }
0x499: {  	v34 =	vld.idx.msk [tilespmem:v42+s19+$0x0], $0xffff;
	v42 =	vmov v23;
	v23 =	vsub.f32 v24, v18;
	v24 =	vsub.f32 v38, v35  }
0x49a: {  	v27 =	vmul.f32 v27, v20;
	v29 =	vsub.f32 v29, v28  }
0x49b: {  	v16 =	vadd.f32 v16, v37;
	v23 =	vmul.f32 v23, v14;
	v24 =	vmul.f32 v24, v17  }
0x49c: {  	v26 =	vadd.f32 v26, v27;
	v32 =	vshll.u32 v39, $0x10;
	v27 =	vmul.f32 v29, v21  }
0x49d: {  	v38 =	vshll.u32 v40, $0x10;
	v18 =	vadd.f32 v23, v18;
	v23 =	vadd.f32 v24, v35  }
0x49e: {  	v27 =	vadd.f32 v27, v28;
	v36 =	vld.idx.msk [tilespmem:v61+s19+$0x0], $0xffff;
	v61 =	vmov v57;
	v57 =	vsub.f32 v38, v32  }
0x49f: {  	[tilespmem:$0x1FFD0] =	vst v55;
	v25 =	vld.idx.msk [tilespmem:v25+s19+$0x0], $0xffff;
	v37 =	vshll.u32 v41, $0x10;
	v55 =	vshll.u32 v47, $0x10;
	v18 =	vmul.f32 v18, v23  }
0x4a0: {  	v16 =	vmul.f32 v27, v16;
	v29 =	vsub.f32 v55, v37;
	v23 =	vmul.f32 v57, v19  }
0x4a1: {  	v8 =	vand.u32 $0xFFFF0000, v8;
	v24 =	vadd.s32 $0x380, v45;
	v35 =	vadd.s32 $0x381, v45;
	[tilespmem:s0+$0x0] =	vst v18  }
0x4a2: {  	[tilespmem:s7+$0x1A200] =	vst v16;
	v16 =	vand.u32 $0xFFFF0000, v31;
	v18 =	vadd.f32 v32, v23;
	v23 =	vmul.f32 v29, v19  }
0x4a3: {  	v26 =	vsub.f32 v26, v3;
	v5 =	vand.u32 $0xFFFF0000, v5;
	v16 =	vsub.f32 v16, v8;
	v1 =	vld.idx.msk [tilespmem:v1+s19+$0x0], $0xffff  }
0x4a4: {  	v27 =	vand.u32 $0xFFFF0000, v33;
	v25 =	vsub.f32 v25, v34;
	v23 =	vadd.f32 v37, v23;
	v37 =	vld.idx.msk [tilespmem:v59+s19+$0x0], $0xffff  }
0x4a5: {  	v26 =	vmul.f32 v26, v21;
	v27 =	vsub.f32 v27, v5;
	v16 =	vmul.f32 v16, v7  }
0x4a6: {  	v41 =	vand.u32 $0xFFFF0000, v41;
	v24 =	vld.idx.msk [tilespmem:v24+s19+$0x0], $0xffff;
	v25 =	vmul.f32 v25, v60;
	v23 =	vsub.f32 v23, v18  }
0x4a7: {  	v55 =	vmul.f32 v4, v44;
	v28 =	vld.idx.msk [tilespmem:v35+s19+$0x0], $0xffff;
	v27 =	vmul.f32 v27, v7;
	v8 =	vadd.f32 v8, v16  }
0x4a8: {  	v16 =	vand.u32 $0xFFFF0000, v47;
	v25 =	vadd.f32 v25, v34;
	v23 =	vmul.f32 v23, v43  }
0x4a9: {  	v16 =	vsub.f32 v16, v41;
	v59 =	vadd.s32 v45, v0;
	v57 =	vsub.f32 v37, v1  }
0x4aa: {  	v0 =	vand.u32 $0x7F, v45;
	v4 =	vadd.f32 v23, v18;
	v23 =	vand.u32 $0xFFFFFF80, v59  }
0x4ab: {  	v5 =	vadd.f32 v5, v27;
	v0 =	vor.u32 v0, v23;
	v23 =	vmul.f32 v57, v49  }
0x4ac: {  	v28 =	vsub.f32 v28, v24;
	v4 =	vmul.f32 v4, v25;
	v25 =	vmul.f32 v16, v19;
	v16 =	vld [tilespmem:$0x1FD70]  }
0x4ad: {  	v5 =	vsub.f32 v5, v8;
	v1 =	vadd.f32 v23, v1;
	v23 =	vld [tilespmem:$0x1FD80]  }
0x4ae: {  	v3 =	vadd.f32 v26, v3;
	v26 =	vand.u32 $0xFFFF0000, v39  }
0x4af: {  	v40 =	vand.u32 $0xFFFF0000, v40;
	v5 =	vmul.f32 v5, v14;
	v18 =	vmul.f32 v28, v17  }
0x4b0: {  	v2 =	vadd.s32 $0x481, v56;
	[tilespmem:$0x1FF00] =	vst v9;
	v9 =	vadd.s32 $0x480, v56;
	v27 =	vsub.f32 v40, v26  }
0x4b1: {  	v39 =	vld [tilespmem:$0x1FD60];
	v5 =	vadd.f32 v5, v8;
	v8 =	vadd.f32 v18, v24;
	v18 =	vadd.s32 $0x10000, v0  }
0x4b2: {  	v38 =	vld [tilespmem:$0x1FF20];
	v35 =	vmovc v9;
	v9 =	vadd.s32 $0x10081, v59;
	v24 =	vadd.s32 $0x10001, v59;
	[tilespmem:s29+$0x1B200] =	vst v4;
	v4 =	vmul.f32 v27, v19  }
0x4b3: {  	[tilespmem:$0x1FFA0] =	vst v54;
	v5 =	vmul.f32 v8, v5;
	v3 =	vmul.f32 v1, v3;
	v1 =	vadd.f32 v6, v55;
	v6 =	vld [tilespmem:$0x1FD90]  }
0x4b4: {  	s25 =	sadd.s32 $0x2, s25;
	v22 =	vmul.f32 v22, v44;
	v34 =	vmovc v2;
	v8 =	vadd.s32 $0x10080, v0;
	v2 =	vadd.f32 v41, v25;
	v16 =	vld.idx.msk [tilespmem:v16+s19+$0x0], $0xffff  }
0x4b5: {  	p0 =	slt.u32 s25, $0x3E;
	v30 =	vadd.s32 $0x501, v56;
	v4 =	vadd.f32 v26, v4;
	[tilespmem:s0+$0x400] =	vst v5;
	v5 =	vsub.f32 v15, v10;
	v23 =	vld.idx.msk [tilespmem:v23+s19+$0x0], $0xffff  }
.Ltmp0:
0x4b6: {  	v54 =	vadd.s32 $0x580, v56;
	v56 =	vadd.s32 $0x581, v56;
	[tilespmem:$0x1FF50] =	vst v42;
	v42 =	vmovc v30;
	v15 =	vld.idx.msk [tilespmem:v18+s3+$0x0], $0xffff;
	v18 =	vsub.f32 v36, v46;
	(pc) =	sbr.rel @p0 .LBB2_3-.Ltmp0, $4  }
0x4b7: {  	v37 =	vld.idx.msk [tilespmem:v24+s3+$0x0], $0xffff;
	v24 =	vadd.f32 v12, v22;
	v2 =	vsub.f32 v2, v4;
	v5 =	vmul.f32 v5, v39  }
0x4b8: {  	v44 =	vmov v19;
	v47 =	vld.idx.msk [tilespmem:v9+s3+$0x0], $0xffff;
	v6 =	vsub.f32 v6, v13;
	[tilespmem:s7+$0x1A600] =	vst v3;
	v3 =	vmul.f32 v18, v38  }
0x4b9: {  	v12 =	vld.idx.msk [tilespmem:v8+s3+$0x0], $0xffff;
	v22 =	vmul.f32 v2, v43;
	v9 =	vadd.f32 v5, v10;
	v2 =	vsub.f32 v24, v1  }
0x4ba: {  	s28 =	sadd.s32 $0x20, s28;
	s5 =	smov.u32 s0;
	v25 =	vadd.s32 $0x400, v11;
	v19 =	vmovc v49;
	v45 =	vld.idx.msk [tilespmem:v58+s3+$0x0], $0xffff;
	v10 =	vadd.f32 v3, v46;
	v23 =	vsub.f32 v23, v16  }
0x4bb: {  	_ =	sdelay $0x3  }
0x4bc: {  	v3 =	vld.idx.msk [tilespmem:v50+s3+$0x0], $0xffff  }
0x4bd: {  	v5 =	vld.idx.msk [tilespmem:v48+s3+$0x0], $0xffff  }
0x4be: {  	v8 =	vld.idx.msk [tilespmem:v51+s3+$0x0], $0xffff;
	_ =	sdelay $0x3  }
0x4bf: {  	v18 =	vshll.u32 v45, $0x10  }
0x4c0: {  	v24 =	vshll.u32 v3, $0x10;
	v26 =	vshll.u32 v5, $0x10;
	v27 =	vshll.u32 v8, $0x10  }
0x4c1: {  	v28 =	vld.idx.msk [tilespmem:v52+s19+$0x0], $0xffff;
	v24 =	vsub.f32 v24, v18;
	v27 =	vsub.f32 v27, v26  }
0x4c2: {  	v29 =	vld.idx.msk [tilespmem:v53+s19+$0x0], $0xffff  }
0x4c3: {  	v24 =	vmul.f32 v24, v20;
	v27 =	vmul.f32 v27, v20;
	_ =	sdelay $0x1  }
0x4c4: {  	v18 =	vadd.f32 v18, v24;
	v32 =	vadd.f32 v26, v27;
	_ =	sdelay $0x1  }
0x4c5: {  	v33 =	vsub.f32 v29, v28;
	v24 =	vsub.f32 v32, v18;
	_ =	sdelay $0x1  }
0x4c6: {  	v26 =	vmul.f32 v33, v19;
	v24 =	vmul.f32 v24, v21;
	_ =	sdelay $0x1  }
0x4c7: {  	v26 =	vadd.f32 v26, v28;
	v18 =	vadd.f32 v24, v18;
	_ =	sdelay $0x1  }
0x4c8: {  	v18 =	vmul.f32 v18, v26;
	_ =	sdelay $0x1  }
0x4c9: {  	[tilespmem:s7+$0x1AA00] =	vst v18  }
0x4ca: {  	v18 =	vld [tilespmem:$0x1FEF0]  }
0x4cb: {  	v40 =	vld [tilespmem:$0x1FF00];
	_ =	sdelay $0x4  }
0x4cc: {  	v36 =	vand.u32 $0xFFFF0000, v45  }
0x4cd: {  	v3 =	vand.u32 $0xFFFF0000, v3;
	v5 =	vand.u32 $0xFFFF0000, v5;
	v8 =	vand.u32 $0xFFFF0000, v8  }
0x4ce: {  	v3 =	vsub.f32 v3, v36;
	v8 =	vsub.f32 v8, v5;
	v18 =	vld.idx.msk [tilespmem:v18+s19+$0x0], $0xffff  }
0x4cf: {  	v26 =	vld.idx.msk [tilespmem:v40+s19+$0x0], $0xffff  }
0x4d0: {  	v41 =	vadd.s32 $0x401, v11;
	v3 =	vmul.f32 v3, v20;
	v8 =	vmul.f32 v8, v20  }
0x4d1: {  	v46 =	vshll.u32 v15, $0x10;
	v48 =	vshll.u32 v37, $0x10;
	v50 =	vshll.u32 v47, $0x10  }
0x4d2: {  	v49 =	vshll.u32 v12, $0x10;
	v3 =	vadd.f32 v36, v3;
	v5 =	vadd.f32 v5, v8  }
0x4d3: {  	v29 =	vsub.f32 v50, v49;
	v27 =	vsub.f32 v48, v46  }
0x4d4: {  	v25 =	vld.idx.msk [tilespmem:v25+s19+$0x0], $0xffff;
	v5 =	vsub.f32 v5, v3;
	v45 =	vsub.f32 v26, v18  }
0x4d5: {  	v29 =	vmul.f32 v29, v17;
	v8 =	vld.idx.msk [tilespmem:v41+s19+$0x0], $0xffff;
	v27 =	vmul.f32 v27, v17  }
0x4d6: {  	v5 =	vmul.f32 v5, v21;
	v24 =	vmul.f32 v45, v19  }
0x4d7: {  	v53 =	vadd.f32 v49, v29;
	v52 =	vadd.f32 v46, v27  }
0x4d8: {  	v3 =	vadd.f32 v5, v3;
	v51 =	vadd.f32 v24, v18;
	_ =	sdelay $0x1  }
0x4d9: {  	v8 =	vsub.f32 v8, v25;
	v55 =	vsub.f32 v53, v52;
	v3 =	vmul.f32 v51, v3;
	_ =	sdelay $0x1  }
0x4da: {  	v58 =	vmul.f32 v8, v7;
	v57 =	vmul.f32 v55, v14;
	[tilespmem:s7+$0x1AE00] =	vst v3  }
0x4db: {  	v28 =	vld [tilespmem:$0x1FF30]  }
0x4dc: {  	v32 =	vadd.s32 $0x481, v11;
	v5 =	vadd.f32 v58, v25;
	v3 =	vadd.f32 v57, v52;
	v29 =	vld [tilespmem:$0x1FF10]  }
0x4dd: {  	v33 =	vld [tilespmem:$0x1FF50]  }
0x4de: {  	v3 =	vmul.f32 v3, v5  }
0x4df: {  	v31 =	vld [tilespmem:$0x1FF40]  }
0x4e0: {  	[tilespmem:s0+$0x800] =	vst v3  }
0x4e1: {  	v25 =	vld.idx.msk [tilespmem:v32+s19+$0x0], $0xffff  }
0x4e2: {  	v32 =	vld [tilespmem:$0x1FFB0]  }
0x4e3: {  	v8 =	vld.idx.msk [tilespmem:v28+s3+$0x0], $0xffff  }
0x4e4: {  	v24 =	vld.idx.msk [tilespmem:v29+s3+$0x0], $0xffff  }
0x4e5: {  	v27 =	vld.idx.msk [tilespmem:v33+s3+$0x0], $0xffff  }
0x4e6: {  	v33 =	vld [tilespmem:$0x1FFD0]  }
0x4e7: {  	v30 =	vadd.s32 $0x480, v11;
	v18 =	vld.idx.msk [tilespmem:v31+s3+$0x0], $0xffff;
	_ =	sdelay $0x3  }
0x4e8: {  	v45 =	vand.u32 $0xFFFF0000, v47;
	v46 =	vshll.u32 v8, $0x10  }
0x4e9: {  	v26 =	vld.idx.msk [tilespmem:v30+s19+$0x0], $0xffff;
	v47 =	vshll.u32 v24, $0x10;
	v30 =	vshll.u32 v18, $0x10;
	v31 =	vshll.u32 v27, $0x10  }
0x4ea: {  	v41 =	vand.u32 $0xFFFF0000, v12;
	v32 =	vld.idx.msk [tilespmem:v32+s19+$0x0], $0xffff;
	v29 =	vsub.f32 v47, v46;
	v31 =	vsub.f32 v31, v30  }
0x4eb: {  	v36 =	vand.u32 $0xFFFF0000, v15;
	v15 =	vsub.f32 v45, v41;
	v33 =	vld.idx.msk [tilespmem:v33+s19+$0x0], $0xffff  }
0x4ec: {  	v40 =	vand.u32 $0xFFFF0000, v37;
	v29 =	vmul.f32 v29, v19;
	v31 =	vmul.f32 v31, v19  }
0x4ed: {  	v15 =	vmul.f32 v15, v17;
	v3 =	vsub.f32 v40, v36  }
0x4ee: {  	v49 =	vadd.f32 v46, v29;
	v50 =	vadd.f32 v30, v31  }
0x4ef: {  	v48 =	vadd.f32 v41, v15;
	v3 =	vmul.f32 v3, v17  }
0x4f0: {  	v15 =	vsub.f32 v50, v49;
	v51 =	vsub.f32 v33, v32  }
0x4f1: {  	v3 =	vadd.f32 v36, v3  }
0x4f2: {  	v15 =	vmul.f32 v15, v21;
	v28 =	vmul.f32 v51, v20  }
0x4f3: {  	v5 =	vsub.f32 v48, v3;
	v25 =	vsub.f32 v25, v26  }
0x4f4: {  	v12 =	vadd.f32 v15, v49;
	v53 =	vadd.f32 v28, v32  }
0x4f5: {  	v5 =	vmul.f32 v5, v14;
	v25 =	vmul.f32 v25, v7  }
0x4f6: {  	v23 =	vmul.f32 v23, v60;
	v55 =	vadd.s32 $0x14000, v0;
	v12 =	vmul.f32 v12, v53  }
0x4f7: {  	v3 =	vadd.f32 v5, v3;
	v52 =	vadd.f32 v25, v26;
	v8 =	vand.u32 $0xFFFF0000, v8  }
0x4f8: {  	v18 =	vand.u32 $0xFFFF0000, v18;
	v29 =	vand.u32 $0xFFFF0000, v27;
	v28 =	vand.u32 $0xFFFF0000, v24;
	[tilespmem:s7+$0x1B200] =	vst v12  }
0x4f9: {  	v58 =	vadd.s32 $0x14080, v0;
	v24 =	vsub.f32 v29, v18;
	v12 =	vsub.f32 v28, v8;
	v31 =	vld.idx.msk [tilespmem:v35+s19+$0x0], $0xffff  }
0x4fa: {  	v4 =	vadd.f32 v22, v4;
	v16 =	vadd.f32 v23, v16;
	v3 =	vmul.f32 v52, v3;
	v32 =	vld.idx.msk [tilespmem:v34+s19+$0x0], $0xffff  }
0x4fb: {  	v30 =	vadd.s32 $0x14081, v59;
	v24 =	vmul.f32 v24, v19;
	v12 =	vmul.f32 v12, v19  }
0x4fc: {  	v4 =	vmul.f32 v16, v4;
	v57 =	vadd.s32 $0x14001, v59;
	[tilespmem:s0+$0xC00] =	vst v3  }
0x4fd: {  	v5 =	vld.idx.msk [tilespmem:v55+s3+$0x0], $0xffff;
	v18 =	vadd.f32 v18, v24;
	v8 =	vadd.f32 v8, v12  }
0x4fe: {  	[tilespmem:s29+$0x1B600] =	vst v4;
	v0 =	vld.idx.msk [tilespmem:v58+s3+$0x0], $0xffff  }
0x4ff: {  	v46 =	vld [tilespmem:$0x1FEA0];
	v18 =	vsub.f32 v18, v8;
	v3 =	vsub.f32 v32, v31  }
0x500: {  	v33 =	vadd.s32 $0x500, v11;
	v22 =	vld.idx.msk [tilespmem:v30+s3+$0x0], $0xffff  }
0x501: {  	v15 =	vld.idx.msk [tilespmem:v57+s3+$0x0], $0xffff;
	v34 =	vadd.s32 $0x501, v11;
	v35 =	vmul.f32 v18, v21;
	v3 =	vmul.f32 v3, v20  }
0x502: {  	v48 =	vld [tilespmem:$0x1FE90]  }
0x503: {  	v24 =	vld.idx.msk [tilespmem:v62+s3+$0x0], $0xffff;
	v8 =	vadd.f32 v35, v8;
	v3 =	vadd.f32 v3, v31  }
0x504: {  	v49 =	vld [tilespmem:$0x1FEB0]  }
0x505: {  	v12 =	vld.idx.msk [tilespmem:v33+s19+$0x0], $0xffff;
	v3 =	vmul.f32 v3, v8  }
0x506: {  	v23 =	vld.idx.msk [tilespmem:v34+s19+$0x0], $0xffff  }
0x507: {  	v26 =	vld.idx.msk [tilespmem:v46+s3+$0x0], $0xffff;
	[tilespmem:s7+$0x1B600] =	vst v3  }
0x508: {  	v51 =	vld [tilespmem:$0x1FF60]  }
0x509: {  	v52 =	vld [tilespmem:$0x1FF80]  }
0x50a: {  	v40 =	vshll.u32 v0, $0x10;
	v41 =	vshll.u32 v22, $0x10;
	v16 =	vld.idx.msk [tilespmem:v48+s3+$0x0], $0xffff  }
0x50b: {  	v36 =	vshll.u32 v5, $0x10;
	v37 =	vshll.u32 v15, $0x10;
	v4 =	vsub.f32 v41, v40;
	v57 =	vld [tilespmem:$0x1FF70]  }
0x50c: {  	v45 =	vsub.f32 v37, v36;
	v62 =	vld [tilespmem:$0x1FFA0]  }
0x50d: {  	v4 =	vmul.f32 v4, v17;
	v27 =	vld.idx.msk [tilespmem:v49+s3+$0x0], $0xffff  }
0x50e: {  	v47 =	vmul.f32 v45, v17;
	v41 =	vld [tilespmem:$0x1FEC0]  }
0x50f: {  	v4 =	vadd.f32 v40, v4  }
0x510: {  	v50 =	vadd.f32 v36, v47;
	v23 =	vsub.f32 v23, v12;
	v8 =	vld.idx.msk [tilespmem:v51+s3+$0x0], $0xffff  }
0x511: {  	v53 =	vshll.u32 v24, $0x10;
	v18 =	vld.idx.msk [tilespmem:v52+s3+$0x0], $0xffff  }
0x512: {  	v4 =	vsub.f32 v4, v50;
	v23 =	vmul.f32 v23, v7;
	v55 =	vshll.u32 v26, $0x10;
	v49 =	vld [tilespmem:$0x1FFF0]  }
0x513: {  	v58 =	vshll.u32 v16, $0x10;
	v59 =	vshll.u32 v27, $0x10;
	v28 =	vsub.f32 v55, v53;
	v29 =	vld.idx.msk [tilespmem:v57+s3+$0x0], $0xffff  }
0x514: {  	v31 =	vsub.f32 v59, v58;
	v32 =	vld.idx.msk [tilespmem:v62+s3+$0x0], $0xffff  }
0x515: {  	v4 =	vmul.f32 v4, v14;
	v46 =	vld.idx.msk [tilespmem:v61+s19+$0x0], $0xffff;
	v12 =	vadd.f32 v23, v12;
	v28 =	vmul.f32 v28, v44  }
0x516: {  	v40 =	vmul.f32 v31, v44;
	v23 =	vld.idx.msk [tilespmem:v41+s19+$0x0], $0xffff;
	v36 =	vshll.u32 v8, $0x10;
	v37 =	vshll.u32 v18, $0x10  }
0x517: {  	v5 =	vand.u32 $0xFFFF0000, v5;
	v3 =	vadd.f32 v4, v50;
	v34 =	vsub.f32 v37, v36  }
0x518: {  	v0 =	vand.u32 $0xFFFF0000, v0;
	v25 =	vadd.f32 v53, v28;
	v4 =	vadd.f32 v58, v40  }
0x519: {  	v47 =	vshll.u32 v29, $0x10;
	v48 =	vshll.u32 v32, $0x10;
	v45 =	vmul.f32 v34, v19  }
0x51a: {  	v22 =	vand.u32 $0xFFFF0000, v22;
	v4 =	vsub.f32 v4, v25;
	v35 =	vld.idx.msk [tilespmem:v49+s19+$0x0], $0xffff;
	v34 =	vsub.f32 v48, v47  }
0x51b: {  	v15 =	vand.u32 $0xFFFF0000, v15;
	v55 =	vsub.f32 v46, v23;
	v28 =	vadd.f32 v36, v45;
	v36 =	vld.idx.msk [tilespmem:v42+s19+$0x0], $0xffff  }
0x51c: {  	v15 =	vsub.f32 v15, v5;
	v3 =	vmul.f32 v3, v12;
	v34 =	vmul.f32 v34, v19  }
0x51d: {  	v22 =	vsub.f32 v22, v0;
	v57 =	vmul.f32 v4, v43;
	v62 =	vmul.f32 v55, v60  }
0x51e: {  	v15 =	vmul.f32 v15, v17;
	v52 =	vadd.f32 v47, v34  }
0x51f: {  	v53 =	vmul.f32 v22, v17;
	[tilespmem:s5+$0x1000] =	vst v3;
	v3 =	vadd.f32 v57, v25;
	v17 =	vadd.f32 v62, v23  }
0x520: {  	v58 =	vsub.f32 v52, v28;
	v59 =	vsub.f32 v36, v35  }
0x521: {  	v9 =	vmul.f32 v9, v10;
	v50 =	vadd.s32 $0x580, v11;
	v3 =	vmul.f32 v3, v17  }
0x522: {  	v31 =	vld [tilespmem:$0x1FE40];
	v51 =	vadd.s32 $0x581, v11;
	v4 =	vmul.f32 v58, v21;
	v12 =	vmul.f32 v59, v20  }
0x523: {  	v25 =	vld [tilespmem:$0x1FE00];
	[tilespmem:s26+$0x1BA00] =	vst v9  }
0x524: {  	v9 =	vld [tilespmem:$0x1FE70];
	[tilespmem:s29+$0x1BA00] =	vst v3;
	v4 =	vadd.f32 v4, v28;
	v30 =	vadd.f32 v12, v35  }
0x525: {  	v3 =	vld [tilespmem:$0x1FE80]  }
0x526: {  	v61 =	vld.idx.msk [tilespmem:v50+s19+$0x0], $0xffff;
	v4 =	vmul.f32 v4, v30  }
0x527: {  	v5 =	vadd.f32 v5, v15;
	v0 =	vadd.f32 v0, v53;
	v11 =	vld.idx.msk [tilespmem:v51+s19+$0x0], $0xffff  }
0x528: {  	v40 =	vld [tilespmem:$0x1FED0];
	[tilespmem:s7+$0x1BA00] =	vst v4  }
0x529: {  	v0 =	vsub.f32 v0, v5;
	v4 =	vld [tilespmem:$0x1FEE0]  }
0x52a: {  	v8 =	vand.u32 $0xFFFF0000, v8;
	v18 =	vand.u32 $0xFFFF0000, v18  }
0x52b: {  	v0 =	vmul.f32 v0, v14;
	v18 =	vsub.f32 v18, v8  }
0x52c: {  	v41 =	vand.u32 $0xFFFF0000, v29;
	v37 =	vand.u32 $0xFFFF0000, v27;
	v42 =	vand.u32 $0xFFFF0000, v32;
	v9 =	vld.idx.msk [tilespmem:v9+s19+$0x0], $0xffff  }
0x52d: {  	v6 =	vmul.f32 v6, v25;
	v50 =	vmul.f32 v18, v19;
	v47 =	vsub.f32 v42, v41;
	v3 =	vld.idx.msk [tilespmem:v3+s19+$0x0], $0xffff  }
0x52e: {  	v33 =	vsub.f32 v11, v61;
	v34 =	vand.u32 $0xFFFF0000, v24;
	v36 =	vand.u32 $0xFFFF0000, v16;
	v48 =	vld.idx.msk [tilespmem:v54+s19+$0x0], $0xffff  }
0x52f: {  	v52 =	vmul.f32 v47, v19;
	v16 =	vsub.f32 v37, v36;
	v35 =	vand.u32 $0xFFFF0000, v26;
	v51 =	vld.idx.msk [tilespmem:v56+s19+$0x0], $0xffff  }
0x530: {  	v6 =	vadd.f32 v6, v13;
	v45 =	vmul.f32 v33, v7;
	v13 =	vsub.f32 v35, v34;
	v17 =	vld.idx.msk [tilespmem:v40+s19+$0x0], $0xffff  }
0x531: {  	v8 =	vadd.f32 v8, v50;
	v11 =	vadd.f32 v41, v52;
	v49 =	vmul.f32 v16, v44;
	v4 =	vld.idx.msk [tilespmem:v4+s19+$0x0], $0xffff  }
0x532: {  	v0 =	vadd.f32 v0, v5;
	v7 =	vadd.f32 v45, v61;
	v46 =	vmul.f32 v13, v44  }
0x533: {  	v2 =	vmul.f32 v2, v39;
	v55 =	vsub.f32 v11, v8;
	v5 =	vadd.f32 v36, v49;
	v53 =	vld [tilespmem:$0x1FE20]  }
0x534: {  	v0 =	vmul.f32 v7, v0;
	v10 =	vadd.f32 v34, v46;
	v54 =	vld [tilespmem:$0x1FE30];
	v56 =	vsub.f32 v51, v48  }
0x535: {  	v12 =	vadd.f32 v63, v31;
	v58 =	vmul.f32 v55, v21;
	v3 =	vsub.f32 v3, v9  }
0x536: {  	v5 =	vsub.f32 v5, v10;
	v59 =	vmul.f32 v56, v20;
	v4 =	vsub.f32 v4, v17  }
0x537: {  	v6 =	vmul.f32 v6, v12;
	v61 =	vadd.f32 v58, v8;
	v3 =	vmul.f32 v3, v38  }
0x538: {  	v57 =	vmul.f32 v5, v43;
	v62 =	vadd.f32 v59, v48;
	v4 =	vmul.f32 v4, v60  }
0x539: {  	v1 =	vadd.f32 v2, v1;
	[tilespmem:s5+$0x1400] =	vst v0;
	v13 =	vmul.f32 v54, v53;
	v3 =	vadd.f32 v3, v9  }
0x53a: {  	[tilespmem:s24+$0x1BE00] =	vst v6;
	v2 =	vadd.f32 v57, v10;
	v63 =	vmul.f32 v62, v61;
	v4 =	vadd.f32 v4, v17  }
0x53b: {  	[tilespmem:s23+$0x1BE00] =	vst v13;
	v60 =	vmul.f32 v3, v1  }
0x53c: {  	[tilespmem:s7+$0x1BE00] =	vst v63;
	v2 =	vmul.f32 v4, v2  }
0x53d: {  	[tilespmem:s26+$0x1BE00] =	vst v60  }
0x53e: {  	s2 =	simm.s32 $0x19200;
	s5 =	sadd.s32 s6, s20;
	[tilespmem:s29+$0x1BE00] =	vst v2  }
0x53f: {  	[hbm4b:s5+s3] =	stream.linear.scatter [tilespmem:s2], [sflag:$0x1], $0x400, $0x38;
	[tilespmem:$0x1C200] =	vst v63  }
0x540: {  	_ =	swait.ge [sflag:s18], $0x400  }
0x541: {  	[sflag:s18] =	ssyncset.done $0x0  }
0x542: {  	s7 =	sadd.s32 s6, s21;
	s21 =	simm.s32 $0x19600;
	[sflag:s18] =	ssyncadd.s32 $0xFFFFFC00  }
0x543: {  	[hbm4b:s7+s3] =	stream.linear.scatter [tilespmem:s21], [sflag:$0x1], $0x400, $0x38;
	[tilespmem:$0x1C200] =	vst v63  }
0x544: {  	_ =	swait.ge [sflag:s18], $0x400  }
0x545: {  	[sflag:s18] =	ssyncset.done $0x0  }
0x546: {  	s22 =	sadd.s32 s6, s22;
	s23 =	simm.s32 $0x19A00;
	[sflag:s18] =	ssyncadd.s32 $0xFFFFFC00  }
0x547: {  	[hbm4b:s22+s3] =	stream.linear.scatter [tilespmem:s23], [sflag:$0x1], $0x400, $0x38;
	[tilespmem:$0x1C200] =	vst v63  }
0x548: {  	_ =	swait.ge [sflag:s18], $0x400  }
0x549: {  	[sflag:s18] =	ssyncset.done $0x0  }
0x54a: {  	s25 =	simm.s32 $0x19E00;
	s24 =	sadd.s32 s20, s8;
	[sflag:s18] =	ssyncadd.s32 $0xFFFFFC00  }
0x54b: {  	[hbm4b:s24+s3] =	stream.linear.scatter [tilespmem:s25], [sflag:$0x1], $0x400, $0x38;
	[tilespmem:$0x1C200] =	vst v63  }
0x54c: {  	_ =	swait.ge [sflag:s18], $0x400  }
0x54d: {  	[sflag:s18] =	ssyncset.done $0x0  }
0x54e: {  	s28 =	simm.s32 $0x1A200;
	s26 =	sadd.s32 s20, s9;
	[sflag:s18] =	ssyncadd.s32 $0xFFFFFC00  }
0x54f: {  	[hbm4b:s26+s3] =	stream.linear.scatter [tilespmem:s28], [sflag:$0x1], $0x400, $0x38;
	[tilespmem:$0x1C200] =	vst v63  }
0x550: {  	_ =	swait.ge [sflag:s18], $0x400  }
0x551: {  	[sflag:s18] =	ssyncset.done $0x0  }
0x552: {  	s31 =	simm.s32 $0x1A600;
	s29 =	sadd.s32 s20, s10;
	[sflag:s18] =	ssyncadd.s32 $0xFFFFFC00  }
0x553: {  	[hbm4b:s29+s3] =	stream.linear.scatter [tilespmem:s31], [sflag:$0x1], $0x400, $0x38;
	[tilespmem:$0x1C200] =	vst v63  }
0x554: {  	_ =	swait.ge [sflag:s18], $0x400  }
0x555: {  	[sflag:s18] =	ssyncset.done $0x0  }
0x556: {  	s4 =	sadd.s32 s20, s11;
	s5 =	simm.s32 $0x1AA00;
	[sflag:s18] =	ssyncadd.s32 $0xFFFFFC00  }
0x557: {  	[hbm4b:s4+s3] =	stream.linear.scatter [tilespmem:s5], [sflag:$0x1], $0x400, $0x38;
	[tilespmem:$0x1C200] =	vst v63  }
0x558: {  	_ =	swait.ge [sflag:s18], $0x400  }
0x559: {  	[sflag:s18] =	ssyncset.done $0x0  }
0x55a: {  	s7 =	sadd.s32 s20, s12;
	s21 =	simm.s32 $0x1AE00;
	[sflag:s18] =	ssyncadd.s32 $0xFFFFFC00  }
0x55b: {  	[hbm4b:s7+s3] =	stream.linear.scatter [tilespmem:s21], [sflag:$0x1], $0x400, $0x38;
	[tilespmem:$0x1C200] =	vst v63  }
0x55c: {  	_ =	swait.ge [sflag:s18], $0x400  }
0x55d: {  	[sflag:s18] =	ssyncset.done $0x0  }
0x55e: {  	s22 =	sadd.s32 s20, s13;
	s23 =	simm.s32 $0x1B200;
	[sflag:s18] =	ssyncadd.s32 $0xFFFFFC00  }
0x55f: {  	[hbm4b:s22+s3] =	stream.linear.scatter [tilespmem:s23], [sflag:$0x1], $0x400, $0x38;
	[tilespmem:$0x1C200] =	vst v63  }
0x560: {  	_ =	swait.ge [sflag:s18], $0x400  }
0x561: {  	[sflag:s18] =	ssyncset.done $0x0  }
0x562: {  	s24 =	sadd.s32 s20, s14;
	s25 =	simm.s32 $0x1B600;
	[sflag:s18] =	ssyncadd.s32 $0xFFFFFC00  }
0x563: {  	[hbm4b:s24+s3] =	stream.linear.scatter [tilespmem:s25], [sflag:$0x1], $0x400, $0x38;
	[tilespmem:$0x1C200] =	vst v63  }
0x564: {  	_ =	swait.ge [sflag:s18], $0x400  }
0x565: {  	[sflag:s18] =	ssyncset.done $0x0  }
0x566: {  	s26 =	sadd.s32 s20, s15;
	s28 =	simm.s32 $0x1BA00;
	[sflag:s18] =	ssyncadd.s32 $0xFFFFFC00  }
0x567: {  	[hbm4b:s26+s3] =	stream.linear.scatter [tilespmem:s28], [sflag:$0x1], $0x400, $0x38;
	[tilespmem:$0x1C200] =	vst v63  }
0x568: {  	s17 =	sadd.s32 $0x1, s17;
	_ =	swait.ge [sflag:s18], $0x400  }
0x569: {  	p0 =	sne.s32 s17, $0x10;
	s29 =	sadd.s32 s20, s16;
	[sflag:s18] =	ssyncset.done $0x0  }
.Ltmp1:
0x56a: {  	s31 =	simm.s32 $0x1BE00;
	[sflag:s18] =	ssyncadd.s32 $0xFFFFFC00;
	(pc) =	sbr.rel @p0 .LBB2_2-.Ltmp1, $4  }
0x56b: {  	[hbm4b:s29+s3] =	stream.linear.scatter [tilespmem:s31], [sflag:$0x1], $0x400, $0x38;
	[tilespmem:$0x1C200] =	vst v63  }
0x56c: {  	_ =	swait.ge [sflag:s18], $0x400  }
0x56d: {  	[sflag:s18] =	ssyncset.done $0x0  }
0x56e: {  	[sflag:s18] =	ssyncadd.s32 $0xFFFFFC00  }
0x56f: {  	s2 =	rddreg [dreg:$0x6]  }
0x570: {  	s0 =	rddreg [dreg:$0x5];
	s2 =	sadd.s32 $0x1, s2  }
0x571: {  	p0 =	sne.s32 s2, s0  }
.Ltmp2:
0x572: {  	_ = 	snop;
	(pc) =	sbr.rel @p0 .LBB2_1-.Ltmp2, $1  }
0x573: {  	_ =	sdelay $0x3  }
0x574: {  	_ =	sfence.sel $0x180000  }
0x575: {  	[bflag:$0x0] =	sbarrier.arrive $0xFFFF  }
0x576: {  	_ =	strace $0x90000047  }
0x577: {  	s0 =	stileid.u32;
	[bflag:$0x2] =	sbarrier.arrive $0xFFFF  }
0x578: {  	p0 =	sne.s32 s0, $0x0;
	s0 =	rddreg [dreg:$0x2]  }
0x579: {  	s0 =	sadd.s32 @!p0 $0x100000, s0  }
0x57a: {  	[sflag:s0] =	ssyncadd.tile.s32 @!p0 $0x1;
	_ =	shalt  }
.Lfunc_end2:
_tile_overlayer_lowered:
.L_overlay_start_2:
0x57b: {  	(tag) =	ssettag $0x2  }
0x57c: {  	s0 =	rddreg [dreg:$0x0];
	s2 =	stileid.u32  }
0x57d: {  	s1 =	rddreg [dreg:$0x1];
	p0 =	sne.s32 s2, $0x0  }
0x57e: {  	s3 =	rddreg [dreg:$0x2];
	[bflag:$0x3] =	sbarrier.arrive $0xFFFF;
	s2 =	simm.s32 @!p0 $0x1C01  }
0x57f: {  	[timem:s3], [sflag:s2] =	dma.local @!p0 [hbm:s0], s1  }
0x580: {  	s0 =	simm.s32 @!p0 $0x1  }
0x581: {  	_ =	swait.ge @!p0 [sflag:s0], s1  }
0x582: {  	s1 =	ssub.s32 @!p0 $0x0, s1;
	[sflag:s0] =	ssyncset.done @!p0 $0x0  }
0x583: {  	[sflag:s0] =	ssyncadd.s32 @!p0 s1  }
0x584: {  	[bflag:$0x3] =	sbarrier.arrive $0xFFFF  }
0x585: {  	_ =	shalt  }

</sc_bundles>
